<compile_context>
chip_gen: v7x
topology: tpu7x:2x2x1
jax: 0.10.2.dev20260603
libtpu: 0.0.44.dev20260713+nightly
codegen_flags: <defaults>
</compile_context>

<pallas_src>
import functools

import jax
import jax.numpy as jnp
from jax import lax
from jax.experimental import pallas as pl
from jax.experimental.pallas import tpu as pltpu
from jax.experimental.pallas import tpu_sc as plsc

_NB = 32
_BATCH = 16384
_NC = 2
_NS = 16
_NW = _NC * _NS
_G = 128
_S2 = 8


def _mesh():
  return plsc.VectorSubcoreMesh(
      core_axis_name="c", subcore_axis_name="s",
      num_cores=_NC, num_subcores=_NS)


def _ring_pipeline(ng, S, fire_gathers, wait_gathers, fire_writes,
                   wait_writes):
  L = S // 2
  if ng <= S:
    for g in range(ng):
      fire_gathers(g, g)
    for g in range(ng):
      wait_gathers(g, g)
      fire_writes(g, g)
    for g in range(ng):
      wait_writes(g, g)
    return

  for b in range(L):
    fire_gathers(b, b)
  for b in range(S):
    g = b
    slot_n = (b + L) % S
    if g + L >= S:
      wait_writes(g - L, slot_n)
    fire_gathers(g + L, slot_n)
    wait_gathers(g, b)
    fire_writes(g, b)

  def outer(t, carry):
    for b in range(S):
      g = t * S + b
      slot_n = (b + L) % S
      wait_writes(g - L, slot_n)
      fire_gathers(g + L, slot_n)
      wait_gathers(g, b)
      fire_writes(g, b)
    return carry

  lax.fori_loop(1, ng // S - 1, outer, 0)

  t_last = ng // S - 1
  for b in range(S):
    g = t_last * S + b
    slot_n = (b + L) % S
    if g + L < ng:
      wait_writes(g - L, slot_n)
      fire_gathers(g + L, slot_n)
    wait_gathers(g, b)
    fire_writes(g, b)
  for b in range(S):
    wait_writes(ng - S + b, b)


def _hop2_body(n_per_w, idx_hbm, adj_hbm, out, idx_v, buf, *sems):
  gsems, wsems = sems[:_S2], sems[_S2:]
  idx2d_v = None
  if len(idx_hbm.shape) == 2:
    idx_v, idx2d_v = idx_v
  wid = lax.axis_index("s") * _NC + lax.axis_index("c")
  base = wid * n_per_w
  if idx2d_v is None:
    pltpu.sync_copy(idx_hbm.at[pl.ds(base, n_per_w)], idx_v)
  else:
    rows = n_per_w // _NB
    pltpu.sync_copy(idx_hbm.at[pl.ds(wid * rows, rows)], idx2d_v)

    def flat_body(r, carry):
      row = idx2d_v.at[r]
      idx_v[pl.ds(r * _NB, 16)] = row[pl.ds(0, 16)]
      idx_v[pl.ds(r * _NB + 16, 16)] = row[pl.ds(16, 16)]
      return carry

    lax.fori_loop(0, rows, flat_body, 0)

  def fire_gathers(g, slot):
    off = idx_v.at[pl.ds(g * _G, _G)]
    pltpu.async_copy(adj_hbm.at[off], buf.at[slot], gsems[slot])

  def wait_gathers(g, slot):
    off = idx_v.at[pl.ds(g * _G, _G)]
    pltpu.make_async_copy(adj_hbm.at[off], buf.at[slot], gsems[slot]).wait()

  def out_slice(g):
    return out.at[pl.ds(base + g * _G, _G)]

  def fire_writes(g, slot):
    pltpu.async_copy(buf.at[slot], out_slice(g), wsems[slot])

  def wait_writes(g, slot):
    pltpu.make_async_copy(buf.at[slot], out_slice(g), wsems[slot]).wait()

  _ring_pipeline(n_per_w // _G, _S2, fire_gathers, wait_gathers,
                 fire_writes, wait_writes)


_PARAMS = pltpu.CompilerParams(use_tc_tiling_on_sc=False)


def _hop2(idx, adj):
  n = idx.size
  n_per_w = n // _NW
  body = functools.partial(_hop2_body, n_per_w)
  out_type = jax.ShapeDtypeStruct((n, _NB), jnp.int32)
  if idx.ndim == 2:
    idx_scratch = [pltpu.VMEM((n_per_w,), jnp.int32),
                   pltpu.VMEM((n_per_w // _NB, _NB), jnp.int32)]
  else:
    idx_scratch = pltpu.VMEM((n_per_w,), jnp.int32)
  scratch = [
      idx_scratch,
      pltpu.VMEM((_S2, _G, _NB), jnp.int32),
  ] + [pltpu.SemaphoreType.DMA] * (2 * _S2)
  return pl.kernel(
      body, out_type=out_type, mesh=_mesh(), scratch_types=scratch,
      compiler_params=_PARAMS)(idx, adj)


def kernel(entity, adj_entity, adj_relation):
  ent_flat = entity.reshape(-1)
  ent1 = _hop2(ent_flat, adj_entity)
  ent2 = _hop2(ent1, adj_entity)
  rel1 = _hop2(ent_flat, adj_relation)
  rel2 = _hop2(ent1, adj_relation)
  return (entity,
          ent1,
          ent2.reshape(_BATCH, _NB * _NB),
          rel1,
          rel2.reshape(_BATCH, _NB * _NB))

# --- scband reference (transcript-rebuilt; emitter-appended) ---
"""Pipeline reference for scband-receptive-field-layer-67147518706391 (READ-ONLY COPY).

The authoritative reference and input builder live on the scoring server;
editing this copy changes nothing except your own understanding.
"""

import jax, jax.numpy as jnp
import numpy as np

N_ENTITY = 100000
N_NEIGHBOR = 32
N_DEPTH = 2
N_RELATION = 64
BATCH = 16384


def setup_inputs(seed: int = 0) -> dict:
    key = jax.random.key(seed)
    k1, k2, k3 = jax.random.split(key, 3)
    entity = jax.random.randint(k1, (BATCH, 1), 0, N_ENTITY, dtype=jnp.int32)
    # Precomputed KG adjacency tables (non-trainable int variables in the original layer)
    adj_entity = jax.random.randint(k2, (N_ENTITY, N_NEIGHBOR), 0, N_ENTITY, dtype=jnp.int32)
    adj_relation = jax.random.randint(k3, (N_ENTITY, N_NEIGHBOR), 0, N_RELATION, dtype=jnp.int32)
    return {"entity": entity, "adj_entity": adj_entity, "adj_relation": adj_relation}


def reference(entity, adj_entity, adj_relation):
    n_neighbor = adj_entity.shape[1]
    neigh_ent_list = [entity]
    neigh_rel_list = []
    for i in range(N_DEPTH):
        idx = neigh_ent_list[-1]
        new_neigh_ent = jnp.take(adj_entity, idx, axis=0)   # gather rows of adjacency table
        new_neigh_rel = jnp.take(adj_relation, idx, axis=0)
        neigh_ent_list.append(new_neigh_ent.reshape(-1, n_neighbor ** (i + 1)))
        neigh_rel_list.append(new_neigh_rel.reshape(-1, n_neighbor ** (i + 1)))
    return tuple(neigh_ent_list + neigh_rel_list)

if __name__ == "__main__":
    import jax
    _d = setup_inputs()
    print(jax.jit(kernel)(*tuple(_d.values())))

</pallas_src>

<mosaic_0001>
#map = affine_map<(d0, d1) -> (0)>
#map1 = affine_map<(d0, d1) -> (0, 0)>
module attributes {stable_mosaic.version = 14 : i64} {
  func.func @_hop2_body(%arg0: i32, %arg1: i32, %arg2: memref<16384xi32, #tpu.memory_space<hbm>>, %arg3: memref<100000x32xi32, #tpu.memory_space<hbm>>, %arg4: memref<16384x32xi32, #tpu.memory_space<hbm>>, %arg5: memref<512xi32, #tpu.memory_space<vmem>>, %arg6: memref<8x128x32xi32, #tpu.memory_space<vmem>>, %arg7: memref<!tpu.dma_semaphore, #tpu.memory_space<semaphore_mem>>, %arg8: memref<!tpu.dma_semaphore, #tpu.memory_space<semaphore_mem>>, %arg9: memref<!tpu.dma_semaphore, #tpu.memory_space<semaphore_mem>>, %arg10: memref<!tpu.dma_semaphore, #tpu.memory_space<semaphore_mem>>, %arg11: memref<!tpu.dma_semaphore, #tpu.memory_space<semaphore_mem>>, %arg12: memref<!tpu.dma_semaphore, #tpu.memory_space<semaphore_mem>>, %arg13: memref<!tpu.dma_semaphore, #tpu.memory_space<semaphore_mem>>, %arg14: memref<!tpu.dma_semaphore, #tpu.memory_space<semaphore_mem>>, %arg15: memref<!tpu.dma_semaphore, #tpu.memory_space<semaphore_mem>>, %arg16: memref<!tpu.dma_semaphore, #tpu.memory_space<semaphore_mem>>, %arg17: memref<!tpu.dma_semaphore, #tpu.memory_space<semaphore_mem>>, %arg18: memref<!tpu.dma_semaphore, #tpu.memory_space<semaphore_mem>>, %arg19: memref<!tpu.dma_semaphore, #tpu.memory_space<semaphore_mem>>, %arg20: memref<!tpu.dma_semaphore, #tpu.memory_space<semaphore_mem>>, %arg21: memref<!tpu.dma_semaphore, #tpu.memory_space<semaphore_mem>>, %arg22: memref<!tpu.dma_semaphore, #tpu.memory_space<semaphore_mem>>) attributes {dimension_semantics = [#tpu.dimension_semantics<core_parallel>, #tpu.dimension_semantics<subcore_parallel>], iteration_bounds = array<i64: 2, 16>, scalar_prefetch = 0 : i64, scratch_operands = 18 : i64, tpu.core_type = #tpu.core_type<sc_vector_subcore>, window_params = [{transform_indices = #map}, {transform_indices = #map1}, {transform_indices = #map1}]} {
    %mul3A = arith.constant 2 : i32
    %mul3A_0 = arith.muli %arg1, %mul3A : i32
    %add3A = arith.addi %mul3A_0, %arg0 : i32
    %mul3A_1 = arith.constant 512 : i32
    %mul3A_2 = arith.muli %add3A, %mul3A_1 : i32
    "tpu.region"() ({
      %run_scoped3A = tpu.sem_alloc : memref<!tpu.dma_semaphore, #tpu.memory_space<semaphore_mem>>
      %dma_start3A_201 = tpu.memref_slice %arg2[%mul3A_2] : memref<16384xi32, #tpu.memory_space<hbm>> -> memref<512xi32, #tpu.memory_space<hbm>>
      %dma_start3A_202 = tpu.memref_slice %arg2[%mul3A_2] : memref<16384xi32, #tpu.memory_space<hbm>> -> memref<512xi32, #tpu.memory_space<hbm>>
      tpu.enqueue_dma source(%dma_start3A_202 : memref<512xi32, #tpu.memory_space<hbm>>) target(%arg5 : memref<512xi32, #tpu.memory_space<vmem>>) target_semaphore(%run_scoped3A : memref<!tpu.dma_semaphore, #tpu.memory_space<semaphore_mem>>)
      %dma_wait3A_203 = tpu.memref_slice %arg2[%mul3A_2] : memref<16384xi32, #tpu.memory_space<hbm>> -> memref<512xi32, #tpu.memory_space<hbm>>
      %dma_wait3A_204 = tpu.memref_slice %arg2[%mul3A_2] : memref<16384xi32, #tpu.memory_space<hbm>> -> memref<512xi32, #tpu.memory_space<hbm>>
      tpu.wait_dma2 semaphore(%run_scoped3A : memref<!tpu.dma_semaphore, #tpu.memory_space<semaphore_mem>>) src(%dma_wait3A_204 : memref<512xi32, #tpu.memory_space<hbm>>) dst(%arg5 : memref<512xi32, #tpu.memory_space<vmem>>)
      tpu.yield
    }) : () -> ()
    %dma_start3A = arith.constant 0 : i32
    %dma_start3A_3 = arith.constant 0 : i32
    %dma_start3A_4 = arith.constant 0 : i32
    %dma_start3A_5 = tpu.memref_slice %arg6[%dma_start3A, %dma_start3A_3, %dma_start3A_4] : memref<8x128x32xi32, #tpu.memory_space<vmem>> -> memref<1x128x32xi32, #tpu.memory_space<vmem>>
    %dma_start3A_6 = tpu.memref_squeeze %dma_start3A_5 : memref<1x128x32xi32, #tpu.memory_space<vmem>> -> memref<128x32xi32, #tpu.memory_space<vmem>>
    %dma_start3A_7 = arith.constant 0 : i32
    %dma_start3A_8 = tpu.memref_slice %arg5[%dma_start3A_7] : memref<512xi32, #tpu.memory_space<vmem>> -> memref<128xi32, #tpu.memory_space<vmem>>
    %dma_start3A_9 = arith.constant 0 : i32
    %dma_start3A_10 = arith.constant 0 : i32
    %dma_start3A_11 = tpu.memref_slice %arg3[%dma_start3A_9, %dma_start3A_10] : memref<100000x32xi32, #tpu.memory_space<hbm>> -> memref<100000x32xi32, #tpu.memory_space<hbm>>
    tpu.enqueue_indirect_dma source(%dma_start3A_11 : memref<100000x32xi32, #tpu.memory_space<hbm>>) target(%dma_start3A_6 : memref<128x32xi32, #tpu.memory_space<vmem>>) offsets(%dma_start3A_8 : memref<128xi32, #tpu.memory_space<vmem>>) semaphore(%arg7 : memref<!tpu.dma_semaphore, #tpu.memory_space<semaphore_mem>>)
    %dma_start3A_12 = arith.constant 1 : i32
    %dma_start3A_13 = arith.constant 0 : i32
    %dma_start3A_14 = arith.constant 0 : i32
    %dma_start3A_15 = tpu.memref_slice %arg6[%dma_start3A_12, %dma_start3A_13, %dma_start3A_14] : memref<8x128x32xi32, #tpu.memory_space<vmem>> -> memref<1x128x32xi32, #tpu.memory_space<vmem>>
    %dma_start3A_16 = tpu.memref_squeeze %dma_start3A_15 : memref<1x128x32xi32, #tpu.memory_space<vmem>> -> memref<128x32xi32, #tpu.memory_space<vmem>>
    %dma_start3A_17 = arith.constant 128 : i32
    %dma_start3A_18 = tpu.memref_slice %arg5[%dma_start3A_17] : memref<512xi32, #tpu.memory_space<vmem>> -> memref<128xi32, #tpu.memory_space<vmem>>
    %dma_start3A_19 = arith.constant 0 : i32
    %dma_start3A_20 = arith.constant 0 : i32
    %dma_start3A_21 = tpu.memref_slice %arg3[%dma_start3A_19, %dma_start3A_20] : memref<100000x32xi32, #tpu.memory_space<hbm>> -> memref<100000x32xi32, #tpu.memory_space<hbm>>
    tpu.enqueue_indirect_dma source(%dma_start3A_21 : memref<100000x32xi32, #tpu.memory_space<hbm>>) target(%dma_start3A_16 : memref<128x32xi32, #tpu.memory_space<vmem>>) offsets(%dma_start3A_18 : memref<128xi32, #tpu.memory_space<vmem>>) semaphore(%arg8 : memref<!tpu.dma_semaphore, #tpu.memory_space<semaphore_mem>>)
    %dma_start3A_22 = arith.constant 2 : i32
    %dma_start3A_23 = arith.constant 0 : i32
    %dma_start3A_24 = arith.constant 0 : i32
    %dma_start3A_25 = tpu.memref_slice %arg6[%dma_start3A_22, %dma_start3A_23, %dma_start3A_24] : memref<8x128x32xi32, #tpu.memory_space<vmem>> -> memref<1x128x32xi32, #tpu.memory_space<vmem>>
    %dma_start3A_26 = tpu.memref_squeeze %dma_start3A_25 : memref<1x128x32xi32, #tpu.memory_space<vmem>> -> memref<128x32xi32, #tpu.memory_space<vmem>>
    %dma_start3A_27 = arith.constant 256 : i32
    %dma_start3A_28 = tpu.memref_slice %arg5[%dma_start3A_27] : memref<512xi32, #tpu.memory_space<vmem>> -> memref<128xi32, #tpu.memory_space<vmem>>
    %dma_start3A_29 = arith.constant 0 : i32
    %dma_start3A_30 = arith.constant 0 : i32
    %dma_start3A_31 = tpu.memref_slice %arg3[%dma_start3A_29, %dma_start3A_30] : memref<100000x32xi32, #tpu.memory_space<hbm>> -> memref<100000x32xi32, #tpu.memory_space<hbm>>
    tpu.enqueue_indirect_dma source(%dma_start3A_31 : memref<100000x32xi32, #tpu.memory_space<hbm>>) target(%dma_start3A_26 : memref<128x32xi32, #tpu.memory_space<vmem>>) offsets(%dma_start3A_28 : memref<128xi32, #tpu.memory_space<vmem>>) semaphore(%arg9 : memref<!tpu.dma_semaphore, #tpu.memory_space<semaphore_mem>>)
    %dma_start3A_32 = arith.constant 3 : i32
    %dma_start3A_33 = arith.constant 0 : i32
    %dma_start3A_34 = arith.constant 0 : i32
    %dma_start3A_35 = tpu.memref_slice %arg6[%dma_start3A_32, %dma_start3A_33, %dma_start3A_34] : memref<8x128x32xi32, #tpu.memory_space<vmem>> -> memref<1x128x32xi32, #tpu.memory_space<vmem>>
    %dma_start3A_36 = tpu.memref_squeeze %dma_start3A_35 : memref<1x128x32xi32, #tpu.memory_space<vmem>> -> memref<128x32xi32, #tpu.memory_space<vmem>>
    %dma_start3A_37 = arith.constant 384 : i32
    %dma_start3A_38 = tpu.memref_slice %arg5[%dma_start3A_37] : memref<512xi32, #tpu.memory_space<vmem>> -> memref<128xi32, #tpu.memory_space<vmem>>
    %dma_start3A_39 = arith.constant 0 : i32
    %dma_start3A_40 = arith.constant 0 : i32
    %dma_start3A_41 = tpu.memref_slice %arg3[%dma_start3A_39, %dma_start3A_40] : memref<100000x32xi32, #tpu.memory_space<hbm>> -> memref<100000x32xi32, #tpu.memory_space<hbm>>
    tpu.enqueue_indirect_dma source(%dma_start3A_41 : memref<100000x32xi32, #tpu.memory_space<hbm>>) target(%dma_start3A_36 : memref<128x32xi32, #tpu.memory_space<vmem>>) offsets(%dma_start3A_38 : memref<128xi32, #tpu.memory_space<vmem>>) semaphore(%arg10 : memref<!tpu.dma_semaphore, #tpu.memory_space<semaphore_mem>>)
    %dma_wait3A = arith.constant 0 : i32
    %dma_wait3A_42 = arith.constant 0 : i32
    %dma_wait3A_43 = arith.constant 0 : i32
    %dma_wait3A_44 = tpu.memref_slice %arg6[%dma_wait3A, %dma_wait3A_42, %dma_wait3A_43] : memref<8x128x32xi32, #tpu.memory_space<vmem>> -> memref<1x128x32xi32, #tpu.memory_space<vmem>>
    %dma_wait3A_45 = tpu.memref_squeeze %dma_wait3A_44 : memref<1x128x32xi32, #tpu.memory_space<vmem>> -> memref<128x32xi32, #tpu.memory_space<vmem>>
    %dma_wait3A_46 = arith.constant 0 : i32
    %dma_wait3A_47 = tpu.memref_slice %arg5[%dma_wait3A_46] : memref<512xi32, #tpu.memory_space<vmem>> -> memref<128xi32, #tpu.memory_space<vmem>>
    %dma_wait3A_48 = arith.constant 0 : i32
    %dma_wait3A_49 = arith.constant 0 : i32
    %dma_wait3A_50 = tpu.memref_slice %arg3[%dma_wait3A_48, %dma_wait3A_49] : memref<100000x32xi32, #tpu.memory_space<hbm>> -> memref<100000x32xi32, #tpu.memory_space<hbm>>
    tpu.wait_indirect_dma semaphore(%arg7 : memref<!tpu.dma_semaphore, #tpu.memory_space<semaphore_mem>>) src(%dma_wait3A_50 : memref<100000x32xi32, #tpu.memory_space<hbm>>) dst(%dma_wait3A_45 : memref<128x32xi32, #tpu.memory_space<vmem>>)
    %add3A_51 = arith.constant 0 : i32
    %add3A_52 = arith.addi %mul3A_2, %add3A_51 : i32
    %dma_start3A_53 = arith.constant 0 : i32
    %dma_start3A_54 = arith.constant 0 : i32
    %dma_start3A_55 = arith.constant 0 : i32
    %dma_start3A_56 = tpu.memref_slice %arg6[%dma_start3A_53, %dma_start3A_54, %dma_start3A_55] : memref<8x128x32xi32, #tpu.memory_space<vmem>> -> memref<1x128x32xi32, #tpu.memory_space<vmem>>
    %dma_start3A_57 = tpu.memref_squeeze %dma_start3A_56 : memref<1x128x32xi32, #tpu.memory_space<vmem>> -> memref<128x32xi32, #tpu.memory_space<vmem>>
    %dma_start3A_58 = arith.constant 0 : i32
    %dma_start3A_59 = tpu.memref_slice %arg4[%add3A_52, %dma_start3A_58] : memref<16384x32xi32, #tpu.memory_space<hbm>> -> memref<128x32xi32, #tpu.memory_space<hbm>>
    %dma_start3A_60 = arith.constant 0 : i32
    %dma_start3A_61 = tpu.memref_slice %arg4[%add3A_52, %dma_start3A_60] : memref<16384x32xi32, #tpu.memory_space<hbm>> -> memref<128x32xi32, #tpu.memory_space<hbm>>
    %dma_start3A_62 = arith.constant 0 : i32
    %dma_start3A_63 = arith.constant 0 : i32
    %dma_start3A_64 = tpu.memref_slice %arg6[%dma_start3A_53, %dma_start3A_62, %dma_start3A_63] : memref<8x128x32xi32, #tpu.memory_space<vmem>> -> memref<1x128x32xi32, #tpu.memory_space<vmem>>
    %dma_start3A_65 = tpu.memref_squeeze %dma_start3A_64 : memref<1x128x32xi32, #tpu.memory_space<vmem>> -> memref<128x32xi32, #tpu.memory_space<vmem>>
    tpu.enqueue_dma source(%dma_start3A_65 : memref<128x32xi32, #tpu.memory_space<vmem>>) target(%dma_start3A_61 : memref<128x32xi32, #tpu.memory_space<hbm>>) target_semaphore(%arg15 : memref<!tpu.dma_semaphore, #tpu.memory_space<semaphore_mem>>)
    %dma_wait3A_66 = arith.constant 1 : i32
    %dma_wait3A_67 = arith.constant 0 : i32
    %dma_wait3A_68 = arith.constant 0 : i32
    %dma_wait3A_69 = tpu.memref_slice %arg6[%dma_wait3A_66, %dma_wait3A_67, %dma_wait3A_68] : memref<8x128x32xi32, #tpu.memory_space<vmem>> -> memref<1x128x32xi32, #tpu.memory_space<vmem>>
    %dma_wait3A_70 = tpu.memref_squeeze %dma_wait3A_69 : memref<1x128x32xi32, #tpu.memory_space<vmem>> -> memref<128x32xi32, #tpu.memory_space<vmem>>
    %dma_wait3A_71 = arith.constant 128 : i32
    %dma_wait3A_72 = tpu.memref_slice %arg5[%dma_wait3A_71] : memref<512xi32, #tpu.memory_space<vmem>> -> memref<128xi32, #tpu.memory_space<vmem>>
    %dma_wait3A_73 = arith.constant 0 : i32
    %dma_wait3A_74 = arith.constant 0 : i32
    %dma_wait3A_75 = tpu.memref_slice %arg3[%dma_wait3A_73, %dma_wait3A_74] : memref<100000x32xi32, #tpu.memory_space<hbm>> -> memref<100000x32xi32, #tpu.memory_space<hbm>>
    tpu.wait_indirect_dma semaphore(%arg8 : memref<!tpu.dma_semaphore, #tpu.memory_space<semaphore_mem>>) src(%dma_wait3A_75 : memref<100000x32xi32, #tpu.memory_space<hbm>>) dst(%dma_wait3A_70 : memref<128x32xi32, #tpu.memory_space<vmem>>)
    %add3A_76 = arith.constant 128 : i32
    %add3A_77 = arith.addi %mul3A_2, %add3A_76 : i32
    %dma_start3A_78 = arith.constant 1 : i32
    %dma_start3A_79 = arith.constant 0 : i32
    %dma_start3A_80 = arith.constant 0 : i32
    %dma_start3A_81 = tpu.memref_slice %arg6[%dma_start3A_78, %dma_start3A_79, %dma_start3A_80] : memref<8x128x32xi32, #tpu.memory_space<vmem>> -> memref<1x128x32xi32, #tpu.memory_space<vmem>>
    %dma_start3A_82 = tpu.memref_squeeze %dma_start3A_81 : memref<1x128x32xi32, #tpu.memory_space<vmem>> -> memref<128x32xi32, #tpu.memory_space<vmem>>
    %dma_start3A_83 = arith.constant 0 : i32
    %dma_start3A_84 = tpu.memref_slice %arg4[%add3A_77, %dma_start3A_83] : memref<16384x32xi32, #tpu.memory_space<hbm>> -> memref<128x32xi32, #tpu.memory_space<hbm>>
    %dma_start3A_85 = arith.constant 0 : i32
    %dma_start3A_86 = tpu.memref_slice %arg4[%add3A_77, %dma_start3A_85] : memref<16384x32xi32, #tpu.memory_space<hbm>> -> memref<128x32xi32, #tpu.memory_space<hbm>>
    %dma_start3A_87 = arith.constant 0 : i32
    %dma_start3A_88 = arith.constant 0 : i32
    %dma_start3A_89 = tpu.memref_slice %arg6[%dma_start3A_78, %dma_start3A_87, %dma_start3A_88] : memref<8x128x32xi32, #tpu.memory_space<vmem>> -> memref<1x128x32xi32, #tpu.memory_space<vmem>>
    %dma_start3A_90 = tpu.memref_squeeze %dma_start3A_89 : memref<1x128x32xi32, #tpu.memory_space<vmem>> -> memref<128x32xi32, #tpu.memory_space<vmem>>
    tpu.enqueue_dma source(%dma_start3A_90 : memref<128x32xi32, #tpu.memory_space<vmem>>) target(%dma_start3A_86 : memref<128x32xi32, #tpu.memory_space<hbm>>) target_semaphore(%arg16 : memref<!tpu.dma_semaphore, #tpu.memory_space<semaphore_mem>>)
    %dma_wait3A_91 = arith.constant 2 : i32
    %dma_wait3A_92 = arith.constant 0 : i32
    %dma_wait3A_93 = arith.constant 0 : i32
    %dma_wait3A_94 = tpu.memref_slice %arg6[%dma_wait3A_91, %dma_wait3A_92, %dma_wait3A_93] : memref<8x128x32xi32, #tpu.memory_space<vmem>> -> memref<1x128x32xi32, #tpu.memory_space<vmem>>
    %dma_wait3A_95 = tpu.memref_squeeze %dma_wait3A_94 : memref<1x128x32xi32, #tpu.memory_space<vmem>> -> memref<128x32xi32, #tpu.memory_space<vmem>>
    %dma_wait3A_96 = arith.constant 256 : i32
    %dma_wait3A_97 = tpu.memref_slice %arg5[%dma_wait3A_96] : memref<512xi32, #tpu.memory_space<vmem>> -> memref<128xi32, #tpu.memory_space<vmem>>
    %dma_wait3A_98 = arith.constant 0 : i32
    %dma_wait3A_99 = arith.constant 0 : i32
    %dma_wait3A_100 = tpu.memref_slice %arg3[%dma_wait3A_98, %dma_wait3A_99] : memref<100000x32xi32, #tpu.memory_space<hbm>> -> memref<100000x32xi32, #tpu.memory_space<hbm>>
    tpu.wait_indirect_dma semaphore(%arg9 : memref<!tpu.dma_semaphore, #tpu.memory_space<semaphore_mem>>) src(%dma_wait3A_100 : memref<100000x32xi32, #tpu.memory_space<hbm>>) dst(%dma_wait3A_95 : memref<128x32xi32, #tpu.memory_space<vmem>>)
    %add3A_101 = arith.constant 256 : i32
    %add3A_102 = arith.addi %mul3A_2, %add3A_101 : i32
    %dma_start3A_103 = arith.constant 2 : i32
    %dma_start3A_104 = arith.constant 0 : i32
    %dma_start3A_105 = arith.constant 0 : i32
    %dma_start3A_106 = tpu.memref_slice %arg6[%dma_start3A_103, %dma_start3A_104, %dma_start3A_105] : memref<8x128x32xi32, #tpu.memory_space<vmem>> -> memref<1x128x32xi32, #tpu.memory_space<vmem>>
    %dma_start3A_107 = tpu.memref_squeeze %dma_start3A_106 : memref<1x128x32xi32, #tpu.memory_space<vmem>> -> memref<128x32xi32, #tpu.memory_space<vmem>>
    %dma_start3A_108 = arith.constant 0 : i32
    %dma_start3A_109 = tpu.memref_slice %arg4[%add3A_102, %dma_start3A_108] : memref<16384x32xi32, #tpu.memory_space<hbm>> -> memref<128x32xi32, #tpu.memory_space<hbm>>
    %dma_start3A_110 = arith.constant 0 : i32
    %dma_start3A_111 = tpu.memref_slice %arg4[%add3A_102, %dma_start3A_110] : memref<16384x32xi32, #tpu.memory_space<hbm>> -> memref<128x32xi32, #tpu.memory_space<hbm>>
    %dma_start3A_112 = arith.constant 0 : i32
    %dma_start3A_113 = arith.constant 0 : i32
    %dma_start3A_114 = tpu.memref_slice %arg6[%dma_start3A_103, %dma_start3A_112, %dma_start3A_113] : memref<8x128x32xi32, #tpu.memory_space<vmem>> -> memref<1x128x32xi32, #tpu.memory_space<vmem>>
    %dma_start3A_115 = tpu.memref_squeeze %dma_start3A_114 : memref<1x128x32xi32, #tpu.memory_space<vmem>> -> memref<128x32xi32, #tpu.memory_space<vmem>>
    tpu.enqueue_dma source(%dma_start3A_115 : memref<128x32xi32, #tpu.memory_space<vmem>>) target(%dma_start3A_111 : memref<128x32xi32, #tpu.memory_space<hbm>>) target_semaphore(%arg17 : memref<!tpu.dma_semaphore, #tpu.memory_space<semaphore_mem>>)
    %dma_wait3A_116 = arith.constant 3 : i32
    %dma_wait3A_117 = arith.constant 0 : i32
    %dma_wait3A_118 = arith.constant 0 : i32
    %dma_wait3A_119 = tpu.memref_slice %arg6[%dma_wait3A_116, %dma_wait3A_117, %dma_wait3A_118] : memref<8x128x32xi32, #tpu.memory_space<vmem>> -> memref<1x128x32xi32, #tpu.memory_space<vmem>>
    %dma_wait3A_120 = tpu.memref_squeeze %dma_wait3A_119 : memref<1x128x32xi32, #tpu.memory_space<vmem>> -> memref<128x32xi32, #tpu.memory_space<vmem>>
    %dma_wait3A_121 = arith.constant 384 : i32
    %dma_wait3A_122 = tpu.memref_slice %arg5[%dma_wait3A_121] : memref<512xi32, #tpu.memory_space<vmem>> -> memref<128xi32, #tpu.memory_space<vmem>>
    %dma_wait3A_123 = arith.constant 0 : i32
    %dma_wait3A_124 = arith.constant 0 : i32
    %dma_wait3A_125 = tpu.memref_slice %arg3[%dma_wait3A_123, %dma_wait3A_124] : memref<100000x32xi32, #tpu.memory_space<hbm>> -> memref<100000x32xi32, #tpu.memory_space<hbm>>
    tpu.wait_indirect_dma semaphore(%arg10 : memref<!tpu.dma_semaphore, #tpu.memory_space<semaphore_mem>>) src(%dma_wait3A_125 : memref<100000x32xi32, #tpu.memory_space<hbm>>) dst(%dma_wait3A_120 : memref<128x32xi32, #tpu.memory_space<vmem>>)
    %add3A_126 = arith.constant 384 : i32
    %add3A_127 = arith.addi %mul3A_2, %add3A_126 : i32
    %dma_start3A_128 = arith.constant 3 : i32
    %dma_start3A_129 = arith.constant 0 : i32
    %dma_start3A_130 = arith.constant 0 : i32
    %dma_start3A_131 = tpu.memref_slice %arg6[%dma_start3A_128, %dma_start3A_129, %dma_start3A_130] : memref<8x128x32xi32, #tpu.memory_space<vmem>> -> memref<1x128x32xi32, #tpu.memory_space<vmem>>
    %dma_start3A_132 = tpu.memref_squeeze %dma_start3A_131 : memref<1x128x32xi32, #tpu.memory_space<vmem>> -> memref<128x32xi32, #tpu.memory_space<vmem>>
    %dma_start3A_133 = arith.constant 0 : i32
    %dma_start3A_134 = tpu.memref_slice %arg4[%add3A_127, %dma_start3A_133] : memref<16384x32xi32, #tpu.memory_space<hbm>> -> memref<128x32xi32, #tpu.memory_space<hbm>>
    %dma_start3A_135 = arith.constant 0 : i32
    %dma_start3A_136 = tpu.memref_slice %arg4[%add3A_127, %dma_start3A_135] : memref<16384x32xi32, #tpu.memory_space<hbm>> -> memref<128x32xi32, #tpu.memory_space<hbm>>
    %dma_start3A_137 = arith.constant 0 : i32
    %dma_start3A_138 = arith.constant 0 : i32
    %dma_start3A_139 = tpu.memref_slice %arg6[%dma_start3A_128, %dma_start3A_137, %dma_start3A_138] : memref<8x128x32xi32, #tpu.memory_space<vmem>> -> memref<1x128x32xi32, #tpu.memory_space<vmem>>
    %dma_start3A_140 = tpu.memref_squeeze %dma_start3A_139 : memref<1x128x32xi32, #tpu.memory_space<vmem>> -> memref<128x32xi32, #tpu.memory_space<vmem>>
    tpu.enqueue_dma source(%dma_start3A_140 : memref<128x32xi32, #tpu.memory_space<vmem>>) target(%dma_start3A_136 : memref<128x32xi32, #tpu.memory_space<hbm>>) target_semaphore(%arg18 : memref<!tpu.dma_semaphore, #tpu.memory_space<semaphore_mem>>)
    %add3A_141 = arith.constant 0 : i32
    %add3A_142 = arith.addi %mul3A_2, %add3A_141 : i32
    %dma_wait3A_143 = arith.constant 0 : i32
    %dma_wait3A_144 = arith.constant 0 : i32
    %dma_wait3A_145 = arith.constant 0 : i32
    %dma_wait3A_146 = tpu.memref_slice %arg6[%dma_wait3A_143, %dma_wait3A_144, %dma_wait3A_145] : memref<8x128x32xi32, #tpu.memory_space<vmem>> -> memref<1x128x32xi32, #tpu.memory_space<vmem>>
    %dma_wait3A_147 = tpu.memref_squeeze %dma_wait3A_146 : memref<1x128x32xi32, #tpu.memory_space<vmem>> -> memref<128x32xi32, #tpu.memory_space<vmem>>
    %dma_wait3A_148 = arith.constant 0 : i32
    %dma_wait3A_149 = tpu.memref_slice %arg4[%add3A_142, %dma_wait3A_148] : memref<16384x32xi32, #tpu.memory_space<hbm>> -> memref<128x32xi32, #tpu.memory_space<hbm>>
    %dma_wait3A_150 = arith.constant 0 : i32
    %dma_wait3A_151 = tpu.memref_slice %arg4[%add3A_142, %dma_wait3A_150] : memref<16384x32xi32, #tpu.memory_space<hbm>> -> memref<128x32xi32, #tpu.memory_space<hbm>>
    %dma_wait3A_152 = arith.constant 0 : i32
    %dma_wait3A_153 = arith.constant 0 : i32
    %dma_wait3A_154 = tpu.memref_slice %arg6[%dma_wait3A_143, %dma_wait3A_152, %dma_wait3A_153] : memref<8x128x32xi32, #tpu.memory_space<vmem>> -> memref<1x128x32xi32, #tpu.memory_space<vmem>>
    %dma_wait3A_155 = tpu.memref_squeeze %dma_wait3A_154 : memref<1x128x32xi32, #tpu.memory_space<vmem>> -> memref<128x32xi32, #tpu.memory_space<vmem>>
    tpu.wait_dma2 semaphore(%arg15 : memref<!tpu.dma_semaphore, #tpu.memory_space<semaphore_mem>>) src(%dma_wait3A_155 : memref<128x32xi32, #tpu.memory_space<vmem>>) dst(%dma_wait3A_151 : memref<128x32xi32, #tpu.memory_space<hbm>>)
    %add3A_156 = arith.constant 128 : i32
    %add3A_157 = arith.addi %mul3A_2, %add3A_156 : i32
    %dma_wait3A_158 = arith.constant 1 : i32
    %dma_wait3A_159 = arith.constant 0 : i32
    %dma_wait3A_160 = arith.constant 0 : i32
    %dma_wait3A_161 = tpu.memref_slice %arg6[%dma_wait3A_158, %dma_wait3A_159, %dma_wait3A_160] : memref<8x128x32xi32, #tpu.memory_space<vmem>> -> memref<1x128x32xi32, #tpu.memory_space<vmem>>
    %dma_wait3A_162 = tpu.memref_squeeze %dma_wait3A_161 : memref<1x128x32xi32, #tpu.memory_space<vmem>> -> memref<128x32xi32, #tpu.memory_space<vmem>>
    %dma_wait3A_163 = arith.constant 0 : i32
    %dma_wait3A_164 = tpu.memref_slice %arg4[%add3A_157, %dma_wait3A_163] : memref<16384x32xi32, #tpu.memory_space<hbm>> -> memref<128x32xi32, #tpu.memory_space<hbm>>
    %dma_wait3A_165 = arith.constant 0 : i32
    %dma_wait3A_166 = tpu.memref_slice %arg4[%add3A_157, %dma_wait3A_165] : memref<16384x32xi32, #tpu.memory_space<hbm>> -> memref<128x32xi32, #tpu.memory_space<hbm>>
    %dma_wait3A_167 = arith.constant 0 : i32
    %dma_wait3A_168 = arith.constant 0 : i32
    %dma_wait3A_169 = tpu.memref_slice %arg6[%dma_wait3A_158, %dma_wait3A_167, %dma_wait3A_168] : memref<8x128x32xi32, #tpu.memory_space<vmem>> -> memref<1x128x32xi32, #tpu.memory_space<vmem>>
    %dma_wait3A_170 = tpu.memref_squeeze %dma_wait3A_169 : memref<1x128x32xi32, #tpu.memory_space<vmem>> -> memref<128x32xi32, #tpu.memory_space<vmem>>
    tpu.wait_dma2 semaphore(%arg16 : memref<!tpu.dma_semaphore, #tpu.memory_space<semaphore_mem>>) src(%dma_wait3A_170 : memref<128x32xi32, #tpu.memory_space<vmem>>) dst(%dma_wait3A_166 : memref<128x32xi32, #tpu.memory_space<hbm>>)
    %add3A_171 = arith.constant 256 : i32
    %add3A_172 = arith.addi %mul3A_2, %add3A_171 : i32
    %dma_wait3A_173 = arith.constant 2 : i32
    %dma_wait3A_174 = arith.constant 0 : i32
    %dma_wait3A_175 = arith.constant 0 : i32
    %dma_wait3A_176 = tpu.memref_slice %arg6[%dma_wait3A_173, %dma_wait3A_174, %dma_wait3A_175] : memref<8x128x32xi32, #tpu.memory_space<vmem>> -> memref<1x128x32xi32, #tpu.memory_space<vmem>>
    %dma_wait3A_177 = tpu.memref_squeeze %dma_wait3A_176 : memref<1x128x32xi32, #tpu.memory_space<vmem>> -> memref<128x32xi32, #tpu.memory_space<vmem>>
    %dma_wait3A_178 = arith.constant 0 : i32
    %dma_wait3A_179 = tpu.memref_slice %arg4[%add3A_172, %dma_wait3A_178] : memref<16384x32xi32, #tpu.memory_space<hbm>> -> memref<128x32xi32, #tpu.memory_space<hbm>>
    %dma_wait3A_180 = arith.constant 0 : i32
    %dma_wait3A_181 = tpu.memref_slice %arg4[%add3A_172, %dma_wait3A_180] : memref<16384x32xi32, #tpu.memory_space<hbm>> -> memref<128x32xi32, #tpu.memory_space<hbm>>
    %dma_wait3A_182 = arith.constant 0 : i32
    %dma_wait3A_183 = arith.constant 0 : i32
    %dma_wait3A_184 = tpu.memref_slice %arg6[%dma_wait3A_173, %dma_wait3A_182, %dma_wait3A_183] : memref<8x128x32xi32, #tpu.memory_space<vmem>> -> memref<1x128x32xi32, #tpu.memory_space<vmem>>
    %dma_wait3A_185 = tpu.memref_squeeze %dma_wait3A_184 : memref<1x128x32xi32, #tpu.memory_space<vmem>> -> memref<128x32xi32, #tpu.memory_space<vmem>>
    tpu.wait_dma2 semaphore(%arg17 : memref<!tpu.dma_semaphore, #tpu.memory_space<semaphore_mem>>) src(%dma_wait3A_185 : memref<128x32xi32, #tpu.memory_space<vmem>>) dst(%dma_wait3A_181 : memref<128x32xi32, #tpu.memory_space<hbm>>)
    %add3A_186 = arith.constant 384 : i32
    %add3A_187 = arith.addi %mul3A_2, %add3A_186 : i32
    %dma_wait3A_188 = arith.constant 3 : i32
    %dma_wait3A_189 = arith.constant 0 : i32
    %dma_wait3A_190 = arith.constant 0 : i32
    %dma_wait3A_191 = tpu.memref_slice %arg6[%dma_wait3A_188, %dma_wait3A_189, %dma_wait3A_190] : memref<8x128x32xi32, #tpu.memory_space<vmem>> -> memref<1x128x32xi32, #tpu.memory_space<vmem>>
    %dma_wait3A_192 = tpu.memref_squeeze %dma_wait3A_191 : memref<1x128x32xi32, #tpu.memory_space<vmem>> -> memref<128x32xi32, #tpu.memory_space<vmem>>
    %dma_wait3A_193 = arith.constant 0 : i32
    %dma_wait3A_194 = tpu.memref_slice %arg4[%add3A_187, %dma_wait3A_193] : memref<16384x32xi32, #tpu.memory_space<hbm>> -> memref<128x32xi32, #tpu.memory_space<hbm>>
    %dma_wait3A_195 = arith.constant 0 : i32
    %dma_wait3A_196 = tpu.memref_slice %arg4[%add3A_187, %dma_wait3A_195] : memref<16384x32xi32, #tpu.memory_space<hbm>> -> memref<128x32xi32, #tpu.memory_space<hbm>>
    %dma_wait3A_197 = arith.constant 0 : i32
    %dma_wait3A_198 = arith.constant 0 : i32
    %dma_wait3A_199 = tpu.memref_slice %arg6[%dma_wait3A_188, %dma_wait3A_197, %dma_wait3A_198] : memref<8x128x32xi32, #tpu.memory_space<vmem>> -> memref<1x128x32xi32, #tpu.memory_space<vmem>>
    %dma_wait3A_200 = tpu.memref_squeeze %dma_wait3A_199 : memref<1x128x32xi32, #tpu.memory_space<vmem>> -> memref<128x32xi32, #tpu.memory_space<vmem>>
    tpu.wait_dma2 semaphore(%arg18 : memref<!tpu.dma_semaphore, #tpu.memory_space<semaphore_mem>>) src(%dma_wait3A_200 : memref<128x32xi32, #tpu.memory_space<vmem>>) dst(%dma_wait3A_196 : memref<128x32xi32, #tpu.memory_space<hbm>>)
    return
  }
}

#map = affine_map<(d0, d1) -> (0)>
#map1 = affine_map<(d0, d1) -> (0, 0)>
module attributes {stable_mosaic.version = 14 : i64} {
  func.func @_hop2_body(%arg0: i32, %arg1: i32, %arg2: memref<16384xi32, #tpu.memory_space<hbm>>, %arg3: memref<100000x32xi32, #tpu.memory_space<hbm>>, %arg4: memref<16384x32xi32, #tpu.memory_space<hbm>>, %arg5: memref<512xi32, #tpu.memory_space<vmem>>, %arg6: memref<8x128x32xi32, #tpu.memory_space<vmem>>, %arg7: memref<!tpu.dma_semaphore, #tpu.memory_space<semaphore_mem>>, %arg8: memref<!tpu.dma_semaphore, #tpu.memory_space<semaphore_mem>>, %arg9: memref<!tpu.dma_semaphore, #tpu.memory_space<semaphore_mem>>, %arg10: memref<!tpu.dma_semaphore, #tpu.memory_space<semaphore_mem>>, %arg11: memref<!tpu.dma_semaphore, #tpu.memory_space<semaphore_mem>>, %arg12: memref<!tpu.dma_semaphore, #tpu.memory_space<semaphore_mem>>, %arg13: memref<!tpu.dma_semaphore, #tpu.memory_space<semaphore_mem>>, %arg14: memref<!tpu.dma_semaphore, #tpu.memory_space<semaphore_mem>>, %arg15: memref<!tpu.dma_semaphore, #tpu.memory_space<semaphore_mem>>, %arg16: memref<!tpu.dma_semaphore, #tpu.memory_space<semaphore_mem>>, %arg17: memref<!tpu.dma_semaphore, #tpu.memory_space<semaphore_mem>>, %arg18: memref<!tpu.dma_semaphore, #tpu.memory_space<semaphore_mem>>, %arg19: memref<!tpu.dma_semaphore, #tpu.memory_space<semaphore_mem>>, %arg20: memref<!tpu.dma_semaphore, #tpu.memory_space<semaphore_mem>>, %arg21: memref<!tpu.dma_semaphore, #tpu.memory_space<semaphore_mem>>, %arg22: memref<!tpu.dma_semaphore, #tpu.memory_space<semaphore_mem>>) attributes {dimension_semantics = [#tpu.dimension_semantics<core_parallel>, #tpu.dimension_semantics<subcore_parallel>], iteration_bounds = array<i64: 2, 16>, scalar_prefetch = 0 : i64, scratch_operands = 18 : i64, tpu.core_type = #tpu.core_type<sc_vector_subcore>, window_params = [{transform_indices = #map}, {transform_indices = #map1}, {transform_indices = #map1}]} {
    %mul3A = arith.constant 2 : i32
    %mul3A_0 = arith.muli %arg1, %mul3A : i32
    %add3A = arith.addi %mul3A_0, %arg0 : i32
    %mul3A_1 = arith.constant 512 : i32
    %mul3A_2 = arith.muli %add3A, %mul3A_1 : i32
    "tpu.region"() ({
      %run_scoped3A = tpu.sem_alloc : memref<!tpu.dma_semaphore, #tpu.memory_space<semaphore_mem>>
      %dma_start3A_201 = tpu.memref_slice %arg2[%mul3A_2] : memref<16384xi32, #tpu.memory_space<hbm>> -> memref<512xi32, #tpu.memory_space<hbm>>
      %dma_start3A_202 = tpu.memref_slice %arg2[%mul3A_2] : memref<16384xi32, #tpu.memory_space<hbm>> -> memref<512xi32, #tpu.memory_space<hbm>>
      tpu.enqueue_dma source(%dma_start3A_202 : memref<512xi32, #tpu.memory_space<hbm>>) target(%arg5 : memref<512xi32, #tpu.memory_space<vmem>>) target_semaphore(%run_scoped3A : memref<!tpu.dma_semaphore, #tpu.memory_space<semaphore_mem>>)
      %dma_wait3A_203 = tpu.memref_slice %arg2[%mul3A_2] : memref<16384xi32, #tpu.memory_space<hbm>> -> memref<512xi32, #tpu.memory_space<hbm>>
      %dma_wait3A_204 = tpu.memref_slice %arg2[%mul3A_2] : memref<16384xi32, #tpu.memory_space<hbm>> -> memref<512xi32, #tpu.memory_space<hbm>>
      tpu.wait_dma2 semaphore(%run_scoped3A : memref<!tpu.dma_semaphore, #tpu.memory_space<semaphore_mem>>) src(%dma_wait3A_204 : memref<512xi32, #tpu.memory_space<hbm>>) dst(%arg5 : memref<512xi32, #tpu.memory_space<vmem>>)
      tpu.yield
    }) : () -> ()
    %dma_start3A = arith.constant 0 : i32
    %dma_start3A_3 = arith.constant 0 : i32
    %dma_start3A_4 = arith.constant 0 : i32
    %dma_start3A_5 = tpu.memref_slice %arg6[%dma_start3A, %dma_start3A_3, %dma_start3A_4] : memref<8x128x32xi32, #tpu.memory_space<vmem>> -> memref<1x128x32xi32, #tpu.memory_space<vmem>>
    %dma_start3A_6 = tpu.memref_squeeze %dma_start3A_5 : memref<1x128x32xi32, #tpu.memory_space<vmem>> -> memref<128x32xi32, #tpu.memory_space<vmem>>
    %dma_start3A_7 = arith.constant 0 : i32
    %dma_start3A_8 = tpu.memref_slice %arg5[%dma_start3A_7] : memref<512xi32, #tpu.memory_space<vmem>> -> memref<128xi32, #tpu.memory_space<vmem>>
    %dma_start3A_9 = arith.constant 0 : i32
    %dma_start3A_10 = arith.constant 0 : i32
    %dma_start3A_11 = tpu.memref_slice %arg3[%dma_start3A_9, %dma_start3A_10] : memref<100000x32xi32, #tpu.memory_space<hbm>> -> memref<100000x32xi32, #tpu.memory_space<hbm>>
    tpu.enqueue_indirect_dma source(%dma_start3A_11 : memref<100000x32xi32, #tpu.memory_space<hbm>>) target(%dma_start3A_6 : memref<128x32xi32, #tpu.memory_space<vmem>>) offsets(%dma_start3A_8 : memref<128xi32, #tpu.memory_space<vmem>>) semaphore(%arg7 : memref<!tpu.dma_semaphore, #tpu.memory_space<semaphore_mem>>)
    %dma_start3A_12 = arith.constant 1 : i32
    %dma_start3A_13 = arith.constant 0 : i32
    %dma_start3A_14 = arith.constant 0 : i32
    %dma_start3A_15 = tpu.memref_slice %arg6[%dma_start3A_12, %dma_start3A_13, %dma_start3A_14] : memref<8x128x32xi32, #tpu.memory_space<vmem>> -> memref<1x128x32xi32, #tpu.memory_space<vmem>>
    %dma_start3A_16 = tpu.memref_squeeze %dma_start3A_15 : memref<1x128x32xi32, #tpu.memory_space<vmem>> -> memref<128x32xi32, #tpu.memory_space<vmem>>
    %dma_start3A_17 = arith.constant 128 : i32
    %dma_start3A_18 = tpu.memref_slice %arg5[%dma_start3A_17] : memref<512xi32, #tpu.memory_space<vmem>> -> memref<128xi32, #tpu.memory_space<vmem>>
    %dma_start3A_19 = arith.constant 0 : i32
    %dma_start3A_20 = arith.constant 0 : i32
    %dma_start3A_21 = tpu.memref_slice %arg3[%dma_start3A_19, %dma_start3A_20] : memref<100000x32xi32, #tpu.memory_space<hbm>> -> memref<100000x32xi32, #tpu.memory_space<hbm>>
    tpu.enqueue_indirect_dma source(%dma_start3A_21 : memref<100000x32xi32, #tpu.memory_space<hbm>>) target(%dma_start3A_16 : memref<128x32xi32, #tpu.memory_space<vmem>>) offsets(%dma_start3A_18 : memref<128xi32, #tpu.memory_space<vmem>>) semaphore(%arg8 : memref<!tpu.dma_semaphore, #tpu.memory_space<semaphore_mem>>)
    %dma_start3A_22 = arith.constant 2 : i32
    %dma_start3A_23 = arith.constant 0 : i32
    %dma_start3A_24 = arith.constant 0 : i32
    %dma_start3A_25 = tpu.memref_slice %arg6[%dma_start3A_22, %dma_start3A_23, %dma_start3A_24] : memref<8x128x32xi32, #tpu.memory_space<vmem>> -> memref<1x128x32xi32, #tpu.memory_space<vmem>>
    %dma_start3A_26 = tpu.memref_squeeze %dma_start3A_25 : memref<1x128x32xi32, #tpu.memory_space<vmem>> -> memref<128x32xi32, #tpu.memory_space<vmem>>
    %dma_start3A_27 = arith.constant 256 : i32
    %dma_start3A_28 = tpu.memref_slice %arg5[%dma_start3A_27] : memref<512xi32, #tpu.memory_space<vmem>> -> memref<128xi32, #tpu.memory_space<vmem>>
    %dma_start3A_29 = arith.constant 0 : i32
    %dma_start3A_30 = arith.constant 0 : i32
    %dma_start3A_31 = tpu.memref_slice %arg3[%dma_start3A_29, %dma_start3A_30] : memref<100000x32xi32, #tpu.memory_space<hbm>> -> memref<100000x32xi32, #tpu.memory_space<hbm>>
    tpu.enqueue_indirect_dma source(%dma_start3A_31 : memref<100000x32xi32, #tpu.memory_space<hbm>>) target(%dma_start3A_26 : memref<128x32xi32, #tpu.memory_space<vmem>>) offsets(%dma_start3A_28 : memref<128xi32, #tpu.memory_space<vmem>>) semaphore(%arg9 : memref<!tpu.dma_semaphore, #tpu.memory_space<semaphore_mem>>)
    %dma_start3A_32 = arith.constant 3 : i32
    %dma_start3A_33 = arith.constant 0 : i32
    %dma_start3A_34 = arith.constant 0 : i32
    %dma_start3A_35 = tpu.memref_slice %arg6[%dma_start3A_32, %dma_start3A_33, %dma_start3A_34] : memref<8x128x32xi32, #tpu.memory_space<vmem>> -> memref<1x128x32xi32, #tpu.memory_space<vmem>>
    %dma_start3A_36 = tpu.memref_squeeze %dma_start3A_35 : memref<1x128x32xi32, #tpu.memory_space<vmem>> -> memref<128x32xi32, #tpu.memory_space<vmem>>
    %dma_start3A_37 = arith.constant 384 : i32
    %dma_start3A_38 = tpu.memref_slice %arg5[%dma_start3A_37] : memref<512xi32, #tpu.memory_space<vmem>> -> memref<128xi32, #tpu.memory_space<vmem>>
    %dma_start3A_39 = arith.constant 0 : i32
    %dma_start3A_40 = arith.constant 0 : i32
    %dma_start3A_41 = tpu.memref_slice %arg3[%dma_start3A_39, %dma_start3A_40] : memref<100000x32xi32, #tpu.memory_space<hbm>> -> memref<100000x32xi32, #tpu.memory_space<hbm>>
    tpu.enqueue_indirect_dma source(%dma_start3A_41 : memref<100000x32xi32, #tpu.memory_space<hbm>>) target(%dma_start3A_36 : memref<128x32xi32, #tpu.memory_space<vmem>>) offsets(%dma_start3A_38 : memref<128xi32, #tpu.memory_space<vmem>>) semaphore(%arg10 : memref<!tpu.dma_semaphore, #tpu.memory_space<semaphore_mem>>)
    %dma_wait3A = arith.constant 0 : i32
    %dma_wait3A_42 = arith.constant 0 : i32
    %dma_wait3A_43 = arith.constant 0 : i32
    %dma_wait3A_44 = tpu.memref_slice %arg6[%dma_wait3A, %dma_wait3A_42, %dma_wait3A_43] : memref<8x128x32xi32, #tpu.memory_space<vmem>> -> memref<1x128x32xi32, #tpu.memory_space<vmem>>
    %dma_wait3A_45 = tpu.memref_squeeze %dma_wait3A_44 : memref<1x128x32xi32, #tpu.memory_space<vmem>> -> memref<128x32xi32, #tpu.memory_space<vmem>>
    %dma_wait3A_46 = arith.constant 0 : i32
    %dma_wait3A_47 = tpu.memref_slice %arg5[%dma_wait3A_46] : memref<512xi32, #tpu.memory_space<vmem>> -> memref<128xi32, #tpu.memory_space<vmem>>
    %dma_wait3A_48 = arith.constant 0 : i32
    %dma_wait3A_49 = arith.constant 0 : i32
    %dma_wait3A_50 = tpu.memref_slice %arg3[%dma_wait3A_48, %dma_wait3A_49] : memref<100000x32xi32, #tpu.memory_space<hbm>> -> memref<100000x32xi32, #tpu.memory_space<hbm>>
    tpu.wait_indirect_dma semaphore(%arg7 : memref<!tpu.dma_semaphore, #tpu.memory_space<semaphore_mem>>) src(%dma_wait3A_50 : memref<100000x32xi32, #tpu.memory_space<hbm>>) dst(%dma_wait3A_45 : memref<128x32xi32, #tpu.memory_space<vmem>>)
    %add3A_51 = arith.constant 0 : i32
    %add3A_52 = arith.addi %mul3A_2, %add3A_51 : i32
    %dma_start3A_53 = arith.constant 0 : i32
    %dma_start3A_54 = arith.constant 0 : i32
    %dma_start3A_55 = arith.constant 0 : i32
    %dma_start3A_56 = tpu.memref_slice %arg6[%dma_start3A_53, %dma_start3A_54, %dma_start3A_55] : memref<8x128x32xi32, #tpu.memory_space<vmem>> -> memref<1x128x32xi32, #tpu.memory_space<vmem>>
    %dma_start3A_57 = tpu.memref_squeeze %dma_start3A_56 : memref<1x128x32xi32, #tpu.memory_space<vmem>> -> memref<128x32xi32, #tpu.memory_space<vmem>>
    %dma_start3A_58 = arith.constant 0 : i32
    %dma_start3A_59 = tpu.memref_slice %arg4[%add3A_52, %dma_start3A_58] : memref<16384x32xi32, #tpu.memory_space<hbm>> -> memref<128x32xi32, #tpu.memory_space<hbm>>
    %dma_start3A_60 = arith.constant 0 : i32
    %dma_start3A_61 = tpu.memref_slice %arg4[%add3A_52, %dma_start3A_60] : memref<16384x32xi32, #tpu.memory_space<hbm>> -> memref<128x32xi32, #tpu.memory_space<hbm>>
    %dma_start3A_62 = arith.constant 0 : i32
    %dma_start3A_63 = arith.constant 0 : i32
    %dma_start3A_64 = tpu.memref_slice %arg6[%dma_start3A_53, %dma_start3A_62, %dma_start3A_63] : memref<8x128x32xi32, #tpu.memory_space<vmem>> -> memref<1x128x32xi32, #tpu.memory_space<vmem>>
    %dma_start3A_65 = tpu.memref_squeeze %dma_start3A_64 : memref<1x128x32xi32, #tpu.memory_space<vmem>> -> memref<128x32xi32, #tpu.memory_space<vmem>>
    tpu.enqueue_dma source(%dma_start3A_65 : memref<128x32xi32, #tpu.memory_space<vmem>>) target(%dma_start3A_61 : memref<128x32xi32, #tpu.memory_space<hbm>>) target_semaphore(%arg15 : memref<!tpu.dma_semaphore, #tpu.memory_space<semaphore_mem>>)
    %dma_wait3A_66 = arith.constant 1 : i32
    %dma_wait3A_67 = arith.constant 0 : i32
    %dma_wait3A_68 = arith.constant 0 : i32
    %dma_wait3A_69 = tpu.memref_slice %arg6[%dma_wait3A_66, %dma_wait3A_67, %dma_wait3A_68] : memref<8x128x32xi32, #tpu.memory_space<vmem>> -> memref<1x128x32xi32, #tpu.memory_space<vmem>>
    %dma_wait3A_70 = tpu.memref_squeeze %dma_wait3A_69 : memref<1x128x32xi32, #tpu.memory_space<vmem>> -> memref<128x32xi32, #tpu.memory_space<vmem>>
    %dma_wait3A_71 = arith.constant 128 : i32
    %dma_wait3A_72 = tpu.memref_slice %arg5[%dma_wait3A_71] : memref<512xi32, #tpu.memory_space<vmem>> -> memref<128xi32, #tpu.memory_space<vmem>>
    %dma_wait3A_73 = arith.constant 0 : i32
    %dma_wait3A_74 = arith.constant 0 : i32
    %dma_wait3A_75 = tpu.memref_slice %arg3[%dma_wait3A_73, %dma_wait3A_74] : memref<100000x32xi32, #tpu.memory_space<hbm>> -> memref<100000x32xi32, #tpu.memory_space<hbm>>
    tpu.wait_indirect_dma semaphore(%arg8 : memref<!tpu.dma_semaphore, #tpu.memory_space<semaphore_mem>>) src(%dma_wait3A_75 : memref<100000x32xi32, #tpu.memory_space<hbm>>) dst(%dma_wait3A_70 : memref<128x32xi32, #tpu.memory_space<vmem>>)
    %add3A_76 = arith.constant 128 : i32
    %add3A_77 = arith.addi %mul3A_2, %add3A_76 : i32
    %dma_start3A_78 = arith.constant 1 : i32
    %dma_start3A_79 = arith.constant 0 : i32
    %dma_start3A_80 = arith.constant 0 : i32
    %dma_start3A_81 = tpu.memref_slice %arg6[%dma_start3A_78, %dma_start3A_79, %dma_start3A_80] : memref<8x128x32xi32, #tpu.memory_space<vmem>> -> memref<1x128x32xi32, #tpu.memory_space<vmem>>
    %dma_start3A_82 = tpu.memref_squeeze %dma_start3A_81 : memref<1x128x32xi32, #tpu.memory_space<vmem>> -> memref<128x32xi32, #tpu.memory_space<vmem>>
    %dma_start3A_83 = arith.constant 0 : i32
    %dma_start3A_84 = tpu.memref_slice %arg4[%add3A_77, %dma_start3A_83] : memref<16384x32xi32, #tpu.memory_space<hbm>> -> memref<128x32xi32, #tpu.memory_space<hbm>>
    %dma_start3A_85 = arith.constant 0 : i32
    %dma_start3A_86 = tpu.memref_slice %arg4[%add3A_77, %dma_start3A_85] : memref<16384x32xi32, #tpu.memory_space<hbm>> -> memref<128x32xi32, #tpu.memory_space<hbm>>
    %dma_start3A_87 = arith.constant 0 : i32
    %dma_start3A_88 = arith.constant 0 : i32
    %dma_start3A_89 = tpu.memref_slice %arg6[%dma_start3A_78, %dma_start3A_87, %dma_start3A_88] : memref<8x128x32xi32, #tpu.memory_space<vmem>> -> memref<1x128x32xi32, #tpu.memory_space<vmem>>
    %dma_start3A_90 = tpu.memref_squeeze %dma_start3A_89 : memref<1x128x32xi32, #tpu.memory_space<vmem>> -> memref<128x32xi32, #tpu.memory_space<vmem>>
    tpu.enqueue_dma source(%dma_start3A_90 : memref<128x32xi32, #tpu.memory_space<vmem>>) target(%dma_start3A_86 : memref<128x32xi32, #tpu.memory_space<hbm>>) target_semaphore(%arg16 : memref<!tpu.dma_semaphore, #tpu.memory_space<semaphore_mem>>)
    %dma_wait3A_91 = arith.constant 2 : i32
    %dma_wait3A_92 = arith.constant 0 : i32
    %dma_wait3A_93 = arith.constant 0 : i32
    %dma_wait3A_94 = tpu.memref_slice %arg6[%dma_wait3A_91, %dma_wait3A_92, %dma_wait3A_93] : memref<8x128x32xi32, #tpu.memory_space<vmem>> -> memref<1x128x32xi32, #tpu.memory_space<vmem>>
    %dma_wait3A_95 = tpu.memref_squeeze %dma_wait3A_94 : memref<1x128x32xi32, #tpu.memory_space<vmem>> -> memref<128x32xi32, #tpu.memory_space<vmem>>
    %dma_wait3A_96 = arith.constant 256 : i32
    %dma_wait3A_97 = tpu.memref_slice %arg5[%dma_wait3A_96] : memref<512xi32, #tpu.memory_space<vmem>> -> memref<128xi32, #tpu.memory_space<vmem>>
    %dma_wait3A_98 = arith.constant 0 : i32
    %dma_wait3A_99 = arith.constant 0 : i32
    %dma_wait3A_100 = tpu.memref_slice %arg3[%dma_wait3A_98, %dma_wait3A_99] : memref<100000x32xi32, #tpu.memory_space<hbm>> -> memref<100000x32xi32, #tpu.memory_space<hbm>>
    tpu.wait_indirect_dma semaphore(%arg9 : memref<!tpu.dma_semaphore, #tpu.memory_space<semaphore_mem>>) src(%dma_wait3A_100 : memref<100000x32xi32, #tpu.memory_space<hbm>>) dst(%dma_wait3A_95 : memref<128x32xi32, #tpu.memory_space<vmem>>)
    %add3A_101 = arith.constant 256 : i32
    %add3A_102 = arith.addi %mul3A_2, %add3A_101 : i32
    %dma_start3A_103 = arith.constant 2 : i32
    %dma_start3A_104 = arith.constant 0 : i32
    %dma_start3A_105 = arith.constant 0 : i32
    %dma_start3A_106 = tpu.memref_slice %arg6[%dma_start3A_103, %dma_start3A_104, %dma_start3A_105] : memref<8x128x32xi32, #tpu.memory_space<vmem>> -> memref<1x128x32xi32, #tpu.memory_space<vmem>>
    %dma_start3A_107 = tpu.memref_squeeze %dma_start3A_106 : memref<1x128x32xi32, #tpu.memory_space<vmem>> -> memref<128x32xi32, #tpu.memory_space<vmem>>
    %dma_start3A_108 = arith.constant 0 : i32
    %dma_start3A_109 = tpu.memref_slice %arg4[%add3A_102, %dma_start3A_108] : memref<16384x32xi32, #tpu.memory_space<hbm>> -> memref<128x32xi32, #tpu.memory_space<hbm>>
    %dma_start3A_110 = arith.constant 0 : i32
    %dma_start3A_111 = tpu.memref_slice %arg4[%add3A_102, %dma_start3A_110] : memref<16384x32xi32, #tpu.memory_space<hbm>> -> memref<128x32xi32, #tpu.memory_space<hbm>>
    %dma_start3A_112 = arith.constant 0 : i32
    %dma_start3A_113 = arith.constant 0 : i32
    %dma_start3A_114 = tpu.memref_slice %arg6[%dma_start3A_103, %dma_start3A_112, %dma_start3A_113] : memref<8x128x32xi32, #tpu.memory_space<vmem>> -> memref<1x128x32xi32, #tpu.memory_space<vmem>>
    %dma_start3A_115 = tpu.memref_squeeze %dma_start3A_114 : memref<1x128x32xi32, #tpu.memory_space<vmem>> -> memref<128x32xi32, #tpu.memory_space<vmem>>
    tpu.enqueue_dma source(%dma_start3A_115 : memref<128x32xi32, #tpu.memory_space<vmem>>) target(%dma_start3A_111 : memref<128x32xi32, #tpu.memory_space<hbm>>) target_semaphore(%arg17 : memref<!tpu.dma_semaphore, #tpu.memory_space<semaphore_mem>>)
    %dma_wait3A_116 = arith.constant 3 : i32
    %dma_wait3A_117 = arith.constant 0 : i32
    %dma_wait3A_118 = arith.constant 0 : i32
    %dma_wait3A_119 = tpu.memref_slice %arg6[%dma_wait3A_116, %dma_wait3A_117, %dma_wait3A_118] : memref<8x128x32xi32, #tpu.memory_space<vmem>> -> memref<1x128x32xi32, #tpu.memory_space<vmem>>
    %dma_wait3A_120 = tpu.memref_squeeze %dma_wait3A_119 : memref<1x128x32xi32, #tpu.memory_space<vmem>> -> memref<128x32xi32, #tpu.memory_space<vmem>>
    %dma_wait3A_121 = arith.constant 384 : i32
    %dma_wait3A_122 = tpu.memref_slice %arg5[%dma_wait3A_121] : memref<512xi32, #tpu.memory_space<vmem>> -> memref<128xi32, #tpu.memory_space<vmem>>
    %dma_wait3A_123 = arith.constant 0 : i32
    %dma_wait3A_124 = arith.constant 0 : i32
    %dma_wait3A_125 = tpu.memref_slice %arg3[%dma_wait3A_123, %dma_wait3A_124] : memref<100000x32xi32, #tpu.memory_space<hbm>> -> memref<100000x32xi32, #tpu.memory_space<hbm>>
    tpu.wait_indirect_dma semaphore(%arg10 : memref<!tpu.dma_semaphore, #tpu.memory_space<semaphore_mem>>) src(%dma_wait3A_125 : memref<100000x32xi32, #tpu.memory_space<hbm>>) dst(%dma_wait3A_120 : memref<128x32xi32, #tpu.memory_space<vmem>>)
    %add3A_126 = arith.constant 384 : i32
    %add3A_127 = arith.addi %mul3A_2, %add3A_126 : i32
    %dma_start3A_128 = arith.constant 3 : i32
    %dma_start3A_129 = arith.constant 0 : i32
    %dma_start3A_130 = arith.constant 0 : i32
    %dma_start3A_131 = tpu.memref_slice %arg6[%dma_start3A_128, %dma_start3A_129, %dma_start3A_130] : memref<8x128x32xi32, #tpu.memory_space<vmem>> -> memref<1x128x32xi32, #tpu.memory_space<vmem>>
    %dma_start3A_132 = tpu.memref_squeeze %dma_start3A_131 : memref<1x128x32xi32, #tpu.memory_space<vmem>> -> memref<128x32xi32, #tpu.memory_space<vmem>>
    %dma_start3A_133 = arith.constant 0 : i32
    %dma_start3A_134 = tpu.memref_slice %arg4[%add3A_127, %dma_start3A_133] : memref<16384x32xi32, #tpu.memory_space<hbm>> -> memref<128x32xi32, #tpu.memory_space<hbm>>
    %dma_start3A_135 = arith.constant 0 : i32
    %dma_start3A_136 = tpu.memref_slice %arg4[%add3A_127, %dma_start3A_135] : memref<16384x32xi32, #tpu.memory_space<hbm>> -> memref<128x32xi32, #tpu.memory_space<hbm>>
    %dma_start3A_137 = arith.constant 0 : i32
    %dma_start3A_138 = arith.constant 0 : i32
    %dma_start3A_139 = tpu.memref_slice %arg6[%dma_start3A_128, %dma_start3A_137, %dma_start3A_138] : memref<8x128x32xi32, #tpu.memory_space<vmem>> -> memref<1x128x32xi32, #tpu.memory_space<vmem>>
    %dma_start3A_140 = tpu.memref_squeeze %dma_start3A_139 : memref<1x128x32xi32, #tpu.memory_space<vmem>> -> memref<128x32xi32, #tpu.memory_space<vmem>>
    tpu.enqueue_dma source(%dma_start3A_140 : memref<128x32xi32, #tpu.memory_space<vmem>>) target(%dma_start3A_136 : memref<128x32xi32, #tpu.memory_space<hbm>>) target_semaphore(%arg18 : memref<!tpu.dma_semaphore, #tpu.memory_space<semaphore_mem>>)
    %add3A_141 = arith.constant 0 : i32
    %add3A_142 = arith.addi %mul3A_2, %add3A_141 : i32
    %dma_wait3A_143 = arith.constant 0 : i32
    %dma_wait3A_144 = arith.constant 0 : i32
    %dma_wait3A_145 = arith.constant 0 : i32
    %dma_wait3A_146 = tpu.memref_slice %arg6[%dma_wait3A_143, %dma_wait3A_144, %dma_wait3A_145] : memref<8x128x32xi32, #tpu.memory_space<vmem>> -> memref<1x128x32xi32, #tpu.memory_space<vmem>>
    %dma_wait3A_147 = tpu.memref_squeeze %dma_wait3A_146 : memref<1x128x32xi32, #tpu.memory_space<vmem>> -> memref<128x32xi32, #tpu.memory_space<vmem>>
    %dma_wait3A_148 = arith.constant 0 : i32
    %dma_wait3A_149 = tpu.memref_slice %arg4[%add3A_142, %dma_wait3A_148] : memref<16384x32xi32, #tpu.memory_space<hbm>> -> memref<128x32xi32, #tpu.memory_space<hbm>>
    %dma_wait3A_150 = arith.constant 0 : i32
    %dma_wait3A_151 = tpu.memref_slice %arg4[%add3A_142, %dma_wait3A_150] : memref<16384x32xi32, #tpu.memory_space<hbm>> -> memref<128x32xi32, #tpu.memory_space<hbm>>
    %dma_wait3A_152 = arith.constant 0 : i32
    %dma_wait3A_153 = arith.constant 0 : i32
    %dma_wait3A_154 = tpu.memref_slice %arg6[%dma_wait3A_143, %dma_wait3A_152, %dma_wait3A_153] : memref<8x128x32xi32, #tpu.memory_space<vmem>> -> memref<1x128x32xi32, #tpu.memory_space<vmem>>
    %dma_wait3A_155 = tpu.memref_squeeze %dma_wait3A_154 : memref<1x128x32xi32, #tpu.memory_space<vmem>> -> memref<128x32xi32, #tpu.memory_space<vmem>>
    tpu.wait_dma2 semaphore(%arg15 : memref<!tpu.dma_semaphore, #tpu.memory_space<semaphore_mem>>) src(%dma_wait3A_155 : memref<128x32xi32, #tpu.memory_space<vmem>>) dst(%dma_wait3A_151 : memref<128x32xi32, #tpu.memory_space<hbm>>)
    %add3A_156 = arith.constant 128 : i32
    %add3A_157 = arith.addi %mul3A_2, %add3A_156 : i32
    %dma_wait3A_158 = arith.constant 1 : i32
    %dma_wait3A_159 = arith.constant 0 : i32
    %dma_wait3A_160 = arith.constant 0 : i32
    %dma_wait3A_161 = tpu.memref_slice %arg6[%dma_wait3A_158, %dma_wait3A_159, %dma_wait3A_160] : memref<8x128x32xi32, #tpu.memory_space<vmem>> -> memref<1x128x32xi32, #tpu.memory_space<vmem>>
    %dma_wait3A_162 = tpu.memref_squeeze %dma_wait3A_161 : memref<1x128x32xi32, #tpu.memory_space<vmem>> -> memref<128x32xi32, #tpu.memory_space<vmem>>
    %dma_wait3A_163 = arith.constant 0 : i32
    %dma_wait3A_164 = tpu.memref_slice %arg4[%add3A_157, %dma_wait3A_163] : memref<16384x32xi32, #tpu.memory_space<hbm>> -> memref<128x32xi32, #tpu.memory_space<hbm>>
    %dma_wait3A_165 = arith.constant 0 : i32
    %dma_wait3A_166 = tpu.memref_slice %arg4[%add3A_157, %dma_wait3A_165] : memref<16384x32xi32, #tpu.memory_space<hbm>> -> memref<128x32xi32, #tpu.memory_space<hbm>>
    %dma_wait3A_167 = arith.constant 0 : i32
    %dma_wait3A_168 = arith.constant 0 : i32
    %dma_wait3A_169 = tpu.memref_slice %arg6[%dma_wait3A_158, %dma_wait3A_167, %dma_wait3A_168] : memref<8x128x32xi32, #tpu.memory_space<vmem>> -> memref<1x128x32xi32, #tpu.memory_space<vmem>>
    %dma_wait3A_170 = tpu.memref_squeeze %dma_wait3A_169 : memref<1x128x32xi32, #tpu.memory_space<vmem>> -> memref<128x32xi32, #tpu.memory_space<vmem>>
    tpu.wait_dma2 semaphore(%arg16 : memref<!tpu.dma_semaphore, #tpu.memory_space<semaphore_mem>>) src(%dma_wait3A_170 : memref<128x32xi32, #tpu.memory_space<vmem>>) dst(%dma_wait3A_166 : memref<128x32xi32, #tpu.memory_space<hbm>>)
    %add3A_171 = arith.constant 256 : i32
    %add3A_172 = arith.addi %mul3A_2, %add3A_171 : i32
    %dma_wait3A_173 = arith.constant 2 : i32
    %dma_wait3A_174 = arith.constant 0 : i32
    %dma_wait3A_175 = arith.constant 0 : i32
    %dma_wait3A_176 = tpu.memref_slice %arg6[%dma_wait3A_173, %dma_wait3A_174, %dma_wait3A_175] : memref<8x128x32xi32, #tpu.memory_space<vmem>> -> memref<1x128x32xi32, #tpu.memory_space<vmem>>
    %dma_wait3A_177 = tpu.memref_squeeze %dma_wait3A_176 : memref<1x128x32xi32, #tpu.memory_space<vmem>> -> memref<128x32xi32, #tpu.memory_space<vmem>>
    %dma_wait3A_178 = arith.constant 0 : i32
    %dma_wait3A_179 = tpu.memref_slice %arg4[%add3A_172, %dma_wait3A_178] : memref<16384x32xi32, #tpu.memory_space<hbm>> -> memref<128x32xi32, #tpu.memory_space<hbm>>
    %dma_wait3A_180 = arith.constant 0 : i32
    %dma_wait3A_181 = tpu.memref_slice %arg4[%add3A_172, %dma_wait3A_180] : memref<16384x32xi32, #tpu.memory_space<hbm>> -> memref<128x32xi32, #tpu.memory_space<hbm>>
    %dma_wait3A_182 = arith.constant 0 : i32
    %dma_wait3A_183 = arith.constant 0 : i32
    %dma_wait3A_184 = tpu.memref_slice %arg6[%dma_wait3A_173, %dma_wait3A_182, %dma_wait3A_183] : memref<8x128x32xi32, #tpu.memory_space<vmem>> -> memref<1x128x32xi32, #tpu.memory_space<vmem>>
    %dma_wait3A_185 = tpu.memref_squeeze %dma_wait3A_184 : memref<1x128x32xi32, #tpu.memory_space<vmem>> -> memref<128x32xi32, #tpu.memory_space<vmem>>
    tpu.wait_dma2 semaphore(%arg17 : memref<!tpu.dma_semaphore, #tpu.memory_space<semaphore_mem>>) src(%dma_wait3A_185 : memref<128x32xi32, #tpu.memory_space<vmem>>) dst(%dma_wait3A_181 : memref<128x32xi32, #tpu.memory_space<hbm>>)
    %add3A_186 = arith.constant 384 : i32
    %add3A_187 = arith.addi %mul3A_2, %add3A_186 : i32
    %dma_wait3A_188 = arith.constant 3 : i32
    %dma_wait3A_189 = arith.constant 0 : i32
    %dma_wait3A_190 = arith.constant 0 : i32
    %dma_wait3A_191 = tpu.memref_slice %arg6[%dma_wait3A_188, %dma_wait3A_189, %dma_wait3A_190] : memref<8x128x32xi32, #tpu.memory_space<vmem>> -> memref<1x128x32xi32, #tpu.memory_space<vmem>>
    %dma_wait3A_192 = tpu.memref_squeeze %dma_wait3A_191 : memref<1x128x32xi32, #tpu.memory_space<vmem>> -> memref<128x32xi32, #tpu.memory_space<vmem>>
    %dma_wait3A_193 = arith.constant 0 : i32
    %dma_wait3A_194 = tpu.memref_slice %arg4[%add3A_187, %dma_wait3A_193] : memref<16384x32xi32, #tpu.memory_space<hbm>> -> memref<128x32xi32, #tpu.memory_space<hbm>>
    %dma_wait3A_195 = arith.constant 0 : i32
    %dma_wait3A_196 = tpu.memref_slice %arg4[%add3A_187, %dma_wait3A_195] : memref<16384x32xi32, #tpu.memory_space<hbm>> -> memref<128x32xi32, #tpu.memory_space<hbm>>
    %dma_wait3A_197 = arith.constant 0 : i32
    %dma_wait3A_198 = arith.constant 0 : i32
    %dma_wait3A_199 = tpu.memref_slice %arg6[%dma_wait3A_188, %dma_wait3A_197, %dma_wait3A_198] : memref<8x128x32xi32, #tpu.memory_space<vmem>> -> memref<1x128x32xi32, #tpu.memory_space<vmem>>
    %dma_wait3A_200 = tpu.memref_squeeze %dma_wait3A_199 : memref<1x128x32xi32, #tpu.memory_space<vmem>> -> memref<128x32xi32, #tpu.memory_space<vmem>>
    tpu.wait_dma2 semaphore(%arg18 : memref<!tpu.dma_semaphore, #tpu.memory_space<semaphore_mem>>) src(%dma_wait3A_200 : memref<128x32xi32, #tpu.memory_space<vmem>>) dst(%dma_wait3A_196 : memref<128x32xi32, #tpu.memory_space<hbm>>)
    return
  }
}

#map = affine_map<(d0, d1) -> (0, 0)>
module attributes {stable_mosaic.version = 14 : i64} {
  func.func @_hop2_body(%arg0: i32, %arg1: i32, %arg2: memref<16384x32xi32, #tpu.memory_space<hbm>>, %arg3: memref<100000x32xi32, #tpu.memory_space<hbm>>, %arg4: memref<524288x32xi32, #tpu.memory_space<hbm>>, %arg5: memref<16384xi32, #tpu.memory_space<vmem>>, %arg6: memref<512x32xi32, #tpu.memory_space<vmem>>, %arg7: memref<8x128x32xi32, #tpu.memory_space<vmem>>, %arg8: memref<!tpu.dma_semaphore, #tpu.memory_space<semaphore_mem>>, %arg9: memref<!tpu.dma_semaphore, #tpu.memory_space<semaphore_mem>>, %arg10: memref<!tpu.dma_semaphore, #tpu.memory_space<semaphore_mem>>, %arg11: memref<!tpu.dma_semaphore, #tpu.memory_space<semaphore_mem>>, %arg12: memref<!tpu.dma_semaphore, #tpu.memory_space<semaphore_mem>>, %arg13: memref<!tpu.dma_semaphore, #tpu.memory_space<semaphore_mem>>, %arg14: memref<!tpu.dma_semaphore, #tpu.memory_space<semaphore_mem>>, %arg15: memref<!tpu.dma_semaphore, #tpu.memory_space<semaphore_mem>>, %arg16: memref<!tpu.dma_semaphore, #tpu.memory_space<semaphore_mem>>, %arg17: memref<!tpu.dma_semaphore, #tpu.memory_space<semaphore_mem>>, %arg18: memref<!tpu.dma_semaphore, #tpu.memory_space<semaphore_mem>>, %arg19: memref<!tpu.dma_semaphore, #tpu.memory_space<semaphore_mem>>, %arg20: memref<!tpu.dma_semaphore, #tpu.memory_space<semaphore_mem>>, %arg21: memref<!tpu.dma_semaphore, #tpu.memory_space<semaphore_mem>>, %arg22: memref<!tpu.dma_semaphore, #tpu.memory_space<semaphore_mem>>, %arg23: memref<!tpu.dma_semaphore, #tpu.memory_space<semaphore_mem>>) attributes {dimension_semantics = [#tpu.dimension_semantics<core_parallel>, #tpu.dimension_semantics<subcore_parallel>], iteration_bounds = array<i64: 2, 16>, scalar_prefetch = 0 : i64, scratch_operands = 19 : i64, tpu.core_type = #tpu.core_type<sc_vector_subcore>, window_params = [{transform_indices = #map}, {transform_indices = #map}, {transform_indices = #map}]} {
    %mul3A = arith.constant 2 : i32
    %mul3A_0 = arith.muli %arg1, %mul3A : i32
    %add3A = arith.addi %mul3A_0, %arg0 : i32
    %mul3A_1 = arith.constant 16384 : i32
    %mul3A_2 = arith.muli %add3A, %mul3A_1 : i32
    %mul3A_3 = arith.constant 512 : i32
    %mul3A_4 = arith.muli %add3A, %mul3A_3 : i32
    "tpu.region"() ({
      %run_scoped3A = tpu.sem_alloc : memref<!tpu.dma_semaphore, #tpu.memory_space<semaphore_mem>>
      %dma_start3A_814 = arith.constant 0 : i32
      %dma_start3A_815 = tpu.memref_slice %arg2[%mul3A_4, %dma_start3A_814] : memref<16384x32xi32, #tpu.memory_space<hbm>> -> memref<512x32xi32, #tpu.memory_space<hbm>>
      %dma_start3A_816 = arith.constant 0 : i32
      %dma_start3A_817 = tpu.memref_slice %arg2[%mul3A_4, %dma_start3A_816] : memref<16384x32xi32, #tpu.memory_space<hbm>> -> memref<512x32xi32, #tpu.memory_space<hbm>>
      tpu.enqueue_dma source(%dma_start3A_817 : memref<512x32xi32, #tpu.memory_space<hbm>>) target(%arg6 : memref<512x32xi32, #tpu.memory_space<vmem>>) target_semaphore(%run_scoped3A : memref<!tpu.dma_semaphore, #tpu.memory_space<semaphore_mem>>)
      %dma_wait3A_818 = arith.constant 0 : i32
      %dma_wait3A_819 = tpu.memref_slice %arg2[%mul3A_4, %dma_wait3A_818] : memref<16384x32xi32, #tpu.memory_space<hbm>> -> memref<512x32xi32, #tpu.memory_space<hbm>>
      %dma_wait3A_820 = arith.constant 0 : i32
      %dma_wait3A_821 = tpu.memref_slice %arg2[%mul3A_4, %dma_wait3A_820] : memref<16384x32xi32, #tpu.memory_space<hbm>> -> memref<512x32xi32, #tpu.memory_space<hbm>>
      tpu.wait_dma2 semaphore(%run_scoped3A : memref<!tpu.dma_semaphore, #tpu.memory_space<semaphore_mem>>) src(%dma_wait3A_821 : memref<512x32xi32, #tpu.memory_space<hbm>>) dst(%arg6 : memref<512x32xi32, #tpu.memory_space<vmem>>)
      tpu.yield
    }) : () -> ()
    %scan3A = arith.constant 0 : i32
    %scan3A_5 = arith.constant 0 : i32
    %scan3A_6 = arith.constant 512 : i32
    %scan3A_7 = arith.addi %scan3A_5, %scan3A_6 : i32
    %scan3A_8 = arith.constant 1 : i32
    scf.for %scan3A_814 = %scan3A_5 to %scan3A_7 step %scan3A_8  : i32 {
      %get3A = arith.constant 0 : i32
      %get3A_815 = tpu.memref_slice %arg6[%scan3A_814, %get3A] : memref<512x32xi32, #tpu.memory_space<vmem>> -> memref<1x32xi32, #tpu.memory_space<vmem>>
      %get3A_816 = tpu.memref_squeeze %get3A_815 : memref<1x32xi32, #tpu.memory_space<vmem>> -> memref<32xi32, #tpu.memory_space<vmem>>
      %get3A_817 = arith.constant 0 : index
      %get3A_818 = tpu.vector_load %get3A_816[%get3A_817] {strides = array<i32>} : memref<32xi32, #tpu.memory_space<vmem>>, vector<16xi32>,
      %get3A_819 = vector.shape_cast %get3A_818 : vector<16xi32> to vector<16xi32>
      %mul3A_820 = arith.constant 32 : i32
      %mul3A_821 = arith.muli %scan3A_814, %mul3A_820 : i32
      %swap3A = arith.index_cast %mul3A_821 : i32 to index
      %swap3A_822 = tpu.vector_load %arg5[%swap3A] {strides = array<i32>} : memref<16384xi32, #tpu.memory_space<vmem>>, vector<16xi32>,
      %swap3A_823 = vector.shape_cast %swap3A_822 : vector<16xi32> to vector<16xi32>
      %swap3A_824 = vector.shape_cast %get3A_819 : vector<16xi32> to vector<16xi32>
      tpu.vector_store %arg5[%swap3A], %swap3A_824 {strides = array<i32>} : memref<16384xi32, #tpu.memory_space<vmem>>, vector<16xi32>,
      %get3A_825 = arith.constant 0 : i32
      %get3A_826 = tpu.memref_slice %arg6[%scan3A_814, %get3A_825] : memref<512x32xi32, #tpu.memory_space<vmem>> -> memref<1x32xi32, #tpu.memory_space<vmem>>
      %get3A_827 = tpu.memref_squeeze %get3A_826 : memref<1x32xi32, #tpu.memory_space<vmem>> -> memref<32xi32, #tpu.memory_space<vmem>>
      %get3A_828 = arith.constant 16 : index
      %get3A_829 = tpu.vector_load %get3A_827[%get3A_828] {strides = array<i32>} : memref<32xi32, #tpu.memory_space<vmem>>, vector<16xi32>,
      %get3A_830 = vector.shape_cast %get3A_829 : vector<16xi32> to vector<16xi32>
      %mul3A_831 = arith.constant 32 : i32
      %mul3A_832 = arith.muli %scan3A_814, %mul3A_831 : i32
      %add3A_833 = arith.constant 16 : i32
      %add3A_834 = arith.addi %mul3A_832, %add3A_833 : i32
      %swap3A_835 = arith.index_cast %add3A_834 : i32 to index
      %swap3A_836 = tpu.vector_load %arg5[%swap3A_835] {strides = array<i32>} : memref<16384xi32, #tpu.memory_space<vmem>>, vector<16xi32>,
      %swap3A_837 = vector.shape_cast %swap3A_836 : vector<16xi32> to vector<16xi32>
      %swap3A_838 = vector.shape_cast %get3A_830 : vector<16xi32> to vector<16xi32>
      tpu.vector_store %arg5[%swap3A_835], %swap3A_838 {strides = array<i32>} : memref<16384xi32, #tpu.memory_space<vmem>>, vector<16xi32>,
    }
    %scan3A_9 = arith.constant 512 : i32
    %dma_start3A = arith.constant 0 : i32
    %dma_start3A_10 = arith.constant 0 : i32
    %dma_start3A_11 = arith.constant 0 : i32
    %dma_start3A_12 = tpu.memref_slice %arg7[%dma_start3A, %dma_start3A_10, %dma_start3A_11] : memref<8x128x32xi32, #tpu.memory_space<vmem>> -> memref<1x128x32xi32, #tpu.memory_space<vmem>>
    %dma_start3A_13 = tpu.memref_squeeze %dma_start3A_12 : memref<1x128x32xi32, #tpu.memory_space<vmem>> -> memref<128x32xi32, #tpu.memory_space<vmem>>
    %dma_start3A_14 = arith.constant 0 : i32
    %dma_start3A_15 = tpu.memref_slice %arg5[%dma_start3A_14] : memref<16384xi32, #tpu.memory_space<vmem>> -> memref<128xi32, #tpu.memory_space<vmem>>
    %dma_start3A_16 = arith.constant 0 : i32
    %dma_start3A_17 = arith.constant 0 : i32
    %dma_start3A_18 = tpu.memref_slice %arg3[%dma_start3A_16, %dma_start3A_17] : memref<100000x32xi32, #tpu.memory_space<hbm>> -> memref<100000x32xi32, #tpu.memory_space<hbm>>
    tpu.enqueue_indirect_dma source(%dma_start3A_18 : memref<100000x32xi32, #tpu.memory_space<hbm>>) target(%dma_start3A_13 : memref<128x32xi32, #tpu.memory_space<vmem>>) offsets(%dma_start3A_15 : memref<128xi32, #tpu.memory_space<vmem>>) semaphore(%arg8 : memref<!tpu.dma_semaphore, #tpu.memory_space<semaphore_mem>>)
    %dma_start3A_19 = arith.constant 1 : i32
    %dma_start3A_20 = arith.constant 0 : i32
    %dma_start3A_21 = arith.constant 0 : i32
    %dma_start3A_22 = tpu.memref_slice %arg7[%dma_start3A_19, %dma_start3A_20, %dma_start3A_21] : memref<8x128x32xi32, #tpu.memory_space<vmem>> -> memref<1x128x32xi32, #tpu.memory_space<vmem>>
    %dma_start3A_23 = tpu.memref_squeeze %dma_start3A_22 : memref<1x128x32xi32, #tpu.memory_space<vmem>> -> memref<128x32xi32, #tpu.memory_space<vmem>>
    %dma_start3A_24 = arith.constant 128 : i32
    %dma_start3A_25 = tpu.memref_slice %arg5[%dma_start3A_24] : memref<16384xi32, #tpu.memory_space<vmem>> -> memref<128xi32, #tpu.memory_space<vmem>>
    %dma_start3A_26 = arith.constant 0 : i32
    %dma_start3A_27 = arith.constant 0 : i32
    %dma_start3A_28 = tpu.memref_slice %arg3[%dma_start3A_26, %dma_start3A_27] : memref<100000x32xi32, #tpu.memory_space<hbm>> -> memref<100000x32xi32, #tpu.memory_space<hbm>>
    tpu.enqueue_indirect_dma source(%dma_start3A_28 : memref<100000x32xi32, #tpu.memory_space<hbm>>) target(%dma_start3A_23 : memref<128x32xi32, #tpu.memory_space<vmem>>) offsets(%dma_start3A_25 : memref<128xi32, #tpu.memory_space<vmem>>) semaphore(%arg9 : memref<!tpu.dma_semaphore, #tpu.memory_space<semaphore_mem>>)
    %dma_start3A_29 = arith.constant 2 : i32
    %dma_start3A_30 = arith.constant 0 : i32
    %dma_start3A_31 = arith.constant 0 : i32
    %dma_start3A_32 = tpu.memref_slice %arg7[%dma_start3A_29, %dma_start3A_30, %dma_start3A_31] : memref<8x128x32xi32, #tpu.memory_space<vmem>> -> memref<1x128x32xi32, #tpu.memory_space<vmem>>
    %dma_start3A_33 = tpu.memref_squeeze %dma_start3A_32 : memref<1x128x32xi32, #tpu.memory_space<vmem>> -> memref<128x32xi32, #tpu.memory_space<vmem>>
    %dma_start3A_34 = arith.constant 256 : i32
    %dma_start3A_35 = tpu.memref_slice %arg5[%dma_start3A_34] : memref<16384xi32, #tpu.memory_space<vmem>> -> memref<128xi32, #tpu.memory_space<vmem>>
    %dma_start3A_36 = arith.constant 0 : i32
    %dma_start3A_37 = arith.constant 0 : i32
    %dma_start3A_38 = tpu.memref_slice %arg3[%dma_start3A_36, %dma_start3A_37] : memref<100000x32xi32, #tpu.memory_space<hbm>> -> memref<100000x32xi32, #tpu.memory_space<hbm>>
    tpu.enqueue_indirect_dma source(%dma_start3A_38 : memref<100000x32xi32, #tpu.memory_space<hbm>>) target(%dma_start3A_33 : memref<128x32xi32, #tpu.memory_space<vmem>>) offsets(%dma_start3A_35 : memref<128xi32, #tpu.memory_space<vmem>>) semaphore(%arg10 : memref<!tpu.dma_semaphore, #tpu.memory_space<semaphore_mem>>)
    %dma_start3A_39 = arith.constant 3 : i32
    %dma_start3A_40 = arith.constant 0 : i32
    %dma_start3A_41 = arith.constant 0 : i32
    %dma_start3A_42 = tpu.memref_slice %arg7[%dma_start3A_39, %dma_start3A_40, %dma_start3A_41] : memref<8x128x32xi32, #tpu.memory_space<vmem>> -> memref<1x128x32xi32, #tpu.memory_space<vmem>>
    %dma_start3A_43 = tpu.memref_squeeze %dma_start3A_42 : memref<1x128x32xi32, #tpu.memory_space<vmem>> -> memref<128x32xi32, #tpu.memory_space<vmem>>
    %dma_start3A_44 = arith.constant 384 : i32
    %dma_start3A_45 = tpu.memref_slice %arg5[%dma_start3A_44] : memref<16384xi32, #tpu.memory_space<vmem>> -> memref<128xi32, #tpu.memory_space<vmem>>
    %dma_start3A_46 = arith.constant 0 : i32
    %dma_start3A_47 = arith.constant 0 : i32
    %dma_start3A_48 = tpu.memref_slice %arg3[%dma_start3A_46, %dma_start3A_47] : memref<100000x32xi32, #tpu.memory_space<hbm>> -> memref<100000x32xi32, #tpu.memory_space<hbm>>
    tpu.enqueue_indirect_dma source(%dma_start3A_48 : memref<100000x32xi32, #tpu.memory_space<hbm>>) target(%dma_start3A_43 : memref<128x32xi32, #tpu.memory_space<vmem>>) offsets(%dma_start3A_45 : memref<128xi32, #tpu.memory_space<vmem>>) semaphore(%arg11 : memref<!tpu.dma_semaphore, #tpu.memory_space<semaphore_mem>>)
    %dma_start3A_49 = arith.constant 4 : i32
    %dma_start3A_50 = arith.constant 0 : i32
    %dma_start3A_51 = arith.constant 0 : i32
    %dma_start3A_52 = tpu.memref_slice %arg7[%dma_start3A_49, %dma_start3A_50, %dma_start3A_51] : memref<8x128x32xi32, #tpu.memory_space<vmem>> -> memref<1x128x32xi32, #tpu.memory_space<vmem>>
    %dma_start3A_53 = tpu.memref_squeeze %dma_start3A_52 : memref<1x128x32xi32, #tpu.memory_space<vmem>> -> memref<128x32xi32, #tpu.memory_space<vmem>>
    %dma_start3A_54 = arith.constant 512 : i32
    %dma_start3A_55 = tpu.memref_slice %arg5[%dma_start3A_54] : memref<16384xi32, #tpu.memory_space<vmem>> -> memref<128xi32, #tpu.memory_space<vmem>>
    %dma_start3A_56 = arith.constant 0 : i32
    %dma_start3A_57 = arith.constant 0 : i32
    %dma_start3A_58 = tpu.memref_slice %arg3[%dma_start3A_56, %dma_start3A_57] : memref<100000x32xi32, #tpu.memory_space<hbm>> -> memref<100000x32xi32, #tpu.memory_space<hbm>>
    tpu.enqueue_indirect_dma source(%dma_start3A_58 : memref<100000x32xi32, #tpu.memory_space<hbm>>) target(%dma_start3A_53 : memref<128x32xi32, #tpu.memory_space<vmem>>) offsets(%dma_start3A_55 : memref<128xi32, #tpu.memory_space<vmem>>) semaphore(%arg12 : memref<!tpu.dma_semaphore, #tpu.memory_space<semaphore_mem>>)
    %dma_wait3A = arith.constant 0 : i32
    %dma_wait3A_59 = arith.constant 0 : i32
    %dma_wait3A_60 = arith.constant 0 : i32
    %dma_wait3A_61 = tpu.memref_slice %arg7[%dma_wait3A, %dma_wait3A_59, %dma_wait3A_60] : memref<8x128x32xi32, #tpu.memory_space<vmem>> -> memref<1x128x32xi32, #tpu.memory_space<vmem>>
    %dma_wait3A_62 = tpu.memref_squeeze %dma_wait3A_61 : memref<1x128x32xi32, #tpu.memory_space<vmem>> -> memref<128x32xi32, #tpu.memory_space<vmem>>
    %dma_wait3A_63 = arith.constant 0 : i32
    %dma_wait3A_64 = tpu.memref_slice %arg5[%dma_wait3A_63] : memref<16384xi32, #tpu.memory_space<vmem>> -> memref<128xi32, #tpu.memory_space<vmem>>
    %dma_wait3A_65 = arith.constant 0 : i32
    %dma_wait3A_66 = arith.constant 0 : i32
    %dma_wait3A_67 = tpu.memref_slice %arg3[%dma_wait3A_65, %dma_wait3A_66] : memref<100000x32xi32, #tpu.memory_space<hbm>> -> memref<100000x32xi32, #tpu.memory_space<hbm>>
    tpu.wait_indirect_dma semaphore(%arg8 : memref<!tpu.dma_semaphore, #tpu.memory_space<semaphore_mem>>) src(%dma_wait3A_67 : memref<100000x32xi32, #tpu.memory_space<hbm>>) dst(%dma_wait3A_62 : memref<128x32xi32, #tpu.memory_space<vmem>>)
    %add3A_68 = arith.constant 0 : i32
    %add3A_69 = arith.addi %mul3A_2, %add3A_68 : i32
    %dma_start3A_70 = arith.constant 0 : i32
    %dma_start3A_71 = arith.constant 0 : i32
    %dma_start3A_72 = arith.constant 0 : i32
    %dma_start3A_73 = tpu.memref_slice %arg7[%dma_start3A_70, %dma_start3A_71, %dma_start3A_72] : memref<8x128x32xi32, #tpu.memory_space<vmem>> -> memref<1x128x32xi32, #tpu.memory_space<vmem>>
    %dma_start3A_74 = tpu.memref_squeeze %dma_start3A_73 : memref<1x128x32xi32, #tpu.memory_space<vmem>> -> memref<128x32xi32, #tpu.memory_space<vmem>>
    %dma_start3A_75 = arith.constant 0 : i32
    %dma_start3A_76 = tpu.memref_slice %arg4[%add3A_69, %dma_start3A_75] : memref<524288x32xi32, #tpu.memory_space<hbm>> -> memref<128x32xi32, #tpu.memory_space<hbm>>
    %dma_start3A_77 = arith.constant 0 : i32
    %dma_start3A_78 = tpu.memref_slice %arg4[%add3A_69, %dma_start3A_77] : memref<524288x32xi32, #tpu.memory_space<hbm>> -> memref<128x32xi32, #tpu.memory_space<hbm>>
    %dma_start3A_79 = arith.constant 0 : i32
    %dma_start3A_80 = arith.constant 0 : i32
    %dma_start3A_81 = tpu.memref_slice %arg7[%dma_start3A_70, %dma_start3A_79, %dma_start3A_80] : memref<8x128x32xi32, #tpu.memory_space<vmem>> -> memref<1x128x32xi32, #tpu.memory_space<vmem>>
    %dma_start3A_82 = tpu.memref_squeeze %dma_start3A_81 : memref<1x128x32xi32, #tpu.memory_space<vmem>> -> memref<128x32xi32, #tpu.memory_space<vmem>>
    tpu.enqueue_dma source(%dma_start3A_82 : memref<128x32xi32, #tpu.memory_space<vmem>>) target(%dma_start3A_78 : memref<128x32xi32, #tpu.memory_space<hbm>>) target_semaphore(%arg16 : memref<!tpu.dma_semaphore, #tpu.memory_space<semaphore_mem>>)
    %dma_start3A_83 = arith.constant 5 : i32
    %dma_start3A_84 = arith.constant 0 : i32
    %dma_start3A_85 = arith.constant 0 : i32
    %dma_start3A_86 = tpu.memref_slice %arg7[%dma_start3A_83, %dma_start3A_84, %dma_start3A_85] : memref<8x128x32xi32, #tpu.memory_space<vmem>> -> memref<1x128x32xi32, #tpu.memory_space<vmem>>
    %dma_start3A_87 = tpu.memref_squeeze %dma_start3A_86 : memref<1x128x32xi32, #tpu.memory_space<vmem>> -> memref<128x32xi32, #tpu.memory_space<vmem>>
    %dma_start3A_88 = arith.constant 640 : i32
    %dma_start3A_89 = tpu.memref_slice %arg5[%dma_start3A_88] : memref<16384xi32, #tpu.memory_space<vmem>> -> memref<128xi32, #tpu.memory_space<vmem>>
    %dma_start3A_90 = arith.constant 0 : i32
    %dma_start3A_91 = arith.constant 0 : i32
    %dma_start3A_92 = tpu.memref_slice %arg3[%dma_start3A_90, %dma_start3A_91] : memref<100000x32xi32, #tpu.memory_space<hbm>> -> memref<100000x32xi32, #tpu.memory_space<hbm>>
    tpu.enqueue_indirect_dma source(%dma_start3A_92 : memref<100000x32xi32, #tpu.memory_space<hbm>>) target(%dma_start3A_87 : memref<128x32xi32, #tpu.memory_space<vmem>>) offsets(%dma_start3A_89 : memref<128xi32, #tpu.memory_space<vmem>>) semaphore(%arg13 : memref<!tpu.dma_semaphore, #tpu.memory_space<semaphore_mem>>)
    %dma_wait3A_93 = arith.constant 1 : i32
    %dma_wait3A_94 = arith.constant 0 : i32
    %dma_wait3A_95 = arith.constant 0 : i32
    %dma_wait3A_96 = tpu.memref_slice %arg7[%dma_wait3A_93, %dma_wait3A_94, %dma_wait3A_95] : memref<8x128x32xi32, #tpu.memory_space<vmem>> -> memref<1x128x32xi32, #tpu.memory_space<vmem>>
    %dma_wait3A_97 = tpu.memref_squeeze %dma_wait3A_96 : memref<1x128x32xi32, #tpu.memory_space<vmem>> -> memref<128x32xi32, #tpu.memory_space<vmem>>
    %dma_wait3A_98 = arith.constant 128 : i32
    %dma_wait3A_99 = tpu.memref_slice %arg5[%dma_wait3A_98] : memref<16384xi32, #tpu.memory_space<vmem>> -> memref<128xi32, #tpu.memory_space<vmem>>
    %dma_wait3A_100 = arith.constant 0 : i32
    %dma_wait3A_101 = arith.constant 0 : i32
    %dma_wait3A_102 = tpu.memref_slice %arg3[%dma_wait3A_100, %dma_wait3A_101] : memref<100000x32xi32, #tpu.memory_space<hbm>> -> memref<100000x32xi32, #tpu.memory_space<hbm>>
    tpu.wait_indirect_dma semaphore(%arg9 : memref<!tpu.dma_semaphore, #tpu.memory_space<semaphore_mem>>) src(%dma_wait3A_102 : memref<100000x32xi32, #tpu.memory_space<hbm>>) dst(%dma_wait3A_97 : memref<128x32xi32, #tpu.memory_space<vmem>>)
    %add3A_103 = arith.constant 128 : i32
    %add3A_104 = arith.addi %mul3A_2, %add3A_103 : i32
    %dma_start3A_105 = arith.constant 1 : i32
    %dma_start3A_106 = arith.constant 0 : i32
    %dma_start3A_107 = arith.constant 0 : i32
    %dma_start3A_108 = tpu.memref_slice %arg7[%dma_start3A_105, %dma_start3A_106, %dma_start3A_107] : memref<8x128x32xi32, #tpu.memory_space<vmem>> -> memref<1x128x32xi32, #tpu.memory_space<vmem>>
    %dma_start3A_109 = tpu.memref_squeeze %dma_start3A_108 : memref<1x128x32xi32, #tpu.memory_space<vmem>> -> memref<128x32xi32, #tpu.memory_space<vmem>>
    %dma_start3A_110 = arith.constant 0 : i32
    %dma_start3A_111 = tpu.memref_slice %arg4[%add3A_104, %dma_start3A_110] : memref<524288x32xi32, #tpu.memory_space<hbm>> -> memref<128x32xi32, #tpu.memory_space<hbm>>
    %dma_start3A_112 = arith.constant 0 : i32
    %dma_start3A_113 = tpu.memref_slice %arg4[%add3A_104, %dma_start3A_112] : memref<524288x32xi32, #tpu.memory_space<hbm>> -> memref<128x32xi32, #tpu.memory_space<hbm>>
    %dma_start3A_114 = arith.constant 0 : i32
    %dma_start3A_115 = arith.constant 0 : i32
    %dma_start3A_116 = tpu.memref_slice %arg7[%dma_start3A_105, %dma_start3A_114, %dma_start3A_115] : memref<8x128x32xi32, #tpu.memory_space<vmem>> -> memref<1x128x32xi32, #tpu.memory_space<vmem>>
    %dma_start3A_117 = tpu.memref_squeeze %dma_start3A_116 : memref<1x128x32xi32, #tpu.memory_space<vmem>> -> memref<128x32xi32, #tpu.memory_space<vmem>>
    tpu.enqueue_dma source(%dma_start3A_117 : memref<128x32xi32, #tpu.memory_space<vmem>>) target(%dma_start3A_113 : memref<128x32xi32, #tpu.memory_space<hbm>>) target_semaphore(%arg17 : memref<!tpu.dma_semaphore, #tpu.memory_space<semaphore_mem>>)
    %dma_start3A_118 = arith.constant 6 : i32
    %dma_start3A_119 = arith.constant 0 : i32
    %dma_start3A_120 = arith.constant 0 : i32
    %dma_start3A_121 = tpu.memref_slice %arg7[%dma_start3A_118, %dma_start3A_119, %dma_start3A_120] : memref<8x128x32xi32, #tpu.memory_space<vmem>> -> memref<1x128x32xi32, #tpu.memory_space<vmem>>
    %dma_start3A_122 = tpu.memref_squeeze %dma_start3A_121 : memref<1x128x32xi32, #tpu.memory_space<vmem>> -> memref<128x32xi32, #tpu.memory_space<vmem>>
    %dma_start3A_123 = arith.constant 768 : i32
    %dma_start3A_124 = tpu.memref_slice %arg5[%dma_start3A_123] : memref<16384xi32, #tpu.memory_space<vmem>> -> memref<128xi32, #tpu.memory_space<vmem>>
    %dma_start3A_125 = arith.constant 0 : i32
    %dma_start3A_126 = arith.constant 0 : i32
    %dma_start3A_127 = tpu.memref_slice %arg3[%dma_start3A_125, %dma_start3A_126] : memref<100000x32xi32, #tpu.memory_space<hbm>> -> memref<100000x32xi32, #tpu.memory_space<hbm>>
    tpu.enqueue_indirect_dma source(%dma_start3A_127 : memref<100000x32xi32, #tpu.memory_space<hbm>>) target(%dma_start3A_122 : memref<128x32xi32, #tpu.memory_space<vmem>>) offsets(%dma_start3A_124 : memref<128xi32, #tpu.memory_space<vmem>>) semaphore(%arg14 : memref<!tpu.dma_semaphore, #tpu.memory_space<semaphore_mem>>)
    %dma_wait3A_128 = arith.constant 2 : i32
    %dma_wait3A_129 = arith.constant 0 : i32
    %dma_wait3A_130 = arith.constant 0 : i32
    %dma_wait3A_131 = tpu.memref_slice %arg7[%dma_wait3A_128, %dma_wait3A_129, %dma_wait3A_130] : memref<8x128x32xi32, #tpu.memory_space<vmem>> -> memref<1x128x32xi32, #tpu.memory_space<vmem>>
    %dma_wait3A_132 = tpu.memref_squeeze %dma_wait3A_131 : memref<1x128x32xi32, #tpu.memory_space<vmem>> -> memref<128x32xi32, #tpu.memory_space<vmem>>
    %dma_wait3A_133 = arith.constant 256 : i32
    %dma_wait3A_134 = tpu.memref_slice %arg5[%dma_wait3A_133] : memref<16384xi32, #tpu.memory_space<vmem>> -> memref<128xi32, #tpu.memory_space<vmem>>
    %dma_wait3A_135 = arith.constant 0 : i32
    %dma_wait3A_136 = arith.constant 0 : i32
    %dma_wait3A_137 = tpu.memref_slice %arg3[%dma_wait3A_135, %dma_wait3A_136] : memref<100000x32xi32, #tpu.memory_space<hbm>> -> memref<100000x32xi32, #tpu.memory_space<hbm>>
    tpu.wait_indirect_dma semaphore(%arg10 : memref<!tpu.dma_semaphore, #tpu.memory_space<semaphore_mem>>) src(%dma_wait3A_137 : memref<100000x32xi32, #tpu.memory_space<hbm>>) dst(%dma_wait3A_132 : memref<128x32xi32, #tpu.memory_space<vmem>>)
    %add3A_138 = arith.constant 256 : i32
    %add3A_139 = arith.addi %mul3A_2, %add3A_138 : i32
    %dma_start3A_140 = arith.constant 2 : i32
    %dma_start3A_141 = arith.constant 0 : i32
    %dma_start3A_142 = arith.constant 0 : i32
    %dma_start3A_143 = tpu.memref_slice %arg7[%dma_start3A_140, %dma_start3A_141, %dma_start3A_142] : memref<8x128x32xi32, #tpu.memory_space<vmem>> -> memref<1x128x32xi32, #tpu.memory_space<vmem>>
    %dma_start3A_144 = tpu.memref_squeeze %dma_start3A_143 : memref<1x128x32xi32, #tpu.memory_space<vmem>> -> memref<128x32xi32, #tpu.memory_space<vmem>>
    %dma_start3A_145 = arith.constant 0 : i32
    %dma_start3A_146 = tpu.memref_slice %arg4[%add3A_139, %dma_start3A_145] : memref<524288x32xi32, #tpu.memory_space<hbm>> -> memref<128x32xi32, #tpu.memory_space<hbm>>
    %dma_start3A_147 = arith.constant 0 : i32
    %dma_start3A_148 = tpu.memref_slice %arg4[%add3A_139, %dma_start3A_147] : memref<524288x32xi32, #tpu.memory_space<hbm>> -> memref<128x32xi32, #tpu.memory_space<hbm>>
    %dma_start3A_149 = arith.constant 0 : i32
    %dma_start3A_150 = arith.constant 0 : i32
    %dma_start3A_151 = tpu.memref_slice %arg7[%dma_start3A_140, %dma_start3A_149, %dma_start3A_150] : memref<8x128x32xi32, #tpu.memory_space<vmem>> -> memref<1x128x32xi32, #tpu.memory_space<vmem>>
    %dma_start3A_152 = tpu.memref_squeeze %dma_start3A_151 : memref<1x128x32xi32, #tpu.memory_space<vmem>> -> memref<128x32xi32, #tpu.memory_space<vmem>>
    tpu.enqueue_dma source(%dma_start3A_152 : memref<128x32xi32, #tpu.memory_space<vmem>>) target(%dma_start3A_148 : memref<128x32xi32, #tpu.memory_space<hbm>>) target_semaphore(%arg18 : memref<!tpu.dma_semaphore, #tpu.memory_space<semaphore_mem>>)
    %dma_start3A_153 = arith.constant 7 : i32
    %dma_start3A_154 = arith.constant 0 : i32
    %dma_start3A_155 = arith.constant 0 : i32
    %dma_start3A_156 = tpu.memref_slice %arg7[%dma_start3A_153, %dma_start3A_154, %dma_start3A_155] : memref<8x128x32xi32, #tpu.memory_space<vmem>> -> memref<1x128x32xi32, #tpu.memory_space<vmem>>
    %dma_start3A_157 = tpu.memref_squeeze %dma_start3A_156 : memref<1x128x32xi32, #tpu.memory_space<vmem>> -> memref<128x32xi32, #tpu.memory_space<vmem>>
    %dma_start3A_158 = arith.constant 896 : i32
    %dma_start3A_159 = tpu.memref_slice %arg5[%dma_start3A_158] : memref<16384xi32, #tpu.memory_space<vmem>> -> memref<128xi32, #tpu.memory_space<vmem>>
    %dma_start3A_160 = arith.constant 0 : i32
    %dma_start3A_161 = arith.constant 0 : i32
    %dma_start3A_162 = tpu.memref_slice %arg3[%dma_start3A_160, %dma_start3A_161] : memref<100000x32xi32, #tpu.memory_space<hbm>> -> memref<100000x32xi32, #tpu.memory_space<hbm>>
    tpu.enqueue_indirect_dma source(%dma_start3A_162 : memref<100000x32xi32, #tpu.memory_space<hbm>>) target(%dma_start3A_157 : memref<128x32xi32, #tpu.memory_space<vmem>>) offsets(%dma_start3A_159 : memref<128xi32, #tpu.memory_space<vmem>>) semaphore(%arg15 : memref<!tpu.dma_semaphore, #tpu.memory_space<semaphore_mem>>)
    %dma_wait3A_163 = arith.constant 3 : i32
    %dma_wait3A_164 = arith.constant 0 : i32
    %dma_wait3A_165 = arith.constant 0 : i32
    %dma_wait3A_166 = tpu.memref_slice %arg7[%dma_wait3A_163, %dma_wait3A_164, %dma_wait3A_165] : memref<8x128x32xi32, #tpu.memory_space<vmem>> -> memref<1x128x32xi32, #tpu.memory_space<vmem>>
    %dma_wait3A_167 = tpu.memref_squeeze %dma_wait3A_166 : memref<1x128x32xi32, #tpu.memory_space<vmem>> -> memref<128x32xi32, #tpu.memory_space<vmem>>
    %dma_wait3A_168 = arith.constant 384 : i32
    %dma_wait3A_169 = tpu.memref_slice %arg5[%dma_wait3A_168] : memref<16384xi32, #tpu.memory_space<vmem>> -> memref<128xi32, #tpu.memory_space<vmem>>
    %dma_wait3A_170 = arith.constant 0 : i32
    %dma_wait3A_171 = arith.constant 0 : i32
    %dma_wait3A_172 = tpu.memref_slice %arg3[%dma_wait3A_170, %dma_wait3A_171] : memref<100000x32xi32, #tpu.memory_space<hbm>> -> memref<100000x32xi32, #tpu.memory_space<hbm>>
    tpu.wait_indirect_dma semaphore(%arg11 : memref<!tpu.dma_semaphore, #tpu.memory_space<semaphore_mem>>) src(%dma_wait3A_172 : memref<100000x32xi32, #tpu.memory_space<hbm>>) dst(%dma_wait3A_167 : memref<128x32xi32, #tpu.memory_space<vmem>>)
    %add3A_173 = arith.constant 384 : i32
    %add3A_174 = arith.addi %mul3A_2, %add3A_173 : i32
    %dma_start3A_175 = arith.constant 3 : i32
    %dma_start3A_176 = arith.constant 0 : i32
    %dma_start3A_177 = arith.constant 0 : i32
    %dma_start3A_178 = tpu.memref_slice %arg7[%dma_start3A_175, %dma_start3A_176, %dma_start3A_177] : memref<8x128x32xi32, #tpu.memory_space<vmem>> -> memref<1x128x32xi32, #tpu.memory_space<vmem>>
    %dma_start3A_179 = tpu.memref_squeeze %dma_start3A_178 : memref<1x128x32xi32, #tpu.memory_space<vmem>> -> memref<128x32xi32, #tpu.memory_space<vmem>>
    %dma_start3A_180 = arith.constant 0 : i32
    %dma_start3A_181 = tpu.memref_slice %arg4[%add3A_174, %dma_start3A_180] : memref<524288x32xi32, #tpu.memory_space<hbm>> -> memref<128x32xi32, #tpu.memory_space<hbm>>
    %dma_start3A_182 = arith.constant 0 : i32
    %dma_start3A_183 = tpu.memref_slice %arg4[%add3A_174, %dma_start3A_182] : memref<524288x32xi32, #tpu.memory_space<hbm>> -> memref<128x32xi32, #tpu.memory_space<hbm>>
    %dma_start3A_184 = arith.constant 0 : i32
    %dma_start3A_185 = arith.constant 0 : i32
    %dma_start3A_186 = tpu.memref_slice %arg7[%dma_start3A_175, %dma_start3A_184, %dma_start3A_185] : memref<8x128x32xi32, #tpu.memory_space<vmem>> -> memref<1x128x32xi32, #tpu.memory_space<vmem>>
    %dma_start3A_187 = tpu.memref_squeeze %dma_start3A_186 : memref<1x128x32xi32, #tpu.memory_space<vmem>> -> memref<128x32xi32, #tpu.memory_space<vmem>>
    tpu.enqueue_dma source(%dma_start3A_187 : memref<128x32xi32, #tpu.memory_space<vmem>>) target(%dma_start3A_183 : memref<128x32xi32, #tpu.memory_space<hbm>>) target_semaphore(%arg19 : memref<!tpu.dma_semaphore, #tpu.memory_space<semaphore_mem>>)
    %add3A_188 = arith.constant 0 : i32
    %add3A_189 = arith.addi %mul3A_2, %add3A_188 : i32
    %dma_wait3A_190 = arith.constant 0 : i32
    %dma_wait3A_191 = arith.constant 0 : i32
    %dma_wait3A_192 = arith.constant 0 : i32
    %dma_wait3A_193 = tpu.memref_slice %arg7[%dma_wait3A_190, %dma_wait3A_191, %dma_wait3A_192] : memref<8x128x32xi32, #tpu.memory_space<vmem>> -> memref<1x128x32xi32, #tpu.memory_space<vmem>>
    %dma_wait3A_194 = tpu.memref_squeeze %dma_wait3A_193 : memref<1x128x32xi32, #tpu.memory_space<vmem>> -> memref<128x32xi32, #tpu.memory_space<vmem>>
    %dma_wait3A_195 = arith.constant 0 : i32
    %dma_wait3A_196 = tpu.memref_slice %arg4[%add3A_189, %dma_wait3A_195] : memref<524288x32xi32, #tpu.memory_space<hbm>> -> memref<128x32xi32, #tpu.memory_space<hbm>>
    %dma_wait3A_197 = arith.constant 0 : i32
    %dma_wait3A_198 = tpu.memref_slice %arg4[%add3A_189, %dma_wait3A_197] : memref<524288x32xi32, #tpu.memory_space<hbm>> -> memref<128x32xi32, #tpu.memory_space<hbm>>
    %dma_wait3A_199 = arith.constant 0 : i32
    %dma_wait3A_200 = arith.constant 0 : i32
    %dma_wait3A_201 = tpu.memref_slice %arg7[%dma_wait3A_190, %dma_wait3A_199, %dma_wait3A_200] : memref<8x128x32xi32, #tpu.memory_space<vmem>> -> memref<1x128x32xi32, #tpu.memory_space<vmem>>
    %dma_wait3A_202 = tpu.memref_squeeze %dma_wait3A_201 : memref<1x128x32xi32, #tpu.memory_space<vmem>> -> memref<128x32xi32, #tpu.memory_space<vmem>>
    tpu.wait_dma2 semaphore(%arg16 : memref<!tpu.dma_semaphore, #tpu.memory_space<semaphore_mem>>) src(%dma_wait3A_202 : memref<128x32xi32, #tpu.memory_space<vmem>>) dst(%dma_wait3A_198 : memref<128x32xi32, #tpu.memory_space<hbm>>)
    %dma_start3A_203 = arith.constant 0 : i32
    %dma_start3A_204 = arith.constant 0 : i32
    %dma_start3A_205 = arith.constant 0 : i32
    %dma_start3A_206 = tpu.memref_slice %arg7[%dma_start3A_203, %dma_start3A_204, %dma_start3A_205] : memref<8x128x32xi32, #tpu.memory_space<vmem>> -> memref<1x128x32xi32, #tpu.memory_space<vmem>>
    %dma_start3A_207 = tpu.memref_squeeze %dma_start3A_206 : memref<1x128x32xi32, #tpu.memory_space<vmem>> -> memref<128x32xi32, #tpu.memory_space<vmem>>
    %dma_start3A_208 = arith.constant 1024 : i32
    %dma_start3A_209 = tpu.memref_slice %arg5[%dma_start3A_208] : memref<16384xi32, #tpu.memory_space<vmem>> -> memref<128xi32, #tpu.memory_space<vmem>>
    %dma_start3A_210 = arith.constant 0 : i32
    %dma_start3A_211 = arith.constant 0 : i32
    %dma_start3A_212 = tpu.memref_slice %arg3[%dma_start3A_210, %dma_start3A_211] : memref<100000x32xi32, #tpu.memory_space<hbm>> -> memref<100000x32xi32, #tpu.memory_space<hbm>>
    tpu.enqueue_indirect_dma source(%dma_start3A_212 : memref<100000x32xi32, #tpu.memory_space<hbm>>) target(%dma_start3A_207 : memref<128x32xi32, #tpu.memory_space<vmem>>) offsets(%dma_start3A_209 : memref<128xi32, #tpu.memory_space<vmem>>) semaphore(%arg8 : memref<!tpu.dma_semaphore, #tpu.memory_space<semaphore_mem>>)
    %dma_wait3A_213 = arith.constant 4 : i32
    %dma_wait3A_214 = arith.constant 0 : i32
    %dma_wait3A_215 = arith.constant 0 : i32
    %dma_wait3A_216 = tpu.memref_slice %arg7[%dma_wait3A_213, %dma_wait3A_214, %dma_wait3A_215] : memref<8x128x32xi32, #tpu.memory_space<vmem>> -> memref<1x128x32xi32, #tpu.memory_space<vmem>>
    %dma_wait3A_217 = tpu.memref_squeeze %dma_wait3A_216 : memref<1x128x32xi32, #tpu.memory_space<vmem>> -> memref<128x32xi32, #tpu.memory_space<vmem>>
    %dma_wait3A_218 = arith.constant 512 : i32
    %dma_wait3A_219 = tpu.memref_slice %arg5[%dma_wait3A_218] : memref<16384xi32, #tpu.memory_space<vmem>> -> memref<128xi32, #tpu.memory_space<vmem>>
    %dma_wait3A_220 = arith.constant 0 : i32
    %dma_wait3A_221 = arith.constant 0 : i32
    %dma_wait3A_222 = tpu.memref_slice %arg3[%dma_wait3A_220, %dma_wait3A_221] : memref<100000x32xi32, #tpu.memory_space<hbm>> -> memref<100000x32xi32, #tpu.memory_space<hbm>>
    tpu.wait_indirect_dma semaphore(%arg12 : memref<!tpu.dma_semaphore, #tpu.memory_space<semaphore_mem>>) src(%dma_wait3A_222 : memref<100000x32xi32, #tpu.memory_space<hbm>>) dst(%dma_wait3A_217 : memref<128x32xi32, #tpu.memory_space<vmem>>)
    %add3A_223 = arith.constant 512 : i32
    %add3A_224 = arith.addi %mul3A_2, %add3A_223 : i32
    %dma_start3A_225 = arith.constant 4 : i32
    %dma_start3A_226 = arith.constant 0 : i32
    %dma_start3A_227 = arith.constant 0 : i32
    %dma_start3A_228 = tpu.memref_slice %arg7[%dma_start3A_225, %dma_start3A_226, %dma_start3A_227] : memref<8x128x32xi32, #tpu.memory_space<vmem>> -> memref<1x128x32xi32, #tpu.memory_space<vmem>>
    %dma_start3A_229 = tpu.memref_squeeze %dma_start3A_228 : memref<1x128x32xi32, #tpu.memory_space<vmem>> -> memref<128x32xi32, #tpu.memory_space<vmem>>
    %dma_start3A_230 = arith.constant 0 : i32
    %dma_start3A_231 = tpu.memref_slice %arg4[%add3A_224, %dma_start3A_230] : memref<524288x32xi32, #tpu.memory_space<hbm>> -> memref<128x32xi32, #tpu.memory_space<hbm>>
    %dma_start3A_232 = arith.constant 0 : i32
    %dma_start3A_233 = tpu.memref_slice %arg4[%add3A_224, %dma_start3A_232] : memref<524288x32xi32, #tpu.memory_space<hbm>> -> memref<128x32xi32, #tpu.memory_space<hbm>>
    %dma_start3A_234 = arith.constant 0 : i32
    %dma_start3A_235 = arith.constant 0 : i32
    %dma_start3A_236 = tpu.memref_slice %arg7[%dma_start3A_225, %dma_start3A_234, %dma_start3A_235] : memref<8x128x32xi32, #tpu.memory_space<vmem>> -> memref<1x128x32xi32, #tpu.memory_space<vmem>>
    %dma_start3A_237 = tpu.memref_squeeze %dma_start3A_236 : memref<1x128x32xi32, #tpu.memory_space<vmem>> -> memref<128x32xi32, #tpu.memory_space<vmem>>
    tpu.enqueue_dma source(%dma_start3A_237 : memref<128x32xi32, #tpu.memory_space<vmem>>) target(%dma_start3A_233 : memref<128x32xi32, #tpu.memory_space<hbm>>) target_semaphore(%arg20 : memref<!tpu.dma_semaphore, #tpu.memory_space<semaphore_mem>>)
    %add3A_238 = arith.constant 128 : i32
    %add3A_239 = arith.addi %mul3A_2, %add3A_238 : i32
    %dma_wait3A_240 = arith.constant 1 : i32
    %dma_wait3A_241 = arith.constant 0 : i32
    %dma_wait3A_242 = arith.constant 0 : i32
    %dma_wait3A_243 = tpu.memref_slice %arg7[%dma_wait3A_240, %dma_wait3A_241, %dma_wait3A_242] : memref<8x128x32xi32, #tpu.memory_space<vmem>> -> memref<1x128x32xi32, #tpu.memory_space<vmem>>
    %dma_wait3A_244 = tpu.memref_squeeze %dma_wait3A_243 : memref<1x128x32xi32, #tpu.memory_space<vmem>> -> memref<128x32xi32, #tpu.memory_space<vmem>>
    %dma_wait3A_245 = arith.constant 0 : i32
    %dma_wait3A_246 = tpu.memref_slice %arg4[%add3A_239, %dma_wait3A_245] : memref<524288x32xi32, #tpu.memory_space<hbm>> -> memref<128x32xi32, #tpu.memory_space<hbm>>
    %dma_wait3A_247 = arith.constant 0 : i32
    %dma_wait3A_248 = tpu.memref_slice %arg4[%add3A_239, %dma_wait3A_247] : memref<524288x32xi32, #tpu.memory_space<hbm>> -> memref<128x32xi32, #tpu.memory_space<hbm>>
    %dma_wait3A_249 = arith.constant 0 : i32
    %dma_wait3A_250 = arith.constant 0 : i32
    %dma_wait3A_251 = tpu.memref_slice %arg7[%dma_wait3A_240, %dma_wait3A_249, %dma_wait3A_250] : memref<8x128x32xi32, #tpu.memory_space<vmem>> -> memref<1x128x32xi32, #tpu.memory_space<vmem>>
    %dma_wait3A_252 = tpu.memref_squeeze %dma_wait3A_251 : memref<1x128x32xi32, #tpu.memory_space<vmem>> -> memref<128x32xi32, #tpu.memory_space<vmem>>
    tpu.wait_dma2 semaphore(%arg17 : memref<!tpu.dma_semaphore, #tpu.memory_space<semaphore_mem>>) src(%dma_wait3A_252 : memref<128x32xi32, #tpu.memory_space<vmem>>) dst(%dma_wait3A_248 : memref<128x32xi32, #tpu.memory_space<hbm>>)
    %dma_start3A_253 = arith.constant 1 : i32
    %dma_start3A_254 = arith.constant 0 : i32
    %dma_start3A_255 = arith.constant 0 : i32
    %dma_start3A_256 = tpu.memref_slice %arg7[%dma_start3A_253, %dma_start3A_254, %dma_start3A_255] : memref<8x128x32xi32, #tpu.memory_space<vmem>> -> memref<1x128x32xi32, #tpu.memory_space<vmem>>
    %dma_start3A_257 = tpu.memref_squeeze %dma_start3A_256 : memref<1x128x32xi32, #tpu.memory_space<vmem>> -> memref<128x32xi32, #tpu.memory_space<vmem>>
    %dma_start3A_258 = arith.constant 1152 : i32
    %dma_start3A_259 = tpu.memref_slice %arg5[%dma_start3A_258] : memref<16384xi32, #tpu.memory_space<vmem>> -> memref<128xi32, #tpu.memory_space<vmem>>
    %dma_start3A_260 = arith.constant 0 : i32
    %dma_start3A_261 = arith.constant 0 : i32
    %dma_start3A_262 = tpu.memref_slice %arg3[%dma_start3A_260, %dma_start3A_261] : memref<100000x32xi32, #tpu.memory_space<hbm>> -> memref<100000x32xi32, #tpu.memory_space<hbm>>
    tpu.enqueue_indirect_dma source(%dma_start3A_262 : memref<100000x32xi32, #tpu.memory_space<hbm>>) target(%dma_start3A_257 : memref<128x32xi32, #tpu.memory_space<vmem>>) offsets(%dma_start3A_259 : memref<128xi32, #tpu.memory_space<vmem>>) semaphore(%arg9 : memref<!tpu.dma_semaphore, #tpu.memory_space<semaphore_mem>>)
    %dma_wait3A_263 = arith.constant 5 : i32
    %dma_wait3A_264 = arith.constant 0 : i32
    %dma_wait3A_265 = arith.constant 0 : i32
    %dma_wait3A_266 = tpu.memref_slice %arg7[%dma_wait3A_263, %dma_wait3A_264, %dma_wait3A_265] : memref<8x128x32xi32, #tpu.memory_space<vmem>> -> memref<1x128x32xi32, #tpu.memory_space<vmem>>
    %dma_wait3A_267 = tpu.memref_squeeze %dma_wait3A_266 : memref<1x128x32xi32, #tpu.memory_space<vmem>> -> memref<128x32xi32, #tpu.memory_space<vmem>>
    %dma_wait3A_268 = arith.constant 640 : i32
    %dma_wait3A_269 = tpu.memref_slice %arg5[%dma_wait3A_268] : memref<16384xi32, #tpu.memory_space<vmem>> -> memref<128xi32, #tpu.memory_space<vmem>>
    %dma_wait3A_270 = arith.constant 0 : i32
    %dma_wait3A_271 = arith.constant 0 : i32
    %dma_wait3A_272 = tpu.memref_slice %arg3[%dma_wait3A_270, %dma_wait3A_271] : memref<100000x32xi32, #tpu.memory_space<hbm>> -> memref<100000x32xi32, #tpu.memory_space<hbm>>
    tpu.wait_indirect_dma semaphore(%arg13 : memref<!tpu.dma_semaphore, #tpu.memory_space<semaphore_mem>>) src(%dma_wait3A_272 : memref<100000x32xi32, #tpu.memory_space<hbm>>) dst(%dma_wait3A_267 : memref<128x32xi32, #tpu.memory_space<vmem>>)
    %add3A_273 = arith.constant 640 : i32
    %add3A_274 = arith.addi %mul3A_2, %add3A_273 : i32
    %dma_start3A_275 = arith.constant 5 : i32
    %dma_start3A_276 = arith.constant 0 : i32
    %dma_start3A_277 = arith.constant 0 : i32
    %dma_start3A_278 = tpu.memref_slice %arg7[%dma_start3A_275, %dma_start3A_276, %dma_start3A_277] : memref<8x128x32xi32, #tpu.memory_space<vmem>> -> memref<1x128x32xi32, #tpu.memory_space<vmem>>
    %dma_start3A_279 = tpu.memref_squeeze %dma_start3A_278 : memref<1x128x32xi32, #tpu.memory_space<vmem>> -> memref<128x32xi32, #tpu.memory_space<vmem>>
    %dma_start3A_280 = arith.constant 0 : i32
    %dma_start3A_281 = tpu.memref_slice %arg4[%add3A_274, %dma_start3A_280] : memref<524288x32xi32, #tpu.memory_space<hbm>> -> memref<128x32xi32, #tpu.memory_space<hbm>>
    %dma_start3A_282 = arith.constant 0 : i32
    %dma_start3A_283 = tpu.memref_slice %arg4[%add3A_274, %dma_start3A_282] : memref<524288x32xi32, #tpu.memory_space<hbm>> -> memref<128x32xi32, #tpu.memory_space<hbm>>
    %dma_start3A_284 = arith.constant 0 : i32
    %dma_start3A_285 = arith.constant 0 : i32
    %dma_start3A_286 = tpu.memref_slice %arg7[%dma_start3A_275, %dma_start3A_284, %dma_start3A_285] : memref<8x128x32xi32, #tpu.memory_space<vmem>> -> memref<1x128x32xi32, #tpu.memory_space<vmem>>
    %dma_start3A_287 = tpu.memref_squeeze %dma_start3A_286 : memref<1x128x32xi32, #tpu.memory_space<vmem>> -> memref<128x32xi32, #tpu.memory_space<vmem>>
    tpu.enqueue_dma source(%dma_start3A_287 : memref<128x32xi32, #tpu.memory_space<vmem>>) target(%dma_start3A_283 : memref<128x32xi32, #tpu.memory_space<hbm>>) target_semaphore(%arg21 : memref<!tpu.dma_semaphore, #tpu.memory_space<semaphore_mem>>)
    %add3A_288 = arith.constant 256 : i32
    %add3A_289 = arith.addi %mul3A_2, %add3A_288 : i32
    %dma_wait3A_290 = arith.constant 2 : i32
    %dma_wait3A_291 = arith.constant 0 : i32
    %dma_wait3A_292 = arith.constant 0 : i32
    %dma_wait3A_293 = tpu.memref_slice %arg7[%dma_wait3A_290, %dma_wait3A_291, %dma_wait3A_292] : memref<8x128x32xi32, #tpu.memory_space<vmem>> -> memref<1x128x32xi32, #tpu.memory_space<vmem>>
    %dma_wait3A_294 = tpu.memref_squeeze %dma_wait3A_293 : memref<1x128x32xi32, #tpu.memory_space<vmem>> -> memref<128x32xi32, #tpu.memory_space<vmem>>
    %dma_wait3A_295 = arith.constant 0 : i32
    %dma_wait3A_296 = tpu.memref_slice %arg4[%add3A_289, %dma_wait3A_295] : memref<524288x32xi32, #tpu.memory_space<hbm>> -> memref<128x32xi32, #tpu.memory_space<hbm>>
    %dma_wait3A_297 = arith.constant 0 : i32
    %dma_wait3A_298 = tpu.memref_slice %arg4[%add3A_289, %dma_wait3A_297] : memref<524288x32xi32, #tpu.memory_space<hbm>> -> memref<128x32xi32, #tpu.memory_space<hbm>>
    %dma_wait3A_299 = arith.constant 0 : i32
    %dma_wait3A_300 = arith.constant 0 : i32
    %dma_wait3A_301 = tpu.memref_slice %arg7[%dma_wait3A_290, %dma_wait3A_299, %dma_wait3A_300] : memref<8x128x32xi32, #tpu.memory_space<vmem>> -> memref<1x128x32xi32, #tpu.memory_space<vmem>>
    %dma_wait3A_302 = tpu.memref_squeeze %dma_wait3A_301 : memref<1x128x32xi32, #tpu.memory_space<vmem>> -> memref<128x32xi32, #tpu.memory_space<vmem>>
    tpu.wait_dma2 semaphore(%arg18 : memref<!tpu.dma_semaphore, #tpu.memory_space<semaphore_mem>>) src(%dma_wait3A_302 : memref<128x32xi32, #tpu.memory_space<vmem>>) dst(%dma_wait3A_298 : memref<128x32xi32, #tpu.memory_space<hbm>>)
    %dma_start3A_303 = arith.constant 2 : i32
    %dma_start3A_304 = arith.constant 0 : i32
    %dma_start3A_305 = arith.constant 0 : i32
    %dma_start3A_306 = tpu.memref_slice %arg7[%dma_start3A_303, %dma_start3A_304, %dma_start3A_305] : memref<8x128x32xi32, #tpu.memory_space<vmem>> -> memref<1x128x32xi32, #tpu.memory_space<vmem>>
    %dma_start3A_307 = tpu.memref_squeeze %dma_start3A_306 : memref<1x128x32xi32, #tpu.memory_space<vmem>> -> memref<128x32xi32, #tpu.memory_space<vmem>>
    %dma_start3A_308 = arith.constant 1280 : i32
    %dma_start3A_309 = tpu.memref_slice %arg5[%dma_start3A_308] : memref<16384xi32, #tpu.memory_space<vmem>> -> memref<128xi32, #tpu.memory_space<vmem>>
    %dma_start3A_310 = arith.constant 0 : i32
    %dma_start3A_311 = arith.constant 0 : i32
    %dma_start3A_312 = tpu.memref_slice %arg3[%dma_start3A_310, %dma_start3A_311] : memref<100000x32xi32, #tpu.memory_space<hbm>> -> memref<100000x32xi32, #tpu.memory_space<hbm>>
    tpu.enqueue_indirect_dma source(%dma_start3A_312 : memref<100000x32xi32, #tpu.memory_space<hbm>>) target(%dma_start3A_307 : memref<128x32xi32, #tpu.memory_space<vmem>>) offsets(%dma_start3A_309 : memref<128xi32, #tpu.memory_space<vmem>>) semaphore(%arg10 : memref<!tpu.dma_semaphore, #tpu.memory_space<semaphore_mem>>)
    %dma_wait3A_313 = arith.constant 6 : i32
    %dma_wait3A_314 = arith.constant 0 : i32
    %dma_wait3A_315 = arith.constant 0 : i32
    %dma_wait3A_316 = tpu.memref_slice %arg7[%dma_wait3A_313, %dma_wait3A_314, %dma_wait3A_315] : memref<8x128x32xi32, #tpu.memory_space<vmem>> -> memref<1x128x32xi32, #tpu.memory_space<vmem>>
    %dma_wait3A_317 = tpu.memref_squeeze %dma_wait3A_316 : memref<1x128x32xi32, #tpu.memory_space<vmem>> -> memref<128x32xi32, #tpu.memory_space<vmem>>
    %dma_wait3A_318 = arith.constant 768 : i32
    %dma_wait3A_319 = tpu.memref_slice %arg5[%dma_wait3A_318] : memref<16384xi32, #tpu.memory_space<vmem>> -> memref<128xi32, #tpu.memory_space<vmem>>
    %dma_wait3A_320 = arith.constant 0 : i32
    %dma_wait3A_321 = arith.constant 0 : i32
    %dma_wait3A_322 = tpu.memref_slice %arg3[%dma_wait3A_320, %dma_wait3A_321] : memref<100000x32xi32, #tpu.memory_space<hbm>> -> memref<100000x32xi32, #tpu.memory_space<hbm>>
    tpu.wait_indirect_dma semaphore(%arg14 : memref<!tpu.dma_semaphore, #tpu.memory_space<semaphore_mem>>) src(%dma_wait3A_322 : memref<100000x32xi32, #tpu.memory_space<hbm>>) dst(%dma_wait3A_317 : memref<128x32xi32, #tpu.memory_space<vmem>>)
    %add3A_323 = arith.constant 768 : i32
    %add3A_324 = arith.addi %mul3A_2, %add3A_323 : i32
    %dma_start3A_325 = arith.constant 6 : i32
    %dma_start3A_326 = arith.constant 0 : i32
    %dma_start3A_327 = arith.constant 0 : i32
    %dma_start3A_328 = tpu.memref_slice %arg7[%dma_start3A_325, %dma_start3A_326, %dma_start3A_327] : memref<8x128x32xi32, #tpu.memory_space<vmem>> -> memref<1x128x32xi32, #tpu.memory_space<vmem>>
    %dma_start3A_329 = tpu.memref_squeeze %dma_start3A_328 : memref<1x128x32xi32, #tpu.memory_space<vmem>> -> memref<128x32xi32, #tpu.memory_space<vmem>>
    %dma_start3A_330 = arith.constant 0 : i32
    %dma_start3A_331 = tpu.memref_slice %arg4[%add3A_324, %dma_start3A_330] : memref<524288x32xi32, #tpu.memory_space<hbm>> -> memref<128x32xi32, #tpu.memory_space<hbm>>
    %dma_start3A_332 = arith.constant 0 : i32
    %dma_start3A_333 = tpu.memref_slice %arg4[%add3A_324, %dma_start3A_332] : memref<524288x32xi32, #tpu.memory_space<hbm>> -> memref<128x32xi32, #tpu.memory_space<hbm>>
    %dma_start3A_334 = arith.constant 0 : i32
    %dma_start3A_335 = arith.constant 0 : i32
    %dma_start3A_336 = tpu.memref_slice %arg7[%dma_start3A_325, %dma_start3A_334, %dma_start3A_335] : memref<8x128x32xi32, #tpu.memory_space<vmem>> -> memref<1x128x32xi32, #tpu.memory_space<vmem>>
    %dma_start3A_337 = tpu.memref_squeeze %dma_start3A_336 : memref<1x128x32xi32, #tpu.memory_space<vmem>> -> memref<128x32xi32, #tpu.memory_space<vmem>>
    tpu.enqueue_dma source(%dma_start3A_337 : memref<128x32xi32, #tpu.memory_space<vmem>>) target(%dma_start3A_333 : memref<128x32xi32, #tpu.memory_space<hbm>>) target_semaphore(%arg22 : memref<!tpu.dma_semaphore, #tpu.memory_space<semaphore_mem>>)
    %add3A_338 = arith.constant 384 : i32
    %add3A_339 = arith.addi %mul3A_2, %add3A_338 : i32
    %dma_wait3A_340 = arith.constant 3 : i32
    %dma_wait3A_341 = arith.constant 0 : i32
    %dma_wait3A_342 = arith.constant 0 : i32
    %dma_wait3A_343 = tpu.memref_slice %arg7[%dma_wait3A_340, %dma_wait3A_341, %dma_wait3A_342] : memref<8x128x32xi32, #tpu.memory_space<vmem>> -> memref<1x128x32xi32, #tpu.memory_space<vmem>>
    %dma_wait3A_344 = tpu.memref_squeeze %dma_wait3A_343 : memref<1x128x32xi32, #tpu.memory_space<vmem>> -> memref<128x32xi32, #tpu.memory_space<vmem>>
    %dma_wait3A_345 = arith.constant 0 : i32
    %dma_wait3A_346 = tpu.memref_slice %arg4[%add3A_339, %dma_wait3A_345] : memref<524288x32xi32, #tpu.memory_space<hbm>> -> memref<128x32xi32, #tpu.memory_space<hbm>>
    %dma_wait3A_347 = arith.constant 0 : i32
    %dma_wait3A_348 = tpu.memref_slice %arg4[%add3A_339, %dma_wait3A_347] : memref<524288x32xi32, #tpu.memory_space<hbm>> -> memref<128x32xi32, #tpu.memory_space<hbm>>
    %dma_wait3A_349 = arith.constant 0 : i32
    %dma_wait3A_350 = arith.constant 0 : i32
    %dma_wait3A_351 = tpu.memref_slice %arg7[%dma_wait3A_340, %dma_wait3A_349, %dma_wait3A_350] : memref<8x128x32xi32, #tpu.memory_space<vmem>> -> memref<1x128x32xi32, #tpu.memory_space<vmem>>
    %dma_wait3A_352 = tpu.memref_squeeze %dma_wait3A_351 : memref<1x128x32xi32, #tpu.memory_space<vmem>> -> memref<128x32xi32, #tpu.memory_space<vmem>>
    tpu.wait_dma2 semaphore(%arg19 : memref<!tpu.dma_semaphore, #tpu.memory_space<semaphore_mem>>) src(%dma_wait3A_352 : memref<128x32xi32, #tpu.memory_space<vmem>>) dst(%dma_wait3A_348 : memref<128x32xi32, #tpu.memory_space<hbm>>)
    %dma_start3A_353 = arith.constant 3 : i32
    %dma_start3A_354 = arith.constant 0 : i32
    %dma_start3A_355 = arith.constant 0 : i32
    %dma_start3A_356 = tpu.memref_slice %arg7[%dma_start3A_353, %dma_start3A_354, %dma_start3A_355] : memref<8x128x32xi32, #tpu.memory_space<vmem>> -> memref<1x128x32xi32, #tpu.memory_space<vmem>>
    %dma_start3A_357 = tpu.memref_squeeze %dma_start3A_356 : memref<1x128x32xi32, #tpu.memory_space<vmem>> -> memref<128x32xi32, #tpu.memory_space<vmem>>
    %dma_start3A_358 = arith.constant 1408 : i32
    %dma_start3A_359 = tpu.memref_slice %arg5[%dma_start3A_358] : memref<16384xi32, #tpu.memory_space<vmem>> -> memref<128xi32, #tpu.memory_space<vmem>>
    %dma_start3A_360 = arith.constant 0 : i32
    %dma_start3A_361 = arith.constant 0 : i32
    %dma_start3A_362 = tpu.memref_slice %arg3[%dma_start3A_360, %dma_start3A_361] : memref<100000x32xi32, #tpu.memory_space<hbm>> -> memref<100000x32xi32, #tpu.memory_space<hbm>>
    tpu.enqueue_indirect_dma source(%dma_start3A_362 : memref<100000x32xi32, #tpu.memory_space<hbm>>) target(%dma_start3A_357 : memref<128x32xi32, #tpu.memory_space<vmem>>) offsets(%dma_start3A_359 : memref<128xi32, #tpu.memory_space<vmem>>) semaphore(%arg11 : memref<!tpu.dma_semaphore, #tpu.memory_space<semaphore_mem>>)
    %dma_wait3A_363 = arith.constant 7 : i32
    %dma_wait3A_364 = arith.constant 0 : i32
    %dma_wait3A_365 = arith.constant 0 : i32
    %dma_wait3A_366 = tpu.memref_slice %arg7[%dma_wait3A_363, %dma_wait3A_364, %dma_wait3A_365] : memref<8x128x32xi32, #tpu.memory_space<vmem>> -> memref<1x128x32xi32, #tpu.memory_space<vmem>>
    %dma_wait3A_367 = tpu.memref_squeeze %dma_wait3A_366 : memref<1x128x32xi32, #tpu.memory_space<vmem>> -> memref<128x32xi32, #tpu.memory_space<vmem>>
    %dma_wait3A_368 = arith.constant 896 : i32
    %dma_wait3A_369 = tpu.memref_slice %arg5[%dma_wait3A_368] : memref<16384xi32, #tpu.memory_space<vmem>> -> memref<128xi32, #tpu.memory_space<vmem>>
    %dma_wait3A_370 = arith.constant 0 : i32
    %dma_wait3A_371 = arith.constant 0 : i32
    %dma_wait3A_372 = tpu.memref_slice %arg3[%dma_wait3A_370, %dma_wait3A_371] : memref<100000x32xi32, #tpu.memory_space<hbm>> -> memref<100000x32xi32, #tpu.memory_space<hbm>>
    tpu.wait_indirect_dma semaphore(%arg15 : memref<!tpu.dma_semaphore, #tpu.memory_space<semaphore_mem>>) src(%dma_wait3A_372 : memref<100000x32xi32, #tpu.memory_space<hbm>>) dst(%dma_wait3A_367 : memref<128x32xi32, #tpu.memory_space<vmem>>)
    %add3A_373 = arith.constant 896 : i32
    %add3A_374 = arith.addi %mul3A_2, %add3A_373 : i32
    %dma_start3A_375 = arith.constant 7 : i32
    %dma_start3A_376 = arith.constant 0 : i32
    %dma_start3A_377 = arith.constant 0 : i32
    %dma_start3A_378 = tpu.memref_slice %arg7[%dma_start3A_375, %dma_start3A_376, %dma_start3A_377] : memref<8x128x32xi32, #tpu.memory_space<vmem>> -> memref<1x128x32xi32, #tpu.memory_space<vmem>>
    %dma_start3A_379 = tpu.memref_squeeze %dma_start3A_378 : memref<1x128x32xi32, #tpu.memory_space<vmem>> -> memref<128x32xi32, #tpu.memory_space<vmem>>
    %dma_start3A_380 = arith.constant 0 : i32
    %dma_start3A_381 = tpu.memref_slice %arg4[%add3A_374, %dma_start3A_380] : memref<524288x32xi32, #tpu.memory_space<hbm>> -> memref<128x32xi32, #tpu.memory_space<hbm>>
    %dma_start3A_382 = arith.constant 0 : i32
    %dma_start3A_383 = tpu.memref_slice %arg4[%add3A_374, %dma_start3A_382] : memref<524288x32xi32, #tpu.memory_space<hbm>> -> memref<128x32xi32, #tpu.memory_space<hbm>>
    %dma_start3A_384 = arith.constant 0 : i32
    %dma_start3A_385 = arith.constant 0 : i32
    %dma_start3A_386 = tpu.memref_slice %arg7[%dma_start3A_375, %dma_start3A_384, %dma_start3A_385] : memref<8x128x32xi32, #tpu.memory_space<vmem>> -> memref<1x128x32xi32, #tpu.memory_space<vmem>>
    %dma_start3A_387 = tpu.memref_squeeze %dma_start3A_386 : memref<1x128x32xi32, #tpu.memory_space<vmem>> -> memref<128x32xi32, #tpu.memory_space<vmem>>
    tpu.enqueue_dma source(%dma_start3A_387 : memref<128x32xi32, #tpu.memory_space<vmem>>) target(%dma_start3A_383 : memref<128x32xi32, #tpu.memory_space<hbm>>) target_semaphore(%arg23 : memref<!tpu.dma_semaphore, #tpu.memory_space<semaphore_mem>>)
    %scan3A_388 = arith.constant 0 : i32
    %scan3A_389 = arith.constant 1 : i32
    %scan3A_390 = arith.constant 14 : i32
    %scan3A_391 = arith.addi %scan3A_389, %scan3A_390 : i32
    %scan3A_392 = arith.constant 1 : i32
    scf.for %scan3A_814 = %scan3A_389 to %scan3A_391 step %scan3A_392  : i32 {
      %mul3A_815 = arith.constant 8 : i32
      %mul3A_816 = arith.muli %scan3A_814, %mul3A_815 : i32
      %add3A_817 = arith.constant 0 : i32
      %add3A_818 = arith.addi %mul3A_816, %add3A_817 : i32
      %sub3A = arith.constant 4 : i32
      %sub3A_819 = arith.subi %add3A_818, %sub3A : i32
      %mul3A_820 = arith.constant 128 : i32
      %mul3A_821 = arith.muli %sub3A_819, %mul3A_820 : i32
      %add3A_822 = arith.addi %mul3A_2, %mul3A_821 : i32
      %dma_wait3A_823 = arith.constant 4 : i32
      %dma_wait3A_824 = arith.constant 0 : i32
      %dma_wait3A_825 = arith.constant 0 : i32
      %dma_wait3A_826 = tpu.memref_slice %arg7[%dma_wait3A_823, %dma_wait3A_824, %dma_wait3A_825] : memref<8x128x32xi32, #tpu.memory_space<vmem>> -> memref<1x128x32xi32, #tpu.memory_space<vmem>>
      %dma_wait3A_827 = tpu.memref_squeeze %dma_wait3A_826 : memref<1x128x32xi32, #tpu.memory_space<vmem>> -> memref<128x32xi32, #tpu.memory_space<vmem>>
      %dma_wait3A_828 = arith.constant 0 : i32
      %dma_wait3A_829 = tpu.memref_slice %arg4[%add3A_822, %dma_wait3A_828] : memref<524288x32xi32, #tpu.memory_space<hbm>> -> memref<128x32xi32, #tpu.memory_space<hbm>>
      %dma_wait3A_830 = arith.constant 0 : i32
      %dma_wait3A_831 = tpu.memref_slice %arg4[%add3A_822, %dma_wait3A_830] : memref<524288x32xi32, #tpu.memory_space<hbm>> -> memref<128x32xi32, #tpu.memory_space<hbm>>
      %dma_wait3A_832 = arith.constant 0 : i32
      %dma_wait3A_833 = arith.constant 0 : i32
      %dma_wait3A_834 = tpu.memref_slice %arg7[%dma_wait3A_823, %dma_wait3A_832, %dma_wait3A_833] : memref<8x128x32xi32, #tpu.memory_space<vmem>> -> memref<1x128x32xi32, #tpu.memory_space<vmem>>
      %dma_wait3A_835 = tpu.memref_squeeze %dma_wait3A_834 : memref<1x128x32xi32, #tpu.memory_space<vmem>> -> memref<128x32xi32, #tpu.memory_space<vmem>>
      tpu.wait_dma2 semaphore(%arg20 : memref<!tpu.dma_semaphore, #tpu.memory_space<semaphore_mem>>) src(%dma_wait3A_835 : memref<128x32xi32, #tpu.memory_space<vmem>>) dst(%dma_wait3A_831 : memref<128x32xi32, #tpu.memory_space<hbm>>)
      %add3A_836 = arith.constant 4 : i32
      %add3A_837 = arith.addi %add3A_818, %add3A_836 : i32
      %mul3A_838 = arith.constant 128 : i32
      %mul3A_839 = arith.muli %add3A_837, %mul3A_838 : i32
      %dma_start3A_840 = arith.constant 4 : i32
      %dma_start3A_841 = arith.constant 0 : i32
      %dma_start3A_842 = arith.constant 0 : i32
      %dma_start3A_843 = tpu.memref_slice %arg7[%dma_start3A_840, %dma_start3A_841, %dma_start3A_842] : memref<8x128x32xi32, #tpu.memory_space<vmem>> -> memref<1x128x32xi32, #tpu.memory_space<vmem>>
      %dma_start3A_844 = tpu.memref_squeeze %dma_start3A_843 : memref<1x128x32xi32, #tpu.memory_space<vmem>> -> memref<128x32xi32, #tpu.memory_space<vmem>>
      %dma_start3A_845 = tpu.memref_slice %arg5[%mul3A_839] : memref<16384xi32, #tpu.memory_space<vmem>> -> memref<128xi32, #tpu.memory_space<vmem>>
      %dma_start3A_846 = arith.constant 0 : i32
      %dma_start3A_847 = arith.constant 0 : i32
      %dma_start3A_848 = tpu.memref_slice %arg3[%dma_start3A_846, %dma_start3A_847] : memref<100000x32xi32, #tpu.memory_space<hbm>> -> memref<100000x32xi32, #tpu.memory_space<hbm>>
      tpu.enqueue_indirect_dma source(%dma_start3A_848 : memref<100000x32xi32, #tpu.memory_space<hbm>>) target(%dma_start3A_844 : memref<128x32xi32, #tpu.memory_space<vmem>>) offsets(%dma_start3A_845 : memref<128xi32, #tpu.memory_space<vmem>>) semaphore(%arg12 : memref<!tpu.dma_semaphore, #tpu.memory_space<semaphore_mem>>)
      %mul3A_849 = arith.constant 128 : i32
      %mul3A_850 = arith.muli %add3A_818, %mul3A_849 : i32
      %dma_wait3A_851 = arith.constant 0 : i32
      %dma_wait3A_852 = arith.constant 0 : i32
      %dma_wait3A_853 = arith.constant 0 : i32
      %dma_wait3A_854 = tpu.memref_slice %arg7[%dma_wait3A_851, %dma_wait3A_852, %dma_wait3A_853] : memref<8x128x32xi32, #tpu.memory_space<vmem>> -> memref<1x128x32xi32, #tpu.memory_space<vmem>>
      %dma_wait3A_855 = tpu.memref_squeeze %dma_wait3A_854 : memref<1x128x32xi32, #tpu.memory_space<vmem>> -> memref<128x32xi32, #tpu.memory_space<vmem>>
      %dma_wait3A_856 = tpu.memref_slice %arg5[%mul3A_850] : memref<16384xi32, #tpu.memory_space<vmem>> -> memref<128xi32, #tpu.memory_space<vmem>>
      %dma_wait3A_857 = arith.constant 0 : i32
      %dma_wait3A_858 = arith.constant 0 : i32
      %dma_wait3A_859 = tpu.memref_slice %arg3[%dma_wait3A_857, %dma_wait3A_858] : memref<100000x32xi32, #tpu.memory_space<hbm>> -> memref<100000x32xi32, #tpu.memory_space<hbm>>
      tpu.wait_indirect_dma semaphore(%arg8 : memref<!tpu.dma_semaphore, #tpu.memory_space<semaphore_mem>>) src(%dma_wait3A_859 : memref<100000x32xi32, #tpu.memory_space<hbm>>) dst(%dma_wait3A_855 : memref<128x32xi32, #tpu.memory_space<vmem>>)
      %mul3A_860 = arith.constant 128 : i32
      %mul3A_861 = arith.muli %add3A_818, %mul3A_860 : i32
      %add3A_862 = arith.addi %mul3A_2, %mul3A_861 : i32
      %dma_start3A_863 = arith.constant 0 : i32
      %dma_start3A_864 = arith.constant 0 : i32
      %dma_start3A_865 = arith.constant 0 : i32
      %dma_start3A_866 = tpu.memref_slice %arg7[%dma_start3A_863, %dma_start3A_864, %dma_start3A_865] : memref<8x128x32xi32, #tpu.memory_space<vmem>> -> memref<1x128x32xi32, #tpu.memory_space<vmem>>
      %dma_start3A_867 = tpu.memref_squeeze %dma_start3A_866 : memref<1x128x32xi32, #tpu.memory_space<vmem>> -> memref<128x32xi32, #tpu.memory_space<vmem>>
      %dma_start3A_868 = arith.constant 0 : i32
      %dma_start3A_869 = tpu.memref_slice %arg4[%add3A_862, %dma_start3A_868] : memref<524288x32xi32, #tpu.memory_space<hbm>> -> memref<128x32xi32, #tpu.memory_space<hbm>>
      %dma_start3A_870 = arith.constant 0 : i32
      %dma_start3A_871 = tpu.memref_slice %arg4[%add3A_862, %dma_start3A_870] : memref<524288x32xi32, #tpu.memory_space<hbm>> -> memref<128x32xi32, #tpu.memory_space<hbm>>
      %dma_start3A_872 = arith.constant 0 : i32
      %dma_start3A_873 = arith.constant 0 : i32
      %dma_start3A_874 = tpu.memref_slice %arg7[%dma_start3A_863, %dma_start3A_872, %dma_start3A_873] : memref<8x128x32xi32, #tpu.memory_space<vmem>> -> memref<1x128x32xi32, #tpu.memory_space<vmem>>
      %dma_start3A_875 = tpu.memref_squeeze %dma_start3A_874 : memref<1x128x32xi32, #tpu.memory_space<vmem>> -> memref<128x32xi32, #tpu.memory_space<vmem>>
      tpu.enqueue_dma source(%dma_start3A_875 : memref<128x32xi32, #tpu.memory_space<vmem>>) target(%dma_start3A_871 : memref<128x32xi32, #tpu.memory_space<hbm>>) target_semaphore(%arg16 : memref<!tpu.dma_semaphore, #tpu.memory_space<semaphore_mem>>)
      %mul3A_876 = arith.constant 8 : i32
      %mul3A_877 = arith.muli %scan3A_814, %mul3A_876 : i32
      %add3A_878 = arith.constant 1 : i32
      %add3A_879 = arith.addi %mul3A_877, %add3A_878 : i32
      %sub3A_880 = arith.constant 4 : i32
      %sub3A_881 = arith.subi %add3A_879, %sub3A_880 : i32
      %mul3A_882 = arith.constant 128 : i32
      %mul3A_883 = arith.muli %sub3A_881, %mul3A_882 : i32
      %add3A_884 = arith.addi %mul3A_2, %mul3A_883 : i32
      %dma_wait3A_885 = arith.constant 5 : i32
      %dma_wait3A_886 = arith.constant 0 : i32
      %dma_wait3A_887 = arith.constant 0 : i32
      %dma_wait3A_888 = tpu.memref_slice %arg7[%dma_wait3A_885, %dma_wait3A_886, %dma_wait3A_887] : memref<8x128x32xi32, #tpu.memory_space<vmem>> -> memref<1x128x32xi32, #tpu.memory_space<vmem>>
      %dma_wait3A_889 = tpu.memref_squeeze %dma_wait3A_888 : memref<1x128x32xi32, #tpu.memory_space<vmem>> -> memref<128x32xi32, #tpu.memory_space<vmem>>
      %dma_wait3A_890 = arith.constant 0 : i32
      %dma_wait3A_891 = tpu.memref_slice %arg4[%add3A_884, %dma_wait3A_890] : memref<524288x32xi32, #tpu.memory_space<hbm>> -> memref<128x32xi32, #tpu.memory_space<hbm>>
      %dma_wait3A_892 = arith.constant 0 : i32
      %dma_wait3A_893 = tpu.memref_slice %arg4[%add3A_884, %dma_wait3A_892] : memref<524288x32xi32, #tpu.memory_space<hbm>> -> memref<128x32xi32, #tpu.memory_space<hbm>>
      %dma_wait3A_894 = arith.constant 0 : i32
      %dma_wait3A_895 = arith.constant 0 : i32
      %dma_wait3A_896 = tpu.memref_slice %arg7[%dma_wait3A_885, %dma_wait3A_894, %dma_wait3A_895] : memref<8x128x32xi32, #tpu.memory_space<vmem>> -> memref<1x128x32xi32, #tpu.memory_space<vmem>>
      %dma_wait3A_897 = tpu.memref_squeeze %dma_wait3A_896 : memref<1x128x32xi32, #tpu.memory_space<vmem>> -> memref<128x32xi32, #tpu.memory_space<vmem>>
      tpu.wait_dma2 semaphore(%arg21 : memref<!tpu.dma_semaphore, #tpu.memory_space<semaphore_mem>>) src(%dma_wait3A_897 : memref<128x32xi32, #tpu.memory_space<vmem>>) dst(%dma_wait3A_893 : memref<128x32xi32, #tpu.memory_space<hbm>>)
      %add3A_898 = arith.constant 4 : i32
      %add3A_899 = arith.addi %add3A_879, %add3A_898 : i32
      %mul3A_900 = arith.constant 128 : i32
      %mul3A_901 = arith.muli %add3A_899, %mul3A_900 : i32
      %dma_start3A_902 = arith.constant 5 : i32
      %dma_start3A_903 = arith.constant 0 : i32
      %dma_start3A_904 = arith.constant 0 : i32
      %dma_start3A_905 = tpu.memref_slice %arg7[%dma_start3A_902, %dma_start3A_903, %dma_start3A_904] : memref<8x128x32xi32, #tpu.memory_space<vmem>> -> memref<1x128x32xi32, #tpu.memory_space<vmem>>
      %dma_start3A_906 = tpu.memref_squeeze %dma_start3A_905 : memref<1x128x32xi32, #tpu.memory_space<vmem>> -> memref<128x32xi32, #tpu.memory_space<vmem>>
      %dma_start3A_907 = tpu.memref_slice %arg5[%mul3A_901] : memref<16384xi32, #tpu.memory_space<vmem>> -> memref<128xi32, #tpu.memory_space<vmem>>
      %dma_start3A_908 = arith.constant 0 : i32
      %dma_start3A_909 = arith.constant 0 : i32
      %dma_start3A_910 = tpu.memref_slice %arg3[%dma_start3A_908, %dma_start3A_909] : memref<100000x32xi32, #tpu.memory_space<hbm>> -> memref<100000x32xi32, #tpu.memory_space<hbm>>
      tpu.enqueue_indirect_dma source(%dma_start3A_910 : memref<100000x32xi32, #tpu.memory_space<hbm>>) target(%dma_start3A_906 : memref<128x32xi32, #tpu.memory_space<vmem>>) offsets(%dma_start3A_907 : memref<128xi32, #tpu.memory_space<vmem>>) semaphore(%arg13 : memref<!tpu.dma_semaphore, #tpu.memory_space<semaphore_mem>>)
      %mul3A_911 = arith.constant 128 : i32
      %mul3A_912 = arith.muli %add3A_879, %mul3A_911 : i32
      %dma_wait3A_913 = arith.constant 1 : i32
      %dma_wait3A_914 = arith.constant 0 : i32
      %dma_wait3A_915 = arith.constant 0 : i32
      %dma_wait3A_916 = tpu.memref_slice %arg7[%dma_wait3A_913, %dma_wait3A_914, %dma_wait3A_915] : memref<8x128x32xi32, #tpu.memory_space<vmem>> -> memref<1x128x32xi32, #tpu.memory_space<vmem>>
      %dma_wait3A_917 = tpu.memref_squeeze %dma_wait3A_916 : memref<1x128x32xi32, #tpu.memory_space<vmem>> -> memref<128x32xi32, #tpu.memory_space<vmem>>
      %dma_wait3A_918 = tpu.memref_slice %arg5[%mul3A_912] : memref<16384xi32, #tpu.memory_space<vmem>> -> memref<128xi32, #tpu.memory_space<vmem>>
      %dma_wait3A_919 = arith.constant 0 : i32
      %dma_wait3A_920 = arith.constant 0 : i32
      %dma_wait3A_921 = tpu.memref_slice %arg3[%dma_wait3A_919, %dma_wait3A_920] : memref<100000x32xi32, #tpu.memory_space<hbm>> -> memref<100000x32xi32, #tpu.memory_space<hbm>>
      tpu.wait_indirect_dma semaphore(%arg9 : memref<!tpu.dma_semaphore, #tpu.memory_space<semaphore_mem>>) src(%dma_wait3A_921 : memref<100000x32xi32, #tpu.memory_space<hbm>>) dst(%dma_wait3A_917 : memref<128x32xi32, #tpu.memory_space<vmem>>)
      %mul3A_922 = arith.constant 128 : i32
      %mul3A_923 = arith.muli %add3A_879, %mul3A_922 : i32
      %add3A_924 = arith.addi %mul3A_2, %mul3A_923 : i32
      %dma_start3A_925 = arith.constant 1 : i32
      %dma_start3A_926 = arith.constant 0 : i32
      %dma_start3A_927 = arith.constant 0 : i32
      %dma_start3A_928 = tpu.memref_slice %arg7[%dma_start3A_925, %dma_start3A_926, %dma_start3A_927] : memref<8x128x32xi32, #tpu.memory_space<vmem>> -> memref<1x128x32xi32, #tpu.memory_space<vmem>>
      %dma_start3A_929 = tpu.memref_squeeze %dma_start3A_928 : memref<1x128x32xi32, #tpu.memory_space<vmem>> -> memref<128x32xi32, #tpu.memory_space<vmem>>
      %dma_start3A_930 = arith.constant 0 : i32
      %dma_start3A_931 = tpu.memref_slice %arg4[%add3A_924, %dma_start3A_930] : memref<524288x32xi32, #tpu.memory_space<hbm>> -> memref<128x32xi32, #tpu.memory_space<hbm>>
      %dma_start3A_932 = arith.constant 0 : i32
      %dma_start3A_933 = tpu.memref_slice %arg4[%add3A_924, %dma_start3A_932] : memref<524288x32xi32, #tpu.memory_space<hbm>> -> memref<128x32xi32, #tpu.memory_space<hbm>>
      %dma_start3A_934 = arith.constant 0 : i32
      %dma_start3A_935 = arith.constant 0 : i32
      %dma_start3A_936 = tpu.memref_slice %arg7[%dma_start3A_925, %dma_start3A_934, %dma_start3A_935] : memref<8x128x32xi32, #tpu.memory_space<vmem>> -> memref<1x128x32xi32, #tpu.memory_space<vmem>>
      %dma_start3A_937 = tpu.memref_squeeze %dma_start3A_936 : memref<1x128x32xi32, #tpu.memory_space<vmem>> -> memref<128x32xi32, #tpu.memory_space<vmem>>
      tpu.enqueue_dma source(%dma_start3A_937 : memref<128x32xi32, #tpu.memory_space<vmem>>) target(%dma_start3A_933 : memref<128x32xi32, #tpu.memory_space<hbm>>) target_semaphore(%arg17 : memref<!tpu.dma_semaphore, #tpu.memory_space<semaphore_mem>>)
      %mul3A_938 = arith.constant 8 : i32
      %mul3A_939 = arith.muli %scan3A_814, %mul3A_938 : i32
      %add3A_940 = arith.constant 2 : i32
      %add3A_941 = arith.addi %mul3A_939, %add3A_940 : i32
      %sub3A_942 = arith.constant 4 : i32
      %sub3A_943 = arith.subi %add3A_941, %sub3A_942 : i32
      %mul3A_944 = arith.constant 128 : i32
      %mul3A_945 = arith.muli %sub3A_943, %mul3A_944 : i32
      %add3A_946 = arith.addi %mul3A_2, %mul3A_945 : i32
      %dma_wait3A_947 = arith.constant 6 : i32
      %dma_wait3A_948 = arith.constant 0 : i32
      %dma_wait3A_949 = arith.constant 0 : i32
      %dma_wait3A_950 = tpu.memref_slice %arg7[%dma_wait3A_947, %dma_wait3A_948, %dma_wait3A_949] : memref<8x128x32xi32, #tpu.memory_space<vmem>> -> memref<1x128x32xi32, #tpu.memory_space<vmem>>
      %dma_wait3A_951 = tpu.memref_squeeze %dma_wait3A_950 : memref<1x128x32xi32, #tpu.memory_space<vmem>> -> memref<128x32xi32, #tpu.memory_space<vmem>>
      %dma_wait3A_952 = arith.constant 0 : i32
      %dma_wait3A_953 = tpu.memref_slice %arg4[%add3A_946, %dma_wait3A_952] : memref<524288x32xi32, #tpu.memory_space<hbm>> -> memref<128x32xi32, #tpu.memory_space<hbm>>
      %dma_wait3A_954 = arith.constant 0 : i32
      %dma_wait3A_955 = tpu.memref_slice %arg4[%add3A_946, %dma_wait3A_954] : memref<524288x32xi32, #tpu.memory_space<hbm>> -> memref<128x32xi32, #tpu.memory_space<hbm>>
      %dma_wait3A_956 = arith.constant 0 : i32
      %dma_wait3A_957 = arith.constant 0 : i32
      %dma_wait3A_958 = tpu.memref_slice %arg7[%dma_wait3A_947, %dma_wait3A_956, %dma_wait3A_957] : memref<8x128x32xi32, #tpu.memory_space<vmem>> -> memref<1x128x32xi32, #tpu.memory_space<vmem>>
      %dma_wait3A_959 = tpu.memref_squeeze %dma_wait3A_958 : memref<1x128x32xi32, #tpu.memory_space<vmem>> -> memref<128x32xi32, #tpu.memory_space<vmem>>
      tpu.wait_dma2 semaphore(%arg22 : memref<!tpu.dma_semaphore, #tpu.memory_space<semaphore_mem>>) src(%dma_wait3A_959 : memref<128x32xi32, #tpu.memory_space<vmem>>) dst(%dma_wait3A_955 : memref<128x32xi32, #tpu.memory_space<hbm>>)
      %add3A_960 = arith.constant 4 : i32
      %add3A_961 = arith.addi %add3A_941, %add3A_960 : i32
      %mul3A_962 = arith.constant 128 : i32
      %mul3A_963 = arith.muli %add3A_961, %mul3A_962 : i32
      %dma_start3A_964 = arith.constant 6 : i32
      %dma_start3A_965 = arith.constant 0 : i32
      %dma_start3A_966 = arith.constant 0 : i32
      %dma_start3A_967 = tpu.memref_slice %arg7[%dma_start3A_964, %dma_start3A_965, %dma_start3A_966] : memref<8x128x32xi32, #tpu.memory_space<vmem>> -> memref<1x128x32xi32, #tpu.memory_space<vmem>>
      %dma_start3A_968 = tpu.memref_squeeze %dma_start3A_967 : memref<1x128x32xi32, #tpu.memory_space<vmem>> -> memref<128x32xi32, #tpu.memory_space<vmem>>
      %dma_start3A_969 = tpu.memref_slice %arg5[%mul3A_963] : memref<16384xi32, #tpu.memory_space<vmem>> -> memref<128xi32, #tpu.memory_space<vmem>>
      %dma_start3A_970 = arith.constant 0 : i32
      %dma_start3A_971 = arith.constant 0 : i32
      %dma_start3A_972 = tpu.memref_slice %arg3[%dma_start3A_970, %dma_start3A_971] : memref<100000x32xi32, #tpu.memory_space<hbm>> -> memref<100000x32xi32, #tpu.memory_space<hbm>>
      tpu.enqueue_indirect_dma source(%dma_start3A_972 : memref<100000x32xi32, #tpu.memory_space<hbm>>) target(%dma_start3A_968 : memref<128x32xi32, #tpu.memory_space<vmem>>) offsets(%dma_start3A_969 : memref<128xi32, #tpu.memory_space<vmem>>) semaphore(%arg14 : memref<!tpu.dma_semaphore, #tpu.memory_space<semaphore_mem>>)
      %mul3A_973 = arith.constant 128 : i32
      %mul3A_974 = arith.muli %add3A_941, %mul3A_973 : i32
      %dma_wait3A_975 = arith.constant 2 : i32
      %dma_wait3A_976 = arith.constant 0 : i32
      %dma_wait3A_977 = arith.constant 0 : i32
      %dma_wait3A_978 = tpu.memref_slice %arg7[%dma_wait3A_975, %dma_wait3A_976, %dma_wait3A_977] : memref<8x128x32xi32, #tpu.memory_space<vmem>> -> memref<1x128x32xi32, #tpu.memory_space<vmem>>
      %dma_wait3A_979 = tpu.memref_squeeze %dma_wait3A_978 : memref<1x128x32xi32, #tpu.memory_space<vmem>> -> memref<128x32xi32, #tpu.memory_space<vmem>>
      %dma_wait3A_980 = tpu.memref_slice %arg5[%mul3A_974] : memref<16384xi32, #tpu.memory_space<vmem>> -> memref<128xi32, #tpu.memory_space<vmem>>
      %dma_wait3A_981 = arith.constant 0 : i32
      %dma_wait3A_982 = arith.constant 0 : i32
      %dma_wait3A_983 = tpu.memref_slice %arg3[%dma_wait3A_981, %dma_wait3A_982] : memref<100000x32xi32, #tpu.memory_space<hbm>> -> memref<100000x32xi32, #tpu.memory_space<hbm>>
      tpu.wait_indirect_dma semaphore(%arg10 : memref<!tpu.dma_semaphore, #tpu.memory_space<semaphore_mem>>) src(%dma_wait3A_983 : memref<100000x32xi32, #tpu.memory_space<hbm>>) dst(%dma_wait3A_979 : memref<128x32xi32, #tpu.memory_space<vmem>>)
      %mul3A_984 = arith.constant 128 : i32
      %mul3A_985 = arith.muli %add3A_941, %mul3A_984 : i32
      %add3A_986 = arith.addi %mul3A_2, %mul3A_985 : i32
      %dma_start3A_987 = arith.constant 2 : i32
      %dma_start3A_988 = arith.constant 0 : i32
      %dma_start3A_989 = arith.constant 0 : i32
      %dma_start3A_990 = tpu.memref_slice %arg7[%dma_start3A_987, %dma_start3A_988, %dma_start3A_989] : memref<8x128x32xi32, #tpu.memory_space<vmem>> -> memref<1x128x32xi32, #tpu.memory_space<vmem>>
      %dma_start3A_991 = tpu.memref_squeeze %dma_start3A_990 : memref<1x128x32xi32, #tpu.memory_space<vmem>> -> memref<128x32xi32, #tpu.memory_space<vmem>>
      %dma_start3A_992 = arith.constant 0 : i32
      %dma_start3A_993 = tpu.memref_slice %arg4[%add3A_986, %dma_start3A_992] : memref<524288x32xi32, #tpu.memory_space<hbm>> -> memref<128x32xi32, #tpu.memory_space<hbm>>
      %dma_start3A_994 = arith.constant 0 : i32
      %dma_start3A_995 = tpu.memref_slice %arg4[%add3A_986, %dma_start3A_994] : memref<524288x32xi32, #tpu.memory_space<hbm>> -> memref<128x32xi32, #tpu.memory_space<hbm>>
      %dma_start3A_996 = arith.constant 0 : i32
      %dma_start3A_997 = arith.constant 0 : i32
      %dma_start3A_998 = tpu.memref_slice %arg7[%dma_start3A_987, %dma_start3A_996, %dma_start3A_997] : memref<8x128x32xi32, #tpu.memory_space<vmem>> -> memref<1x128x32xi32, #tpu.memory_space<vmem>>
      %dma_start3A_999 = tpu.memref_squeeze %dma_start3A_998 : memref<1x128x32xi32, #tpu.memory_space<vmem>> -> memref<128x32xi32, #tpu.memory_space<vmem>>
      tpu.enqueue_dma source(%dma_start3A_999 : memref<128x32xi32, #tpu.memory_space<vmem>>) target(%dma_start3A_995 : memref<128x32xi32, #tpu.memory_space<hbm>>) target_semaphore(%arg18 : memref<!tpu.dma_semaphore, #tpu.memory_space<semaphore_mem>>)
      %mul3A_1000 = arith.constant 8 : i32
      %mul3A_1001 = arith.muli %scan3A_814, %mul3A_1000 : i32
      %add3A_1002 = arith.constant 3 : i32
      %add3A_1003 = arith.addi %mul3A_1001, %add3A_1002 : i32
      %sub3A_1004 = arith.constant 4 : i32
      %sub3A_1005 = arith.subi %add3A_1003, %sub3A_1004 : i32
      %mul3A_1006 = arith.constant 128 : i32
      %mul3A_1007 = arith.muli %sub3A_1005, %mul3A_1006 : i32
      %add3A_1008 = arith.addi %mul3A_2, %mul3A_1007 : i32
      %dma_wait3A_1009 = arith.constant 7 : i32
      %dma_wait3A_1010 = arith.constant 0 : i32
      %dma_wait3A_1011 = arith.constant 0 : i32
      %dma_wait3A_1012 = tpu.memref_slice %arg7[%dma_wait3A_1009, %dma_wait3A_1010, %dma_wait3A_1011] : memref<8x128x32xi32, #tpu.memory_space<vmem>> -> memref<1x128x32xi32, #tpu.memory_space<vmem>>
      %dma_wait3A_1013 = tpu.memref_squeeze %dma_wait3A_1012 : memref<1x128x32xi32, #tpu.memory_space<vmem>> -> memref<128x32xi32, #tpu.memory_space<vmem>>
      %dma_wait3A_1014 = arith.constant 0 : i32
      %dma_wait3A_1015 = tpu.memref_slice %arg4[%add3A_1008, %dma_wait3A_1014] : memref<524288x32xi32, #tpu.memory_space<hbm>> -> memref<128x32xi32, #tpu.memory_space<hbm>>
      %dma_wait3A_1016 = arith.constant 0 : i32
      %dma_wait3A_1017 = tpu.memref_slice %arg4[%add3A_1008, %dma_wait3A_1016] : memref<524288x32xi32, #tpu.memory_space<hbm>> -> memref<128x32xi32, #tpu.memory_space<hbm>>
      %dma_wait3A_1018 = arith.constant 0 : i32
      %dma_wait3A_1019 = arith.constant 0 : i32
      %dma_wait3A_1020 = tpu.memref_slice %arg7[%dma_wait3A_1009, %dma_wait3A_1018, %dma_wait3A_1019] : memref<8x128x32xi32, #tpu.memory_space<vmem>> -> memref<1x128x32xi32, #tpu.memory_space<vmem>>
      %dma_wait3A_1021 = tpu.memref_squeeze %dma_wait3A_1020 : memref<1x128x32xi32, #tpu.memory_space<vmem>> -> memref<128x32xi32, #tpu.memory_space<vmem>>
      tpu.wait_dma2 semaphore(%arg23 : memref<!tpu.dma_semaphore, #tpu.memory_space<semaphore_mem>>) src(%dma_wait3A_1021 : memref<128x32xi32, #tpu.memory_space<vmem>>) dst(%dma_wait3A_1017 : memref<128x32xi32, #tpu.memory_space<hbm>>)
      %add3A_1022 = arith.constant 4 : i32
      %add3A_1023 = arith.addi %add3A_1003, %add3A_1022 : i32
      %mul3A_1024 = arith.constant 128 : i32
      %mul3A_1025 = arith.muli %add3A_1023, %mul3A_1024 : i32
      %dma_start3A_1026 = arith.constant 7 : i32
      %dma_start3A_1027 = arith.constant 0 : i32
      %dma_start3A_1028 = arith.constant 0 : i32
      %dma_start3A_1029 = tpu.memref_slice %arg7[%dma_start3A_1026, %dma_start3A_1027, %dma_start3A_1028] : memref<8x128x32xi32, #tpu.memory_space<vmem>> -> memref<1x128x32xi32, #tpu.memory_space<vmem>>
      %dma_start3A_1030 = tpu.memref_squeeze %dma_start3A_1029 : memref<1x128x32xi32, #tpu.memory_space<vmem>> -> memref<128x32xi32, #tpu.memory_space<vmem>>
      %dma_start3A_1031 = tpu.memref_slice %arg5[%mul3A_1025] : memref<16384xi32, #tpu.memory_space<vmem>> -> memref<128xi32, #tpu.memory_space<vmem>>
      %dma_start3A_1032 = arith.constant 0 : i32
      %dma_start3A_1033 = arith.constant 0 : i32
      %dma_start3A_1034 = tpu.memref_slice %arg3[%dma_start3A_1032, %dma_start3A_1033] : memref<100000x32xi32, #tpu.memory_space<hbm>> -> memref<100000x32xi32, #tpu.memory_space<hbm>>
      tpu.enqueue_indirect_dma source(%dma_start3A_1034 : memref<100000x32xi32, #tpu.memory_space<hbm>>) target(%dma_start3A_1030 : memref<128x32xi32, #tpu.memory_space<vmem>>) offsets(%dma_start3A_1031 : memref<128xi32, #tpu.memory_space<vmem>>) semaphore(%arg15 : memref<!tpu.dma_semaphore, #tpu.memory_space<semaphore_mem>>)
      %mul3A_1035 = arith.constant 128 : i32
      %mul3A_1036 = arith.muli %add3A_1003, %mul3A_1035 : i32
      %dma_wait3A_1037 = arith.constant 3 : i32
      %dma_wait3A_1038 = arith.constant 0 : i32
      %dma_wait3A_1039 = arith.constant 0 : i32
      %dma_wait3A_1040 = tpu.memref_slice %arg7[%dma_wait3A_1037, %dma_wait3A_1038, %dma_wait3A_1039] : memref<8x128x32xi32, #tpu.memory_space<vmem>> -> memref<1x128x32xi32, #tpu.memory_space<vmem>>
      %dma_wait3A_1041 = tpu.memref_squeeze %dma_wait3A_1040 : memref<1x128x32xi32, #tpu.memory_space<vmem>> -> memref<128x32xi32, #tpu.memory_space<vmem>>
      %dma_wait3A_1042 = tpu.memref_slice %arg5[%mul3A_1036] : memref<16384xi32, #tpu.memory_space<vmem>> -> memref<128xi32, #tpu.memory_space<vmem>>
      %dma_wait3A_1043 = arith.constant 0 : i32
      %dma_wait3A_1044 = arith.constant 0 : i32
      %dma_wait3A_1045 = tpu.memref_slice %arg3[%dma_wait3A_1043, %dma_wait3A_1044] : memref<100000x32xi32, #tpu.memory_space<hbm>> -> memref<100000x32xi32, #tpu.memory_space<hbm>>
      tpu.wait_indirect_dma semaphore(%arg11 : memref<!tpu.dma_semaphore, #tpu.memory_space<semaphore_mem>>) src(%dma_wait3A_1045 : memref<100000x32xi32, #tpu.memory_space<hbm>>) dst(%dma_wait3A_1041 : memref<128x32xi32, #tpu.memory_space<vmem>>)
      %mul3A_1046 = arith.constant 128 : i32
      %mul3A_1047 = arith.muli %add3A_1003, %mul3A_1046 : i32
      %add3A_1048 = arith.addi %mul3A_2, %mul3A_1047 : i32
      %dma_start3A_1049 = arith.constant 3 : i32
      %dma_start3A_1050 = arith.constant 0 : i32
      %dma_start3A_1051 = arith.constant 0 : i32
      %dma_start3A_1052 = tpu.memref_slice %arg7[%dma_start3A_1049, %dma_start3A_1050, %dma_start3A_1051] : memref<8x128x32xi32, #tpu.memory_space<vmem>> -> memref<1x128x32xi32, #tpu.memory_space<vmem>>
      %dma_start3A_1053 = tpu.memref_squeeze %dma_start3A_1052 : memref<1x128x32xi32, #tpu.memory_space<vmem>> -> memref<128x32xi32, #tpu.memory_space<vmem>>
      %dma_start3A_1054 = arith.constant 0 : i32
      %dma_start3A_1055 = tpu.memref_slice %arg4[%add3A_1048, %dma_start3A_1054] : memref<524288x32xi32, #tpu.memory_space<hbm>> -> memref<128x32xi32, #tpu.memory_space<hbm>>
      %dma_start3A_1056 = arith.constant 0 : i32
      %dma_start3A_1057 = tpu.memref_slice %arg4[%add3A_1048, %dma_start3A_1056] : memref<524288x32xi32, #tpu.memory_space<hbm>> -> memref<128x32xi32, #tpu.memory_space<hbm>>
      %dma_start3A_1058 = arith.constant 0 : i32
      %dma_start3A_1059 = arith.constant 0 : i32
      %dma_start3A_1060 = tpu.memref_slice %arg7[%dma_start3A_1049, %dma_start3A_1058, %dma_start3A_1059] : memref<8x128x32xi32, #tpu.memory_space<vmem>> -> memref<1x128x32xi32, #tpu.memory_space<vmem>>
      %dma_start3A_1061 = tpu.memref_squeeze %dma_start3A_1060 : memref<1x128x32xi32, #tpu.memory_space<vmem>> -> memref<128x32xi32, #tpu.memory_space<vmem>>
      tpu.enqueue_dma source(%dma_start3A_1061 : memref<128x32xi32, #tpu.memory_space<vmem>>) target(%dma_start3A_1057 : memref<128x32xi32, #tpu.memory_space<hbm>>) target_semaphore(%arg19 : memref<!tpu.dma_semaphore, #tpu.memory_space<semaphore_mem>>)
      %mul3A_1062 = arith.constant 8 : i32
      %mul3A_1063 = arith.muli %scan3A_814, %mul3A_1062 : i32
      %add3A_1064 = arith.constant 4 : i32
      %add3A_1065 = arith.addi %mul3A_1063, %add3A_1064 : i32
      %sub3A_1066 = arith.constant 4 : i32
      %sub3A_1067 = arith.subi %add3A_1065, %sub3A_1066 : i32
      %mul3A_1068 = arith.constant 128 : i32
      %mul3A_1069 = arith.muli %sub3A_1067, %mul3A_1068 : i32
      %add3A_1070 = arith.addi %mul3A_2, %mul3A_1069 : i32
      %dma_wait3A_1071 = arith.constant 0 : i32
      %dma_wait3A_1072 = arith.constant 0 : i32
      %dma_wait3A_1073 = arith.constant 0 : i32
      %dma_wait3A_1074 = tpu.memref_slice %arg7[%dma_wait3A_1071, %dma_wait3A_1072, %dma_wait3A_1073] : memref<8x128x32xi32, #tpu.memory_space<vmem>> -> memref<1x128x32xi32, #tpu.memory_space<vmem>>
      %dma_wait3A_1075 = tpu.memref_squeeze %dma_wait3A_1074 : memref<1x128x32xi32, #tpu.memory_space<vmem>> -> memref<128x32xi32, #tpu.memory_space<vmem>>
      %dma_wait3A_1076 = arith.constant 0 : i32
      %dma_wait3A_1077 = tpu.memref_slice %arg4[%add3A_1070, %dma_wait3A_1076] : memref<524288x32xi32, #tpu.memory_space<hbm>> -> memref<128x32xi32, #tpu.memory_space<hbm>>
      %dma_wait3A_1078 = arith.constant 0 : i32
      %dma_wait3A_1079 = tpu.memref_slice %arg4[%add3A_1070, %dma_wait3A_1078] : memref<524288x32xi32, #tpu.memory_space<hbm>> -> memref<128x32xi32, #tpu.memory_space<hbm>>
      %dma_wait3A_1080 = arith.constant 0 : i32
      %dma_wait3A_1081 = arith.constant 0 : i32
      %dma_wait3A_1082 = tpu.memref_slice %arg7[%dma_wait3A_1071, %dma_wait3A_1080, %dma_wait3A_1081] : memref<8x128x32xi32, #tpu.memory_space<vmem>> -> memref<1x128x32xi32, #tpu.memory_space<vmem>>
      %dma_wait3A_1083 = tpu.memref_squeeze %dma_wait3A_1082 : memref<1x128x32xi32, #tpu.memory_space<vmem>> -> memref<128x32xi32, #tpu.memory_space<vmem>>
      tpu.wait_dma2 semaphore(%arg16 : memref<!tpu.dma_semaphore, #tpu.memory_space<semaphore_mem>>) src(%dma_wait3A_1083 : memref<128x32xi32, #tpu.memory_space<vmem>>) dst(%dma_wait3A_1079 : memref<128x32xi32, #tpu.memory_space<hbm>>)
      %add3A_1084 = arith.constant 4 : i32
      %add3A_1085 = arith.addi %add3A_1065, %add3A_1084 : i32
      %mul3A_1086 = arith.constant 128 : i32
      %mul3A_1087 = arith.muli %add3A_1085, %mul3A_1086 : i32
      %dma_start3A_1088 = arith.constant 0 : i32
      %dma_start3A_1089 = arith.constant 0 : i32
      %dma_start3A_1090 = arith.constant 0 : i32
      %dma_start3A_1091 = tpu.memref_slice %arg7[%dma_start3A_1088, %dma_start3A_1089, %dma_start3A_1090] : memref<8x128x32xi32, #tpu.memory_space<vmem>> -> memref<1x128x32xi32, #tpu.memory_space<vmem>>
      %dma_start3A_1092 = tpu.memref_squeeze %dma_start3A_1091 : memref<1x128x32xi32, #tpu.memory_space<vmem>> -> memref<128x32xi32, #tpu.memory_space<vmem>>
      %dma_start3A_1093 = tpu.memref_slice %arg5[%mul3A_1087] : memref<16384xi32, #tpu.memory_space<vmem>> -> memref<128xi32, #tpu.memory_space<vmem>>
      %dma_start3A_1094 = arith.constant 0 : i32
      %dma_start3A_1095 = arith.constant 0 : i32
      %dma_start3A_1096 = tpu.memref_slice %arg3[%dma_start3A_1094, %dma_start3A_1095] : memref<100000x32xi32, #tpu.memory_space<hbm>> -> memref<100000x32xi32, #tpu.memory_space<hbm>>
      tpu.enqueue_indirect_dma source(%dma_start3A_1096 : memref<100000x32xi32, #tpu.memory_space<hbm>>) target(%dma_start3A_1092 : memref<128x32xi32, #tpu.memory_space<vmem>>) offsets(%dma_start3A_1093 : memref<128xi32, #tpu.memory_space<vmem>>) semaphore(%arg8 : memref<!tpu.dma_semaphore, #tpu.memory_space<semaphore_mem>>)
      %mul3A_1097 = arith.constant 128 : i32
      %mul3A_1098 = arith.muli %add3A_1065, %mul3A_1097 : i32
      %dma_wait3A_1099 = arith.constant 4 : i32
      %dma_wait3A_1100 = arith.constant 0 : i32
      %dma_wait3A_1101 = arith.constant 0 : i32
      %dma_wait3A_1102 = tpu.memref_slice %arg7[%dma_wait3A_1099, %dma_wait3A_1100, %dma_wait3A_1101] : memref<8x128x32xi32, #tpu.memory_space<vmem>> -> memref<1x128x32xi32, #tpu.memory_space<vmem>>
      %dma_wait3A_1103 = tpu.memref_squeeze %dma_wait3A_1102 : memref<1x128x32xi32, #tpu.memory_space<vmem>> -> memref<128x32xi32, #tpu.memory_space<vmem>>
      %dma_wait3A_1104 = tpu.memref_slice %arg5[%mul3A_1098] : memref<16384xi32, #tpu.memory_space<vmem>> -> memref<128xi32, #tpu.memory_space<vmem>>
      %dma_wait3A_1105 = arith.constant 0 : i32
      %dma_wait3A_1106 = arith.constant 0 : i32
      %dma_wait3A_1107 = tpu.memref_slice %arg3[%dma_wait3A_1105, %dma_wait3A_1106] : memref<100000x32xi32, #tpu.memory_space<hbm>> -> memref<100000x32xi32, #tpu.memory_space<hbm>>
      tpu.wait_indirect_dma semaphore(%arg12 : memref<!tpu.dma_semaphore, #tpu.memory_space<semaphore_mem>>) src(%dma_wait3A_1107 : memref<100000x32xi32, #tpu.memory_space<hbm>>) dst(%dma_wait3A_1103 : memref<128x32xi32, #tpu.memory_space<vmem>>)
      %mul3A_1108 = arith.constant 128 : i32
      %mul3A_1109 = arith.muli %add3A_1065, %mul3A_1108 : i32
      %add3A_1110 = arith.addi %mul3A_2, %mul3A_1109 : i32
      %dma_start3A_1111 = arith.constant 4 : i32
      %dma_start3A_1112 = arith.constant 0 : i32
      %dma_start3A_1113 = arith.constant 0 : i32
      %dma_start3A_1114 = tpu.memref_slice %arg7[%dma_start3A_1111, %dma_start3A_1112, %dma_start3A_1113] : memref<8x128x32xi32, #tpu.memory_space<vmem>> -> memref<1x128x32xi32, #tpu.memory_space<vmem>>
      %dma_start3A_1115 = tpu.memref_squeeze %dma_start3A_1114 : memref<1x128x32xi32, #tpu.memory_space<vmem>> -> memref<128x32xi32, #tpu.memory_space<vmem>>
      %dma_start3A_1116 = arith.constant 0 : i32
      %dma_start3A_1117 = tpu.memref_slice %arg4[%add3A_1110, %dma_start3A_1116] : memref<524288x32xi32, #tpu.memory_space<hbm>> -> memref<128x32xi32, #tpu.memory_space<hbm>>
      %dma_start3A_1118 = arith.constant 0 : i32
      %dma_start3A_1119 = tpu.memref_slice %arg4[%add3A_1110, %dma_start3A_1118] : memref<524288x32xi32, #tpu.memory_space<hbm>> -> memref<128x32xi32, #tpu.memory_space<hbm>>
      %dma_start3A_1120 = arith.constant 0 : i32
      %dma_start3A_1121 = arith.constant 0 : i32
      %dma_start3A_1122 = tpu.memref_slice %arg7[%dma_start3A_1111, %dma_start3A_1120, %dma_start3A_1121] : memref<8x128x32xi32, #tpu.memory_space<vmem>> -> memref<1x128x32xi32, #tpu.memory_space<vmem>>
      %dma_start3A_1123 = tpu.memref_squeeze %dma_start3A_1122 : memref<1x128x32xi32, #tpu.memory_space<vmem>> -> memref<128x32xi32, #tpu.memory_space<vmem>>
      tpu.enqueue_dma source(%dma_start3A_1123 : memref<128x32xi32, #tpu.memory_space<vmem>>) target(%dma_start3A_1119 : memref<128x32xi32, #tpu.memory_space<hbm>>) target_semaphore(%arg20 : memref<!tpu.dma_semaphore, #tpu.memory_space<semaphore_mem>>)
      %mul3A_1124 = arith.constant 8 : i32
      %mul3A_1125 = arith.muli %scan3A_814, %mul3A_1124 : i32
      %add3A_1126 = arith.constant 5 : i32
      %add3A_1127 = arith.addi %mul3A_1125, %add3A_1126 : i32
      %sub3A_1128 = arith.constant 4 : i32
      %sub3A_1129 = arith.subi %add3A_1127, %sub3A_1128 : i32
      %mul3A_1130 = arith.constant 128 : i32
      %mul3A_1131 = arith.muli %sub3A_1129, %mul3A_1130 : i32
      %add3A_1132 = arith.addi %mul3A_2, %mul3A_1131 : i32
      %dma_wait3A_1133 = arith.constant 1 : i32
      %dma_wait3A_1134 = arith.constant 0 : i32
      %dma_wait3A_1135 = arith.constant 0 : i32
      %dma_wait3A_1136 = tpu.memref_slice %arg7[%dma_wait3A_1133, %dma_wait3A_1134, %dma_wait3A_1135] : memref<8x128x32xi32, #tpu.memory_space<vmem>> -> memref<1x128x32xi32, #tpu.memory_space<vmem>>
      %dma_wait3A_1137 = tpu.memref_squeeze %dma_wait3A_1136 : memref<1x128x32xi32, #tpu.memory_space<vmem>> -> memref<128x32xi32, #tpu.memory_space<vmem>>
      %dma_wait3A_1138 = arith.constant 0 : i32
      %dma_wait3A_1139 = tpu.memref_slice %arg4[%add3A_1132, %dma_wait3A_1138] : memref<524288x32xi32, #tpu.memory_space<hbm>> -> memref<128x32xi32, #tpu.memory_space<hbm>>
      %dma_wait3A_1140 = arith.constant 0 : i32
      %dma_wait3A_1141 = tpu.memref_slice %arg4[%add3A_1132, %dma_wait3A_1140] : memref<524288x32xi32, #tpu.memory_space<hbm>> -> memref<128x32xi32, #tpu.memory_space<hbm>>
      %dma_wait3A_1142 = arith.constant 0 : i32
      %dma_wait3A_1143 = arith.constant 0 : i32
      %dma_wait3A_1144 = tpu.memref_slice %arg7[%dma_wait3A_1133, %dma_wait3A_1142, %dma_wait3A_1143] : memref<8x128x32xi32, #tpu.memory_space<vmem>> -> memref<1x128x32xi32, #tpu.memory_space<vmem>>
      %dma_wait3A_1145 = tpu.memref_squeeze %dma_wait3A_1144 : memref<1x128x32xi32, #tpu.memory_space<vmem>> -> memref<128x32xi32, #tpu.memory_space<vmem>>
      tpu.wait_dma2 semaphore(%arg17 : memref<!tpu.dma_semaphore, #tpu.memory_space<semaphore_mem>>) src(%dma_wait3A_1145 : memref<128x32xi32, #tpu.memory_space<vmem>>) dst(%dma_wait3A_1141 : memref<128x32xi32, #tpu.memory_space<hbm>>)
      %add3A_1146 = arith.constant 4 : i32
      %add3A_1147 = arith.addi %add3A_1127, %add3A_1146 : i32
      %mul3A_1148 = arith.constant 128 : i32
      %mul3A_1149 = arith.muli %add3A_1147, %mul3A_1148 : i32
      %dma_start3A_1150 = arith.constant 1 : i32
      %dma_start3A_1151 = arith.constant 0 : i32
      %dma_start3A_1152 = arith.constant 0 : i32
      %dma_start3A_1153 = tpu.memref_slice %arg7[%dma_start3A_1150, %dma_start3A_1151, %dma_start3A_1152] : memref<8x128x32xi32, #tpu.memory_space<vmem>> -> memref<1x128x32xi32, #tpu.memory_space<vmem>>
      %dma_start3A_1154 = tpu.memref_squeeze %dma_start3A_1153 : memref<1x128x32xi32, #tpu.memory_space<vmem>> -> memref<128x32xi32, #tpu.memory_space<vmem>>
      %dma_start3A_1155 = tpu.memref_slice %arg5[%mul3A_1149] : memref<16384xi32, #tpu.memory_space<vmem>> -> memref<128xi32, #tpu.memory_space<vmem>>
      %dma_start3A_1156 = arith.constant 0 : i32
      %dma_start3A_1157 = arith.constant 0 : i32
      %dma_start3A_1158 = tpu.memref_slice %arg3[%dma_start3A_1156, %dma_start3A_1157] : memref<100000x32xi32, #tpu.memory_space<hbm>> -> memref<100000x32xi32, #tpu.memory_space<hbm>>
      tpu.enqueue_indirect_dma source(%dma_start3A_1158 : memref<100000x32xi32, #tpu.memory_space<hbm>>) target(%dma_start3A_1154 : memref<128x32xi32, #tpu.memory_space<vmem>>) offsets(%dma_start3A_1155 : memref<128xi32, #tpu.memory_space<vmem>>) semaphore(%arg9 : memref<!tpu.dma_semaphore, #tpu.memory_space<semaphore_mem>>)
      %mul3A_1159 = arith.constant 128 : i32
      %mul3A_1160 = arith.muli %add3A_1127, %mul3A_1159 : i32
      %dma_wait3A_1161 = arith.constant 5 : i32
      %dma_wait3A_1162 = arith.constant 0 : i32
      %dma_wait3A_1163 = arith.constant 0 : i32
      %dma_wait3A_1164 = tpu.memref_slice %arg7[%dma_wait3A_1161, %dma_wait3A_1162, %dma_wait3A_1163] : memref<8x128x32xi32, #tpu.memory_space<vmem>> -> memref<1x128x32xi32, #tpu.memory_space<vmem>>
      %dma_wait3A_1165 = tpu.memref_squeeze %dma_wait3A_1164 : memref<1x128x32xi32, #tpu.memory_space<vmem>> -> memref<128x32xi32, #tpu.memory_space<vmem>>
      %dma_wait3A_1166 = tpu.memref_slice %arg5[%mul3A_1160] : memref<16384xi32, #tpu.memory_space<vmem>> -> memref<128xi32, #tpu.memory_space<vmem>>
      %dma_wait3A_1167 = arith.constant 0 : i32
      %dma_wait3A_1168 = arith.constant 0 : i32
      %dma_wait3A_1169 = tpu.memref_slice %arg3[%dma_wait3A_1167, %dma_wait3A_1168] : memref<100000x32xi32, #tpu.memory_space<hbm>> -> memref<100000x32xi32, #tpu.memory_space<hbm>>
      tpu.wait_indirect_dma semaphore(%arg13 : memref<!tpu.dma_semaphore, #tpu.memory_space<semaphore_mem>>) src(%dma_wait3A_1169 : memref<100000x32xi32, #tpu.memory_space<hbm>>) dst(%dma_wait3A_1165 : memref<128x32xi32, #tpu.memory_space<vmem>>)
      %mul3A_1170 = arith.constant 128 : i32
      %mul3A_1171 = arith.muli %add3A_1127, %mul3A_1170 : i32
      %add3A_1172 = arith.addi %mul3A_2, %mul3A_1171 : i32
      %dma_start3A_1173 = arith.constant 5 : i32
      %dma_start3A_1174 = arith.constant 0 : i32
      %dma_start3A_1175 = arith.constant 0 : i32
      %dma_start3A_1176 = tpu.memref_slice %arg7[%dma_start3A_1173, %dma_start3A_1174, %dma_start3A_1175] : memref<8x128x32xi32, #tpu.memory_space<vmem>> -> memref<1x128x32xi32, #tpu.memory_space<vmem>>
      %dma_start3A_1177 = tpu.memref_squeeze %dma_start3A_1176 : memref<1x128x32xi32, #tpu.memory_space<vmem>> -> memref<128x32xi32, #tpu.memory_space<vmem>>
      %dma_start3A_1178 = arith.constant 0 : i32
      %dma_start3A_1179 = tpu.memref_slice %arg4[%add3A_1172, %dma_start3A_1178] : memref<524288x32xi32, #tpu.memory_space<hbm>> -> memref<128x32xi32, #tpu.memory_space<hbm>>
      %dma_start3A_1180 = arith.constant 0 : i32
      %dma_start3A_1181 = tpu.memref_slice %arg4[%add3A_1172, %dma_start3A_1180] : memref<524288x32xi32, #tpu.memory_space<hbm>> -> memref<128x32xi32, #tpu.memory_space<hbm>>
      %dma_start3A_1182 = arith.constant 0 : i32
      %dma_start3A_1183 = arith.constant 0 : i32
      %dma_start3A_1184 = tpu.memref_slice %arg7[%dma_start3A_1173, %dma_start3A_1182, %dma_start3A_1183] : memref<8x128x32xi32, #tpu.memory_space<vmem>> -> memref<1x128x32xi32, #tpu.memory_space<vmem>>
      %dma_start3A_1185 = tpu.memref_squeeze %dma_start3A_1184 : memref<1x128x32xi32, #tpu.memory_space<vmem>> -> memref<128x32xi32, #tpu.memory_space<vmem>>
      tpu.enqueue_dma source(%dma_start3A_1185 : memref<128x32xi32, #tpu.memory_space<vmem>>) target(%dma_start3A_1181 : memref<128x32xi32, #tpu.memory_space<hbm>>) target_semaphore(%arg21 : memref<!tpu.dma_semaphore, #tpu.memory_space<semaphore_mem>>)
      %mul3A_1186 = arith.constant 8 : i32
      %mul3A_1187 = arith.muli %scan3A_814, %mul3A_1186 : i32
      %add3A_1188 = arith.constant 6 : i32
      %add3A_1189 = arith.addi %mul3A_1187, %add3A_1188 : i32
      %sub3A_1190 = arith.constant 4 : i32
      %sub3A_1191 = arith.subi %add3A_1189, %sub3A_1190 : i32
      %mul3A_1192 = arith.constant 128 : i32
      %mul3A_1193 = arith.muli %sub3A_1191, %mul3A_1192 : i32
      %add3A_1194 = arith.addi %mul3A_2, %mul3A_1193 : i32
      %dma_wait3A_1195 = arith.constant 2 : i32
      %dma_wait3A_1196 = arith.constant 0 : i32
      %dma_wait3A_1197 = arith.constant 0 : i32
      %dma_wait3A_1198 = tpu.memref_slice %arg7[%dma_wait3A_1195, %dma_wait3A_1196, %dma_wait3A_1197] : memref<8x128x32xi32, #tpu.memory_space<vmem>> -> memref<1x128x32xi32, #tpu.memory_space<vmem>>
      %dma_wait3A_1199 = tpu.memref_squeeze %dma_wait3A_1198 : memref<1x128x32xi32, #tpu.memory_space<vmem>> -> memref<128x32xi32, #tpu.memory_space<vmem>>
      %dma_wait3A_1200 = arith.constant 0 : i32
      %dma_wait3A_1201 = tpu.memref_slice %arg4[%add3A_1194, %dma_wait3A_1200] : memref<524288x32xi32, #tpu.memory_space<hbm>> -> memref<128x32xi32, #tpu.memory_space<hbm>>
      %dma_wait3A_1202 = arith.constant 0 : i32
      %dma_wait3A_1203 = tpu.memref_slice %arg4[%add3A_1194, %dma_wait3A_1202] : memref<524288x32xi32, #tpu.memory_space<hbm>> -> memref<128x32xi32, #tpu.memory_space<hbm>>
      %dma_wait3A_1204 = arith.constant 0 : i32
      %dma_wait3A_1205 = arith.constant 0 : i32
      %dma_wait3A_1206 = tpu.memref_slice %arg7[%dma_wait3A_1195, %dma_wait3A_1204, %dma_wait3A_1205] : memref<8x128x32xi32, #tpu.memory_space<vmem>> -> memref<1x128x32xi32, #tpu.memory_space<vmem>>
      %dma_wait3A_1207 = tpu.memref_squeeze %dma_wait3A_1206 : memref<1x128x32xi32, #tpu.memory_space<vmem>> -> memref<128x32xi32, #tpu.memory_space<vmem>>
      tpu.wait_dma2 semaphore(%arg18 : memref<!tpu.dma_semaphore, #tpu.memory_space<semaphore_mem>>) src(%dma_wait3A_1207 : memref<128x32xi32, #tpu.memory_space<vmem>>) dst(%dma_wait3A_1203 : memref<128x32xi32, #tpu.memory_space<hbm>>)
      %add3A_1208 = arith.constant 4 : i32
      %add3A_1209 = arith.addi %add3A_1189, %add3A_1208 : i32
      %mul3A_1210 = arith.constant 128 : i32
      %mul3A_1211 = arith.muli %add3A_1209, %mul3A_1210 : i32
      %dma_start3A_1212 = arith.constant 2 : i32
      %dma_start3A_1213 = arith.constant 0 : i32
      %dma_start3A_1214 = arith.constant 0 : i32
      %dma_start3A_1215 = tpu.memref_slice %arg7[%dma_start3A_1212, %dma_start3A_1213, %dma_start3A_1214] : memref<8x128x32xi32, #tpu.memory_space<vmem>> -> memref<1x128x32xi32, #tpu.memory_space<vmem>>
      %dma_start3A_1216 = tpu.memref_squeeze %dma_start3A_1215 : memref<1x128x32xi32, #tpu.memory_space<vmem>> -> memref<128x32xi32, #tpu.memory_space<vmem>>
      %dma_start3A_1217 = tpu.memref_slice %arg5[%mul3A_1211] : memref<16384xi32, #tpu.memory_space<vmem>> -> memref<128xi32, #tpu.memory_space<vmem>>
      %dma_start3A_1218 = arith.constant 0 : i32
      %dma_start3A_1219 = arith.constant 0 : i32
      %dma_start3A_1220 = tpu.memref_slice %arg3[%dma_start3A_1218, %dma_start3A_1219] : memref<100000x32xi32, #tpu.memory_space<hbm>> -> memref<100000x32xi32, #tpu.memory_space<hbm>>
      tpu.enqueue_indirect_dma source(%dma_start3A_1220 : memref<100000x32xi32, #tpu.memory_space<hbm>>) target(%dma_start3A_1216 : memref<128x32xi32, #tpu.memory_space<vmem>>) offsets(%dma_start3A_1217 : memref<128xi32, #tpu.memory_space<vmem>>) semaphore(%arg10 : memref<!tpu.dma_semaphore, #tpu.memory_space<semaphore_mem>>)
      %mul3A_1221 = arith.constant 128 : i32
      %mul3A_1222 = arith.muli %add3A_1189, %mul3A_1221 : i32
      %dma_wait3A_1223 = arith.constant 6 : i32
      %dma_wait3A_1224 = arith.constant 0 : i32
      %dma_wait3A_1225 = arith.constant 0 : i32
      %dma_wait3A_1226 = tpu.memref_slice %arg7[%dma_wait3A_1223, %dma_wait3A_1224, %dma_wait3A_1225] : memref<8x128x32xi32, #tpu.memory_space<vmem>> -> memref<1x128x32xi32, #tpu.memory_space<vmem>>
      %dma_wait3A_1227 = tpu.memref_squeeze %dma_wait3A_1226 : memref<1x128x32xi32, #tpu.memory_space<vmem>> -> memref<128x32xi32, #tpu.memory_space<vmem>>
      %dma_wait3A_1228 = tpu.memref_slice %arg5[%mul3A_1222] : memref<16384xi32, #tpu.memory_space<vmem>> -> memref<128xi32, #tpu.memory_space<vmem>>
      %dma_wait3A_1229 = arith.constant 0 : i32
      %dma_wait3A_1230 = arith.constant 0 : i32
      %dma_wait3A_1231 = tpu.memref_slice %arg3[%dma_wait3A_1229, %dma_wait3A_1230] : memref<100000x32xi32, #tpu.memory_space<hbm>> -> memref<100000x32xi32, #tpu.memory_space<hbm>>
      tpu.wait_indirect_dma semaphore(%arg14 : memref<!tpu.dma_semaphore, #tpu.memory_space<semaphore_mem>>) src(%dma_wait3A_1231 : memref<100000x32xi32, #tpu.memory_space<hbm>>) dst(%dma_wait3A_1227 : memref<128x32xi32, #tpu.memory_space<vmem>>)
      %mul3A_1232 = arith.constant 128 : i32
      %mul3A_1233 = arith.muli %add3A_1189, %mul3A_1232 : i32
      %add3A_1234 = arith.addi %mul3A_2, %mul3A_1233 : i32
      %dma_start3A_1235 = arith.constant 6 : i32
      %dma_start3A_1236 = arith.constant 0 : i32
      %dma_start3A_1237 = arith.constant 0 : i32
      %dma_start3A_1238 = tpu.memref_slice %arg7[%dma_start3A_1235, %dma_start3A_1236, %dma_start3A_1237] : memref<8x128x32xi32, #tpu.memory_space<vmem>> -> memref<1x128x32xi32, #tpu.memory_space<vmem>>
      %dma_start3A_1239 = tpu.memref_squeeze %dma_start3A_1238 : memref<1x128x32xi32, #tpu.memory_space<vmem>> -> memref<128x32xi32, #tpu.memory_space<vmem>>
      %dma_start3A_1240 = arith.constant 0 : i32
      %dma_start3A_1241 = tpu.memref_slice %arg4[%add3A_1234, %dma_start3A_1240] : memref<524288x32xi32, #tpu.memory_space<hbm>> -> memref<128x32xi32, #tpu.memory_space<hbm>>
      %dma_start3A_1242 = arith.constant 0 : i32
      %dma_start3A_1243 = tpu.memref_slice %arg4[%add3A_1234, %dma_start3A_1242] : memref<524288x32xi32, #tpu.memory_space<hbm>> -> memref<128x32xi32, #tpu.memory_space<hbm>>
      %dma_start3A_1244 = arith.constant 0 : i32
      %dma_start3A_1245 = arith.constant 0 : i32
      %dma_start3A_1246 = tpu.memref_slice %arg7[%dma_start3A_1235, %dma_start3A_1244, %dma_start3A_1245] : memref<8x128x32xi32, #tpu.memory_space<vmem>> -> memref<1x128x32xi32, #tpu.memory_space<vmem>>
      %dma_start3A_1247 = tpu.memref_squeeze %dma_start3A_1246 : memref<1x128x32xi32, #tpu.memory_space<vmem>> -> memref<128x32xi32, #tpu.memory_space<vmem>>
      tpu.enqueue_dma source(%dma_start3A_1247 : memref<128x32xi32, #tpu.memory_space<vmem>>) target(%dma_start3A_1243 : memref<128x32xi32, #tpu.memory_space<hbm>>) target_semaphore(%arg22 : memref<!tpu.dma_semaphore, #tpu.memory_space<semaphore_mem>>)
      %mul3A_1248 = arith.constant 8 : i32
      %mul3A_1249 = arith.muli %scan3A_814, %mul3A_1248 : i32
      %add3A_1250 = arith.constant 7 : i32
      %add3A_1251 = arith.addi %mul3A_1249, %add3A_1250 : i32
      %sub3A_1252 = arith.constant 4 : i32
      %sub3A_1253 = arith.subi %add3A_1251, %sub3A_1252 : i32
      %mul3A_1254 = arith.constant 128 : i32
      %mul3A_1255 = arith.muli %sub3A_1253, %mul3A_1254 : i32
      %add3A_1256 = arith.addi %mul3A_2, %mul3A_1255 : i32
      %dma_wait3A_1257 = arith.constant 3 : i32
      %dma_wait3A_1258 = arith.constant 0 : i32
      %dma_wait3A_1259 = arith.constant 0 : i32
      %dma_wait3A_1260 = tpu.memref_slice %arg7[%dma_wait3A_1257, %dma_wait3A_1258, %dma_wait3A_1259] : memref<8x128x32xi32, #tpu.memory_space<vmem>> -> memref<1x128x32xi32, #tpu.memory_space<vmem>>
      %dma_wait3A_1261 = tpu.memref_squeeze %dma_wait3A_1260 : memref<1x128x32xi32, #tpu.memory_space<vmem>> -> memref<128x32xi32, #tpu.memory_space<vmem>>
      %dma_wait3A_1262 = arith.constant 0 : i32
      %dma_wait3A_1263 = tpu.memref_slice %arg4[%add3A_1256, %dma_wait3A_1262] : memref<524288x32xi32, #tpu.memory_space<hbm>> -> memref<128x32xi32, #tpu.memory_space<hbm>>
      %dma_wait3A_1264 = arith.constant 0 : i32
      %dma_wait3A_1265 = tpu.memref_slice %arg4[%add3A_1256, %dma_wait3A_1264] : memref<524288x32xi32, #tpu.memory_space<hbm>> -> memref<128x32xi32, #tpu.memory_space<hbm>>
      %dma_wait3A_1266 = arith.constant 0 : i32
      %dma_wait3A_1267 = arith.constant 0 : i32
      %dma_wait3A_1268 = tpu.memref_slice %arg7[%dma_wait3A_1257, %dma_wait3A_1266, %dma_wait3A_1267] : memref<8x128x32xi32, #tpu.memory_space<vmem>> -> memref<1x128x32xi32, #tpu.memory_space<vmem>>
      %dma_wait3A_1269 = tpu.memref_squeeze %dma_wait3A_1268 : memref<1x128x32xi32, #tpu.memory_space<vmem>> -> memref<128x32xi32, #tpu.memory_space<vmem>>
      tpu.wait_dma2 semaphore(%arg19 : memref<!tpu.dma_semaphore, #tpu.memory_space<semaphore_mem>>) src(%dma_wait3A_1269 : memref<128x32xi32, #tpu.memory_space<vmem>>) dst(%dma_wait3A_1265 : memref<128x32xi32, #tpu.memory_space<hbm>>)
      %add3A_1270 = arith.constant 4 : i32
      %add3A_1271 = arith.addi %add3A_1251, %add3A_1270 : i32
      %mul3A_1272 = arith.constant 128 : i32
      %mul3A_1273 = arith.muli %add3A_1271, %mul3A_1272 : i32
      %dma_start3A_1274 = arith.constant 3 : i32
      %dma_start3A_1275 = arith.constant 0 : i32
      %dma_start3A_1276 = arith.constant 0 : i32
      %dma_start3A_1277 = tpu.memref_slice %arg7[%dma_start3A_1274, %dma_start3A_1275, %dma_start3A_1276] : memref<8x128x32xi32, #tpu.memory_space<vmem>> -> memref<1x128x32xi32, #tpu.memory_space<vmem>>
      %dma_start3A_1278 = tpu.memref_squeeze %dma_start3A_1277 : memref<1x128x32xi32, #tpu.memory_space<vmem>> -> memref<128x32xi32, #tpu.memory_space<vmem>>
      %dma_start3A_1279 = tpu.memref_slice %arg5[%mul3A_1273] : memref<16384xi32, #tpu.memory_space<vmem>> -> memref<128xi32, #tpu.memory_space<vmem>>
      %dma_start3A_1280 = arith.constant 0 : i32
      %dma_start3A_1281 = arith.constant 0 : i32
      %dma_start3A_1282 = tpu.memref_slice %arg3[%dma_start3A_1280, %dma_start3A_1281] : memref<100000x32xi32, #tpu.memory_space<hbm>> -> memref<100000x32xi32, #tpu.memory_space<hbm>>
      tpu.enqueue_indirect_dma source(%dma_start3A_1282 : memref<100000x32xi32, #tpu.memory_space<hbm>>) target(%dma_start3A_1278 : memref<128x32xi32, #tpu.memory_space<vmem>>) offsets(%dma_start3A_1279 : memref<128xi32, #tpu.memory_space<vmem>>) semaphore(%arg11 : memref<!tpu.dma_semaphore, #tpu.memory_space<semaphore_mem>>)
      %mul3A_1283 = arith.constant 128 : i32
      %mul3A_1284 = arith.muli %add3A_1251, %mul3A_1283 : i32
      %dma_wait3A_1285 = arith.constant 7 : i32
      %dma_wait3A_1286 = arith.constant 0 : i32
      %dma_wait3A_1287 = arith.constant 0 : i32
      %dma_wait3A_1288 = tpu.memref_slice %arg7[%dma_wait3A_1285, %dma_wait3A_1286, %dma_wait3A_1287] : memref<8x128x32xi32, #tpu.memory_space<vmem>> -> memref<1x128x32xi32, #tpu.memory_space<vmem>>
      %dma_wait3A_1289 = tpu.memref_squeeze %dma_wait3A_1288 : memref<1x128x32xi32, #tpu.memory_space<vmem>> -> memref<128x32xi32, #tpu.memory_space<vmem>>
      %dma_wait3A_1290 = tpu.memref_slice %arg5[%mul3A_1284] : memref<16384xi32, #tpu.memory_space<vmem>> -> memref<128xi32, #tpu.memory_space<vmem>>
      %dma_wait3A_1291 = arith.constant 0 : i32
      %dma_wait3A_1292 = arith.constant 0 : i32
      %dma_wait3A_1293 = tpu.memref_slice %arg3[%dma_wait3A_1291, %dma_wait3A_1292] : memref<100000x32xi32, #tpu.memory_space<hbm>> -> memref<100000x32xi32, #tpu.memory_space<hbm>>
      tpu.wait_indirect_dma semaphore(%arg15 : memref<!tpu.dma_semaphore, #tpu.memory_space<semaphore_mem>>) src(%dma_wait3A_1293 : memref<100000x32xi32, #tpu.memory_space<hbm>>) dst(%dma_wait3A_1289 : memref<128x32xi32, #tpu.memory_space<vmem>>)
      %mul3A_1294 = arith.constant 128 : i32
      %mul3A_1295 = arith.muli %add3A_1251, %mul3A_1294 : i32
      %add3A_1296 = arith.addi %mul3A_2, %mul3A_1295 : i32
      %dma_start3A_1297 = arith.constant 7 : i32
      %dma_start3A_1298 = arith.constant 0 : i32
      %dma_start3A_1299 = arith.constant 0 : i32
      %dma_start3A_1300 = tpu.memref_slice %arg7[%dma_start3A_1297, %dma_start3A_1298, %dma_start3A_1299] : memref<8x128x32xi32, #tpu.memory_space<vmem>> -> memref<1x128x32xi32, #tpu.memory_space<vmem>>
      %dma_start3A_1301 = tpu.memref_squeeze %dma_start3A_1300 : memref<1x128x32xi32, #tpu.memory_space<vmem>> -> memref<128x32xi32, #tpu.memory_space<vmem>>
      %dma_start3A_1302 = arith.constant 0 : i32
      %dma_start3A_1303 = tpu.memref_slice %arg4[%add3A_1296, %dma_start3A_1302] : memref<524288x32xi32, #tpu.memory_space<hbm>> -> memref<128x32xi32, #tpu.memory_space<hbm>>
      %dma_start3A_1304 = arith.constant 0 : i32
      %dma_start3A_1305 = tpu.memref_slice %arg4[%add3A_1296, %dma_start3A_1304] : memref<524288x32xi32, #tpu.memory_space<hbm>> -> memref<128x32xi32, #tpu.memory_space<hbm>>
      %dma_start3A_1306 = arith.constant 0 : i32
      %dma_start3A_1307 = arith.constant 0 : i32
      %dma_start3A_1308 = tpu.memref_slice %arg7[%dma_start3A_1297, %dma_start3A_1306, %dma_start3A_1307] : memref<8x128x32xi32, #tpu.memory_space<vmem>> -> memref<1x128x32xi32, #tpu.memory_space<vmem>>
      %dma_start3A_1309 = tpu.memref_squeeze %dma_start3A_1308 : memref<1x128x32xi32, #tpu.memory_space<vmem>> -> memref<128x32xi32, #tpu.memory_space<vmem>>
      tpu.enqueue_dma source(%dma_start3A_1309 : memref<128x32xi32, #tpu.memory_space<vmem>>) target(%dma_start3A_1305 : memref<128x32xi32, #tpu.memory_space<hbm>>) target_semaphore(%arg23 : memref<!tpu.dma_semaphore, #tpu.memory_space<semaphore_mem>>)
    }
    %scan3A_393 = arith.constant 14 : i32
    %add3A_394 = arith.constant 14848 : i32
    %add3A_395 = arith.addi %mul3A_2, %add3A_394 : i32
    %dma_wait3A_396 = arith.constant 4 : i32
    %dma_wait3A_397 = arith.constant 0 : i32
    %dma_wait3A_398 = arith.constant 0 : i32
    %dma_wait3A_399 = tpu.memref_slice %arg7[%dma_wait3A_396, %dma_wait3A_397, %dma_wait3A_398] : memref<8x128x32xi32, #tpu.memory_space<vmem>> -> memref<1x128x32xi32, #tpu.memory_space<vmem>>
    %dma_wait3A_400 = tpu.memref_squeeze %dma_wait3A_399 : memref<1x128x32xi32, #tpu.memory_space<vmem>> -> memref<128x32xi32, #tpu.memory_space<vmem>>
    %dma_wait3A_401 = arith.constant 0 : i32
    %dma_wait3A_402 = tpu.memref_slice %arg4[%add3A_395, %dma_wait3A_401] : memref<524288x32xi32, #tpu.memory_space<hbm>> -> memref<128x32xi32, #tpu.memory_space<hbm>>
    %dma_wait3A_403 = arith.constant 0 : i32
    %dma_wait3A_404 = tpu.memref_slice %arg4[%add3A_395, %dma_wait3A_403] : memref<524288x32xi32, #tpu.memory_space<hbm>> -> memref<128x32xi32, #tpu.memory_space<hbm>>
    %dma_wait3A_405 = arith.constant 0 : i32
    %dma_wait3A_406 = arith.constant 0 : i32
    %dma_wait3A_407 = tpu.memref_slice %arg7[%dma_wait3A_396, %dma_wait3A_405, %dma_wait3A_406] : memref<8x128x32xi32, #tpu.memory_space<vmem>> -> memref<1x128x32xi32, #tpu.memory_space<vmem>>
    %dma_wait3A_408 = tpu.memref_squeeze %dma_wait3A_407 : memref<1x128x32xi32, #tpu.memory_space<vmem>> -> memref<128x32xi32, #tpu.memory_space<vmem>>
    tpu.wait_dma2 semaphore(%arg20 : memref<!tpu.dma_semaphore, #tpu.memory_space<semaphore_mem>>) src(%dma_wait3A_408 : memref<128x32xi32, #tpu.memory_space<vmem>>) dst(%dma_wait3A_404 : memref<128x32xi32, #tpu.memory_space<hbm>>)
    %dma_start3A_409 = arith.constant 4 : i32
    %dma_start3A_410 = arith.constant 0 : i32
    %dma_start3A_411 = arith.constant 0 : i32
    %dma_start3A_412 = tpu.memref_slice %arg7[%dma_start3A_409, %dma_start3A_410, %dma_start3A_411] : memref<8x128x32xi32, #tpu.memory_space<vmem>> -> memref<1x128x32xi32, #tpu.memory_space<vmem>>
    %dma_start3A_413 = tpu.memref_squeeze %dma_start3A_412 : memref<1x128x32xi32, #tpu.memory_space<vmem>> -> memref<128x32xi32, #tpu.memory_space<vmem>>
    %dma_start3A_414 = arith.constant 15872 : i32
    %dma_start3A_415 = tpu.memref_slice %arg5[%dma_start3A_414] : memref<16384xi32, #tpu.memory_space<vmem>> -> memref<128xi32, #tpu.memory_space<vmem>>
    %dma_start3A_416 = arith.constant 0 : i32
    %dma_start3A_417 = arith.constant 0 : i32
    %dma_start3A_418 = tpu.memref_slice %arg3[%dma_start3A_416, %dma_start3A_417] : memref<100000x32xi32, #tpu.memory_space<hbm>> -> memref<100000x32xi32, #tpu.memory_space<hbm>>
    tpu.enqueue_indirect_dma source(%dma_start3A_418 : memref<100000x32xi32, #tpu.memory_space<hbm>>) target(%dma_start3A_413 : memref<128x32xi32, #tpu.memory_space<vmem>>) offsets(%dma_start3A_415 : memref<128xi32, #tpu.memory_space<vmem>>) semaphore(%arg12 : memref<!tpu.dma_semaphore, #tpu.memory_space<semaphore_mem>>)
    %dma_wait3A_419 = arith.constant 0 : i32
    %dma_wait3A_420 = arith.constant 0 : i32
    %dma_wait3A_421 = arith.constant 0 : i32
    %dma_wait3A_422 = tpu.memref_slice %arg7[%dma_wait3A_419, %dma_wait3A_420, %dma_wait3A_421] : memref<8x128x32xi32, #tpu.memory_space<vmem>> -> memref<1x128x32xi32, #tpu.memory_space<vmem>>
    %dma_wait3A_423 = tpu.memref_squeeze %dma_wait3A_422 : memref<1x128x32xi32, #tpu.memory_space<vmem>> -> memref<128x32xi32, #tpu.memory_space<vmem>>
    %dma_wait3A_424 = arith.constant 15360 : i32
    %dma_wait3A_425 = tpu.memref_slice %arg5[%dma_wait3A_424] : memref<16384xi32, #tpu.memory_space<vmem>> -> memref<128xi32, #tpu.memory_space<vmem>>
    %dma_wait3A_426 = arith.constant 0 : i32
    %dma_wait3A_427 = arith.constant 0 : i32
    %dma_wait3A_428 = tpu.memref_slice %arg3[%dma_wait3A_426, %dma_wait3A_427] : memref<100000x32xi32, #tpu.memory_space<hbm>> -> memref<100000x32xi32, #tpu.memory_space<hbm>>
    tpu.wait_indirect_dma semaphore(%arg8 : memref<!tpu.dma_semaphore, #tpu.memory_space<semaphore_mem>>) src(%dma_wait3A_428 : memref<100000x32xi32, #tpu.memory_space<hbm>>) dst(%dma_wait3A_423 : memref<128x32xi32, #tpu.memory_space<vmem>>)
    %add3A_429 = arith.constant 15360 : i32
    %add3A_430 = arith.addi %mul3A_2, %add3A_429 : i32
    %dma_start3A_431 = arith.constant 0 : i32
    %dma_start3A_432 = arith.constant 0 : i32
    %dma_start3A_433 = arith.constant 0 : i32
    %dma_start3A_434 = tpu.memref_slice %arg7[%dma_start3A_431, %dma_start3A_432, %dma_start3A_433] : memref<8x128x32xi32, #tpu.memory_space<vmem>> -> memref<1x128x32xi32, #tpu.memory_space<vmem>>
    %dma_start3A_435 = tpu.memref_squeeze %dma_start3A_434 : memref<1x128x32xi32, #tpu.memory_space<vmem>> -> memref<128x32xi32, #tpu.memory_space<vmem>>
    %dma_start3A_436 = arith.constant 0 : i32
    %dma_start3A_437 = tpu.memref_slice %arg4[%add3A_430, %dma_start3A_436] : memref<524288x32xi32, #tpu.memory_space<hbm>> -> memref<128x32xi32, #tpu.memory_space<hbm>>
    %dma_start3A_438 = arith.constant 0 : i32
    %dma_start3A_439 = tpu.memref_slice %arg4[%add3A_430, %dma_start3A_438] : memref<524288x32xi32, #tpu.memory_space<hbm>> -> memref<128x32xi32, #tpu.memory_space<hbm>>
    %dma_start3A_440 = arith.constant 0 : i32
    %dma_start3A_441 = arith.constant 0 : i32
    %dma_start3A_442 = tpu.memref_slice %arg7[%dma_start3A_431, %dma_start3A_440, %dma_start3A_441] : memref<8x128x32xi32, #tpu.memory_space<vmem>> -> memref<1x128x32xi32, #tpu.memory_space<vmem>>
    %dma_start3A_443 = tpu.memref_squeeze %dma_start3A_442 : memref<1x128x32xi32, #tpu.memory_space<vmem>> -> memref<128x32xi32, #tpu.memory_space<vmem>>
    tpu.enqueue_dma source(%dma_start3A_443 : memref<128x32xi32, #tpu.memory_space<vmem>>) target(%dma_start3A_439 : memref<128x32xi32, #tpu.memory_space<hbm>>) target_semaphore(%arg16 : memref<!tpu.dma_semaphore, #tpu.memory_space<semaphore_mem>>)
    %add3A_444 = arith.constant 14976 : i32
    %add3A_445 = arith.addi %mul3A_2, %add3A_444 : i32
    %dma_wait3A_446 = arith.constant 5 : i32
    %dma_wait3A_447 = arith.constant 0 : i32
    %dma_wait3A_448 = arith.constant 0 : i32
    %dma_wait3A_449 = tpu.memref_slice %arg7[%dma_wait3A_446, %dma_wait3A_447, %dma_wait3A_448] : memref<8x128x32xi32, #tpu.memory_space<vmem>> -> memref<1x128x32xi32, #tpu.memory_space<vmem>>
    %dma_wait3A_450 = tpu.memref_squeeze %dma_wait3A_449 : memref<1x128x32xi32, #tpu.memory_space<vmem>> -> memref<128x32xi32, #tpu.memory_space<vmem>>
    %dma_wait3A_451 = arith.constant 0 : i32
    %dma_wait3A_452 = tpu.memref_slice %arg4[%add3A_445, %dma_wait3A_451] : memref<524288x32xi32, #tpu.memory_space<hbm>> -> memref<128x32xi32, #tpu.memory_space<hbm>>
    %dma_wait3A_453 = arith.constant 0 : i32
    %dma_wait3A_454 = tpu.memref_slice %arg4[%add3A_445, %dma_wait3A_453] : memref<524288x32xi32, #tpu.memory_space<hbm>> -> memref<128x32xi32, #tpu.memory_space<hbm>>
    %dma_wait3A_455 = arith.constant 0 : i32
    %dma_wait3A_456 = arith.constant 0 : i32
    %dma_wait3A_457 = tpu.memref_slice %arg7[%dma_wait3A_446, %dma_wait3A_455, %dma_wait3A_456] : memref<8x128x32xi32, #tpu.memory_space<vmem>> -> memref<1x128x32xi32, #tpu.memory_space<vmem>>
    %dma_wait3A_458 = tpu.memref_squeeze %dma_wait3A_457 : memref<1x128x32xi32, #tpu.memory_space<vmem>> -> memref<128x32xi32, #tpu.memory_space<vmem>>
    tpu.wait_dma2 semaphore(%arg21 : memref<!tpu.dma_semaphore, #tpu.memory_space<semaphore_mem>>) src(%dma_wait3A_458 : memref<128x32xi32, #tpu.memory_space<vmem>>) dst(%dma_wait3A_454 : memref<128x32xi32, #tpu.memory_space<hbm>>)
    %dma_start3A_459 = arith.constant 5 : i32
    %dma_start3A_460 = arith.constant 0 : i32
    %dma_start3A_461 = arith.constant 0 : i32
    %dma_start3A_462 = tpu.memref_slice %arg7[%dma_start3A_459, %dma_start3A_460, %dma_start3A_461] : memref<8x128x32xi32, #tpu.memory_space<vmem>> -> memref<1x128x32xi32, #tpu.memory_space<vmem>>
    %dma_start3A_463 = tpu.memref_squeeze %dma_start3A_462 : memref<1x128x32xi32, #tpu.memory_space<vmem>> -> memref<128x32xi32, #tpu.memory_space<vmem>>
    %dma_start3A_464 = arith.constant 16000 : i32
    %dma_start3A_465 = tpu.memref_slice %arg5[%dma_start3A_464] : memref<16384xi32, #tpu.memory_space<vmem>> -> memref<128xi32, #tpu.memory_space<vmem>>
    %dma_start3A_466 = arith.constant 0 : i32
    %dma_start3A_467 = arith.constant 0 : i32
    %dma_start3A_468 = tpu.memref_slice %arg3[%dma_start3A_466, %dma_start3A_467] : memref<100000x32xi32, #tpu.memory_space<hbm>> -> memref<100000x32xi32, #tpu.memory_space<hbm>>
    tpu.enqueue_indirect_dma source(%dma_start3A_468 : memref<100000x32xi32, #tpu.memory_space<hbm>>) target(%dma_start3A_463 : memref<128x32xi32, #tpu.memory_space<vmem>>) offsets(%dma_start3A_465 : memref<128xi32, #tpu.memory_space<vmem>>) semaphore(%arg13 : memref<!tpu.dma_semaphore, #tpu.memory_space<semaphore_mem>>)
    %dma_wait3A_469 = arith.constant 1 : i32
    %dma_wait3A_470 = arith.constant 0 : i32
    %dma_wait3A_471 = arith.constant 0 : i32
    %dma_wait3A_472 = tpu.memref_slice %arg7[%dma_wait3A_469, %dma_wait3A_470, %dma_wait3A_471] : memref<8x128x32xi32, #tpu.memory_space<vmem>> -> memref<1x128x32xi32, #tpu.memory_space<vmem>>
    %dma_wait3A_473 = tpu.memref_squeeze %dma_wait3A_472 : memref<1x128x32xi32, #tpu.memory_space<vmem>> -> memref<128x32xi32, #tpu.memory_space<vmem>>
    %dma_wait3A_474 = arith.constant 15488 : i32
    %dma_wait3A_475 = tpu.memref_slice %arg5[%dma_wait3A_474] : memref<16384xi32, #tpu.memory_space<vmem>> -> memref<128xi32, #tpu.memory_space<vmem>>
    %dma_wait3A_476 = arith.constant 0 : i32
    %dma_wait3A_477 = arith.constant 0 : i32
    %dma_wait3A_478 = tpu.memref_slice %arg3[%dma_wait3A_476, %dma_wait3A_477] : memref<100000x32xi32, #tpu.memory_space<hbm>> -> memref<100000x32xi32, #tpu.memory_space<hbm>>
    tpu.wait_indirect_dma semaphore(%arg9 : memref<!tpu.dma_semaphore, #tpu.memory_space<semaphore_mem>>) src(%dma_wait3A_478 : memref<100000x32xi32, #tpu.memory_space<hbm>>) dst(%dma_wait3A_473 : memref<128x32xi32, #tpu.memory_space<vmem>>)
    %add3A_479 = arith.constant 15488 : i32
    %add3A_480 = arith.addi %mul3A_2, %add3A_479 : i32
    %dma_start3A_481 = arith.constant 1 : i32
    %dma_start3A_482 = arith.constant 0 : i32
    %dma_start3A_483 = arith.constant 0 : i32
    %dma_start3A_484 = tpu.memref_slice %arg7[%dma_start3A_481, %dma_start3A_482, %dma_start3A_483] : memref<8x128x32xi32, #tpu.memory_space<vmem>> -> memref<1x128x32xi32, #tpu.memory_space<vmem>>
    %dma_start3A_485 = tpu.memref_squeeze %dma_start3A_484 : memref<1x128x32xi32, #tpu.memory_space<vmem>> -> memref<128x32xi32, #tpu.memory_space<vmem>>
    %dma_start3A_486 = arith.constant 0 : i32
    %dma_start3A_487 = tpu.memref_slice %arg4[%add3A_480, %dma_start3A_486] : memref<524288x32xi32, #tpu.memory_space<hbm>> -> memref<128x32xi32, #tpu.memory_space<hbm>>
    %dma_start3A_488 = arith.constant 0 : i32
    %dma_start3A_489 = tpu.memref_slice %arg4[%add3A_480, %dma_start3A_488] : memref<524288x32xi32, #tpu.memory_space<hbm>> -> memref<128x32xi32, #tpu.memory_space<hbm>>
    %dma_start3A_490 = arith.constant 0 : i32
    %dma_start3A_491 = arith.constant 0 : i32
    %dma_start3A_492 = tpu.memref_slice %arg7[%dma_start3A_481, %dma_start3A_490, %dma_start3A_491] : memref<8x128x32xi32, #tpu.memory_space<vmem>> -> memref<1x128x32xi32, #tpu.memory_space<vmem>>
    %dma_start3A_493 = tpu.memref_squeeze %dma_start3A_492 : memref<1x128x32xi32, #tpu.memory_space<vmem>> -> memref<128x32xi32, #tpu.memory_space<vmem>>
    tpu.enqueue_dma source(%dma_start3A_493 : memref<128x32xi32, #tpu.memory_space<vmem>>) target(%dma_start3A_489 : memref<128x32xi32, #tpu.memory_space<hbm>>) target_semaphore(%arg17 : memref<!tpu.dma_semaphore, #tpu.memory_space<semaphore_mem>>)
    %add3A_494 = arith.constant 15104 : i32
    %add3A_495 = arith.addi %mul3A_2, %add3A_494 : i32
    %dma_wait3A_496 = arith.constant 6 : i32
    %dma_wait3A_497 = arith.constant 0 : i32
    %dma_wait3A_498 = arith.constant 0 : i32
    %dma_wait3A_499 = tpu.memref_slice %arg7[%dma_wait3A_496, %dma_wait3A_497, %dma_wait3A_498] : memref<8x128x32xi32, #tpu.memory_space<vmem>> -> memref<1x128x32xi32, #tpu.memory_space<vmem>>
    %dma_wait3A_500 = tpu.memref_squeeze %dma_wait3A_499 : memref<1x128x32xi32, #tpu.memory_space<vmem>> -> memref<128x32xi32, #tpu.memory_space<vmem>>
    %dma_wait3A_501 = arith.constant 0 : i32
    %dma_wait3A_502 = tpu.memref_slice %arg4[%add3A_495, %dma_wait3A_501] : memref<524288x32xi32, #tpu.memory_space<hbm>> -> memref<128x32xi32, #tpu.memory_space<hbm>>
    %dma_wait3A_503 = arith.constant 0 : i32
    %dma_wait3A_504 = tpu.memref_slice %arg4[%add3A_495, %dma_wait3A_503] : memref<524288x32xi32, #tpu.memory_space<hbm>> -> memref<128x32xi32, #tpu.memory_space<hbm>>
    %dma_wait3A_505 = arith.constant 0 : i32
    %dma_wait3A_506 = arith.constant 0 : i32
    %dma_wait3A_507 = tpu.memref_slice %arg7[%dma_wait3A_496, %dma_wait3A_505, %dma_wait3A_506] : memref<8x128x32xi32, #tpu.memory_space<vmem>> -> memref<1x128x32xi32, #tpu.memory_space<vmem>>
    %dma_wait3A_508 = tpu.memref_squeeze %dma_wait3A_507 : memref<1x128x32xi32, #tpu.memory_space<vmem>> -> memref<128x32xi32, #tpu.memory_space<vmem>>
    tpu.wait_dma2 semaphore(%arg22 : memref<!tpu.dma_semaphore, #tpu.memory_space<semaphore_mem>>) src(%dma_wait3A_508 : memref<128x32xi32, #tpu.memory_space<vmem>>) dst(%dma_wait3A_504 : memref<128x32xi32, #tpu.memory_space<hbm>>)
    %dma_start3A_509 = arith.constant 6 : i32
    %dma_start3A_510 = arith.constant 0 : i32
    %dma_start3A_511 = arith.constant 0 : i32
    %dma_start3A_512 = tpu.memref_slice %arg7[%dma_start3A_509, %dma_start3A_510, %dma_start3A_511] : memref<8x128x32xi32, #tpu.memory_space<vmem>> -> memref<1x128x32xi32, #tpu.memory_space<vmem>>
    %dma_start3A_513 = tpu.memref_squeeze %dma_start3A_512 : memref<1x128x32xi32, #tpu.memory_space<vmem>> -> memref<128x32xi32, #tpu.memory_space<vmem>>
    %dma_start3A_514 = arith.constant 16128 : i32
    %dma_start3A_515 = tpu.memref_slice %arg5[%dma_start3A_514] : memref<16384xi32, #tpu.memory_space<vmem>> -> memref<128xi32, #tpu.memory_space<vmem>>
    %dma_start3A_516 = arith.constant 0 : i32
    %dma_start3A_517 = arith.constant 0 : i32
    %dma_start3A_518 = tpu.memref_slice %arg3[%dma_start3A_516, %dma_start3A_517] : memref<100000x32xi32, #tpu.memory_space<hbm>> -> memref<100000x32xi32, #tpu.memory_space<hbm>>
    tpu.enqueue_indirect_dma source(%dma_start3A_518 : memref<100000x32xi32, #tpu.memory_space<hbm>>) target(%dma_start3A_513 : memref<128x32xi32, #tpu.memory_space<vmem>>) offsets(%dma_start3A_515 : memref<128xi32, #tpu.memory_space<vmem>>) semaphore(%arg14 : memref<!tpu.dma_semaphore, #tpu.memory_space<semaphore_mem>>)
    %dma_wait3A_519 = arith.constant 2 : i32
    %dma_wait3A_520 = arith.constant 0 : i32
    %dma_wait3A_521 = arith.constant 0 : i32
    %dma_wait3A_522 = tpu.memref_slice %arg7[%dma_wait3A_519, %dma_wait3A_520, %dma_wait3A_521] : memref<8x128x32xi32, #tpu.memory_space<vmem>> -> memref<1x128x32xi32, #tpu.memory_space<vmem>>
    %dma_wait3A_523 = tpu.memref_squeeze %dma_wait3A_522 : memref<1x128x32xi32, #tpu.memory_space<vmem>> -> memref<128x32xi32, #tpu.memory_space<vmem>>
    %dma_wait3A_524 = arith.constant 15616 : i32
    %dma_wait3A_525 = tpu.memref_slice %arg5[%dma_wait3A_524] : memref<16384xi32, #tpu.memory_space<vmem>> -> memref<128xi32, #tpu.memory_space<vmem>>
    %dma_wait3A_526 = arith.constant 0 : i32
    %dma_wait3A_527 = arith.constant 0 : i32
    %dma_wait3A_528 = tpu.memref_slice %arg3[%dma_wait3A_526, %dma_wait3A_527] : memref<100000x32xi32, #tpu.memory_space<hbm>> -> memref<100000x32xi32, #tpu.memory_space<hbm>>
    tpu.wait_indirect_dma semaphore(%arg10 : memref<!tpu.dma_semaphore, #tpu.memory_space<semaphore_mem>>) src(%dma_wait3A_528 : memref<100000x32xi32, #tpu.memory_space<hbm>>) dst(%dma_wait3A_523 : memref<128x32xi32, #tpu.memory_space<vmem>>)
    %add3A_529 = arith.constant 15616 : i32
    %add3A_530 = arith.addi %mul3A_2, %add3A_529 : i32
    %dma_start3A_531 = arith.constant 2 : i32
    %dma_start3A_532 = arith.constant 0 : i32
    %dma_start3A_533 = arith.constant 0 : i32
    %dma_start3A_534 = tpu.memref_slice %arg7[%dma_start3A_531, %dma_start3A_532, %dma_start3A_533] : memref<8x128x32xi32, #tpu.memory_space<vmem>> -> memref<1x128x32xi32, #tpu.memory_space<vmem>>
    %dma_start3A_535 = tpu.memref_squeeze %dma_start3A_534 : memref<1x128x32xi32, #tpu.memory_space<vmem>> -> memref<128x32xi32, #tpu.memory_space<vmem>>
    %dma_start3A_536 = arith.constant 0 : i32
    %dma_start3A_537 = tpu.memref_slice %arg4[%add3A_530, %dma_start3A_536] : memref<524288x32xi32, #tpu.memory_space<hbm>> -> memref<128x32xi32, #tpu.memory_space<hbm>>
    %dma_start3A_538 = arith.constant 0 : i32
    %dma_start3A_539 = tpu.memref_slice %arg4[%add3A_530, %dma_start3A_538] : memref<524288x32xi32, #tpu.memory_space<hbm>> -> memref<128x32xi32, #tpu.memory_space<hbm>>
    %dma_start3A_540 = arith.constant 0 : i32
    %dma_start3A_541 = arith.constant 0 : i32
    %dma_start3A_542 = tpu.memref_slice %arg7[%dma_start3A_531, %dma_start3A_540, %dma_start3A_541] : memref<8x128x32xi32, #tpu.memory_space<vmem>> -> memref<1x128x32xi32, #tpu.memory_space<vmem>>
    %dma_start3A_543 = tpu.memref_squeeze %dma_start3A_542 : memref<1x128x32xi32, #tpu.memory_space<vmem>> -> memref<128x32xi32, #tpu.memory_space<vmem>>
    tpu.enqueue_dma source(%dma_start3A_543 : memref<128x32xi32, #tpu.memory_space<vmem>>) target(%dma_start3A_539 : memref<128x32xi32, #tpu.memory_space<hbm>>) target_semaphore(%arg18 : memref<!tpu.dma_semaphore, #tpu.memory_space<semaphore_mem>>)
    %add3A_544 = arith.constant 15232 : i32
    %add3A_545 = arith.addi %mul3A_2, %add3A_544 : i32
    %dma_wait3A_546 = arith.constant 7 : i32
    %dma_wait3A_547 = arith.constant 0 : i32
    %dma_wait3A_548 = arith.constant 0 : i32
    %dma_wait3A_549 = tpu.memref_slice %arg7[%dma_wait3A_546, %dma_wait3A_547, %dma_wait3A_548] : memref<8x128x32xi32, #tpu.memory_space<vmem>> -> memref<1x128x32xi32, #tpu.memory_space<vmem>>
    %dma_wait3A_550 = tpu.memref_squeeze %dma_wait3A_549 : memref<1x128x32xi32, #tpu.memory_space<vmem>> -> memref<128x32xi32, #tpu.memory_space<vmem>>
    %dma_wait3A_551 = arith.constant 0 : i32
    %dma_wait3A_552 = tpu.memref_slice %arg4[%add3A_545, %dma_wait3A_551] : memref<524288x32xi32, #tpu.memory_space<hbm>> -> memref<128x32xi32, #tpu.memory_space<hbm>>
    %dma_wait3A_553 = arith.constant 0 : i32
    %dma_wait3A_554 = tpu.memref_slice %arg4[%add3A_545, %dma_wait3A_553] : memref<524288x32xi32, #tpu.memory_space<hbm>> -> memref<128x32xi32, #tpu.memory_space<hbm>>
    %dma_wait3A_555 = arith.constant 0 : i32
    %dma_wait3A_556 = arith.constant 0 : i32
    %dma_wait3A_557 = tpu.memref_slice %arg7[%dma_wait3A_546, %dma_wait3A_555, %dma_wait3A_556] : memref<8x128x32xi32, #tpu.memory_space<vmem>> -> memref<1x128x32xi32, #tpu.memory_space<vmem>>
    %dma_wait3A_558 = tpu.memref_squeeze %dma_wait3A_557 : memref<1x128x32xi32, #tpu.memory_space<vmem>> -> memref<128x32xi32, #tpu.memory_space<vmem>>
    tpu.wait_dma2 semaphore(%arg23 : memref<!tpu.dma_semaphore, #tpu.memory_space<semaphore_mem>>) src(%dma_wait3A_558 : memref<128x32xi32, #tpu.memory_space<vmem>>) dst(%dma_wait3A_554 : memref<128x32xi32, #tpu.memory_space<hbm>>)
    %dma_start3A_559 = arith.constant 7 : i32
    %dma_start3A_560 = arith.constant 0 : i32
    %dma_start3A_561 = arith.constant 0 : i32
    %dma_start3A_562 = tpu.memref_slice %arg7[%dma_start3A_559, %dma_start3A_560, %dma_start3A_561] : memref<8x128x32xi32, #tpu.memory_space<vmem>> -> memref<1x128x32xi32, #tpu.memory_space<vmem>>
    %dma_start3A_563 = tpu.memref_squeeze %dma_start3A_562 : memref<1x128x32xi32, #tpu.memory_space<vmem>> -> memref<128x32xi32, #tpu.memory_space<vmem>>
    %dma_start3A_564 = arith.constant 16256 : i32
    %dma_start3A_565 = tpu.memref_slice %arg5[%dma_start3A_564] : memref<16384xi32, #tpu.memory_space<vmem>> -> memref<128xi32, #tpu.memory_space<vmem>>
    %dma_start3A_566 = arith.constant 0 : i32
    %dma_start3A_567 = arith.constant 0 : i32
    %dma_start3A_568 = tpu.memref_slice %arg3[%dma_start3A_566, %dma_start3A_567] : memref<100000x32xi32, #tpu.memory_space<hbm>> -> memref<100000x32xi32, #tpu.memory_space<hbm>>
    tpu.enqueue_indirect_dma source(%dma_start3A_568 : memref<100000x32xi32, #tpu.memory_space<hbm>>) target(%dma_start3A_563 : memref<128x32xi32, #tpu.memory_space<vmem>>) offsets(%dma_start3A_565 : memref<128xi32, #tpu.memory_space<vmem>>) semaphore(%arg15 : memref<!tpu.dma_semaphore, #tpu.memory_space<semaphore_mem>>)
    %dma_wait3A_569 = arith.constant 3 : i32
    %dma_wait3A_570 = arith.constant 0 : i32
    %dma_wait3A_571 = arith.constant 0 : i32
    %dma_wait3A_572 = tpu.memref_slice %arg7[%dma_wait3A_569, %dma_wait3A_570, %dma_wait3A_571] : memref<8x128x32xi32, #tpu.memory_space<vmem>> -> memref<1x128x32xi32, #tpu.memory_space<vmem>>
    %dma_wait3A_573 = tpu.memref_squeeze %dma_wait3A_572 : memref<1x128x32xi32, #tpu.memory_space<vmem>> -> memref<128x32xi32, #tpu.memory_space<vmem>>
    %dma_wait3A_574 = arith.constant 15744 : i32
    %dma_wait3A_575 = tpu.memref_slice %arg5[%dma_wait3A_574] : memref<16384xi32, #tpu.memory_space<vmem>> -> memref<128xi32, #tpu.memory_space<vmem>>
    %dma_wait3A_576 = arith.constant 0 : i32
    %dma_wait3A_577 = arith.constant 0 : i32
    %dma_wait3A_578 = tpu.memref_slice %arg3[%dma_wait3A_576, %dma_wait3A_577] : memref<100000x32xi32, #tpu.memory_space<hbm>> -> memref<100000x32xi32, #tpu.memory_space<hbm>>
    tpu.wait_indirect_dma semaphore(%arg11 : memref<!tpu.dma_semaphore, #tpu.memory_space<semaphore_mem>>) src(%dma_wait3A_578 : memref<100000x32xi32, #tpu.memory_space<hbm>>) dst(%dma_wait3A_573 : memref<128x32xi32, #tpu.memory_space<vmem>>)
    %add3A_579 = arith.constant 15744 : i32
    %add3A_580 = arith.addi %mul3A_2, %add3A_579 : i32
    %dma_start3A_581 = arith.constant 3 : i32
    %dma_start3A_582 = arith.constant 0 : i32
    %dma_start3A_583 = arith.constant 0 : i32
    %dma_start3A_584 = tpu.memref_slice %arg7[%dma_start3A_581, %dma_start3A_582, %dma_start3A_583] : memref<8x128x32xi32, #tpu.memory_space<vmem>> -> memref<1x128x32xi32, #tpu.memory_space<vmem>>
    %dma_start3A_585 = tpu.memref_squeeze %dma_start3A_584 : memref<1x128x32xi32, #tpu.memory_space<vmem>> -> memref<128x32xi32, #tpu.memory_space<vmem>>
    %dma_start3A_586 = arith.constant 0 : i32
    %dma_start3A_587 = tpu.memref_slice %arg4[%add3A_580, %dma_start3A_586] : memref<524288x32xi32, #tpu.memory_space<hbm>> -> memref<128x32xi32, #tpu.memory_space<hbm>>
    %dma_start3A_588 = arith.constant 0 : i32
    %dma_start3A_589 = tpu.memref_slice %arg4[%add3A_580, %dma_start3A_588] : memref<524288x32xi32, #tpu.memory_space<hbm>> -> memref<128x32xi32, #tpu.memory_space<hbm>>
    %dma_start3A_590 = arith.constant 0 : i32
    %dma_start3A_591 = arith.constant 0 : i32
    %dma_start3A_592 = tpu.memref_slice %arg7[%dma_start3A_581, %dma_start3A_590, %dma_start3A_591] : memref<8x128x32xi32, #tpu.memory_space<vmem>> -> memref<1x128x32xi32, #tpu.memory_space<vmem>>
    %dma_start3A_593 = tpu.memref_squeeze %dma_start3A_592 : memref<1x128x32xi32, #tpu.memory_space<vmem>> -> memref<128x32xi32, #tpu.memory_space<vmem>>
    tpu.enqueue_dma source(%dma_start3A_593 : memref<128x32xi32, #tpu.memory_space<vmem>>) target(%dma_start3A_589 : memref<128x32xi32, #tpu.memory_space<hbm>>) target_semaphore(%arg19 : memref<!tpu.dma_semaphore, #tpu.memory_space<semaphore_mem>>)
    %dma_wait3A_594 = arith.constant 4 : i32
    %dma_wait3A_595 = arith.constant 0 : i32
    %dma_wait3A_596 = arith.constant 0 : i32
    %dma_wait3A_597 = tpu.memref_slice %arg7[%dma_wait3A_594, %dma_wait3A_595, %dma_wait3A_596] : memref<8x128x32xi32, #tpu.memory_space<vmem>> -> memref<1x128x32xi32, #tpu.memory_space<vmem>>
    %dma_wait3A_598 = tpu.memref_squeeze %dma_wait3A_597 : memref<1x128x32xi32, #tpu.memory_space<vmem>> -> memref<128x32xi32, #tpu.memory_space<vmem>>
    %dma_wait3A_599 = arith.constant 15872 : i32
    %dma_wait3A_600 = tpu.memref_slice %arg5[%dma_wait3A_599] : memref<16384xi32, #tpu.memory_space<vmem>> -> memref<128xi32, #tpu.memory_space<vmem>>
    %dma_wait3A_601 = arith.constant 0 : i32
    %dma_wait3A_602 = arith.constant 0 : i32
    %dma_wait3A_603 = tpu.memref_slice %arg3[%dma_wait3A_601, %dma_wait3A_602] : memref<100000x32xi32, #tpu.memory_space<hbm>> -> memref<100000x32xi32, #tpu.memory_space<hbm>>
    tpu.wait_indirect_dma semaphore(%arg12 : memref<!tpu.dma_semaphore, #tpu.memory_space<semaphore_mem>>) src(%dma_wait3A_603 : memref<100000x32xi32, #tpu.memory_space<hbm>>) dst(%dma_wait3A_598 : memref<128x32xi32, #tpu.memory_space<vmem>>)
    %add3A_604 = arith.constant 15872 : i32
    %add3A_605 = arith.addi %mul3A_2, %add3A_604 : i32
    %dma_start3A_606 = arith.constant 4 : i32
    %dma_start3A_607 = arith.constant 0 : i32
    %dma_start3A_608 = arith.constant 0 : i32
    %dma_start3A_609 = tpu.memref_slice %arg7[%dma_start3A_606, %dma_start3A_607, %dma_start3A_608] : memref<8x128x32xi32, #tpu.memory_space<vmem>> -> memref<1x128x32xi32, #tpu.memory_space<vmem>>
    %dma_start3A_610 = tpu.memref_squeeze %dma_start3A_609 : memref<1x128x32xi32, #tpu.memory_space<vmem>> -> memref<128x32xi32, #tpu.memory_space<vmem>>
    %dma_start3A_611 = arith.constant 0 : i32
    %dma_start3A_612 = tpu.memref_slice %arg4[%add3A_605, %dma_start3A_611] : memref<524288x32xi32, #tpu.memory_space<hbm>> -> memref<128x32xi32, #tpu.memory_space<hbm>>
    %dma_start3A_613 = arith.constant 0 : i32
    %dma_start3A_614 = tpu.memref_slice %arg4[%add3A_605, %dma_start3A_613] : memref<524288x32xi32, #tpu.memory_space<hbm>> -> memref<128x32xi32, #tpu.memory_space<hbm>>
    %dma_start3A_615 = arith.constant 0 : i32
    %dma_start3A_616 = arith.constant 0 : i32
    %dma_start3A_617 = tpu.memref_slice %arg7[%dma_start3A_606, %dma_start3A_615, %dma_start3A_616] : memref<8x128x32xi32, #tpu.memory_space<vmem>> -> memref<1x128x32xi32, #tpu.memory_space<vmem>>
    %dma_start3A_618 = tpu.memref_squeeze %dma_start3A_617 : memref<1x128x32xi32, #tpu.memory_space<vmem>> -> memref<128x32xi32, #tpu.memory_space<vmem>>
    tpu.enqueue_dma source(%dma_start3A_618 : memref<128x32xi32, #tpu.memory_space<vmem>>) target(%dma_start3A_614 : memref<128x32xi32, #tpu.memory_space<hbm>>) target_semaphore(%arg20 : memref<!tpu.dma_semaphore, #tpu.memory_space<semaphore_mem>>)
    %dma_wait3A_619 = arith.constant 5 : i32
    %dma_wait3A_620 = arith.constant 0 : i32
    %dma_wait3A_621 = arith.constant 0 : i32
    %dma_wait3A_622 = tpu.memref_slice %arg7[%dma_wait3A_619, %dma_wait3A_620, %dma_wait3A_621] : memref<8x128x32xi32, #tpu.memory_space<vmem>> -> memref<1x128x32xi32, #tpu.memory_space<vmem>>
    %dma_wait3A_623 = tpu.memref_squeeze %dma_wait3A_622 : memref<1x128x32xi32, #tpu.memory_space<vmem>> -> memref<128x32xi32, #tpu.memory_space<vmem>>
    %dma_wait3A_624 = arith.constant 16000 : i32
    %dma_wait3A_625 = tpu.memref_slice %arg5[%dma_wait3A_624] : memref<16384xi32, #tpu.memory_space<vmem>> -> memref<128xi32, #tpu.memory_space<vmem>>
    %dma_wait3A_626 = arith.constant 0 : i32
    %dma_wait3A_627 = arith.constant 0 : i32
    %dma_wait3A_628 = tpu.memref_slice %arg3[%dma_wait3A_626, %dma_wait3A_627] : memref<100000x32xi32, #tpu.memory_space<hbm>> -> memref<100000x32xi32, #tpu.memory_space<hbm>>
    tpu.wait_indirect_dma semaphore(%arg13 : memref<!tpu.dma_semaphore, #tpu.memory_space<semaphore_mem>>) src(%dma_wait3A_628 : memref<100000x32xi32, #tpu.memory_space<hbm>>) dst(%dma_wait3A_623 : memref<128x32xi32, #tpu.memory_space<vmem>>)
    %add3A_629 = arith.constant 16000 : i32
    %add3A_630 = arith.addi %mul3A_2, %add3A_629 : i32
    %dma_start3A_631 = arith.constant 5 : i32
    %dma_start3A_632 = arith.constant 0 : i32
    %dma_start3A_633 = arith.constant 0 : i32
    %dma_start3A_634 = tpu.memref_slice %arg7[%dma_start3A_631, %dma_start3A_632, %dma_start3A_633] : memref<8x128x32xi32, #tpu.memory_space<vmem>> -> memref<1x128x32xi32, #tpu.memory_space<vmem>>
    %dma_start3A_635 = tpu.memref_squeeze %dma_start3A_634 : memref<1x128x32xi32, #tpu.memory_space<vmem>> -> memref<128x32xi32, #tpu.memory_space<vmem>>
    %dma_start3A_636 = arith.constant 0 : i32
    %dma_start3A_637 = tpu.memref_slice %arg4[%add3A_630, %dma_start3A_636] : memref<524288x32xi32, #tpu.memory_space<hbm>> -> memref<128x32xi32, #tpu.memory_space<hbm>>
    %dma_start3A_638 = arith.constant 0 : i32
    %dma_start3A_639 = tpu.memref_slice %arg4[%add3A_630, %dma_start3A_638] : memref<524288x32xi32, #tpu.memory_space<hbm>> -> memref<128x32xi32, #tpu.memory_space<hbm>>
    %dma_start3A_640 = arith.constant 0 : i32
    %dma_start3A_641 = arith.constant 0 : i32
    %dma_start3A_642 = tpu.memref_slice %arg7[%dma_start3A_631, %dma_start3A_640, %dma_start3A_641] : memref<8x128x32xi32, #tpu.memory_space<vmem>> -> memref<1x128x32xi32, #tpu.memory_space<vmem>>
    %dma_start3A_643 = tpu.memref_squeeze %dma_start3A_642 : memref<1x128x32xi32, #tpu.memory_space<vmem>> -> memref<128x32xi32, #tpu.memory_space<vmem>>
    tpu.enqueue_dma source(%dma_start3A_643 : memref<128x32xi32, #tpu.memory_space<vmem>>) target(%dma_start3A_639 : memref<128x32xi32, #tpu.memory_space<hbm>>) target_semaphore(%arg21 : memref<!tpu.dma_semaphore, #tpu.memory_space<semaphore_mem>>)
    %dma_wait3A_644 = arith.constant 6 : i32
    %dma_wait3A_645 = arith.constant 0 : i32
    %dma_wait3A_646 = arith.constant 0 : i32
    %dma_wait3A_647 = tpu.memref_slice %arg7[%dma_wait3A_644, %dma_wait3A_645, %dma_wait3A_646] : memref<8x128x32xi32, #tpu.memory_space<vmem>> -> memref<1x128x32xi32, #tpu.memory_space<vmem>>
    %dma_wait3A_648 = tpu.memref_squeeze %dma_wait3A_647 : memref<1x128x32xi32, #tpu.memory_space<vmem>> -> memref<128x32xi32, #tpu.memory_space<vmem>>
    %dma_wait3A_649 = arith.constant 16128 : i32
    %dma_wait3A_650 = tpu.memref_slice %arg5[%dma_wait3A_649] : memref<16384xi32, #tpu.memory_space<vmem>> -> memref<128xi32, #tpu.memory_space<vmem>>
    %dma_wait3A_651 = arith.constant 0 : i32
    %dma_wait3A_652 = arith.constant 0 : i32
    %dma_wait3A_653 = tpu.memref_slice %arg3[%dma_wait3A_651, %dma_wait3A_652] : memref<100000x32xi32, #tpu.memory_space<hbm>> -> memref<100000x32xi32, #tpu.memory_space<hbm>>
    tpu.wait_indirect_dma semaphore(%arg14 : memref<!tpu.dma_semaphore, #tpu.memory_space<semaphore_mem>>) src(%dma_wait3A_653 : memref<100000x32xi32, #tpu.memory_space<hbm>>) dst(%dma_wait3A_648 : memref<128x32xi32, #tpu.memory_space<vmem>>)
    %add3A_654 = arith.constant 16128 : i32
    %add3A_655 = arith.addi %mul3A_2, %add3A_654 : i32
    %dma_start3A_656 = arith.constant 6 : i32
    %dma_start3A_657 = arith.constant 0 : i32
    %dma_start3A_658 = arith.constant 0 : i32
    %dma_start3A_659 = tpu.memref_slice %arg7[%dma_start3A_656, %dma_start3A_657, %dma_start3A_658] : memref<8x128x32xi32, #tpu.memory_space<vmem>> -> memref<1x128x32xi32, #tpu.memory_space<vmem>>
    %dma_start3A_660 = tpu.memref_squeeze %dma_start3A_659 : memref<1x128x32xi32, #tpu.memory_space<vmem>> -> memref<128x32xi32, #tpu.memory_space<vmem>>
    %dma_start3A_661 = arith.constant 0 : i32
    %dma_start3A_662 = tpu.memref_slice %arg4[%add3A_655, %dma_start3A_661] : memref<524288x32xi32, #tpu.memory_space<hbm>> -> memref<128x32xi32, #tpu.memory_space<hbm>>
    %dma_start3A_663 = arith.constant 0 : i32
    %dma_start3A_664 = tpu.memref_slice %arg4[%add3A_655, %dma_start3A_663] : memref<524288x32xi32, #tpu.memory_space<hbm>> -> memref<128x32xi32, #tpu.memory_space<hbm>>
    %dma_start3A_665 = arith.constant 0 : i32
    %dma_start3A_666 = arith.constant 0 : i32
    %dma_start3A_667 = tpu.memref_slice %arg7[%dma_start3A_656, %dma_start3A_665, %dma_start3A_666] : memref<8x128x32xi32, #tpu.memory_space<vmem>> -> memref<1x128x32xi32, #tpu.memory_space<vmem>>
    %dma_start3A_668 = tpu.memref_squeeze %dma_start3A_667 : memref<1x128x32xi32, #tpu.memory_space<vmem>> -> memref<128x32xi32, #tpu.memory_space<vmem>>
    tpu.enqueue_dma source(%dma_start3A_668 : memref<128x32xi32, #tpu.memory_space<vmem>>) target(%dma_start3A_664 : memref<128x32xi32, #tpu.memory_space<hbm>>) target_semaphore(%arg22 : memref<!tpu.dma_semaphore, #tpu.memory_space<semaphore_mem>>)
    %dma_wait3A_669 = arith.constant 7 : i32
    %dma_wait3A_670 = arith.constant 0 : i32
    %dma_wait3A_671 = arith.constant 0 : i32
    %dma_wait3A_672 = tpu.memref_slice %arg7[%dma_wait3A_669, %dma_wait3A_670, %dma_wait3A_671] : memref<8x128x32xi32, #tpu.memory_space<vmem>> -> memref<1x128x32xi32, #tpu.memory_space<vmem>>
    %dma_wait3A_673 = tpu.memref_squeeze %dma_wait3A_672 : memref<1x128x32xi32, #tpu.memory_space<vmem>> -> memref<128x32xi32, #tpu.memory_space<vmem>>
    %dma_wait3A_674 = arith.constant 16256 : i32
    %dma_wait3A_675 = tpu.memref_slice %arg5[%dma_wait3A_674] : memref<16384xi32, #tpu.memory_space<vmem>> -> memref<128xi32, #tpu.memory_space<vmem>>
    %dma_wait3A_676 = arith.constant 0 : i32
    %dma_wait3A_677 = arith.constant 0 : i32
    %dma_wait3A_678 = tpu.memref_slice %arg3[%dma_wait3A_676, %dma_wait3A_677] : memref<100000x32xi32, #tpu.memory_space<hbm>> -> memref<100000x32xi32, #tpu.memory_space<hbm>>
    tpu.wait_indirect_dma semaphore(%arg15 : memref<!tpu.dma_semaphore, #tpu.memory_space<semaphore_mem>>) src(%dma_wait3A_678 : memref<100000x32xi32, #tpu.memory_space<hbm>>) dst(%dma_wait3A_673 : memref<128x32xi32, #tpu.memory_space<vmem>>)
    %add3A_679 = arith.constant 16256 : i32
    %add3A_680 = arith.addi %mul3A_2, %add3A_679 : i32
    %dma_start3A_681 = arith.constant 7 : i32
    %dma_start3A_682 = arith.constant 0 : i32
    %dma_start3A_683 = arith.constant 0 : i32
    %dma_start3A_684 = tpu.memref_slice %arg7[%dma_start3A_681, %dma_start3A_682, %dma_start3A_683] : memref<8x128x32xi32, #tpu.memory_space<vmem>> -> memref<1x128x32xi32, #tpu.memory_space<vmem>>
    %dma_start3A_685 = tpu.memref_squeeze %dma_start3A_684 : memref<1x128x32xi32, #tpu.memory_space<vmem>> -> memref<128x32xi32, #tpu.memory_space<vmem>>
    %dma_start3A_686 = arith.constant 0 : i32
    %dma_start3A_687 = tpu.memref_slice %arg4[%add3A_680, %dma_start3A_686] : memref<524288x32xi32, #tpu.memory_space<hbm>> -> memref<128x32xi32, #tpu.memory_space<hbm>>
    %dma_start3A_688 = arith.constant 0 : i32
    %dma_start3A_689 = tpu.memref_slice %arg4[%add3A_680, %dma_start3A_688] : memref<524288x32xi32, #tpu.memory_space<hbm>> -> memref<128x32xi32, #tpu.memory_space<hbm>>
    %dma_start3A_690 = arith.constant 0 : i32
    %dma_start3A_691 = arith.constant 0 : i32
    %dma_start3A_692 = tpu.memref_slice %arg7[%dma_start3A_681, %dma_start3A_690, %dma_start3A_691] : memref<8x128x32xi32, #tpu.memory_space<vmem>> -> memref<1x128x32xi32, #tpu.memory_space<vmem>>
    %dma_start3A_693 = tpu.memref_squeeze %dma_start3A_692 : memref<1x128x32xi32, #tpu.memory_space<vmem>> -> memref<128x32xi32, #tpu.memory_space<vmem>>
    tpu.enqueue_dma source(%dma_start3A_693 : memref<128x32xi32, #tpu.memory_space<vmem>>) target(%dma_start3A_689 : memref<128x32xi32, #tpu.memory_space<hbm>>) target_semaphore(%arg23 : memref<!tpu.dma_semaphore, #tpu.memory_space<semaphore_mem>>)
    %add3A_694 = arith.constant 15360 : i32
    %add3A_695 = arith.addi %mul3A_2, %add3A_694 : i32
    %dma_wait3A_696 = arith.constant 0 : i32
    %dma_wait3A_697 = arith.constant 0 : i32
    %dma_wait3A_698 = arith.constant 0 : i32
    %dma_wait3A_699 = tpu.memref_slice %arg7[%dma_wait3A_696, %dma_wait3A_697, %dma_wait3A_698] : memref<8x128x32xi32, #tpu.memory_space<vmem>> -> memref<1x128x32xi32, #tpu.memory_space<vmem>>
    %dma_wait3A_700 = tpu.memref_squeeze %dma_wait3A_699 : memref<1x128x32xi32, #tpu.memory_space<vmem>> -> memref<128x32xi32, #tpu.memory_space<vmem>>
    %dma_wait3A_701 = arith.constant 0 : i32
    %dma_wait3A_702 = tpu.memref_slice %arg4[%add3A_695, %dma_wait3A_701] : memref<524288x32xi32, #tpu.memory_space<hbm>> -> memref<128x32xi32, #tpu.memory_space<hbm>>
    %dma_wait3A_703 = arith.constant 0 : i32
    %dma_wait3A_704 = tpu.memref_slice %arg4[%add3A_695, %dma_wait3A_703] : memref<524288x32xi32, #tpu.memory_space<hbm>> -> memref<128x32xi32, #tpu.memory_space<hbm>>
    %dma_wait3A_705 = arith.constant 0 : i32
    %dma_wait3A_706 = arith.constant 0 : i32
    %dma_wait3A_707 = tpu.memref_slice %arg7[%dma_wait3A_696, %dma_wait3A_705, %dma_wait3A_706] : memref<8x128x32xi32, #tpu.memory_space<vmem>> -> memref<1x128x32xi32, #tpu.memory_space<vmem>>
    %dma_wait3A_708 = tpu.memref_squeeze %dma_wait3A_707 : memref<1x128x32xi32, #tpu.memory_space<vmem>> -> memref<128x32xi32, #tpu.memory_space<vmem>>
    tpu.wait_dma2 semaphore(%arg16 : memref<!tpu.dma_semaphore, #tpu.memory_space<semaphore_mem>>) src(%dma_wait3A_708 : memref<128x32xi32, #tpu.memory_space<vmem>>) dst(%dma_wait3A_704 : memref<128x32xi32, #tpu.memory_space<hbm>>)
    %add3A_709 = arith.constant 15488 : i32
    %add3A_710 = arith.addi %mul3A_2, %add3A_709 : i32
    %dma_wait3A_711 = arith.constant 1 : i32
    %dma_wait3A_712 = arith.constant 0 : i32
    %dma_wait3A_713 = arith.constant 0 : i32
    %dma_wait3A_714 = tpu.memref_slice %arg7[%dma_wait3A_711, %dma_wait3A_712, %dma_wait3A_713] : memref<8x128x32xi32, #tpu.memory_space<vmem>> -> memref<1x128x32xi32, #tpu.memory_space<vmem>>
    %dma_wait3A_715 = tpu.memref_squeeze %dma_wait3A_714 : memref<1x128x32xi32, #tpu.memory_space<vmem>> -> memref<128x32xi32, #tpu.memory_space<vmem>>
    %dma_wait3A_716 = arith.constant 0 : i32
    %dma_wait3A_717 = tpu.memref_slice %arg4[%add3A_710, %dma_wait3A_716] : memref<524288x32xi32, #tpu.memory_space<hbm>> -> memref<128x32xi32, #tpu.memory_space<hbm>>
    %dma_wait3A_718 = arith.constant 0 : i32
    %dma_wait3A_719 = tpu.memref_slice %arg4[%add3A_710, %dma_wait3A_718] : memref<524288x32xi32, #tpu.memory_space<hbm>> -> memref<128x32xi32, #tpu.memory_space<hbm>>
    %dma_wait3A_720 = arith.constant 0 : i32
    %dma_wait3A_721 = arith.constant 0 : i32
    %dma_wait3A_722 = tpu.memref_slice %arg7[%dma_wait3A_711, %dma_wait3A_720, %dma_wait3A_721] : memref<8x128x32xi32, #tpu.memory_space<vmem>> -> memref<1x128x32xi32, #tpu.memory_space<vmem>>
    %dma_wait3A_723 = tpu.memref_squeeze %dma_wait3A_722 : memref<1x128x32xi32, #tpu.memory_space<vmem>> -> memref<128x32xi32, #tpu.memory_space<vmem>>
    tpu.wait_dma2 semaphore(%arg17 : memref<!tpu.dma_semaphore, #tpu.memory_space<semaphore_mem>>) src(%dma_wait3A_723 : memref<128x32xi32, #tpu.memory_space<vmem>>) dst(%dma_wait3A_719 : memref<128x32xi32, #tpu.memory_space<hbm>>)
    %add3A_724 = arith.constant 15616 : i32
    %add3A_725 = arith.addi %mul3A_2, %add3A_724 : i32
    %dma_wait3A_726 = arith.constant 2 : i32
    %dma_wait3A_727 = arith.constant 0 : i32
    %dma_wait3A_728 = arith.constant 0 : i32
    %dma_wait3A_729 = tpu.memref_slice %arg7[%dma_wait3A_726, %dma_wait3A_727, %dma_wait3A_728] : memref<8x128x32xi32, #tpu.memory_space<vmem>> -> memref<1x128x32xi32, #tpu.memory_space<vmem>>
    %dma_wait3A_730 = tpu.memref_squeeze %dma_wait3A_729 : memref<1x128x32xi32, #tpu.memory_space<vmem>> -> memref<128x32xi32, #tpu.memory_space<vmem>>
    %dma_wait3A_731 = arith.constant 0 : i32
    %dma_wait3A_732 = tpu.memref_slice %arg4[%add3A_725, %dma_wait3A_731] : memref<524288x32xi32, #tpu.memory_space<hbm>> -> memref<128x32xi32, #tpu.memory_space<hbm>>
    %dma_wait3A_733 = arith.constant 0 : i32
    %dma_wait3A_734 = tpu.memref_slice %arg4[%add3A_725, %dma_wait3A_733] : memref<524288x32xi32, #tpu.memory_space<hbm>> -> memref<128x32xi32, #tpu.memory_space<hbm>>
    %dma_wait3A_735 = arith.constant 0 : i32
    %dma_wait3A_736 = arith.constant 0 : i32
    %dma_wait3A_737 = tpu.memref_slice %arg7[%dma_wait3A_726, %dma_wait3A_735, %dma_wait3A_736] : memref<8x128x32xi32, #tpu.memory_space<vmem>> -> memref<1x128x32xi32, #tpu.memory_space<vmem>>
    %dma_wait3A_738 = tpu.memref_squeeze %dma_wait3A_737 : memref<1x128x32xi32, #tpu.memory_space<vmem>> -> memref<128x32xi32, #tpu.memory_space<vmem>>
    tpu.wait_dma2 semaphore(%arg18 : memref<!tpu.dma_semaphore, #tpu.memory_space<semaphore_mem>>) src(%dma_wait3A_738 : memref<128x32xi32, #tpu.memory_space<vmem>>) dst(%dma_wait3A_734 : memref<128x32xi32, #tpu.memory_space<hbm>>)
    %add3A_739 = arith.constant 15744 : i32
    %add3A_740 = arith.addi %mul3A_2, %add3A_739 : i32
    %dma_wait3A_741 = arith.constant 3 : i32
    %dma_wait3A_742 = arith.constant 0 : i32
    %dma_wait3A_743 = arith.constant 0 : i32
    %dma_wait3A_744 = tpu.memref_slice %arg7[%dma_wait3A_741, %dma_wait3A_742, %dma_wait3A_743] : memref<8x128x32xi32, #tpu.memory_space<vmem>> -> memref<1x128x32xi32, #tpu.memory_space<vmem>>
    %dma_wait3A_745 = tpu.memref_squeeze %dma_wait3A_744 : memref<1x128x32xi32, #tpu.memory_space<vmem>> -> memref<128x32xi32, #tpu.memory_space<vmem>>
    %dma_wait3A_746 = arith.constant 0 : i32
    %dma_wait3A_747 = tpu.memref_slice %arg4[%add3A_740, %dma_wait3A_746] : memref<524288x32xi32, #tpu.memory_space<hbm>> -> memref<128x32xi32, #tpu.memory_space<hbm>>
    %dma_wait3A_748 = arith.constant 0 : i32
    %dma_wait3A_749 = tpu.memref_slice %arg4[%add3A_740, %dma_wait3A_748] : memref<524288x32xi32, #tpu.memory_space<hbm>> -> memref<128x32xi32, #tpu.memory_space<hbm>>
    %dma_wait3A_750 = arith.constant 0 : i32
    %dma_wait3A_751 = arith.constant 0 : i32
    %dma_wait3A_752 = tpu.memref_slice %arg7[%dma_wait3A_741, %dma_wait3A_750, %dma_wait3A_751] : memref<8x128x32xi32, #tpu.memory_space<vmem>> -> memref<1x128x32xi32, #tpu.memory_space<vmem>>
    %dma_wait3A_753 = tpu.memref_squeeze %dma_wait3A_752 : memref<1x128x32xi32, #tpu.memory_space<vmem>> -> memref<128x32xi32, #tpu.memory_space<vmem>>
    tpu.wait_dma2 semaphore(%arg19 : memref<!tpu.dma_semaphore, #tpu.memory_space<semaphore_mem>>) src(%dma_wait3A_753 : memref<128x32xi32, #tpu.memory_space<vmem>>) dst(%dma_wait3A_749 : memref<128x32xi32, #tpu.memory_space<hbm>>)
    %add3A_754 = arith.constant 15872 : i32
    %add3A_755 = arith.addi %mul3A_2, %add3A_754 : i32
    %dma_wait3A_756 = arith.constant 4 : i32
    %dma_wait3A_757 = arith.constant 0 : i32
    %dma_wait3A_758 = arith.constant 0 : i32
    %dma_wait3A_759 = tpu.memref_slice %arg7[%dma_wait3A_756, %dma_wait3A_757, %dma_wait3A_758] : memref<8x128x32xi32, #tpu.memory_space<vmem>> -> memref<1x128x32xi32, #tpu.memory_space<vmem>>
    %dma_wait3A_760 = tpu.memref_squeeze %dma_wait3A_759 : memref<1x128x32xi32, #tpu.memory_space<vmem>> -> memref<128x32xi32, #tpu.memory_space<vmem>>
    %dma_wait3A_761 = arith.constant 0 : i32
    %dma_wait3A_762 = tpu.memref_slice %arg4[%add3A_755, %dma_wait3A_761] : memref<524288x32xi32, #tpu.memory_space<hbm>> -> memref<128x32xi32, #tpu.memory_space<hbm>>
    %dma_wait3A_763 = arith.constant 0 : i32
    %dma_wait3A_764 = tpu.memref_slice %arg4[%add3A_755, %dma_wait3A_763] : memref<524288x32xi32, #tpu.memory_space<hbm>> -> memref<128x32xi32, #tpu.memory_space<hbm>>
    %dma_wait3A_765 = arith.constant 0 : i32
    %dma_wait3A_766 = arith.constant 0 : i32
    %dma_wait3A_767 = tpu.memref_slice %arg7[%dma_wait3A_756, %dma_wait3A_765, %dma_wait3A_766] : memref<8x128x32xi32, #tpu.memory_space<vmem>> -> memref<1x128x32xi32, #tpu.memory_space<vmem>>
    %dma_wait3A_768 = tpu.memref_squeeze %dma_wait3A_767 : memref<1x128x32xi32, #tpu.memory_space<vmem>> -> memref<128x32xi32, #tpu.memory_space<vmem>>
    tpu.wait_dma2 semaphore(%arg20 : memref<!tpu.dma_semaphore, #tpu.memory_space<semaphore_mem>>) src(%dma_wait3A_768 : memref<128x32xi32, #tpu.memory_space<vmem>>) dst(%dma_wait3A_764 : memref<128x32xi32, #tpu.memory_space<hbm>>)
    %add3A_769 = arith.constant 16000 : i32
    %add3A_770 = arith.addi %mul3A_2, %add3A_769 : i32
    %dma_wait3A_771 = arith.constant 5 : i32
    %dma_wait3A_772 = arith.constant 0 : i32
    %dma_wait3A_773 = arith.constant 0 : i32
    %dma_wait3A_774 = tpu.memref_slice %arg7[%dma_wait3A_771, %dma_wait3A_772, %dma_wait3A_773] : memref<8x128x32xi32, #tpu.memory_space<vmem>> -> memref<1x128x32xi32, #tpu.memory_space<vmem>>
    %dma_wait3A_775 = tpu.memref_squeeze %dma_wait3A_774 : memref<1x128x32xi32, #tpu.memory_space<vmem>> -> memref<128x32xi32, #tpu.memory_space<vmem>>
    %dma_wait3A_776 = arith.constant 0 : i32
    %dma_wait3A_777 = tpu.memref_slice %arg4[%add3A_770, %dma_wait3A_776] : memref<524288x32xi32, #tpu.memory_space<hbm>> -> memref<128x32xi32, #tpu.memory_space<hbm>>
    %dma_wait3A_778 = arith.constant 0 : i32
    %dma_wait3A_779 = tpu.memref_slice %arg4[%add3A_770, %dma_wait3A_778] : memref<524288x32xi32, #tpu.memory_space<hbm>> -> memref<128x32xi32, #tpu.memory_space<hbm>>
    %dma_wait3A_780 = arith.constant 0 : i32
    %dma_wait3A_781 = arith.constant 0 : i32
    %dma_wait3A_782 = tpu.memref_slice %arg7[%dma_wait3A_771, %dma_wait3A_780, %dma_wait3A_781] : memref<8x128x32xi32, #tpu.memory_space<vmem>> -> memref<1x128x32xi32, #tpu.memory_space<vmem>>
    %dma_wait3A_783 = tpu.memref_squeeze %dma_wait3A_782 : memref<1x128x32xi32, #tpu.memory_space<vmem>> -> memref<128x32xi32, #tpu.memory_space<vmem>>
    tpu.wait_dma2 semaphore(%arg21 : memref<!tpu.dma_semaphore, #tpu.memory_space<semaphore_mem>>) src(%dma_wait3A_783 : memref<128x32xi32, #tpu.memory_space<vmem>>) dst(%dma_wait3A_779 : memref<128x32xi32, #tpu.memory_space<hbm>>)
    %add3A_784 = arith.constant 16128 : i32
    %add3A_785 = arith.addi %mul3A_2, %add3A_784 : i32
    %dma_wait3A_786 = arith.constant 6 : i32
    %dma_wait3A_787 = arith.constant 0 : i32
    %dma_wait3A_788 = arith.constant 0 : i32
    %dma_wait3A_789 = tpu.memref_slice %arg7[%dma_wait3A_786, %dma_wait3A_787, %dma_wait3A_788] : memref<8x128x32xi32, #tpu.memory_space<vmem>> -> memref<1x128x32xi32, #tpu.memory_space<vmem>>
    %dma_wait3A_790 = tpu.memref_squeeze %dma_wait3A_789 : memref<1x128x32xi32, #tpu.memory_space<vmem>> -> memref<128x32xi32, #tpu.memory_space<vmem>>
    %dma_wait3A_791 = arith.constant 0 : i32
    %dma_wait3A_792 = tpu.memref_slice %arg4[%add3A_785, %dma_wait3A_791] : memref<524288x32xi32, #tpu.memory_space<hbm>> -> memref<128x32xi32, #tpu.memory_space<hbm>>
    %dma_wait3A_793 = arith.constant 0 : i32
    %dma_wait3A_794 = tpu.memref_slice %arg4[%add3A_785, %dma_wait3A_793] : memref<524288x32xi32, #tpu.memory_space<hbm>> -> memref<128x32xi32, #tpu.memory_space<hbm>>
    %dma_wait3A_795 = arith.constant 0 : i32
    %dma_wait3A_796 = arith.constant 0 : i32
    %dma_wait3A_797 = tpu.memref_slice %arg7[%dma_wait3A_786, %dma_wait3A_795, %dma_wait3A_796] : memref<8x128x32xi32, #tpu.memory_space<vmem>> -> memref<1x128x32xi32, #tpu.memory_space<vmem>>
    %dma_wait3A_798 = tpu.memref_squeeze %dma_wait3A_797 : memref<1x128x32xi32, #tpu.memory_space<vmem>> -> memref<128x32xi32, #tpu.memory_space<vmem>>
    tpu.wait_dma2 semaphore(%arg22 : memref<!tpu.dma_semaphore, #tpu.memory_space<semaphore_mem>>) src(%dma_wait3A_798 : memref<128x32xi32, #tpu.memory_space<vmem>>) dst(%dma_wait3A_794 : memref<128x32xi32, #tpu.memory_space<hbm>>)
    %add3A_799 = arith.constant 16256 : i32
    %add3A_800 = arith.addi %mul3A_2, %add3A_799 : i32
    %dma_wait3A_801 = arith.constant 7 : i32
    %dma_wait3A_802 = arith.constant 0 : i32
    %dma_wait3A_803 = arith.constant 0 : i32
    %dma_wait3A_804 = tpu.memref_slice %arg7[%dma_wait3A_801, %dma_wait3A_802, %dma_wait3A_803] : memref<8x128x32xi32, #tpu.memory_space<vmem>> -> memref<1x128x32xi32, #tpu.memory_space<vmem>>
    %dma_wait3A_805 = tpu.memref_squeeze %dma_wait3A_804 : memref<1x128x32xi32, #tpu.memory_space<vmem>> -> memref<128x32xi32, #tpu.memory_space<vmem>>
    %dma_wait3A_806 = arith.constant 0 : i32
    %dma_wait3A_807 = tpu.memref_slice %arg4[%add3A_800, %dma_wait3A_806] : memref<524288x32xi32, #tpu.memory_space<hbm>> -> memref<128x32xi32, #tpu.memory_space<hbm>>
    %dma_wait3A_808 = arith.constant 0 : i32
    %dma_wait3A_809 = tpu.memref_slice %arg4[%add3A_800, %dma_wait3A_808] : memref<524288x32xi32, #tpu.memory_space<hbm>> -> memref<128x32xi32, #tpu.memory_space<hbm>>
    %dma_wait3A_810 = arith.constant 0 : i32
    %dma_wait3A_811 = arith.constant 0 : i32
    %dma_wait3A_812 = tpu.memref_slice %arg7[%dma_wait3A_801, %dma_wait3A_810, %dma_wait3A_811] : memref<8x128x32xi32, #tpu.memory_space<vmem>> -> memref<1x128x32xi32, #tpu.memory_space<vmem>>
    %dma_wait3A_813 = tpu.memref_squeeze %dma_wait3A_812 : memref<1x128x32xi32, #tpu.memory_space<vmem>> -> memref<128x32xi32, #tpu.memory_space<vmem>>
    tpu.wait_dma2 semaphore(%arg23 : memref<!tpu.dma_semaphore, #tpu.memory_space<semaphore_mem>>) src(%dma_wait3A_813 : memref<128x32xi32, #tpu.memory_space<vmem>>) dst(%dma_wait3A_809 : memref<128x32xi32, #tpu.memory_space<hbm>>)
    return
  }
}

#map = affine_map<(d0, d1) -> (0, 0)>
module attributes {stable_mosaic.version = 14 : i64} {
  func.func @_hop2_body(%arg0: i32, %arg1: i32, %arg2: memref<16384x32xi32, #tpu.memory_space<hbm>>, %arg3: memref<100000x32xi32, #tpu.memory_space<hbm>>, %arg4: memref<524288x32xi32, #tpu.memory_space<hbm>>, %arg5: memref<16384xi32, #tpu.memory_space<vmem>>, %arg6: memref<512x32xi32, #tpu.memory_space<vmem>>, %arg7: memref<8x128x32xi32, #tpu.memory_space<vmem>>, %arg8: memref<!tpu.dma_semaphore, #tpu.memory_space<semaphore_mem>>, %arg9: memref<!tpu.dma_semaphore, #tpu.memory_space<semaphore_mem>>, %arg10: memref<!tpu.dma_semaphore, #tpu.memory_space<semaphore_mem>>, %arg11: memref<!tpu.dma_semaphore, #tpu.memory_space<semaphore_mem>>, %arg12: memref<!tpu.dma_semaphore, #tpu.memory_space<semaphore_mem>>, %arg13: memref<!tpu.dma_semaphore, #tpu.memory_space<semaphore_mem>>, %arg14: memref<!tpu.dma_semaphore, #tpu.memory_space<semaphore_mem>>, %arg15: memref<!tpu.dma_semaphore, #tpu.memory_space<semaphore_mem>>, %arg16: memref<!tpu.dma_semaphore, #tpu.memory_space<semaphore_mem>>, %arg17: memref<!tpu.dma_semaphore, #tpu.memory_space<semaphore_mem>>, %arg18: memref<!tpu.dma_semaphore, #tpu.memory_space<semaphore_mem>>, %arg19: memref<!tpu.dma_semaphore, #tpu.memory_space<semaphore_mem>>, %arg20: memref<!tpu.dma_semaphore, #tpu.memory_space<semaphore_mem>>, %arg21: memref<!tpu.dma_semaphore, #tpu.memory_space<semaphore_mem>>, %arg22: memref<!tpu.dma_semaphore, #tpu.memory_space<semaphore_mem>>, %arg23: memref<!tpu.dma_semaphore, #tpu.memory_space<semaphore_mem>>) attributes {dimension_semantics = [#tpu.dimension_semantics<core_parallel>, #tpu.dimension_semantics<subcore_parallel>], iteration_bounds = array<i64: 2, 16>, scalar_prefetch = 0 : i64, scratch_operands = 19 : i64, tpu.core_type = #tpu.core_type<sc_vector_subcore>, window_params = [{transform_indices = #map}, {transform_indices = #map}, {transform_indices = #map}]} {
    %mul3A = arith.constant 2 : i32
    %mul3A_0 = arith.muli %arg1, %mul3A : i32
    %add3A = arith.addi %mul3A_0, %arg0 : i32
    %mul3A_1 = arith.constant 16384 : i32
    %mul3A_2 = arith.muli %add3A, %mul3A_1 : i32
    %mul3A_3 = arith.constant 512 : i32
    %mul3A_4 = arith.muli %add3A, %mul3A_3 : i32
    "tpu.region"() ({
      %run_scoped3A = tpu.sem_alloc : memref<!tpu.dma_semaphore, #tpu.memory_space<semaphore_mem>>
      %dma_start3A_814 = arith.constant 0 : i32
      %dma_start3A_815 = tpu.memref_slice %arg2[%mul3A_4, %dma_start3A_814] : memref<16384x32xi32, #tpu.memory_space<hbm>> -> memref<512x32xi32, #tpu.memory_space<hbm>>
      %dma_start3A_816 = arith.constant 0 : i32
      %dma_start3A_817 = tpu.memref_slice %arg2[%mul3A_4, %dma_start3A_816] : memref<16384x32xi32, #tpu.memory_space<hbm>> -> memref<512x32xi32, #tpu.memory_space<hbm>>
      tpu.enqueue_dma source(%dma_start3A_817 : memref<512x32xi32, #tpu.memory_space<hbm>>) target(%arg6 : memref<512x32xi32, #tpu.memory_space<vmem>>) target_semaphore(%run_scoped3A : memref<!tpu.dma_semaphore, #tpu.memory_space<semaphore_mem>>)
      %dma_wait3A_818 = arith.constant 0 : i32
      %dma_wait3A_819 = tpu.memref_slice %arg2[%mul3A_4, %dma_wait3A_818] : memref<16384x32xi32, #tpu.memory_space<hbm>> -> memref<512x32xi32, #tpu.memory_space<hbm>>
      %dma_wait3A_820 = arith.constant 0 : i32
      %dma_wait3A_821 = tpu.memref_slice %arg2[%mul3A_4, %dma_wait3A_820] : memref<16384x32xi32, #tpu.memory_space<hbm>> -> memref<512x32xi32, #tpu.memory_space<hbm>>
      tpu.wait_dma2 semaphore(%run_scoped3A : memref<!tpu.dma_semaphore, #tpu.memory_space<semaphore_mem>>) src(%dma_wait3A_821 : memref<512x32xi32, #tpu.memory_space<hbm>>) dst(%arg6 : memref<512x32xi32, #tpu.memory_space<vmem>>)
      tpu.yield
    }) : () -> ()
    %scan3A = arith.constant 0 : i32
    %scan3A_5 = arith.constant 0 : i32
    %scan3A_6 = arith.constant 512 : i32
    %scan3A_7 = arith.addi %scan3A_5, %scan3A_6 : i32
    %scan3A_8 = arith.constant 1 : i32
    scf.for %scan3A_814 = %scan3A_5 to %scan3A_7 step %scan3A_8  : i32 {
      %get3A = arith.constant 0 : i32
      %get3A_815 = tpu.memref_slice %arg6[%scan3A_814, %get3A] : memref<512x32xi32, #tpu.memory_space<vmem>> -> memref<1x32xi32, #tpu.memory_space<vmem>>
      %get3A_816 = tpu.memref_squeeze %get3A_815 : memref<1x32xi32, #tpu.memory_space<vmem>> -> memref<32xi32, #tpu.memory_space<vmem>>
      %get3A_817 = arith.constant 0 : index
      %get3A_818 = tpu.vector_load %get3A_816[%get3A_817] {strides = array<i32>} : memref<32xi32, #tpu.memory_space<vmem>>, vector<16xi32>,
      %get3A_819 = vector.shape_cast %get3A_818 : vector<16xi32> to vector<16xi32>
      %mul3A_820 = arith.constant 32 : i32
      %mul3A_821 = arith.muli %scan3A_814, %mul3A_820 : i32
      %swap3A = arith.index_cast %mul3A_821 : i32 to index
      %swap3A_822 = tpu.vector_load %arg5[%swap3A] {strides = array<i32>} : memref<16384xi32, #tpu.memory_space<vmem>>, vector<16xi32>,
      %swap3A_823 = vector.shape_cast %swap3A_822 : vector<16xi32> to vector<16xi32>
      %swap3A_824 = vector.shape_cast %get3A_819 : vector<16xi32> to vector<16xi32>
      tpu.vector_store %arg5[%swap3A], %swap3A_824 {strides = array<i32>} : memref<16384xi32, #tpu.memory_space<vmem>>, vector<16xi32>,
      %get3A_825 = arith.constant 0 : i32
      %get3A_826 = tpu.memref_slice %arg6[%scan3A_814, %get3A_825] : memref<512x32xi32, #tpu.memory_space<vmem>> -> memref<1x32xi32, #tpu.memory_space<vmem>>
      %get3A_827 = tpu.memref_squeeze %get3A_826 : memref<1x32xi32, #tpu.memory_space<vmem>> -> memref<32xi32, #tpu.memory_space<vmem>>
      %get3A_828 = arith.constant 16 : index
      %get3A_829 = tpu.vector_load %get3A_827[%get3A_828] {strides = array<i32>} : memref<32xi32, #tpu.memory_space<vmem>>, vector<16xi32>,
      %get3A_830 = vector.shape_cast %get3A_829 : vector<16xi32> to vector<16xi32>
      %mul3A_831 = arith.constant 32 : i32
      %mul3A_832 = arith.muli %scan3A_814, %mul3A_831 : i32
      %add3A_833 = arith.constant 16 : i32
      %add3A_834 = arith.addi %mul3A_832, %add3A_833 : i32
      %swap3A_835 = arith.index_cast %add3A_834 : i32 to index
      %swap3A_836 = tpu.vector_load %arg5[%swap3A_835] {strides = array<i32>} : memref<16384xi32, #tpu.memory_space<vmem>>, vector<16xi32>,
      %swap3A_837 = vector.shape_cast %swap3A_836 : vector<16xi32> to vector<16xi32>
      %swap3A_838 = vector.shape_cast %get3A_830 : vector<16xi32> to vector<16xi32>
      tpu.vector_store %arg5[%swap3A_835], %swap3A_838 {strides = array<i32>} : memref<16384xi32, #tpu.memory_space<vmem>>, vector<16xi32>,
    }
    %scan3A_9 = arith.constant 512 : i32
    %dma_start3A = arith.constant 0 : i32
    %dma_start3A_10 = arith.constant 0 : i32
    %dma_start3A_11 = arith.constant 0 : i32
    %dma_start3A_12 = tpu.memref_slice %arg7[%dma_start3A, %dma_start3A_10, %dma_start3A_11] : memref<8x128x32xi32, #tpu.memory_space<vmem>> -> memref<1x128x32xi32, #tpu.memory_space<vmem>>
    %dma_start3A_13 = tpu.memref_squeeze %dma_start3A_12 : memref<1x128x32xi32, #tpu.memory_space<vmem>> -> memref<128x32xi32, #tpu.memory_space<vmem>>
    %dma_start3A_14 = arith.constant 0 : i32
    %dma_start3A_15 = tpu.memref_slice %arg5[%dma_start3A_14] : memref<16384xi32, #tpu.memory_space<vmem>> -> memref<128xi32, #tpu.memory_space<vmem>>
    %dma_start3A_16 = arith.constant 0 : i32
    %dma_start3A_17 = arith.constant 0 : i32
    %dma_start3A_18 = tpu.memref_slice %arg3[%dma_start3A_16, %dma_start3A_17] : memref<100000x32xi32, #tpu.memory_space<hbm>> -> memref<100000x32xi32, #tpu.memory_space<hbm>>
    tpu.enqueue_indirect_dma source(%dma_start3A_18 : memref<100000x32xi32, #tpu.memory_space<hbm>>) target(%dma_start3A_13 : memref<128x32xi32, #tpu.memory_space<vmem>>) offsets(%dma_start3A_15 : memref<128xi32, #tpu.memory_space<vmem>>) semaphore(%arg8 : memref<!tpu.dma_semaphore, #tpu.memory_space<semaphore_mem>>)
    %dma_start3A_19 = arith.constant 1 : i32
    %dma_start3A_20 = arith.constant 0 : i32
    %dma_start3A_21 = arith.constant 0 : i32
    %dma_start3A_22 = tpu.memref_slice %arg7[%dma_start3A_19, %dma_start3A_20, %dma_start3A_21] : memref<8x128x32xi32, #tpu.memory_space<vmem>> -> memref<1x128x32xi32, #tpu.memory_space<vmem>>
    %dma_start3A_23 = tpu.memref_squeeze %dma_start3A_22 : memref<1x128x32xi32, #tpu.memory_space<vmem>> -> memref<128x32xi32, #tpu.memory_space<vmem>>
    %dma_start3A_24 = arith.constant 128 : i32
    %dma_start3A_25 = tpu.memref_slice %arg5[%dma_start3A_24] : memref<16384xi32, #tpu.memory_space<vmem>> -> memref<128xi32, #tpu.memory_space<vmem>>
    %dma_start3A_26 = arith.constant 0 : i32
    %dma_start3A_27 = arith.constant 0 : i32
    %dma_start3A_28 = tpu.memref_slice %arg3[%dma_start3A_26, %dma_start3A_27] : memref<100000x32xi32, #tpu.memory_space<hbm>> -> memref<100000x32xi32, #tpu.memory_space<hbm>>
    tpu.enqueue_indirect_dma source(%dma_start3A_28 : memref<100000x32xi32, #tpu.memory_space<hbm>>) target(%dma_start3A_23 : memref<128x32xi32, #tpu.memory_space<vmem>>) offsets(%dma_start3A_25 : memref<128xi32, #tpu.memory_space<vmem>>) semaphore(%arg9 : memref<!tpu.dma_semaphore, #tpu.memory_space<semaphore_mem>>)
    %dma_start3A_29 = arith.constant 2 : i32
    %dma_start3A_30 = arith.constant 0 : i32
    %dma_start3A_31 = arith.constant 0 : i32
    %dma_start3A_32 = tpu.memref_slice %arg7[%dma_start3A_29, %dma_start3A_30, %dma_start3A_31] : memref<8x128x32xi32, #tpu.memory_space<vmem>> -> memref<1x128x32xi32, #tpu.memory_space<vmem>>
    %dma_start3A_33 = tpu.memref_squeeze %dma_start3A_32 : memref<1x128x32xi32, #tpu.memory_space<vmem>> -> memref<128x32xi32, #tpu.memory_space<vmem>>
    %dma_start3A_34 = arith.constant 256 : i32
    %dma_start3A_35 = tpu.memref_slice %arg5[%dma_start3A_34] : memref<16384xi32, #tpu.memory_space<vmem>> -> memref<128xi32, #tpu.memory_space<vmem>>
    %dma_start3A_36 = arith.constant 0 : i32
    %dma_start3A_37 = arith.constant 0 : i32
    %dma_start3A_38 = tpu.memref_slice %arg3[%dma_start3A_36, %dma_start3A_37] : memref<100000x32xi32, #tpu.memory_space<hbm>> -> memref<100000x32xi32, #tpu.memory_space<hbm>>
    tpu.enqueue_indirect_dma source(%dma_start3A_38 : memref<100000x32xi32, #tpu.memory_space<hbm>>) target(%dma_start3A_33 : memref<128x32xi32, #tpu.memory_space<vmem>>) offsets(%dma_start3A_35 : memref<128xi32, #tpu.memory_space<vmem>>) semaphore(%arg10 : memref<!tpu.dma_semaphore, #tpu.memory_space<semaphore_mem>>)
    %dma_start3A_39 = arith.constant 3 : i32
    %dma_start3A_40 = arith.constant 0 : i32
    %dma_start3A_41 = arith.constant 0 : i32
    %dma_start3A_42 = tpu.memref_slice %arg7[%dma_start3A_39, %dma_start3A_40, %dma_start3A_41] : memref<8x128x32xi32, #tpu.memory_space<vmem>> -> memref<1x128x32xi32, #tpu.memory_space<vmem>>
    %dma_start3A_43 = tpu.memref_squeeze %dma_start3A_42 : memref<1x128x32xi32, #tpu.memory_space<vmem>> -> memref<128x32xi32, #tpu.memory_space<vmem>>
    %dma_start3A_44 = arith.constant 384 : i32
    %dma_start3A_45 = tpu.memref_slice %arg5[%dma_start3A_44] : memref<16384xi32, #tpu.memory_space<vmem>> -> memref<128xi32, #tpu.memory_space<vmem>>
    %dma_start3A_46 = arith.constant 0 : i32
    %dma_start3A_47 = arith.constant 0 : i32
    %dma_start3A_48 = tpu.memref_slice %arg3[%dma_start3A_46, %dma_start3A_47] : memref<100000x32xi32, #tpu.memory_space<hbm>> -> memref<100000x32xi32, #tpu.memory_space<hbm>>
    tpu.enqueue_indirect_dma source(%dma_start3A_48 : memref<100000x32xi32, #tpu.memory_space<hbm>>) target(%dma_start3A_43 : memref<128x32xi32, #tpu.memory_space<vmem>>) offsets(%dma_start3A_45 : memref<128xi32, #tpu.memory_space<vmem>>) semaphore(%arg11 : memref<!tpu.dma_semaphore, #tpu.memory_space<semaphore_mem>>)
    %dma_start3A_49 = arith.constant 4 : i32
    %dma_start3A_50 = arith.constant 0 : i32
    %dma_start3A_51 = arith.constant 0 : i32
    %dma_start3A_52 = tpu.memref_slice %arg7[%dma_start3A_49, %dma_start3A_50, %dma_start3A_51] : memref<8x128x32xi32, #tpu.memory_space<vmem>> -> memref<1x128x32xi32, #tpu.memory_space<vmem>>
    %dma_start3A_53 = tpu.memref_squeeze %dma_start3A_52 : memref<1x128x32xi32, #tpu.memory_space<vmem>> -> memref<128x32xi32, #tpu.memory_space<vmem>>
    %dma_start3A_54 = arith.constant 512 : i32
    %dma_start3A_55 = tpu.memref_slice %arg5[%dma_start3A_54] : memref<16384xi32, #tpu.memory_space<vmem>> -> memref<128xi32, #tpu.memory_space<vmem>>
    %dma_start3A_56 = arith.constant 0 : i32
    %dma_start3A_57 = arith.constant 0 : i32
    %dma_start3A_58 = tpu.memref_slice %arg3[%dma_start3A_56, %dma_start3A_57] : memref<100000x32xi32, #tpu.memory_space<hbm>> -> memref<100000x32xi32, #tpu.memory_space<hbm>>
    tpu.enqueue_indirect_dma source(%dma_start3A_58 : memref<100000x32xi32, #tpu.memory_space<hbm>>) target(%dma_start3A_53 : memref<128x32xi32, #tpu.memory_space<vmem>>) offsets(%dma_start3A_55 : memref<128xi32, #tpu.memory_space<vmem>>) semaphore(%arg12 : memref<!tpu.dma_semaphore, #tpu.memory_space<semaphore_mem>>)
    %dma_wait3A = arith.constant 0 : i32
    %dma_wait3A_59 = arith.constant 0 : i32
    %dma_wait3A_60 = arith.constant 0 : i32
    %dma_wait3A_61 = tpu.memref_slice %arg7[%dma_wait3A, %dma_wait3A_59, %dma_wait3A_60] : memref<8x128x32xi32, #tpu.memory_space<vmem>> -> memref<1x128x32xi32, #tpu.memory_space<vmem>>
    %dma_wait3A_62 = tpu.memref_squeeze %dma_wait3A_61 : memref<1x128x32xi32, #tpu.memory_space<vmem>> -> memref<128x32xi32, #tpu.memory_space<vmem>>
    %dma_wait3A_63 = arith.constant 0 : i32
    %dma_wait3A_64 = tpu.memref_slice %arg5[%dma_wait3A_63] : memref<16384xi32, #tpu.memory_space<vmem>> -> memref<128xi32, #tpu.memory_space<vmem>>
    %dma_wait3A_65 = arith.constant 0 : i32
    %dma_wait3A_66 = arith.constant 0 : i32
    %dma_wait3A_67 = tpu.memref_slice %arg3[%dma_wait3A_65, %dma_wait3A_66] : memref<100000x32xi32, #tpu.memory_space<hbm>> -> memref<100000x32xi32, #tpu.memory_space<hbm>>
    tpu.wait_indirect_dma semaphore(%arg8 : memref<!tpu.dma_semaphore, #tpu.memory_space<semaphore_mem>>) src(%dma_wait3A_67 : memref<100000x32xi32, #tpu.memory_space<hbm>>) dst(%dma_wait3A_62 : memref<128x32xi32, #tpu.memory_space<vmem>>)
    %add3A_68 = arith.constant 0 : i32
    %add3A_69 = arith.addi %mul3A_2, %add3A_68 : i32
    %dma_start3A_70 = arith.constant 0 : i32
    %dma_start3A_71 = arith.constant 0 : i32
    %dma_start3A_72 = arith.constant 0 : i32
    %dma_start3A_73 = tpu.memref_slice %arg7[%dma_start3A_70, %dma_start3A_71, %dma_start3A_72] : memref<8x128x32xi32, #tpu.memory_space<vmem>> -> memref<1x128x32xi32, #tpu.memory_space<vmem>>
    %dma_start3A_74 = tpu.memref_squeeze %dma_start3A_73 : memref<1x128x32xi32, #tpu.memory_space<vmem>> -> memref<128x32xi32, #tpu.memory_space<vmem>>
    %dma_start3A_75 = arith.constant 0 : i32
    %dma_start3A_76 = tpu.memref_slice %arg4[%add3A_69, %dma_start3A_75] : memref<524288x32xi32, #tpu.memory_space<hbm>> -> memref<128x32xi32, #tpu.memory_space<hbm>>
    %dma_start3A_77 = arith.constant 0 : i32
    %dma_start3A_78 = tpu.memref_slice %arg4[%add3A_69, %dma_start3A_77] : memref<524288x32xi32, #tpu.memory_space<hbm>> -> memref<128x32xi32, #tpu.memory_space<hbm>>
    %dma_start3A_79 = arith.constant 0 : i32
    %dma_start3A_80 = arith.constant 0 : i32
    %dma_start3A_81 = tpu.memref_slice %arg7[%dma_start3A_70, %dma_start3A_79, %dma_start3A_80] : memref<8x128x32xi32, #tpu.memory_space<vmem>> -> memref<1x128x32xi32, #tpu.memory_space<vmem>>
    %dma_start3A_82 = tpu.memref_squeeze %dma_start3A_81 : memref<1x128x32xi32, #tpu.memory_space<vmem>> -> memref<128x32xi32, #tpu.memory_space<vmem>>
    tpu.enqueue_dma source(%dma_start3A_82 : memref<128x32xi32, #tpu.memory_space<vmem>>) target(%dma_start3A_78 : memref<128x32xi32, #tpu.memory_space<hbm>>) target_semaphore(%arg16 : memref<!tpu.dma_semaphore, #tpu.memory_space<semaphore_mem>>)
    %dma_start3A_83 = arith.constant 5 : i32
    %dma_start3A_84 = arith.constant 0 : i32
    %dma_start3A_85 = arith.constant 0 : i32
    %dma_start3A_86 = tpu.memref_slice %arg7[%dma_start3A_83, %dma_start3A_84, %dma_start3A_85] : memref<8x128x32xi32, #tpu.memory_space<vmem>> -> memref<1x128x32xi32, #tpu.memory_space<vmem>>
    %dma_start3A_87 = tpu.memref_squeeze %dma_start3A_86 : memref<1x128x32xi32, #tpu.memory_space<vmem>> -> memref<128x32xi32, #tpu.memory_space<vmem>>
    %dma_start3A_88 = arith.constant 640 : i32
    %dma_start3A_89 = tpu.memref_slice %arg5[%dma_start3A_88] : memref<16384xi32, #tpu.memory_space<vmem>> -> memref<128xi32, #tpu.memory_space<vmem>>
    %dma_start3A_90 = arith.constant 0 : i32
    %dma_start3A_91 = arith.constant 0 : i32
    %dma_start3A_92 = tpu.memref_slice %arg3[%dma_start3A_90, %dma_start3A_91] : memref<100000x32xi32, #tpu.memory_space<hbm>> -> memref<100000x32xi32, #tpu.memory_space<hbm>>
    tpu.enqueue_indirect_dma source(%dma_start3A_92 : memref<100000x32xi32, #tpu.memory_space<hbm>>) target(%dma_start3A_87 : memref<128x32xi32, #tpu.memory_space<vmem>>) offsets(%dma_start3A_89 : memref<128xi32, #tpu.memory_space<vmem>>) semaphore(%arg13 : memref<!tpu.dma_semaphore, #tpu.memory_space<semaphore_mem>>)
    %dma_wait3A_93 = arith.constant 1 : i32
    %dma_wait3A_94 = arith.constant 0 : i32
    %dma_wait3A_95 = arith.constant 0 : i32
    %dma_wait3A_96 = tpu.memref_slice %arg7[%dma_wait3A_93, %dma_wait3A_94, %dma_wait3A_95] : memref<8x128x32xi32, #tpu.memory_space<vmem>> -> memref<1x128x32xi32, #tpu.memory_space<vmem>>
    %dma_wait3A_97 = tpu.memref_squeeze %dma_wait3A_96 : memref<1x128x32xi32, #tpu.memory_space<vmem>> -> memref<128x32xi32, #tpu.memory_space<vmem>>
    %dma_wait3A_98 = arith.constant 128 : i32
    %dma_wait3A_99 = tpu.memref_slice %arg5[%dma_wait3A_98] : memref<16384xi32, #tpu.memory_space<vmem>> -> memref<128xi32, #tpu.memory_space<vmem>>
    %dma_wait3A_100 = arith.constant 0 : i32
    %dma_wait3A_101 = arith.constant 0 : i32
    %dma_wait3A_102 = tpu.memref_slice %arg3[%dma_wait3A_100, %dma_wait3A_101] : memref<100000x32xi32, #tpu.memory_space<hbm>> -> memref<100000x32xi32, #tpu.memory_space<hbm>>
    tpu.wait_indirect_dma semaphore(%arg9 : memref<!tpu.dma_semaphore, #tpu.memory_space<semaphore_mem>>) src(%dma_wait3A_102 : memref<100000x32xi32, #tpu.memory_space<hbm>>) dst(%dma_wait3A_97 : memref<128x32xi32, #tpu.memory_space<vmem>>)
    %add3A_103 = arith.constant 128 : i32
    %add3A_104 = arith.addi %mul3A_2, %add3A_103 : i32
    %dma_start3A_105 = arith.constant 1 : i32
    %dma_start3A_106 = arith.constant 0 : i32
    %dma_start3A_107 = arith.constant 0 : i32
    %dma_start3A_108 = tpu.memref_slice %arg7[%dma_start3A_105, %dma_start3A_106, %dma_start3A_107] : memref<8x128x32xi32, #tpu.memory_space<vmem>> -> memref<1x128x32xi32, #tpu.memory_space<vmem>>
    %dma_start3A_109 = tpu.memref_squeeze %dma_start3A_108 : memref<1x128x32xi32, #tpu.memory_space<vmem>> -> memref<128x32xi32, #tpu.memory_space<vmem>>
    %dma_start3A_110 = arith.constant 0 : i32
    %dma_start3A_111 = tpu.memref_slice %arg4[%add3A_104, %dma_start3A_110] : memref<524288x32xi32, #tpu.memory_space<hbm>> -> memref<128x32xi32, #tpu.memory_space<hbm>>
    %dma_start3A_112 = arith.constant 0 : i32
    %dma_start3A_113 = tpu.memref_slice %arg4[%add3A_104, %dma_start3A_112] : memref<524288x32xi32, #tpu.memory_space<hbm>> -> memref<128x32xi32, #tpu.memory_space<hbm>>
    %dma_start3A_114 = arith.constant 0 : i32
    %dma_start3A_115 = arith.constant 0 : i32
    %dma_start3A_116 = tpu.memref_slice %arg7[%dma_start3A_105, %dma_start3A_114, %dma_start3A_115] : memref<8x128x32xi32, #tpu.memory_space<vmem>> -> memref<1x128x32xi32, #tpu.memory_space<vmem>>
    %dma_start3A_117 = tpu.memref_squeeze %dma_start3A_116 : memref<1x128x32xi32, #tpu.memory_space<vmem>> -> memref<128x32xi32, #tpu.memory_space<vmem>>
    tpu.enqueue_dma source(%dma_start3A_117 : memref<128x32xi32, #tpu.memory_space<vmem>>) target(%dma_start3A_113 : memref<128x32xi32, #tpu.memory_space<hbm>>) target_semaphore(%arg17 : memref<!tpu.dma_semaphore, #tpu.memory_space<semaphore_mem>>)
    %dma_start3A_118 = arith.constant 6 : i32
    %dma_start3A_119 = arith.constant 0 : i32
    %dma_start3A_120 = arith.constant 0 : i32
    %dma_start3A_121 = tpu.memref_slice %arg7[%dma_start3A_118, %dma_start3A_119, %dma_start3A_120] : memref<8x128x32xi32, #tpu.memory_space<vmem>> -> memref<1x128x32xi32, #tpu.memory_space<vmem>>
    %dma_start3A_122 = tpu.memref_squeeze %dma_start3A_121 : memref<1x128x32xi32, #tpu.memory_space<vmem>> -> memref<128x32xi32, #tpu.memory_space<vmem>>
    %dma_start3A_123 = arith.constant 768 : i32
    %dma_start3A_124 = tpu.memref_slice %arg5[%dma_start3A_123] : memref<16384xi32, #tpu.memory_space<vmem>> -> memref<128xi32, #tpu.memory_space<vmem>>
    %dma_start3A_125 = arith.constant 0 : i32
    %dma_start3A_126 = arith.constant 0 : i32
    %dma_start3A_127 = tpu.memref_slice %arg3[%dma_start3A_125, %dma_start3A_126] : memref<100000x32xi32, #tpu.memory_space<hbm>> -> memref<100000x32xi32, #tpu.memory_space<hbm>>
    tpu.enqueue_indirect_dma source(%dma_start3A_127 : memref<100000x32xi32, #tpu.memory_space<hbm>>) target(%dma_start3A_122 : memref<128x32xi32, #tpu.memory_space<vmem>>) offsets(%dma_start3A_124 : memref<128xi32, #tpu.memory_space<vmem>>) semaphore(%arg14 : memref<!tpu.dma_semaphore, #tpu.memory_space<semaphore_mem>>)
    %dma_wait3A_128 = arith.constant 2 : i32
    %dma_wait3A_129 = arith.constant 0 : i32
    %dma_wait3A_130 = arith.constant 0 : i32
    %dma_wait3A_131 = tpu.memref_slice %arg7[%dma_wait3A_128, %dma_wait3A_129, %dma_wait3A_130] : memref<8x128x32xi32, #tpu.memory_space<vmem>> -> memref<1x128x32xi32, #tpu.memory_space<vmem>>
    %dma_wait3A_132 = tpu.memref_squeeze %dma_wait3A_131 : memref<1x128x32xi32, #tpu.memory_space<vmem>> -> memref<128x32xi32, #tpu.memory_space<vmem>>
    %dma_wait3A_133 = arith.constant 256 : i32
    %dma_wait3A_134 = tpu.memref_slice %arg5[%dma_wait3A_133] : memref<16384xi32, #tpu.memory_space<vmem>> -> memref<128xi32, #tpu.memory_space<vmem>>
    %dma_wait3A_135 = arith.constant 0 : i32
    %dma_wait3A_136 = arith.constant 0 : i32
    %dma_wait3A_137 = tpu.memref_slice %arg3[%dma_wait3A_135, %dma_wait3A_136] : memref<100000x32xi32, #tpu.memory_space<hbm>> -> memref<100000x32xi32, #tpu.memory_space<hbm>>
    tpu.wait_indirect_dma semaphore(%arg10 : memref<!tpu.dma_semaphore, #tpu.memory_space<semaphore_mem>>) src(%dma_wait3A_137 : memref<100000x32xi32, #tpu.memory_space<hbm>>) dst(%dma_wait3A_132 : memref<128x32xi32, #tpu.memory_space<vmem>>)
    %add3A_138 = arith.constant 256 : i32
    %add3A_139 = arith.addi %mul3A_2, %add3A_138 : i32
    %dma_start3A_140 = arith.constant 2 : i32
    %dma_start3A_141 = arith.constant 0 : i32
    %dma_start3A_142 = arith.constant 0 : i32
    %dma_start3A_143 = tpu.memref_slice %arg7[%dma_start3A_140, %dma_start3A_141, %dma_start3A_142] : memref<8x128x32xi32, #tpu.memory_space<vmem>> -> memref<1x128x32xi32, #tpu.memory_space<vmem>>
    %dma_start3A_144 = tpu.memref_squeeze %dma_start3A_143 : memref<1x128x32xi32, #tpu.memory_space<vmem>> -> memref<128x32xi32, #tpu.memory_space<vmem>>
    %dma_start3A_145 = arith.constant 0 : i32
    %dma_start3A_146 = tpu.memref_slice %arg4[%add3A_139, %dma_start3A_145] : memref<524288x32xi32, #tpu.memory_space<hbm>> -> memref<128x32xi32, #tpu.memory_space<hbm>>
    %dma_start3A_147 = arith.constant 0 : i32
    %dma_start3A_148 = tpu.memref_slice %arg4[%add3A_139, %dma_start3A_147] : memref<524288x32xi32, #tpu.memory_space<hbm>> -> memref<128x32xi32, #tpu.memory_space<hbm>>
    %dma_start3A_149 = arith.constant 0 : i32
    %dma_start3A_150 = arith.constant 0 : i32
    %dma_start3A_151 = tpu.memref_slice %arg7[%dma_start3A_140, %dma_start3A_149, %dma_start3A_150] : memref<8x128x32xi32, #tpu.memory_space<vmem>> -> memref<1x128x32xi32, #tpu.memory_space<vmem>>
    %dma_start3A_152 = tpu.memref_squeeze %dma_start3A_151 : memref<1x128x32xi32, #tpu.memory_space<vmem>> -> memref<128x32xi32, #tpu.memory_space<vmem>>
    tpu.enqueue_dma source(%dma_start3A_152 : memref<128x32xi32, #tpu.memory_space<vmem>>) target(%dma_start3A_148 : memref<128x32xi32, #tpu.memory_space<hbm>>) target_semaphore(%arg18 : memref<!tpu.dma_semaphore, #tpu.memory_space<semaphore_mem>>)
    %dma_start3A_153 = arith.constant 7 : i32
    %dma_start3A_154 = arith.constant 0 : i32
    %dma_start3A_155 = arith.constant 0 : i32
    %dma_start3A_156 = tpu.memref_slice %arg7[%dma_start3A_153, %dma_start3A_154, %dma_start3A_155] : memref<8x128x32xi32, #tpu.memory_space<vmem>> -> memref<1x128x32xi32, #tpu.memory_space<vmem>>
    %dma_start3A_157 = tpu.memref_squeeze %dma_start3A_156 : memref<1x128x32xi32, #tpu.memory_space<vmem>> -> memref<128x32xi32, #tpu.memory_space<vmem>>
    %dma_start3A_158 = arith.constant 896 : i32
    %dma_start3A_159 = tpu.memref_slice %arg5[%dma_start3A_158] : memref<16384xi32, #tpu.memory_space<vmem>> -> memref<128xi32, #tpu.memory_space<vmem>>
    %dma_start3A_160 = arith.constant 0 : i32
    %dma_start3A_161 = arith.constant 0 : i32
    %dma_start3A_162 = tpu.memref_slice %arg3[%dma_start3A_160, %dma_start3A_161] : memref<100000x32xi32, #tpu.memory_space<hbm>> -> memref<100000x32xi32, #tpu.memory_space<hbm>>
    tpu.enqueue_indirect_dma source(%dma_start3A_162 : memref<100000x32xi32, #tpu.memory_space<hbm>>) target(%dma_start3A_157 : memref<128x32xi32, #tpu.memory_space<vmem>>) offsets(%dma_start3A_159 : memref<128xi32, #tpu.memory_space<vmem>>) semaphore(%arg15 : memref<!tpu.dma_semaphore, #tpu.memory_space<semaphore_mem>>)
    %dma_wait3A_163 = arith.constant 3 : i32
    %dma_wait3A_164 = arith.constant 0 : i32
    %dma_wait3A_165 = arith.constant 0 : i32
    %dma_wait3A_166 = tpu.memref_slice %arg7[%dma_wait3A_163, %dma_wait3A_164, %dma_wait3A_165] : memref<8x128x32xi32, #tpu.memory_space<vmem>> -> memref<1x128x32xi32, #tpu.memory_space<vmem>>
    %dma_wait3A_167 = tpu.memref_squeeze %dma_wait3A_166 : memref<1x128x32xi32, #tpu.memory_space<vmem>> -> memref<128x32xi32, #tpu.memory_space<vmem>>
    %dma_wait3A_168 = arith.constant 384 : i32
    %dma_wait3A_169 = tpu.memref_slice %arg5[%dma_wait3A_168] : memref<16384xi32, #tpu.memory_space<vmem>> -> memref<128xi32, #tpu.memory_space<vmem>>
    %dma_wait3A_170 = arith.constant 0 : i32
    %dma_wait3A_171 = arith.constant 0 : i32
    %dma_wait3A_172 = tpu.memref_slice %arg3[%dma_wait3A_170, %dma_wait3A_171] : memref<100000x32xi32, #tpu.memory_space<hbm>> -> memref<100000x32xi32, #tpu.memory_space<hbm>>
    tpu.wait_indirect_dma semaphore(%arg11 : memref<!tpu.dma_semaphore, #tpu.memory_space<semaphore_mem>>) src(%dma_wait3A_172 : memref<100000x32xi32, #tpu.memory_space<hbm>>) dst(%dma_wait3A_167 : memref<128x32xi32, #tpu.memory_space<vmem>>)
    %add3A_173 = arith.constant 384 : i32
    %add3A_174 = arith.addi %mul3A_2, %add3A_173 : i32
    %dma_start3A_175 = arith.constant 3 : i32
    %dma_start3A_176 = arith.constant 0 : i32
    %dma_start3A_177 = arith.constant 0 : i32
    %dma_start3A_178 = tpu.memref_slice %arg7[%dma_start3A_175, %dma_start3A_176, %dma_start3A_177] : memref<8x128x32xi32, #tpu.memory_space<vmem>> -> memref<1x128x32xi32, #tpu.memory_space<vmem>>
    %dma_start3A_179 = tpu.memref_squeeze %dma_start3A_178 : memref<1x128x32xi32, #tpu.memory_space<vmem>> -> memref<128x32xi32, #tpu.memory_space<vmem>>
    %dma_start3A_180 = arith.constant 0 : i32
    %dma_start3A_181 = tpu.memref_slice %arg4[%add3A_174, %dma_start3A_180] : memref<524288x32xi32, #tpu.memory_space<hbm>> -> memref<128x32xi32, #tpu.memory_space<hbm>>
    %dma_start3A_182 = arith.constant 0 : i32
    %dma_start3A_183 = tpu.memref_slice %arg4[%add3A_174, %dma_start3A_182] : memref<524288x32xi32, #tpu.memory_space<hbm>> -> memref<128x32xi32, #tpu.memory_space<hbm>>
    %dma_start3A_184 = arith.constant 0 : i32
    %dma_start3A_185 = arith.constant 0 : i32
    %dma_start3A_186 = tpu.memref_slice %arg7[%dma_start3A_175, %dma_start3A_184, %dma_start3A_185] : memref<8x128x32xi32, #tpu.memory_space<vmem>> -> memref<1x128x32xi32, #tpu.memory_space<vmem>>
    %dma_start3A_187 = tpu.memref_squeeze %dma_start3A_186 : memref<1x128x32xi32, #tpu.memory_space<vmem>> -> memref<128x32xi32, #tpu.memory_space<vmem>>
    tpu.enqueue_dma source(%dma_start3A_187 : memref<128x32xi32, #tpu.memory_space<vmem>>) target(%dma_start3A_183 : memref<128x32xi32, #tpu.memory_space<hbm>>) target_semaphore(%arg19 : memref<!tpu.dma_semaphore, #tpu.memory_space<semaphore_mem>>)
    %add3A_188 = arith.constant 0 : i32
    %add3A_189 = arith.addi %mul3A_2, %add3A_188 : i32
    %dma_wait3A_190 = arith.constant 0 : i32
    %dma_wait3A_191 = arith.constant 0 : i32
    %dma_wait3A_192 = arith.constant 0 : i32
    %dma_wait3A_193 = tpu.memref_slice %arg7[%dma_wait3A_190, %dma_wait3A_191, %dma_wait3A_192] : memref<8x128x32xi32, #tpu.memory_space<vmem>> -> memref<1x128x32xi32, #tpu.memory_space<vmem>>
    %dma_wait3A_194 = tpu.memref_squeeze %dma_wait3A_193 : memref<1x128x32xi32, #tpu.memory_space<vmem>> -> memref<128x32xi32, #tpu.memory_space<vmem>>
    %dma_wait3A_195 = arith.constant 0 : i32
    %dma_wait3A_196 = tpu.memref_slice %arg4[%add3A_189, %dma_wait3A_195] : memref<524288x32xi32, #tpu.memory_space<hbm>> -> memref<128x32xi32, #tpu.memory_space<hbm>>
    %dma_wait3A_197 = arith.constant 0 : i32
    %dma_wait3A_198 = tpu.memref_slice %arg4[%add3A_189, %dma_wait3A_197] : memref<524288x32xi32, #tpu.memory_space<hbm>> -> memref<128x32xi32, #tpu.memory_space<hbm>>
    %dma_wait3A_199 = arith.constant 0 : i32
    %dma_wait3A_200 = arith.constant 0 : i32
    %dma_wait3A_201 = tpu.memref_slice %arg7[%dma_wait3A_190, %dma_wait3A_199, %dma_wait3A_200] : memref<8x128x32xi32, #tpu.memory_space<vmem>> -> memref<1x128x32xi32, #tpu.memory_space<vmem>>
    %dma_wait3A_202 = tpu.memref_squeeze %dma_wait3A_201 : memref<1x128x32xi32, #tpu.memory_space<vmem>> -> memref<128x32xi32, #tpu.memory_space<vmem>>
    tpu.wait_dma2 semaphore(%arg16 : memref<!tpu.dma_semaphore, #tpu.memory_space<semaphore_mem>>) src(%dma_wait3A_202 : memref<128x32xi32, #tpu.memory_space<vmem>>) dst(%dma_wait3A_198 : memref<128x32xi32, #tpu.memory_space<hbm>>)
    %dma_start3A_203 = arith.constant 0 : i32
    %dma_start3A_204 = arith.constant 0 : i32
    %dma_start3A_205 = arith.constant 0 : i32
    %dma_start3A_206 = tpu.memref_slice %arg7[%dma_start3A_203, %dma_start3A_204, %dma_start3A_205] : memref<8x128x32xi32, #tpu.memory_space<vmem>> -> memref<1x128x32xi32, #tpu.memory_space<vmem>>
    %dma_start3A_207 = tpu.memref_squeeze %dma_start3A_206 : memref<1x128x32xi32, #tpu.memory_space<vmem>> -> memref<128x32xi32, #tpu.memory_space<vmem>>
    %dma_start3A_208 = arith.constant 1024 : i32
    %dma_start3A_209 = tpu.memref_slice %arg5[%dma_start3A_208] : memref<16384xi32, #tpu.memory_space<vmem>> -> memref<128xi32, #tpu.memory_space<vmem>>
    %dma_start3A_210 = arith.constant 0 : i32
    %dma_start3A_211 = arith.constant 0 : i32
    %dma_start3A_212 = tpu.memref_slice %arg3[%dma_start3A_210, %dma_start3A_211] : memref<100000x32xi32, #tpu.memory_space<hbm>> -> memref<100000x32xi32, #tpu.memory_space<hbm>>
    tpu.enqueue_indirect_dma source(%dma_start3A_212 : memref<100000x32xi32, #tpu.memory_space<hbm>>) target(%dma_start3A_207 : memref<128x32xi32, #tpu.memory_space<vmem>>) offsets(%dma_start3A_209 : memref<128xi32, #tpu.memory_space<vmem>>) semaphore(%arg8 : memref<!tpu.dma_semaphore, #tpu.memory_space<semaphore_mem>>)
    %dma_wait3A_213 = arith.constant 4 : i32
    %dma_wait3A_214 = arith.constant 0 : i32
    %dma_wait3A_215 = arith.constant 0 : i32
    %dma_wait3A_216 = tpu.memref_slice %arg7[%dma_wait3A_213, %dma_wait3A_214, %dma_wait3A_215] : memref<8x128x32xi32, #tpu.memory_space<vmem>> -> memref<1x128x32xi32, #tpu.memory_space<vmem>>
    %dma_wait3A_217 = tpu.memref_squeeze %dma_wait3A_216 : memref<1x128x32xi32, #tpu.memory_space<vmem>> -> memref<128x32xi32, #tpu.memory_space<vmem>>
    %dma_wait3A_218 = arith.constant 512 : i32
    %dma_wait3A_219 = tpu.memref_slice %arg5[%dma_wait3A_218] : memref<16384xi32, #tpu.memory_space<vmem>> -> memref<128xi32, #tpu.memory_space<vmem>>
    %dma_wait3A_220 = arith.constant 0 : i32
    %dma_wait3A_221 = arith.constant 0 : i32
    %dma_wait3A_222 = tpu.memref_slice %arg3[%dma_wait3A_220, %dma_wait3A_221] : memref<100000x32xi32, #tpu.memory_space<hbm>> -> memref<100000x32xi32, #tpu.memory_space<hbm>>
    tpu.wait_indirect_dma semaphore(%arg12 : memref<!tpu.dma_semaphore, #tpu.memory_space<semaphore_mem>>) src(%dma_wait3A_222 : memref<100000x32xi32, #tpu.memory_space<hbm>>) dst(%dma_wait3A_217 : memref<128x32xi32, #tpu.memory_space<vmem>>)
    %add3A_223 = arith.constant 512 : i32
    %add3A_224 = arith.addi %mul3A_2, %add3A_223 : i32
    %dma_start3A_225 = arith.constant 4 : i32
    %dma_start3A_226 = arith.constant 0 : i32
    %dma_start3A_227 = arith.constant 0 : i32
    %dma_start3A_228 = tpu.memref_slice %arg7[%dma_start3A_225, %dma_start3A_226, %dma_start3A_227] : memref<8x128x32xi32, #tpu.memory_space<vmem>> -> memref<1x128x32xi32, #tpu.memory_space<vmem>>
    %dma_start3A_229 = tpu.memref_squeeze %dma_start3A_228 : memref<1x128x32xi32, #tpu.memory_space<vmem>> -> memref<128x32xi32, #tpu.memory_space<vmem>>
    %dma_start3A_230 = arith.constant 0 : i32
    %dma_start3A_231 = tpu.memref_slice %arg4[%add3A_224, %dma_start3A_230] : memref<524288x32xi32, #tpu.memory_space<hbm>> -> memref<128x32xi32, #tpu.memory_space<hbm>>
    %dma_start3A_232 = arith.constant 0 : i32
    %dma_start3A_233 = tpu.memref_slice %arg4[%add3A_224, %dma_start3A_232] : memref<524288x32xi32, #tpu.memory_space<hbm>> -> memref<128x32xi32, #tpu.memory_space<hbm>>
    %dma_start3A_234 = arith.constant 0 : i32
    %dma_start3A_235 = arith.constant 0 : i32
    %dma_start3A_236 = tpu.memref_slice %arg7[%dma_start3A_225, %dma_start3A_234, %dma_start3A_235] : memref<8x128x32xi32, #tpu.memory_space<vmem>> -> memref<1x128x32xi32, #tpu.memory_space<vmem>>
    %dma_start3A_237 = tpu.memref_squeeze %dma_start3A_236 : memref<1x128x32xi32, #tpu.memory_space<vmem>> -> memref<128x32xi32, #tpu.memory_space<vmem>>
    tpu.enqueue_dma source(%dma_start3A_237 : memref<128x32xi32, #tpu.memory_space<vmem>>) target(%dma_start3A_233 : memref<128x32xi32, #tpu.memory_space<hbm>>) target_semaphore(%arg20 : memref<!tpu.dma_semaphore, #tpu.memory_space<semaphore_mem>>)
    %add3A_238 = arith.constant 128 : i32
    %add3A_239 = arith.addi %mul3A_2, %add3A_238 : i32
    %dma_wait3A_240 = arith.constant 1 : i32
    %dma_wait3A_241 = arith.constant 0 : i32
    %dma_wait3A_242 = arith.constant 0 : i32
    %dma_wait3A_243 = tpu.memref_slice %arg7[%dma_wait3A_240, %dma_wait3A_241, %dma_wait3A_242] : memref<8x128x32xi32, #tpu.memory_space<vmem>> -> memref<1x128x32xi32, #tpu.memory_space<vmem>>
    %dma_wait3A_244 = tpu.memref_squeeze %dma_wait3A_243 : memref<1x128x32xi32, #tpu.memory_space<vmem>> -> memref<128x32xi32, #tpu.memory_space<vmem>>
    %dma_wait3A_245 = arith.constant 0 : i32
    %dma_wait3A_246 = tpu.memref_slice %arg4[%add3A_239, %dma_wait3A_245] : memref<524288x32xi32, #tpu.memory_space<hbm>> -> memref<128x32xi32, #tpu.memory_space<hbm>>
    %dma_wait3A_247 = arith.constant 0 : i32
    %dma_wait3A_248 = tpu.memref_slice %arg4[%add3A_239, %dma_wait3A_247] : memref<524288x32xi32, #tpu.memory_space<hbm>> -> memref<128x32xi32, #tpu.memory_space<hbm>>
    %dma_wait3A_249 = arith.constant 0 : i32
    %dma_wait3A_250 = arith.constant 0 : i32
    %dma_wait3A_251 = tpu.memref_slice %arg7[%dma_wait3A_240, %dma_wait3A_249, %dma_wait3A_250] : memref<8x128x32xi32, #tpu.memory_space<vmem>> -> memref<1x128x32xi32, #tpu.memory_space<vmem>>
    %dma_wait3A_252 = tpu.memref_squeeze %dma_wait3A_251 : memref<1x128x32xi32, #tpu.memory_space<vmem>> -> memref<128x32xi32, #tpu.memory_space<vmem>>
    tpu.wait_dma2 semaphore(%arg17 : memref<!tpu.dma_semaphore, #tpu.memory_space<semaphore_mem>>) src(%dma_wait3A_252 : memref<128x32xi32, #tpu.memory_space<vmem>>) dst(%dma_wait3A_248 : memref<128x32xi32, #tpu.memory_space<hbm>>)
    %dma_start3A_253 = arith.constant 1 : i32
    %dma_start3A_254 = arith.constant 0 : i32
    %dma_start3A_255 = arith.constant 0 : i32
    %dma_start3A_256 = tpu.memref_slice %arg7[%dma_start3A_253, %dma_start3A_254, %dma_start3A_255] : memref<8x128x32xi32, #tpu.memory_space<vmem>> -> memref<1x128x32xi32, #tpu.memory_space<vmem>>
    %dma_start3A_257 = tpu.memref_squeeze %dma_start3A_256 : memref<1x128x32xi32, #tpu.memory_space<vmem>> -> memref<128x32xi32, #tpu.memory_space<vmem>>
    %dma_start3A_258 = arith.constant 1152 : i32
    %dma_start3A_259 = tpu.memref_slice %arg5[%dma_start3A_258] : memref<16384xi32, #tpu.memory_space<vmem>> -> memref<128xi32, #tpu.memory_space<vmem>>
    %dma_start3A_260 = arith.constant 0 : i32
    %dma_start3A_261 = arith.constant 0 : i32
    %dma_start3A_262 = tpu.memref_slice %arg3[%dma_start3A_260, %dma_start3A_261] : memref<100000x32xi32, #tpu.memory_space<hbm>> -> memref<100000x32xi32, #tpu.memory_space<hbm>>
    tpu.enqueue_indirect_dma source(%dma_start3A_262 : memref<100000x32xi32, #tpu.memory_space<hbm>>) target(%dma_start3A_257 : memref<128x32xi32, #tpu.memory_space<vmem>>) offsets(%dma_start3A_259 : memref<128xi32, #tpu.memory_space<vmem>>) semaphore(%arg9 : memref<!tpu.dma_semaphore, #tpu.memory_space<semaphore_mem>>)
    %dma_wait3A_263 = arith.constant 5 : i32
    %dma_wait3A_264 = arith.constant 0 : i32
    %dma_wait3A_265 = arith.constant 0 : i32
    %dma_wait3A_266 = tpu.memref_slice %arg7[%dma_wait3A_263, %dma_wait3A_264, %dma_wait3A_265] : memref<8x128x32xi32, #tpu.memory_space<vmem>> -> memref<1x128x32xi32, #tpu.memory_space<vmem>>
    %dma_wait3A_267 = tpu.memref_squeeze %dma_wait3A_266 : memref<1x128x32xi32, #tpu.memory_space<vmem>> -> memref<128x32xi32, #tpu.memory_space<vmem>>
    %dma_wait3A_268 = arith.constant 640 : i32
    %dma_wait3A_269 = tpu.memref_slice %arg5[%dma_wait3A_268] : memref<16384xi32, #tpu.memory_space<vmem>> -> memref<128xi32, #tpu.memory_space<vmem>>
    %dma_wait3A_270 = arith.constant 0 : i32
    %dma_wait3A_271 = arith.constant 0 : i32
    %dma_wait3A_272 = tpu.memref_slice %arg3[%dma_wait3A_270, %dma_wait3A_271] : memref<100000x32xi32, #tpu.memory_space<hbm>> -> memref<100000x32xi32, #tpu.memory_space<hbm>>
    tpu.wait_indirect_dma semaphore(%arg13 : memref<!tpu.dma_semaphore, #tpu.memory_space<semaphore_mem>>) src(%dma_wait3A_272 : memref<100000x32xi32, #tpu.memory_space<hbm>>) dst(%dma_wait3A_267 : memref<128x32xi32, #tpu.memory_space<vmem>>)
    %add3A_273 = arith.constant 640 : i32
    %add3A_274 = arith.addi %mul3A_2, %add3A_273 : i32
    %dma_start3A_275 = arith.constant 5 : i32
    %dma_start3A_276 = arith.constant 0 : i32
    %dma_start3A_277 = arith.constant 0 : i32
    %dma_start3A_278 = tpu.memref_slice %arg7[%dma_start3A_275, %dma_start3A_276, %dma_start3A_277] : memref<8x128x32xi32, #tpu.memory_space<vmem>> -> memref<1x128x32xi32, #tpu.memory_space<vmem>>
    %dma_start3A_279 = tpu.memref_squeeze %dma_start3A_278 : memref<1x128x32xi32, #tpu.memory_space<vmem>> -> memref<128x32xi32, #tpu.memory_space<vmem>>
    %dma_start3A_280 = arith.constant 0 : i32
    %dma_start3A_281 = tpu.memref_slice %arg4[%add3A_274, %dma_start3A_280] : memref<524288x32xi32, #tpu.memory_space<hbm>> -> memref<128x32xi32, #tpu.memory_space<hbm>>
    %dma_start3A_282 = arith.constant 0 : i32
    %dma_start3A_283 = tpu.memref_slice %arg4[%add3A_274, %dma_start3A_282] : memref<524288x32xi32, #tpu.memory_space<hbm>> -> memref<128x32xi32, #tpu.memory_space<hbm>>
    %dma_start3A_284 = arith.constant 0 : i32
    %dma_start3A_285 = arith.constant 0 : i32
    %dma_start3A_286 = tpu.memref_slice %arg7[%dma_start3A_275, %dma_start3A_284, %dma_start3A_285] : memref<8x128x32xi32, #tpu.memory_space<vmem>> -> memref<1x128x32xi32, #tpu.memory_space<vmem>>
    %dma_start3A_287 = tpu.memref_squeeze %dma_start3A_286 : memref<1x128x32xi32, #tpu.memory_space<vmem>> -> memref<128x32xi32, #tpu.memory_space<vmem>>
    tpu.enqueue_dma source(%dma_start3A_287 : memref<128x32xi32, #tpu.memory_space<vmem>>) target(%dma_start3A_283 : memref<128x32xi32, #tpu.memory_space<hbm>>) target_semaphore(%arg21 : memref<!tpu.dma_semaphore, #tpu.memory_space<semaphore_mem>>)
    %add3A_288 = arith.constant 256 : i32
    %add3A_289 = arith.addi %mul3A_2, %add3A_288 : i32
    %dma_wait3A_290 = arith.constant 2 : i32
    %dma_wait3A_291 = arith.constant 0 : i32
    %dma_wait3A_292 = arith.constant 0 : i32
    %dma_wait3A_293 = tpu.memref_slice %arg7[%dma_wait3A_290, %dma_wait3A_291, %dma_wait3A_292] : memref<8x128x32xi32, #tpu.memory_space<vmem>> -> memref<1x128x32xi32, #tpu.memory_space<vmem>>
    %dma_wait3A_294 = tpu.memref_squeeze %dma_wait3A_293 : memref<1x128x32xi32, #tpu.memory_space<vmem>> -> memref<128x32xi32, #tpu.memory_space<vmem>>
    %dma_wait3A_295 = arith.constant 0 : i32
    %dma_wait3A_296 = tpu.memref_slice %arg4[%add3A_289, %dma_wait3A_295] : memref<524288x32xi32, #tpu.memory_space<hbm>> -> memref<128x32xi32, #tpu.memory_space<hbm>>
    %dma_wait3A_297 = arith.constant 0 : i32
    %dma_wait3A_298 = tpu.memref_slice %arg4[%add3A_289, %dma_wait3A_297] : memref<524288x32xi32, #tpu.memory_space<hbm>> -> memref<128x32xi32, #tpu.memory_space<hbm>>
    %dma_wait3A_299 = arith.constant 0 : i32
    %dma_wait3A_300 = arith.constant 0 : i32
    %dma_wait3A_301 = tpu.memref_slice %arg7[%dma_wait3A_290, %dma_wait3A_299, %dma_wait3A_300] : memref<8x128x32xi32, #tpu.memory_space<vmem>> -> memref<1x128x32xi32, #tpu.memory_space<vmem>>
    %dma_wait3A_302 = tpu.memref_squeeze %dma_wait3A_301 : memref<1x128x32xi32, #tpu.memory_space<vmem>> -> memref<128x32xi32, #tpu.memory_space<vmem>>
    tpu.wait_dma2 semaphore(%arg18 : memref<!tpu.dma_semaphore, #tpu.memory_space<semaphore_mem>>) src(%dma_wait3A_302 : memref<128x32xi32, #tpu.memory_space<vmem>>) dst(%dma_wait3A_298 : memref<128x32xi32, #tpu.memory_space<hbm>>)
    %dma_start3A_303 = arith.constant 2 : i32
    %dma_start3A_304 = arith.constant 0 : i32
    %dma_start3A_305 = arith.constant 0 : i32
    %dma_start3A_306 = tpu.memref_slice %arg7[%dma_start3A_303, %dma_start3A_304, %dma_start3A_305] : memref<8x128x32xi32, #tpu.memory_space<vmem>> -> memref<1x128x32xi32, #tpu.memory_space<vmem>>
    %dma_start3A_307 = tpu.memref_squeeze %dma_start3A_306 : memref<1x128x32xi32, #tpu.memory_space<vmem>> -> memref<128x32xi32, #tpu.memory_space<vmem>>
    %dma_start3A_308 = arith.constant 1280 : i32
    %dma_start3A_309 = tpu.memref_slice %arg5[%dma_start3A_308] : memref<16384xi32, #tpu.memory_space<vmem>> -> memref<128xi32, #tpu.memory_space<vmem>>
    %dma_start3A_310 = arith.constant 0 : i32
    %dma_start3A_311 = arith.constant 0 : i32
    %dma_start3A_312 = tpu.memref_slice %arg3[%dma_start3A_310, %dma_start3A_311] : memref<100000x32xi32, #tpu.memory_space<hbm>> -> memref<100000x32xi32, #tpu.memory_space<hbm>>
    tpu.enqueue_indirect_dma source(%dma_start3A_312 : memref<100000x32xi32, #tpu.memory_space<hbm>>) target(%dma_start3A_307 : memref<128x32xi32, #tpu.memory_space<vmem>>) offsets(%dma_start3A_309 : memref<128xi32, #tpu.memory_space<vmem>>) semaphore(%arg10 : memref<!tpu.dma_semaphore, #tpu.memory_space<semaphore_mem>>)
    %dma_wait3A_313 = arith.constant 6 : i32
    %dma_wait3A_314 = arith.constant 0 : i32
    %dma_wait3A_315 = arith.constant 0 : i32
    %dma_wait3A_316 = tpu.memref_slice %arg7[%dma_wait3A_313, %dma_wait3A_314, %dma_wait3A_315] : memref<8x128x32xi32, #tpu.memory_space<vmem>> -> memref<1x128x32xi32, #tpu.memory_space<vmem>>
    %dma_wait3A_317 = tpu.memref_squeeze %dma_wait3A_316 : memref<1x128x32xi32, #tpu.memory_space<vmem>> -> memref<128x32xi32, #tpu.memory_space<vmem>>
    %dma_wait3A_318 = arith.constant 768 : i32
    %dma_wait3A_319 = tpu.memref_slice %arg5[%dma_wait3A_318] : memref<16384xi32, #tpu.memory_space<vmem>> -> memref<128xi32, #tpu.memory_space<vmem>>
    %dma_wait3A_320 = arith.constant 0 : i32
    %dma_wait3A_321 = arith.constant 0 : i32
    %dma_wait3A_322 = tpu.memref_slice %arg3[%dma_wait3A_320, %dma_wait3A_321] : memref<100000x32xi32, #tpu.memory_space<hbm>> -> memref<100000x32xi32, #tpu.memory_space<hbm>>
    tpu.wait_indirect_dma semaphore(%arg14 : memref<!tpu.dma_semaphore, #tpu.memory_space<semaphore_mem>>) src(%dma_wait3A_322 : memref<100000x32xi32, #tpu.memory_space<hbm>>) dst(%dma_wait3A_317 : memref<128x32xi32, #tpu.memory_space<vmem>>)
    %add3A_323 = arith.constant 768 : i32
    %add3A_324 = arith.addi %mul3A_2, %add3A_323 : i32
    %dma_start3A_325 = arith.constant 6 : i32
    %dma_start3A_326 = arith.constant 0 : i32
    %dma_start3A_327 = arith.constant 0 : i32
    %dma_start3A_328 = tpu.memref_slice %arg7[%dma_start3A_325, %dma_start3A_326, %dma_start3A_327] : memref<8x128x32xi32, #tpu.memory_space<vmem>> -> memref<1x128x32xi32, #tpu.memory_space<vmem>>
    %dma_start3A_329 = tpu.memref_squeeze %dma_start3A_328 : memref<1x128x32xi32, #tpu.memory_space<vmem>> -> memref<128x32xi32, #tpu.memory_space<vmem>>
    %dma_start3A_330 = arith.constant 0 : i32
    %dma_start3A_331 = tpu.memref_slice %arg4[%add3A_324, %dma_start3A_330] : memref<524288x32xi32, #tpu.memory_space<hbm>> -> memref<128x32xi32, #tpu.memory_space<hbm>>
    %dma_start3A_332 = arith.constant 0 : i32
    %dma_start3A_333 = tpu.memref_slice %arg4[%add3A_324, %dma_start3A_332] : memref<524288x32xi32, #tpu.memory_space<hbm>> -> memref<128x32xi32, #tpu.memory_space<hbm>>
    %dma_start3A_334 = arith.constant 0 : i32
    %dma_start3A_335 = arith.constant 0 : i32
    %dma_start3A_336 = tpu.memref_slice %arg7[%dma_start3A_325, %dma_start3A_334, %dma_start3A_335] : memref<8x128x32xi32, #tpu.memory_space<vmem>> -> memref<1x128x32xi32, #tpu.memory_space<vmem>>
    %dma_start3A_337 = tpu.memref_squeeze %dma_start3A_336 : memref<1x128x32xi32, #tpu.memory_space<vmem>> -> memref<128x32xi32, #tpu.memory_space<vmem>>
    tpu.enqueue_dma source(%dma_start3A_337 : memref<128x32xi32, #tpu.memory_space<vmem>>) target(%dma_start3A_333 : memref<128x32xi32, #tpu.memory_space<hbm>>) target_semaphore(%arg22 : memref<!tpu.dma_semaphore, #tpu.memory_space<semaphore_mem>>)
    %add3A_338 = arith.constant 384 : i32
    %add3A_339 = arith.addi %mul3A_2, %add3A_338 : i32
    %dma_wait3A_340 = arith.constant 3 : i32
    %dma_wait3A_341 = arith.constant 0 : i32
    %dma_wait3A_342 = arith.constant 0 : i32
    %dma_wait3A_343 = tpu.memref_slice %arg7[%dma_wait3A_340, %dma_wait3A_341, %dma_wait3A_342] : memref<8x128x32xi32, #tpu.memory_space<vmem>> -> memref<1x128x32xi32, #tpu.memory_space<vmem>>
    %dma_wait3A_344 = tpu.memref_squeeze %dma_wait3A_343 : memref<1x128x32xi32, #tpu.memory_space<vmem>> -> memref<128x32xi32, #tpu.memory_space<vmem>>
    %dma_wait3A_345 = arith.constant 0 : i32
    %dma_wait3A_346 = tpu.memref_slice %arg4[%add3A_339, %dma_wait3A_345] : memref<524288x32xi32, #tpu.memory_space<hbm>> -> memref<128x32xi32, #tpu.memory_space<hbm>>
    %dma_wait3A_347 = arith.constant 0 : i32
    %dma_wait3A_348 = tpu.memref_slice %arg4[%add3A_339, %dma_wait3A_347] : memref<524288x32xi32, #tpu.memory_space<hbm>> -> memref<128x32xi32, #tpu.memory_space<hbm>>
    %dma_wait3A_349 = arith.constant 0 : i32
    %dma_wait3A_350 = arith.constant 0 : i32
    %dma_wait3A_351 = tpu.memref_slice %arg7[%dma_wait3A_340, %dma_wait3A_349, %dma_wait3A_350] : memref<8x128x32xi32, #tpu.memory_space<vmem>> -> memref<1x128x32xi32, #tpu.memory_space<vmem>>
    %dma_wait3A_352 = tpu.memref_squeeze %dma_wait3A_351 : memref<1x128x32xi32, #tpu.memory_space<vmem>> -> memref<128x32xi32, #tpu.memory_space<vmem>>
    tpu.wait_dma2 semaphore(%arg19 : memref<!tpu.dma_semaphore, #tpu.memory_space<semaphore_mem>>) src(%dma_wait3A_352 : memref<128x32xi32, #tpu.memory_space<vmem>>) dst(%dma_wait3A_348 : memref<128x32xi32, #tpu.memory_space<hbm>>)
    %dma_start3A_353 = arith.constant 3 : i32
    %dma_start3A_354 = arith.constant 0 : i32
    %dma_start3A_355 = arith.constant 0 : i32
    %dma_start3A_356 = tpu.memref_slice %arg7[%dma_start3A_353, %dma_start3A_354, %dma_start3A_355] : memref<8x128x32xi32, #tpu.memory_space<vmem>> -> memref<1x128x32xi32, #tpu.memory_space<vmem>>
    %dma_start3A_357 = tpu.memref_squeeze %dma_start3A_356 : memref<1x128x32xi32, #tpu.memory_space<vmem>> -> memref<128x32xi32, #tpu.memory_space<vmem>>
    %dma_start3A_358 = arith.constant 1408 : i32
    %dma_start3A_359 = tpu.memref_slice %arg5[%dma_start3A_358] : memref<16384xi32, #tpu.memory_space<vmem>> -> memref<128xi32, #tpu.memory_space<vmem>>
    %dma_start3A_360 = arith.constant 0 : i32
    %dma_start3A_361 = arith.constant 0 : i32
    %dma_start3A_362 = tpu.memref_slice %arg3[%dma_start3A_360, %dma_start3A_361] : memref<100000x32xi32, #tpu.memory_space<hbm>> -> memref<100000x32xi32, #tpu.memory_space<hbm>>
    tpu.enqueue_indirect_dma source(%dma_start3A_362 : memref<100000x32xi32, #tpu.memory_space<hbm>>) target(%dma_start3A_357 : memref<128x32xi32, #tpu.memory_space<vmem>>) offsets(%dma_start3A_359 : memref<128xi32, #tpu.memory_space<vmem>>) semaphore(%arg11 : memref<!tpu.dma_semaphore, #tpu.memory_space<semaphore_mem>>)
    %dma_wait3A_363 = arith.constant 7 : i32
    %dma_wait3A_364 = arith.constant 0 : i32
    %dma_wait3A_365 = arith.constant 0 : i32
    %dma_wait3A_366 = tpu.memref_slice %arg7[%dma_wait3A_363, %dma_wait3A_364, %dma_wait3A_365] : memref<8x128x32xi32, #tpu.memory_space<vmem>> -> memref<1x128x32xi32, #tpu.memory_space<vmem>>
    %dma_wait3A_367 = tpu.memref_squeeze %dma_wait3A_366 : memref<1x128x32xi32, #tpu.memory_space<vmem>> -> memref<128x32xi32, #tpu.memory_space<vmem>>
    %dma_wait3A_368 = arith.constant 896 : i32
    %dma_wait3A_369 = tpu.memref_slice %arg5[%dma_wait3A_368] : memref<16384xi32, #tpu.memory_space<vmem>> -> memref<128xi32, #tpu.memory_space<vmem>>
    %dma_wait3A_370 = arith.constant 0 : i32
    %dma_wait3A_371 = arith.constant 0 : i32
    %dma_wait3A_372 = tpu.memref_slice %arg3[%dma_wait3A_370, %dma_wait3A_371] : memref<100000x32xi32, #tpu.memory_space<hbm>> -> memref<100000x32xi32, #tpu.memory_space<hbm>>
    tpu.wait_indirect_dma semaphore(%arg15 : memref<!tpu.dma_semaphore, #tpu.memory_space<semaphore_mem>>) src(%dma_wait3A_372 : memref<100000x32xi32, #tpu.memory_space<hbm>>) dst(%dma_wait3A_367 : memref<128x32xi32, #tpu.memory_space<vmem>>)
    %add3A_373 = arith.constant 896 : i32
    %add3A_374 = arith.addi %mul3A_2, %add3A_373 : i32
    %dma_start3A_375 = arith.constant 7 : i32
    %dma_start3A_376 = arith.constant 0 : i32
    %dma_start3A_377 = arith.constant 0 : i32
    %dma_start3A_378 = tpu.memref_slice %arg7[%dma_start3A_375, %dma_start3A_376, %dma_start3A_377] : memref<8x128x32xi32, #tpu.memory_space<vmem>> -> memref<1x128x32xi32, #tpu.memory_space<vmem>>
    %dma_start3A_379 = tpu.memref_squeeze %dma_start3A_378 : memref<1x128x32xi32, #tpu.memory_space<vmem>> -> memref<128x32xi32, #tpu.memory_space<vmem>>
    %dma_start3A_380 = arith.constant 0 : i32
    %dma_start3A_381 = tpu.memref_slice %arg4[%add3A_374, %dma_start3A_380] : memref<524288x32xi32, #tpu.memory_space<hbm>> -> memref<128x32xi32, #tpu.memory_space<hbm>>
    %dma_start3A_382 = arith.constant 0 : i32
    %dma_start3A_383 = tpu.memref_slice %arg4[%add3A_374, %dma_start3A_382] : memref<524288x32xi32, #tpu.memory_space<hbm>> -> memref<128x32xi32, #tpu.memory_space<hbm>>
    %dma_start3A_384 = arith.constant 0 : i32
    %dma_start3A_385 = arith.constant 0 : i32
    %dma_start3A_386 = tpu.memref_slice %arg7[%dma_start3A_375, %dma_start3A_384, %dma_start3A_385] : memref<8x128x32xi32, #tpu.memory_space<vmem>> -> memref<1x128x32xi32, #tpu.memory_space<vmem>>
    %dma_start3A_387 = tpu.memref_squeeze %dma_start3A_386 : memref<1x128x32xi32, #tpu.memory_space<vmem>> -> memref<128x32xi32, #tpu.memory_space<vmem>>
    tpu.enqueue_dma source(%dma_start3A_387 : memref<128x32xi32, #tpu.memory_space<vmem>>) target(%dma_start3A_383 : memref<128x32xi32, #tpu.memory_space<hbm>>) target_semaphore(%arg23 : memref<!tpu.dma_semaphore, #tpu.memory_space<semaphore_mem>>)
    %scan3A_388 = arith.constant 0 : i32
    %scan3A_389 = arith.constant 1 : i32
    %scan3A_390 = arith.constant 14 : i32
    %scan3A_391 = arith.addi %scan3A_389, %scan3A_390 : i32
    %scan3A_392 = arith.constant 1 : i32
    scf.for %scan3A_814 = %scan3A_389 to %scan3A_391 step %scan3A_392  : i32 {
      %mul3A_815 = arith.constant 8 : i32
      %mul3A_816 = arith.muli %scan3A_814, %mul3A_815 : i32
      %add3A_817 = arith.constant 0 : i32
      %add3A_818 = arith.addi %mul3A_816, %add3A_817 : i32
      %sub3A = arith.constant 4 : i32
      %sub3A_819 = arith.subi %add3A_818, %sub3A : i32
      %mul3A_820 = arith.constant 128 : i32
      %mul3A_821 = arith.muli %sub3A_819, %mul3A_820 : i32
      %add3A_822 = arith.addi %mul3A_2, %mul3A_821 : i32
      %dma_wait3A_823 = arith.constant 4 : i32
      %dma_wait3A_824 = arith.constant 0 : i32
      %dma_wait3A_825 = arith.constant 0 : i32
      %dma_wait3A_826 = tpu.memref_slice %arg7[%dma_wait3A_823, %dma_wait3A_824, %dma_wait3A_825] : memref<8x128x32xi32, #tpu.memory_space<vmem>> -> memref<1x128x32xi32, #tpu.memory_space<vmem>>
      %dma_wait3A_827 = tpu.memref_squeeze %dma_wait3A_826 : memref<1x128x32xi32, #tpu.memory_space<vmem>> -> memref<128x32xi32, #tpu.memory_space<vmem>>
      %dma_wait3A_828 = arith.constant 0 : i32
      %dma_wait3A_829 = tpu.memref_slice %arg4[%add3A_822, %dma_wait3A_828] : memref<524288x32xi32, #tpu.memory_space<hbm>> -> memref<128x32xi32, #tpu.memory_space<hbm>>
      %dma_wait3A_830 = arith.constant 0 : i32
      %dma_wait3A_831 = tpu.memref_slice %arg4[%add3A_822, %dma_wait3A_830] : memref<524288x32xi32, #tpu.memory_space<hbm>> -> memref<128x32xi32, #tpu.memory_space<hbm>>
      %dma_wait3A_832 = arith.constant 0 : i32
      %dma_wait3A_833 = arith.constant 0 : i32
      %dma_wait3A_834 = tpu.memref_slice %arg7[%dma_wait3A_823, %dma_wait3A_832, %dma_wait3A_833] : memref<8x128x32xi32, #tpu.memory_space<vmem>> -> memref<1x128x32xi32, #tpu.memory_space<vmem>>
      %dma_wait3A_835 = tpu.memref_squeeze %dma_wait3A_834 : memref<1x128x32xi32, #tpu.memory_space<vmem>> -> memref<128x32xi32, #tpu.memory_space<vmem>>
      tpu.wait_dma2 semaphore(%arg20 : memref<!tpu.dma_semaphore, #tpu.memory_space<semaphore_mem>>) src(%dma_wait3A_835 : memref<128x32xi32, #tpu.memory_space<vmem>>) dst(%dma_wait3A_831 : memref<128x32xi32, #tpu.memory_space<hbm>>)
      %add3A_836 = arith.constant 4 : i32
      %add3A_837 = arith.addi %add3A_818, %add3A_836 : i32
      %mul3A_838 = arith.constant 128 : i32
      %mul3A_839 = arith.muli %add3A_837, %mul3A_838 : i32
      %dma_start3A_840 = arith.constant 4 : i32
      %dma_start3A_841 = arith.constant 0 : i32
      %dma_start3A_842 = arith.constant 0 : i32
      %dma_start3A_843 = tpu.memref_slice %arg7[%dma_start3A_840, %dma_start3A_841, %dma_start3A_842] : memref<8x128x32xi32, #tpu.memory_space<vmem>> -> memref<1x128x32xi32, #tpu.memory_space<vmem>>
      %dma_start3A_844 = tpu.memref_squeeze %dma_start3A_843 : memref<1x128x32xi32, #tpu.memory_space<vmem>> -> memref<128x32xi32, #tpu.memory_space<vmem>>
      %dma_start3A_845 = tpu.memref_slice %arg5[%mul3A_839] : memref<16384xi32, #tpu.memory_space<vmem>> -> memref<128xi32, #tpu.memory_space<vmem>>
      %dma_start3A_846 = arith.constant 0 : i32
      %dma_start3A_847 = arith.constant 0 : i32
      %dma_start3A_848 = tpu.memref_slice %arg3[%dma_start3A_846, %dma_start3A_847] : memref<100000x32xi32, #tpu.memory_space<hbm>> -> memref<100000x32xi32, #tpu.memory_space<hbm>>
      tpu.enqueue_indirect_dma source(%dma_start3A_848 : memref<100000x32xi32, #tpu.memory_space<hbm>>) target(%dma_start3A_844 : memref<128x32xi32, #tpu.memory_space<vmem>>) offsets(%dma_start3A_845 : memref<128xi32, #tpu.memory_space<vmem>>) semaphore(%arg12 : memref<!tpu.dma_semaphore, #tpu.memory_space<semaphore_mem>>)
      %mul3A_849 = arith.constant 128 : i32
      %mul3A_850 = arith.muli %add3A_818, %mul3A_849 : i32
      %dma_wait3A_851 = arith.constant 0 : i32
      %dma_wait3A_852 = arith.constant 0 : i32
      %dma_wait3A_853 = arith.constant 0 : i32
      %dma_wait3A_854 = tpu.memref_slice %arg7[%dma_wait3A_851, %dma_wait3A_852, %dma_wait3A_853] : memref<8x128x32xi32, #tpu.memory_space<vmem>> -> memref<1x128x32xi32, #tpu.memory_space<vmem>>
      %dma_wait3A_855 = tpu.memref_squeeze %dma_wait3A_854 : memref<1x128x32xi32, #tpu.memory_space<vmem>> -> memref<128x32xi32, #tpu.memory_space<vmem>>
      %dma_wait3A_856 = tpu.memref_slice %arg5[%mul3A_850] : memref<16384xi32, #tpu.memory_space<vmem>> -> memref<128xi32, #tpu.memory_space<vmem>>
      %dma_wait3A_857 = arith.constant 0 : i32
      %dma_wait3A_858 = arith.constant 0 : i32
      %dma_wait3A_859 = tpu.memref_slice %arg3[%dma_wait3A_857, %dma_wait3A_858] : memref<100000x32xi32, #tpu.memory_space<hbm>> -> memref<100000x32xi32, #tpu.memory_space<hbm>>
      tpu.wait_indirect_dma semaphore(%arg8 : memref<!tpu.dma_semaphore, #tpu.memory_space<semaphore_mem>>) src(%dma_wait3A_859 : memref<100000x32xi32, #tpu.memory_space<hbm>>) dst(%dma_wait3A_855 : memref<128x32xi32, #tpu.memory_space<vmem>>)
      %mul3A_860 = arith.constant 128 : i32
      %mul3A_861 = arith.muli %add3A_818, %mul3A_860 : i32
      %add3A_862 = arith.addi %mul3A_2, %mul3A_861 : i32
      %dma_start3A_863 = arith.constant 0 : i32
      %dma_start3A_864 = arith.constant 0 : i32
      %dma_start3A_865 = arith.constant 0 : i32
      %dma_start3A_866 = tpu.memref_slice %arg7[%dma_start3A_863, %dma_start3A_864, %dma_start3A_865] : memref<8x128x32xi32, #tpu.memory_space<vmem>> -> memref<1x128x32xi32, #tpu.memory_space<vmem>>
      %dma_start3A_867 = tpu.memref_squeeze %dma_start3A_866 : memref<1x128x32xi32, #tpu.memory_space<vmem>> -> memref<128x32xi32, #tpu.memory_space<vmem>>
      %dma_start3A_868 = arith.constant 0 : i32
      %dma_start3A_869 = tpu.memref_slice %arg4[%add3A_862, %dma_start3A_868] : memref<524288x32xi32, #tpu.memory_space<hbm>> -> memref<128x32xi32, #tpu.memory_space<hbm>>
      %dma_start3A_870 = arith.constant 0 : i32
      %dma_start3A_871 = tpu.memref_slice %arg4[%add3A_862, %dma_start3A_870] : memref<524288x32xi32, #tpu.memory_space<hbm>> -> memref<128x32xi32, #tpu.memory_space<hbm>>
      %dma_start3A_872 = arith.constant 0 : i32
      %dma_start3A_873 = arith.constant 0 : i32
      %dma_start3A_874 = tpu.memref_slice %arg7[%dma_start3A_863, %dma_start3A_872, %dma_start3A_873] : memref<8x128x32xi32, #tpu.memory_space<vmem>> -> memref<1x128x32xi32, #tpu.memory_space<vmem>>
      %dma_start3A_875 = tpu.memref_squeeze %dma_start3A_874 : memref<1x128x32xi32, #tpu.memory_space<vmem>> -> memref<128x32xi32, #tpu.memory_space<vmem>>
      tpu.enqueue_dma source(%dma_start3A_875 : memref<128x32xi32, #tpu.memory_space<vmem>>) target(%dma_start3A_871 : memref<128x32xi32, #tpu.memory_space<hbm>>) target_semaphore(%arg16 : memref<!tpu.dma_semaphore, #tpu.memory_space<semaphore_mem>>)
      %mul3A_876 = arith.constant 8 : i32
      %mul3A_877 = arith.muli %scan3A_814, %mul3A_876 : i32
      %add3A_878 = arith.constant 1 : i32
      %add3A_879 = arith.addi %mul3A_877, %add3A_878 : i32
      %sub3A_880 = arith.constant 4 : i32
      %sub3A_881 = arith.subi %add3A_879, %sub3A_880 : i32
      %mul3A_882 = arith.constant 128 : i32
      %mul3A_883 = arith.muli %sub3A_881, %mul3A_882 : i32
      %add3A_884 = arith.addi %mul3A_2, %mul3A_883 : i32
      %dma_wait3A_885 = arith.constant 5 : i32
      %dma_wait3A_886 = arith.constant 0 : i32
      %dma_wait3A_887 = arith.constant 0 : i32
      %dma_wait3A_888 = tpu.memref_slice %arg7[%dma_wait3A_885, %dma_wait3A_886, %dma_wait3A_887] : memref<8x128x32xi32, #tpu.memory_space<vmem>> -> memref<1x128x32xi32, #tpu.memory_space<vmem>>
      %dma_wait3A_889 = tpu.memref_squeeze %dma_wait3A_888 : memref<1x128x32xi32, #tpu.memory_space<vmem>> -> memref<128x32xi32, #tpu.memory_space<vmem>>
      %dma_wait3A_890 = arith.constant 0 : i32
      %dma_wait3A_891 = tpu.memref_slice %arg4[%add3A_884, %dma_wait3A_890] : memref<524288x32xi32, #tpu.memory_space<hbm>> -> memref<128x32xi32, #tpu.memory_space<hbm>>
      %dma_wait3A_892 = arith.constant 0 : i32
      %dma_wait3A_893 = tpu.memref_slice %arg4[%add3A_884, %dma_wait3A_892] : memref<524288x32xi32, #tpu.memory_space<hbm>> -> memref<128x32xi32, #tpu.memory_space<hbm>>
      %dma_wait3A_894 = arith.constant 0 : i32
      %dma_wait3A_895 = arith.constant 0 : i32
      %dma_wait3A_896 = tpu.memref_slice %arg7[%dma_wait3A_885, %dma_wait3A_894, %dma_wait3A_895] : memref<8x128x32xi32, #tpu.memory_space<vmem>> -> memref<1x128x32xi32, #tpu.memory_space<vmem>>
      %dma_wait3A_897 = tpu.memref_squeeze %dma_wait3A_896 : memref<1x128x32xi32, #tpu.memory_space<vmem>> -> memref<128x32xi32, #tpu.memory_space<vmem>>
      tpu.wait_dma2 semaphore(%arg21 : memref<!tpu.dma_semaphore, #tpu.memory_space<semaphore_mem>>) src(%dma_wait3A_897 : memref<128x32xi32, #tpu.memory_space<vmem>>) dst(%dma_wait3A_893 : memref<128x32xi32, #tpu.memory_space<hbm>>)
      %add3A_898 = arith.constant 4 : i32
      %add3A_899 = arith.addi %add3A_879, %add3A_898 : i32
      %mul3A_900 = arith.constant 128 : i32
      %mul3A_901 = arith.muli %add3A_899, %mul3A_900 : i32
      %dma_start3A_902 = arith.constant 5 : i32
      %dma_start3A_903 = arith.constant 0 : i32
      %dma_start3A_904 = arith.constant 0 : i32
      %dma_start3A_905 = tpu.memref_slice %arg7[%dma_start3A_902, %dma_start3A_903, %dma_start3A_904] : memref<8x128x32xi32, #tpu.memory_space<vmem>> -> memref<1x128x32xi32, #tpu.memory_space<vmem>>
      %dma_start3A_906 = tpu.memref_squeeze %dma_start3A_905 : memref<1x128x32xi32, #tpu.memory_space<vmem>> -> memref<128x32xi32, #tpu.memory_space<vmem>>
      %dma_start3A_907 = tpu.memref_slice %arg5[%mul3A_901] : memref<16384xi32, #tpu.memory_space<vmem>> -> memref<128xi32, #tpu.memory_space<vmem>>
      %dma_start3A_908 = arith.constant 0 : i32
      %dma_start3A_909 = arith.constant 0 : i32
      %dma_start3A_910 = tpu.memref_slice %arg3[%dma_start3A_908, %dma_start3A_909] : memref<100000x32xi32, #tpu.memory_space<hbm>> -> memref<100000x32xi32, #tpu.memory_space<hbm>>
      tpu.enqueue_indirect_dma source(%dma_start3A_910 : memref<100000x32xi32, #tpu.memory_space<hbm>>) target(%dma_start3A_906 : memref<128x32xi32, #tpu.memory_space<vmem>>) offsets(%dma_start3A_907 : memref<128xi32, #tpu.memory_space<vmem>>) semaphore(%arg13 : memref<!tpu.dma_semaphore, #tpu.memory_space<semaphore_mem>>)
      %mul3A_911 = arith.constant 128 : i32
      %mul3A_912 = arith.muli %add3A_879, %mul3A_911 : i32
      %dma_wait3A_913 = arith.constant 1 : i32
      %dma_wait3A_914 = arith.constant 0 : i32
      %dma_wait3A_915 = arith.constant 0 : i32
      %dma_wait3A_916 = tpu.memref_slice %arg7[%dma_wait3A_913, %dma_wait3A_914, %dma_wait3A_915] : memref<8x128x32xi32, #tpu.memory_space<vmem>> -> memref<1x128x32xi32, #tpu.memory_space<vmem>>
      %dma_wait3A_917 = tpu.memref_squeeze %dma_wait3A_916 : memref<1x128x32xi32, #tpu.memory_space<vmem>> -> memref<128x32xi32, #tpu.memory_space<vmem>>
      %dma_wait3A_918 = tpu.memref_slice %arg5[%mul3A_912] : memref<16384xi32, #tpu.memory_space<vmem>> -> memref<128xi32, #tpu.memory_space<vmem>>
      %dma_wait3A_919 = arith.constant 0 : i32
      %dma_wait3A_920 = arith.constant 0 : i32
      %dma_wait3A_921 = tpu.memref_slice %arg3[%dma_wait3A_919, %dma_wait3A_920] : memref<100000x32xi32, #tpu.memory_space<hbm>> -> memref<100000x32xi32, #tpu.memory_space<hbm>>
      tpu.wait_indirect_dma semaphore(%arg9 : memref<!tpu.dma_semaphore, #tpu.memory_space<semaphore_mem>>) src(%dma_wait3A_921 : memref<100000x32xi32, #tpu.memory_space<hbm>>) dst(%dma_wait3A_917 : memref<128x32xi32, #tpu.memory_space<vmem>>)
      %mul3A_922 = arith.constant 128 : i32
      %mul3A_923 = arith.muli %add3A_879, %mul3A_922 : i32
      %add3A_924 = arith.addi %mul3A_2, %mul3A_923 : i32
      %dma_start3A_925 = arith.constant 1 : i32
      %dma_start3A_926 = arith.constant 0 : i32
      %dma_start3A_927 = arith.constant 0 : i32
      %dma_start3A_928 = tpu.memref_slice %arg7[%dma_start3A_925, %dma_start3A_926, %dma_start3A_927] : memref<8x128x32xi32, #tpu.memory_space<vmem>> -> memref<1x128x32xi32, #tpu.memory_space<vmem>>
      %dma_start3A_929 = tpu.memref_squeeze %dma_start3A_928 : memref<1x128x32xi32, #tpu.memory_space<vmem>> -> memref<128x32xi32, #tpu.memory_space<vmem>>
      %dma_start3A_930 = arith.constant 0 : i32
      %dma_start3A_931 = tpu.memref_slice %arg4[%add3A_924, %dma_start3A_930] : memref<524288x32xi32, #tpu.memory_space<hbm>> -> memref<128x32xi32, #tpu.memory_space<hbm>>
      %dma_start3A_932 = arith.constant 0 : i32
      %dma_start3A_933 = tpu.memref_slice %arg4[%add3A_924, %dma_start3A_932] : memref<524288x32xi32, #tpu.memory_space<hbm>> -> memref<128x32xi32, #tpu.memory_space<hbm>>
      %dma_start3A_934 = arith.constant 0 : i32
      %dma_start3A_935 = arith.constant 0 : i32
      %dma_start3A_936 = tpu.memref_slice %arg7[%dma_start3A_925, %dma_start3A_934, %dma_start3A_935] : memref<8x128x32xi32, #tpu.memory_space<vmem>> -> memref<1x128x32xi32, #tpu.memory_space<vmem>>
      %dma_start3A_937 = tpu.memref_squeeze %dma_start3A_936 : memref<1x128x32xi32, #tpu.memory_space<vmem>> -> memref<128x32xi32, #tpu.memory_space<vmem>>
      tpu.enqueue_dma source(%dma_start3A_937 : memref<128x32xi32, #tpu.memory_space<vmem>>) target(%dma_start3A_933 : memref<128x32xi32, #tpu.memory_space<hbm>>) target_semaphore(%arg17 : memref<!tpu.dma_semaphore, #tpu.memory_space<semaphore_mem>>)
      %mul3A_938 = arith.constant 8 : i32
      %mul3A_939 = arith.muli %scan3A_814, %mul3A_938 : i32
      %add3A_940 = arith.constant 2 : i32
      %add3A_941 = arith.addi %mul3A_939, %add3A_940 : i32
      %sub3A_942 = arith.constant 4 : i32
      %sub3A_943 = arith.subi %add3A_941, %sub3A_942 : i32
      %mul3A_944 = arith.constant 128 : i32
      %mul3A_945 = arith.muli %sub3A_943, %mul3A_944 : i32
      %add3A_946 = arith.addi %mul3A_2, %mul3A_945 : i32
      %dma_wait3A_947 = arith.constant 6 : i32
      %dma_wait3A_948 = arith.constant 0 : i32
      %dma_wait3A_949 = arith.constant 0 : i32
      %dma_wait3A_950 = tpu.memref_slice %arg7[%dma_wait3A_947, %dma_wait3A_948, %dma_wait3A_949] : memref<8x128x32xi32, #tpu.memory_space<vmem>> -> memref<1x128x32xi32, #tpu.memory_space<vmem>>
      %dma_wait3A_951 = tpu.memref_squeeze %dma_wait3A_950 : memref<1x128x32xi32, #tpu.memory_space<vmem>> -> memref<128x32xi32, #tpu.memory_space<vmem>>
      %dma_wait3A_952 = arith.constant 0 : i32
      %dma_wait3A_953 = tpu.memref_slice %arg4[%add3A_946, %dma_wait3A_952] : memref<524288x32xi32, #tpu.memory_space<hbm>> -> memref<128x32xi32, #tpu.memory_space<hbm>>
      %dma_wait3A_954 = arith.constant 0 : i32
      %dma_wait3A_955 = tpu.memref_slice %arg4[%add3A_946, %dma_wait3A_954] : memref<524288x32xi32, #tpu.memory_space<hbm>> -> memref<128x32xi32, #tpu.memory_space<hbm>>
      %dma_wait3A_956 = arith.constant 0 : i32
      %dma_wait3A_957 = arith.constant 0 : i32
      %dma_wait3A_958 = tpu.memref_slice %arg7[%dma_wait3A_947, %dma_wait3A_956, %dma_wait3A_957] : memref<8x128x32xi32, #tpu.memory_space<vmem>> -> memref<1x128x32xi32, #tpu.memory_space<vmem>>
      %dma_wait3A_959 = tpu.memref_squeeze %dma_wait3A_958 : memref<1x128x32xi32, #tpu.memory_space<vmem>> -> memref<128x32xi32, #tpu.memory_space<vmem>>
      tpu.wait_dma2 semaphore(%arg22 : memref<!tpu.dma_semaphore, #tpu.memory_space<semaphore_mem>>) src(%dma_wait3A_959 : memref<128x32xi32, #tpu.memory_space<vmem>>) dst(%dma_wait3A_955 : memref<128x32xi32, #tpu.memory_space<hbm>>)
      %add3A_960 = arith.constant 4 : i32
      %add3A_961 = arith.addi %add3A_941, %add3A_960 : i32
      %mul3A_962 = arith.constant 128 : i32
      %mul3A_963 = arith.muli %add3A_961, %mul3A_962 : i32
      %dma_start3A_964 = arith.constant 6 : i32
      %dma_start3A_965 = arith.constant 0 : i32
      %dma_start3A_966 = arith.constant 0 : i32
      %dma_start3A_967 = tpu.memref_slice %arg7[%dma_start3A_964, %dma_start3A_965, %dma_start3A_966] : memref<8x128x32xi32, #tpu.memory_space<vmem>> -> memref<1x128x32xi32, #tpu.memory_space<vmem>>
      %dma_start3A_968 = tpu.memref_squeeze %dma_start3A_967 : memref<1x128x32xi32, #tpu.memory_space<vmem>> -> memref<128x32xi32, #tpu.memory_space<vmem>>
      %dma_start3A_969 = tpu.memref_slice %arg5[%mul3A_963] : memref<16384xi32, #tpu.memory_space<vmem>> -> memref<128xi32, #tpu.memory_space<vmem>>
      %dma_start3A_970 = arith.constant 0 : i32
      %dma_start3A_971 = arith.constant 0 : i32
      %dma_start3A_972 = tpu.memref_slice %arg3[%dma_start3A_970, %dma_start3A_971] : memref<100000x32xi32, #tpu.memory_space<hbm>> -> memref<100000x32xi32, #tpu.memory_space<hbm>>
      tpu.enqueue_indirect_dma source(%dma_start3A_972 : memref<100000x32xi32, #tpu.memory_space<hbm>>) target(%dma_start3A_968 : memref<128x32xi32, #tpu.memory_space<vmem>>) offsets(%dma_start3A_969 : memref<128xi32, #tpu.memory_space<vmem>>) semaphore(%arg14 : memref<!tpu.dma_semaphore, #tpu.memory_space<semaphore_mem>>)
      %mul3A_973 = arith.constant 128 : i32
      %mul3A_974 = arith.muli %add3A_941, %mul3A_973 : i32
      %dma_wait3A_975 = arith.constant 2 : i32
      %dma_wait3A_976 = arith.constant 0 : i32
      %dma_wait3A_977 = arith.constant 0 : i32
      %dma_wait3A_978 = tpu.memref_slice %arg7[%dma_wait3A_975, %dma_wait3A_976, %dma_wait3A_977] : memref<8x128x32xi32, #tpu.memory_space<vmem>> -> memref<1x128x32xi32, #tpu.memory_space<vmem>>
      %dma_wait3A_979 = tpu.memref_squeeze %dma_wait3A_978 : memref<1x128x32xi32, #tpu.memory_space<vmem>> -> memref<128x32xi32, #tpu.memory_space<vmem>>
      %dma_wait3A_980 = tpu.memref_slice %arg5[%mul3A_974] : memref<16384xi32, #tpu.memory_space<vmem>> -> memref<128xi32, #tpu.memory_space<vmem>>
      %dma_wait3A_981 = arith.constant 0 : i32
      %dma_wait3A_982 = arith.constant 0 : i32
      %dma_wait3A_983 = tpu.memref_slice %arg3[%dma_wait3A_981, %dma_wait3A_982] : memref<100000x32xi32, #tpu.memory_space<hbm>> -> memref<100000x32xi32, #tpu.memory_space<hbm>>
      tpu.wait_indirect_dma semaphore(%arg10 : memref<!tpu.dma_semaphore, #tpu.memory_space<semaphore_mem>>) src(%dma_wait3A_983 : memref<100000x32xi32, #tpu.memory_space<hbm>>) dst(%dma_wait3A_979 : memref<128x32xi32, #tpu.memory_space<vmem>>)
      %mul3A_984 = arith.constant 128 : i32
      %mul3A_985 = arith.muli %add3A_941, %mul3A_984 : i32
      %add3A_986 = arith.addi %mul3A_2, %mul3A_985 : i32
      %dma_start3A_987 = arith.constant 2 : i32
      %dma_start3A_988 = arith.constant 0 : i32
      %dma_start3A_989 = arith.constant 0 : i32
      %dma_start3A_990 = tpu.memref_slice %arg7[%dma_start3A_987, %dma_start3A_988, %dma_start3A_989] : memref<8x128x32xi32, #tpu.memory_space<vmem>> -> memref<1x128x32xi32, #tpu.memory_space<vmem>>
      %dma_start3A_991 = tpu.memref_squeeze %dma_start3A_990 : memref<1x128x32xi32, #tpu.memory_space<vmem>> -> memref<128x32xi32, #tpu.memory_space<vmem>>
      %dma_start3A_992 = arith.constant 0 : i32
      %dma_start3A_993 = tpu.memref_slice %arg4[%add3A_986, %dma_start3A_992] : memref<524288x32xi32, #tpu.memory_space<hbm>> -> memref<128x32xi32, #tpu.memory_space<hbm>>
      %dma_start3A_994 = arith.constant 0 : i32
      %dma_start3A_995 = tpu.memref_slice %arg4[%add3A_986, %dma_start3A_994] : memref<524288x32xi32, #tpu.memory_space<hbm>> -> memref<128x32xi32, #tpu.memory_space<hbm>>
      %dma_start3A_996 = arith.constant 0 : i32
      %dma_start3A_997 = arith.constant 0 : i32
      %dma_start3A_998 = tpu.memref_slice %arg7[%dma_start3A_987, %dma_start3A_996, %dma_start3A_997] : memref<8x128x32xi32, #tpu.memory_space<vmem>> -> memref<1x128x32xi32, #tpu.memory_space<vmem>>
      %dma_start3A_999 = tpu.memref_squeeze %dma_start3A_998 : memref<1x128x32xi32, #tpu.memory_space<vmem>> -> memref<128x32xi32, #tpu.memory_space<vmem>>
      tpu.enqueue_dma source(%dma_start3A_999 : memref<128x32xi32, #tpu.memory_space<vmem>>) target(%dma_start3A_995 : memref<128x32xi32, #tpu.memory_space<hbm>>) target_semaphore(%arg18 : memref<!tpu.dma_semaphore, #tpu.memory_space<semaphore_mem>>)
      %mul3A_1000 = arith.constant 8 : i32
      %mul3A_1001 = arith.muli %scan3A_814, %mul3A_1000 : i32
      %add3A_1002 = arith.constant 3 : i32
      %add3A_1003 = arith.addi %mul3A_1001, %add3A_1002 : i32
      %sub3A_1004 = arith.constant 4 : i32
      %sub3A_1005 = arith.subi %add3A_1003, %sub3A_1004 : i32
      %mul3A_1006 = arith.constant 128 : i32
      %mul3A_1007 = arith.muli %sub3A_1005, %mul3A_1006 : i32
      %add3A_1008 = arith.addi %mul3A_2, %mul3A_1007 : i32
      %dma_wait3A_1009 = arith.constant 7 : i32
      %dma_wait3A_1010 = arith.constant 0 : i32
      %dma_wait3A_1011 = arith.constant 0 : i32
      %dma_wait3A_1012 = tpu.memref_slice %arg7[%dma_wait3A_1009, %dma_wait3A_1010, %dma_wait3A_1011] : memref<8x128x32xi32, #tpu.memory_space<vmem>> -> memref<1x128x32xi32, #tpu.memory_space<vmem>>
      %dma_wait3A_1013 = tpu.memref_squeeze %dma_wait3A_1012 : memref<1x128x32xi32, #tpu.memory_space<vmem>> -> memref<128x32xi32, #tpu.memory_space<vmem>>
      %dma_wait3A_1014 = arith.constant 0 : i32
      %dma_wait3A_1015 = tpu.memref_slice %arg4[%add3A_1008, %dma_wait3A_1014] : memref<524288x32xi32, #tpu.memory_space<hbm>> -> memref<128x32xi32, #tpu.memory_space<hbm>>
      %dma_wait3A_1016 = arith.constant 0 : i32
      %dma_wait3A_1017 = tpu.memref_slice %arg4[%add3A_1008, %dma_wait3A_1016] : memref<524288x32xi32, #tpu.memory_space<hbm>> -> memref<128x32xi32, #tpu.memory_space<hbm>>
      %dma_wait3A_1018 = arith.constant 0 : i32
      %dma_wait3A_1019 = arith.constant 0 : i32
      %dma_wait3A_1020 = tpu.memref_slice %arg7[%dma_wait3A_1009, %dma_wait3A_1018, %dma_wait3A_1019] : memref<8x128x32xi32, #tpu.memory_space<vmem>> -> memref<1x128x32xi32, #tpu.memory_space<vmem>>
      %dma_wait3A_1021 = tpu.memref_squeeze %dma_wait3A_1020 : memref<1x128x32xi32, #tpu.memory_space<vmem>> -> memref<128x32xi32, #tpu.memory_space<vmem>>
      tpu.wait_dma2 semaphore(%arg23 : memref<!tpu.dma_semaphore, #tpu.memory_space<semaphore_mem>>) src(%dma_wait3A_1021 : memref<128x32xi32, #tpu.memory_space<vmem>>) dst(%dma_wait3A_1017 : memref<128x32xi32, #tpu.memory_space<hbm>>)
      %add3A_1022 = arith.constant 4 : i32
      %add3A_1023 = arith.addi %add3A_1003, %add3A_1022 : i32
      %mul3A_1024 = arith.constant 128 : i32
      %mul3A_1025 = arith.muli %add3A_1023, %mul3A_1024 : i32
      %dma_start3A_1026 = arith.constant 7 : i32
      %dma_start3A_1027 = arith.constant 0 : i32
      %dma_start3A_1028 = arith.constant 0 : i32
      %dma_start3A_1029 = tpu.memref_slice %arg7[%dma_start3A_1026, %dma_start3A_1027, %dma_start3A_1028] : memref<8x128x32xi32, #tpu.memory_space<vmem>> -> memref<1x128x32xi32, #tpu.memory_space<vmem>>
      %dma_start3A_1030 = tpu.memref_squeeze %dma_start3A_1029 : memref<1x128x32xi32, #tpu.memory_space<vmem>> -> memref<128x32xi32, #tpu.memory_space<vmem>>
      %dma_start3A_1031 = tpu.memref_slice %arg5[%mul3A_1025] : memref<16384xi32, #tpu.memory_space<vmem>> -> memref<128xi32, #tpu.memory_space<vmem>>
      %dma_start3A_1032 = arith.constant 0 : i32
      %dma_start3A_1033 = arith.constant 0 : i32
      %dma_start3A_1034 = tpu.memref_slice %arg3[%dma_start3A_1032, %dma_start3A_1033] : memref<100000x32xi32, #tpu.memory_space<hbm>> -> memref<100000x32xi32, #tpu.memory_space<hbm>>
      tpu.enqueue_indirect_dma source(%dma_start3A_1034 : memref<100000x32xi32, #tpu.memory_space<hbm>>) target(%dma_start3A_1030 : memref<128x32xi32, #tpu.memory_space<vmem>>) offsets(%dma_start3A_1031 : memref<128xi32, #tpu.memory_space<vmem>>) semaphore(%arg15 : memref<!tpu.dma_semaphore, #tpu.memory_space<semaphore_mem>>)
      %mul3A_1035 = arith.constant 128 : i32
      %mul3A_1036 = arith.muli %add3A_1003, %mul3A_1035 : i32
      %dma_wait3A_1037 = arith.constant 3 : i32
      %dma_wait3A_1038 = arith.constant 0 : i32
      %dma_wait3A_1039 = arith.constant 0 : i32
      %dma_wait3A_1040 = tpu.memref_slice %arg7[%dma_wait3A_1037, %dma_wait3A_1038, %dma_wait3A_1039] : memref<8x128x32xi32, #tpu.memory_space<vmem>> -> memref<1x128x32xi32, #tpu.memory_space<vmem>>
      %dma_wait3A_1041 = tpu.memref_squeeze %dma_wait3A_1040 : memref<1x128x32xi32, #tpu.memory_space<vmem>> -> memref<128x32xi32, #tpu.memory_space<vmem>>
      %dma_wait3A_1042 = tpu.memref_slice %arg5[%mul3A_1036] : memref<16384xi32, #tpu.memory_space<vmem>> -> memref<128xi32, #tpu.memory_space<vmem>>
      %dma_wait3A_1043 = arith.constant 0 : i32
      %dma_wait3A_1044 = arith.constant 0 : i32
      %dma_wait3A_1045 = tpu.memref_slice %arg3[%dma_wait3A_1043, %dma_wait3A_1044] : memref<100000x32xi32, #tpu.memory_space<hbm>> -> memref<100000x32xi32, #tpu.memory_space<hbm>>
      tpu.wait_indirect_dma semaphore(%arg11 : memref<!tpu.dma_semaphore, #tpu.memory_space<semaphore_mem>>) src(%dma_wait3A_1045 : memref<100000x32xi32, #tpu.memory_space<hbm>>) dst(%dma_wait3A_1041 : memref<128x32xi32, #tpu.memory_space<vmem>>)
      %mul3A_1046 = arith.constant 128 : i32
      %mul3A_1047 = arith.muli %add3A_1003, %mul3A_1046 : i32
      %add3A_1048 = arith.addi %mul3A_2, %mul3A_1047 : i32
      %dma_start3A_1049 = arith.constant 3 : i32
      %dma_start3A_1050 = arith.constant 0 : i32
      %dma_start3A_1051 = arith.constant 0 : i32
      %dma_start3A_1052 = tpu.memref_slice %arg7[%dma_start3A_1049, %dma_start3A_1050, %dma_start3A_1051] : memref<8x128x32xi32, #tpu.memory_space<vmem>> -> memref<1x128x32xi32, #tpu.memory_space<vmem>>
      %dma_start3A_1053 = tpu.memref_squeeze %dma_start3A_1052 : memref<1x128x32xi32, #tpu.memory_space<vmem>> -> memref<128x32xi32, #tpu.memory_space<vmem>>
      %dma_start3A_1054 = arith.constant 0 : i32
      %dma_start3A_1055 = tpu.memref_slice %arg4[%add3A_1048, %dma_start3A_1054] : memref<524288x32xi32, #tpu.memory_space<hbm>> -> memref<128x32xi32, #tpu.memory_space<hbm>>
      %dma_start3A_1056 = arith.constant 0 : i32
      %dma_start3A_1057 = tpu.memref_slice %arg4[%add3A_1048, %dma_start3A_1056] : memref<524288x32xi32, #tpu.memory_space<hbm>> -> memref<128x32xi32, #tpu.memory_space<hbm>>
      %dma_start3A_1058 = arith.constant 0 : i32
      %dma_start3A_1059 = arith.constant 0 : i32
      %dma_start3A_1060 = tpu.memref_slice %arg7[%dma_start3A_1049, %dma_start3A_1058, %dma_start3A_1059] : memref<8x128x32xi32, #tpu.memory_space<vmem>> -> memref<1x128x32xi32, #tpu.memory_space<vmem>>
      %dma_start3A_1061 = tpu.memref_squeeze %dma_start3A_1060 : memref<1x128x32xi32, #tpu.memory_space<vmem>> -> memref<128x32xi32, #tpu.memory_space<vmem>>
      tpu.enqueue_dma source(%dma_start3A_1061 : memref<128x32xi32, #tpu.memory_space<vmem>>) target(%dma_start3A_1057 : memref<128x32xi32, #tpu.memory_space<hbm>>) target_semaphore(%arg19 : memref<!tpu.dma_semaphore, #tpu.memory_space<semaphore_mem>>)
      %mul3A_1062 = arith.constant 8 : i32
      %mul3A_1063 = arith.muli %scan3A_814, %mul3A_1062 : i32
      %add3A_1064 = arith.constant 4 : i32
      %add3A_1065 = arith.addi %mul3A_1063, %add3A_1064 : i32
      %sub3A_1066 = arith.constant 4 : i32
      %sub3A_1067 = arith.subi %add3A_1065, %sub3A_1066 : i32
      %mul3A_1068 = arith.constant 128 : i32
      %mul3A_1069 = arith.muli %sub3A_1067, %mul3A_1068 : i32
      %add3A_1070 = arith.addi %mul3A_2, %mul3A_1069 : i32
      %dma_wait3A_1071 = arith.constant 0 : i32
      %dma_wait3A_1072 = arith.constant 0 : i32
      %dma_wait3A_1073 = arith.constant 0 : i32
      %dma_wait3A_1074 = tpu.memref_slice %arg7[%dma_wait3A_1071, %dma_wait3A_1072, %dma_wait3A_1073] : memref<8x128x32xi32, #tpu.memory_space<vmem>> -> memref<1x128x32xi32, #tpu.memory_space<vmem>>
      %dma_wait3A_1075 = tpu.memref_squeeze %dma_wait3A_1074 : memref<1x128x32xi32, #tpu.memory_space<vmem>> -> memref<128x32xi32, #tpu.memory_space<vmem>>
      %dma_wait3A_1076 = arith.constant 0 : i32
      %dma_wait3A_1077 = tpu.memref_slice %arg4[%add3A_1070, %dma_wait3A_1076] : memref<524288x32xi32, #tpu.memory_space<hbm>> -> memref<128x32xi32, #tpu.memory_space<hbm>>
      %dma_wait3A_1078 = arith.constant 0 : i32
      %dma_wait3A_1079 = tpu.memref_slice %arg4[%add3A_1070, %dma_wait3A_1078] : memref<524288x32xi32, #tpu.memory_space<hbm>> -> memref<128x32xi32, #tpu.memory_space<hbm>>
      %dma_wait3A_1080 = arith.constant 0 : i32
      %dma_wait3A_1081 = arith.constant 0 : i32
      %dma_wait3A_1082 = tpu.memref_slice %arg7[%dma_wait3A_1071, %dma_wait3A_1080, %dma_wait3A_1081] : memref<8x128x32xi32, #tpu.memory_space<vmem>> -> memref<1x128x32xi32, #tpu.memory_space<vmem>>
      %dma_wait3A_1083 = tpu.memref_squeeze %dma_wait3A_1082 : memref<1x128x32xi32, #tpu.memory_space<vmem>> -> memref<128x32xi32, #tpu.memory_space<vmem>>
      tpu.wait_dma2 semaphore(%arg16 : memref<!tpu.dma_semaphore, #tpu.memory_space<semaphore_mem>>) src(%dma_wait3A_1083 : memref<128x32xi32, #tpu.memory_space<vmem>>) dst(%dma_wait3A_1079 : memref<128x32xi32, #tpu.memory_space<hbm>>)
      %add3A_1084 = arith.constant 4 : i32
      %add3A_1085 = arith.addi %add3A_1065, %add3A_1084 : i32
      %mul3A_1086 = arith.constant 128 : i32
      %mul3A_1087 = arith.muli %add3A_1085, %mul3A_1086 : i32
      %dma_start3A_1088 = arith.constant 0 : i32
      %dma_start3A_1089 = arith.constant 0 : i32
      %dma_start3A_1090 = arith.constant 0 : i32
      %dma_start3A_1091 = tpu.memref_slice %arg7[%dma_start3A_1088, %dma_start3A_1089, %dma_start3A_1090] : memref<8x128x32xi32, #tpu.memory_space<vmem>> -> memref<1x128x32xi32, #tpu.memory_space<vmem>>
      %dma_start3A_1092 = tpu.memref_squeeze %dma_start3A_1091 : memref<1x128x32xi32, #tpu.memory_space<vmem>> -> memref<128x32xi32, #tpu.memory_space<vmem>>
      %dma_start3A_1093 = tpu.memref_slice %arg5[%mul3A_1087] : memref<16384xi32, #tpu.memory_space<vmem>> -> memref<128xi32, #tpu.memory_space<vmem>>
      %dma_start3A_1094 = arith.constant 0 : i32
      %dma_start3A_1095 = arith.constant 0 : i32
      %dma_start3A_1096 = tpu.memref_slice %arg3[%dma_start3A_1094, %dma_start3A_1095] : memref<100000x32xi32, #tpu.memory_space<hbm>> -> memref<100000x32xi32, #tpu.memory_space<hbm>>
      tpu.enqueue_indirect_dma source(%dma_start3A_1096 : memref<100000x32xi32, #tpu.memory_space<hbm>>) target(%dma_start3A_1092 : memref<128x32xi32, #tpu.memory_space<vmem>>) offsets(%dma_start3A_1093 : memref<128xi32, #tpu.memory_space<vmem>>) semaphore(%arg8 : memref<!tpu.dma_semaphore, #tpu.memory_space<semaphore_mem>>)
      %mul3A_1097 = arith.constant 128 : i32
      %mul3A_1098 = arith.muli %add3A_1065, %mul3A_1097 : i32
      %dma_wait3A_1099 = arith.constant 4 : i32
      %dma_wait3A_1100 = arith.constant 0 : i32
      %dma_wait3A_1101 = arith.constant 0 : i32
      %dma_wait3A_1102 = tpu.memref_slice %arg7[%dma_wait3A_1099, %dma_wait3A_1100, %dma_wait3A_1101] : memref<8x128x32xi32, #tpu.memory_space<vmem>> -> memref<1x128x32xi32, #tpu.memory_space<vmem>>
      %dma_wait3A_1103 = tpu.memref_squeeze %dma_wait3A_1102 : memref<1x128x32xi32, #tpu.memory_space<vmem>> -> memref<128x32xi32, #tpu.memory_space<vmem>>
      %dma_wait3A_1104 = tpu.memref_slice %arg5[%mul3A_1098] : memref<16384xi32, #tpu.memory_space<vmem>> -> memref<128xi32, #tpu.memory_space<vmem>>
      %dma_wait3A_1105 = arith.constant 0 : i32
      %dma_wait3A_1106 = arith.constant 0 : i32
      %dma_wait3A_1107 = tpu.memref_slice %arg3[%dma_wait3A_1105, %dma_wait3A_1106] : memref<100000x32xi32, #tpu.memory_space<hbm>> -> memref<100000x32xi32, #tpu.memory_space<hbm>>
      tpu.wait_indirect_dma semaphore(%arg12 : memref<!tpu.dma_semaphore, #tpu.memory_space<semaphore_mem>>) src(%dma_wait3A_1107 : memref<100000x32xi32, #tpu.memory_space<hbm>>) dst(%dma_wait3A_1103 : memref<128x32xi32, #tpu.memory_space<vmem>>)
      %mul3A_1108 = arith.constant 128 : i32
      %mul3A_1109 = arith.muli %add3A_1065, %mul3A_1108 : i32
      %add3A_1110 = arith.addi %mul3A_2, %mul3A_1109 : i32
      %dma_start3A_1111 = arith.constant 4 : i32
      %dma_start3A_1112 = arith.constant 0 : i32
      %dma_start3A_1113 = arith.constant 0 : i32
      %dma_start3A_1114 = tpu.memref_slice %arg7[%dma_start3A_1111, %dma_start3A_1112, %dma_start3A_1113] : memref<8x128x32xi32, #tpu.memory_space<vmem>> -> memref<1x128x32xi32, #tpu.memory_space<vmem>>
      %dma_start3A_1115 = tpu.memref_squeeze %dma_start3A_1114 : memref<1x128x32xi32, #tpu.memory_space<vmem>> -> memref<128x32xi32, #tpu.memory_space<vmem>>
      %dma_start3A_1116 = arith.constant 0 : i32
      %dma_start3A_1117 = tpu.memref_slice %arg4[%add3A_1110, %dma_start3A_1116] : memref<524288x32xi32, #tpu.memory_space<hbm>> -> memref<128x32xi32, #tpu.memory_space<hbm>>
      %dma_start3A_1118 = arith.constant 0 : i32
      %dma_start3A_1119 = tpu.memref_slice %arg4[%add3A_1110, %dma_start3A_1118] : memref<524288x32xi32, #tpu.memory_space<hbm>> -> memref<128x32xi32, #tpu.memory_space<hbm>>
      %dma_start3A_1120 = arith.constant 0 : i32
      %dma_start3A_1121 = arith.constant 0 : i32
      %dma_start3A_1122 = tpu.memref_slice %arg7[%dma_start3A_1111, %dma_start3A_1120, %dma_start3A_1121] : memref<8x128x32xi32, #tpu.memory_space<vmem>> -> memref<1x128x32xi32, #tpu.memory_space<vmem>>
      %dma_start3A_1123 = tpu.memref_squeeze %dma_start3A_1122 : memref<1x128x32xi32, #tpu.memory_space<vmem>> -> memref<128x32xi32, #tpu.memory_space<vmem>>
      tpu.enqueue_dma source(%dma_start3A_1123 : memref<128x32xi32, #tpu.memory_space<vmem>>) target(%dma_start3A_1119 : memref<128x32xi32, #tpu.memory_space<hbm>>) target_semaphore(%arg20 : memref<!tpu.dma_semaphore, #tpu.memory_space<semaphore_mem>>)
      %mul3A_1124 = arith.constant 8 : i32
      %mul3A_1125 = arith.muli %scan3A_814, %mul3A_1124 : i32
      %add3A_1126 = arith.constant 5 : i32
      %add3A_1127 = arith.addi %mul3A_1125, %add3A_1126 : i32
      %sub3A_1128 = arith.constant 4 : i32
      %sub3A_1129 = arith.subi %add3A_1127, %sub3A_1128 : i32
      %mul3A_1130 = arith.constant 128 : i32
      %mul3A_1131 = arith.muli %sub3A_1129, %mul3A_1130 : i32
      %add3A_1132 = arith.addi %mul3A_2, %mul3A_1131 : i32
      %dma_wait3A_1133 = arith.constant 1 : i32
      %dma_wait3A_1134 = arith.constant 0 : i32
      %dma_wait3A_1135 = arith.constant 0 : i32
      %dma_wait3A_1136 = tpu.memref_slice %arg7[%dma_wait3A_1133, %dma_wait3A_1134, %dma_wait3A_1135] : memref<8x128x32xi32, #tpu.memory_space<vmem>> -> memref<1x128x32xi32, #tpu.memory_space<vmem>>
      %dma_wait3A_1137 = tpu.memref_squeeze %dma_wait3A_1136 : memref<1x128x32xi32, #tpu.memory_space<vmem>> -> memref<128x32xi32, #tpu.memory_space<vmem>>
      %dma_wait3A_1138 = arith.constant 0 : i32
      %dma_wait3A_1139 = tpu.memref_slice %arg4[%add3A_1132, %dma_wait3A_1138] : memref<524288x32xi32, #tpu.memory_space<hbm>> -> memref<128x32xi32, #tpu.memory_space<hbm>>
      %dma_wait3A_1140 = arith.constant 0 : i32
      %dma_wait3A_1141 = tpu.memref_slice %arg4[%add3A_1132, %dma_wait3A_1140] : memref<524288x32xi32, #tpu.memory_space<hbm>> -> memref<128x32xi32, #tpu.memory_space<hbm>>
      %dma_wait3A_1142 = arith.constant 0 : i32
      %dma_wait3A_1143 = arith.constant 0 : i32
      %dma_wait3A_1144 = tpu.memref_slice %arg7[%dma_wait3A_1133, %dma_wait3A_1142, %dma_wait3A_1143] : memref<8x128x32xi32, #tpu.memory_space<vmem>> -> memref<1x128x32xi32, #tpu.memory_space<vmem>>
      %dma_wait3A_1145 = tpu.memref_squeeze %dma_wait3A_1144 : memref<1x128x32xi32, #tpu.memory_space<vmem>> -> memref<128x32xi32, #tpu.memory_space<vmem>>
      tpu.wait_dma2 semaphore(%arg17 : memref<!tpu.dma_semaphore, #tpu.memory_space<semaphore_mem>>) src(%dma_wait3A_1145 : memref<128x32xi32, #tpu.memory_space<vmem>>) dst(%dma_wait3A_1141 : memref<128x32xi32, #tpu.memory_space<hbm>>)
      %add3A_1146 = arith.constant 4 : i32
      %add3A_1147 = arith.addi %add3A_1127, %add3A_1146 : i32
      %mul3A_1148 = arith.constant 128 : i32
      %mul3A_1149 = arith.muli %add3A_1147, %mul3A_1148 : i32
      %dma_start3A_1150 = arith.constant 1 : i32
      %dma_start3A_1151 = arith.constant 0 : i32
      %dma_start3A_1152 = arith.constant 0 : i32
      %dma_start3A_1153 = tpu.memref_slice %arg7[%dma_start3A_1150, %dma_start3A_1151, %dma_start3A_1152] : memref<8x128x32xi32, #tpu.memory_space<vmem>> -> memref<1x128x32xi32, #tpu.memory_space<vmem>>
      %dma_start3A_1154 = tpu.memref_squeeze %dma_start3A_1153 : memref<1x128x32xi32, #tpu.memory_space<vmem>> -> memref<128x32xi32, #tpu.memory_space<vmem>>
      %dma_start3A_1155 = tpu.memref_slice %arg5[%mul3A_1149] : memref<16384xi32, #tpu.memory_space<vmem>> -> memref<128xi32, #tpu.memory_space<vmem>>
      %dma_start3A_1156 = arith.constant 0 : i32
      %dma_start3A_1157 = arith.constant 0 : i32
      %dma_start3A_1158 = tpu.memref_slice %arg3[%dma_start3A_1156, %dma_start3A_1157] : memref<100000x32xi32, #tpu.memory_space<hbm>> -> memref<100000x32xi32, #tpu.memory_space<hbm>>
      tpu.enqueue_indirect_dma source(%dma_start3A_1158 : memref<100000x32xi32, #tpu.memory_space<hbm>>) target(%dma_start3A_1154 : memref<128x32xi32, #tpu.memory_space<vmem>>) offsets(%dma_start3A_1155 : memref<128xi32, #tpu.memory_space<vmem>>) semaphore(%arg9 : memref<!tpu.dma_semaphore, #tpu.memory_space<semaphore_mem>>)
      %mul3A_1159 = arith.constant 128 : i32
      %mul3A_1160 = arith.muli %add3A_1127, %mul3A_1159 : i32
      %dma_wait3A_1161 = arith.constant 5 : i32
      %dma_wait3A_1162 = arith.constant 0 : i32
      %dma_wait3A_1163 = arith.constant 0 : i32
      %dma_wait3A_1164 = tpu.memref_slice %arg7[%dma_wait3A_1161, %dma_wait3A_1162, %dma_wait3A_1163] : memref<8x128x32xi32, #tpu.memory_space<vmem>> -> memref<1x128x32xi32, #tpu.memory_space<vmem>>
      %dma_wait3A_1165 = tpu.memref_squeeze %dma_wait3A_1164 : memref<1x128x32xi32, #tpu.memory_space<vmem>> -> memref<128x32xi32, #tpu.memory_space<vmem>>
      %dma_wait3A_1166 = tpu.memref_slice %arg5[%mul3A_1160] : memref<16384xi32, #tpu.memory_space<vmem>> -> memref<128xi32, #tpu.memory_space<vmem>>
      %dma_wait3A_1167 = arith.constant 0 : i32
      %dma_wait3A_1168 = arith.constant 0 : i32
      %dma_wait3A_1169 = tpu.memref_slice %arg3[%dma_wait3A_1167, %dma_wait3A_1168] : memref<100000x32xi32, #tpu.memory_space<hbm>> -> memref<100000x32xi32, #tpu.memory_space<hbm>>
      tpu.wait_indirect_dma semaphore(%arg13 : memref<!tpu.dma_semaphore, #tpu.memory_space<semaphore_mem>>) src(%dma_wait3A_1169 : memref<100000x32xi32, #tpu.memory_space<hbm>>) dst(%dma_wait3A_1165 : memref<128x32xi32, #tpu.memory_space<vmem>>)
      %mul3A_1170 = arith.constant 128 : i32
      %mul3A_1171 = arith.muli %add3A_1127, %mul3A_1170 : i32
      %add3A_1172 = arith.addi %mul3A_2, %mul3A_1171 : i32
      %dma_start3A_1173 = arith.constant 5 : i32
      %dma_start3A_1174 = arith.constant 0 : i32
      %dma_start3A_1175 = arith.constant 0 : i32
      %dma_start3A_1176 = tpu.memref_slice %arg7[%dma_start3A_1173, %dma_start3A_1174, %dma_start3A_1175] : memref<8x128x32xi32, #tpu.memory_space<vmem>> -> memref<1x128x32xi32, #tpu.memory_space<vmem>>
      %dma_start3A_1177 = tpu.memref_squeeze %dma_start3A_1176 : memref<1x128x32xi32, #tpu.memory_space<vmem>> -> memref<128x32xi32, #tpu.memory_space<vmem>>
      %dma_start3A_1178 = arith.constant 0 : i32
      %dma_start3A_1179 = tpu.memref_slice %arg4[%add3A_1172, %dma_start3A_1178] : memref<524288x32xi32, #tpu.memory_space<hbm>> -> memref<128x32xi32, #tpu.memory_space<hbm>>
      %dma_start3A_1180 = arith.constant 0 : i32
      %dma_start3A_1181 = tpu.memref_slice %arg4[%add3A_1172, %dma_start3A_1180] : memref<524288x32xi32, #tpu.memory_space<hbm>> -> memref<128x32xi32, #tpu.memory_space<hbm>>
      %dma_start3A_1182 = arith.constant 0 : i32
      %dma_start3A_1183 = arith.constant 0 : i32
      %dma_start3A_1184 = tpu.memref_slice %arg7[%dma_start3A_1173, %dma_start3A_1182, %dma_start3A_1183] : memref<8x128x32xi32, #tpu.memory_space<vmem>> -> memref<1x128x32xi32, #tpu.memory_space<vmem>>
      %dma_start3A_1185 = tpu.memref_squeeze %dma_start3A_1184 : memref<1x128x32xi32, #tpu.memory_space<vmem>> -> memref<128x32xi32, #tpu.memory_space<vmem>>
      tpu.enqueue_dma source(%dma_start3A_1185 : memref<128x32xi32, #tpu.memory_space<vmem>>) target(%dma_start3A_1181 : memref<128x32xi32, #tpu.memory_space<hbm>>) target_semaphore(%arg21 : memref<!tpu.dma_semaphore, #tpu.memory_space<semaphore_mem>>)
      %mul3A_1186 = arith.constant 8 : i32
      %mul3A_1187 = arith.muli %scan3A_814, %mul3A_1186 : i32
      %add3A_1188 = arith.constant 6 : i32
      %add3A_1189 = arith.addi %mul3A_1187, %add3A_1188 : i32
      %sub3A_1190 = arith.constant 4 : i32
      %sub3A_1191 = arith.subi %add3A_1189, %sub3A_1190 : i32
      %mul3A_1192 = arith.constant 128 : i32
      %mul3A_1193 = arith.muli %sub3A_1191, %mul3A_1192 : i32
      %add3A_1194 = arith.addi %mul3A_2, %mul3A_1193 : i32
      %dma_wait3A_1195 = arith.constant 2 : i32
      %dma_wait3A_1196 = arith.constant 0 : i32
      %dma_wait3A_1197 = arith.constant 0 : i32
      %dma_wait3A_1198 = tpu.memref_slice %arg7[%dma_wait3A_1195, %dma_wait3A_1196, %dma_wait3A_1197] : memref<8x128x32xi32, #tpu.memory_space<vmem>> -> memref<1x128x32xi32, #tpu.memory_space<vmem>>
      %dma_wait3A_1199 = tpu.memref_squeeze %dma_wait3A_1198 : memref<1x128x32xi32, #tpu.memory_space<vmem>> -> memref<128x32xi32, #tpu.memory_space<vmem>>
      %dma_wait3A_1200 = arith.constant 0 : i32
      %dma_wait3A_1201 = tpu.memref_slice %arg4[%add3A_1194, %dma_wait3A_1200] : memref<524288x32xi32, #tpu.memory_space<hbm>> -> memref<128x32xi32, #tpu.memory_space<hbm>>
      %dma_wait3A_1202 = arith.constant 0 : i32
      %dma_wait3A_1203 = tpu.memref_slice %arg4[%add3A_1194, %dma_wait3A_1202] : memref<524288x32xi32, #tpu.memory_space<hbm>> -> memref<128x32xi32, #tpu.memory_space<hbm>>
      %dma_wait3A_1204 = arith.constant 0 : i32
      %dma_wait3A_1205 = arith.constant 0 : i32
      %dma_wait3A_1206 = tpu.memref_slice %arg7[%dma_wait3A_1195, %dma_wait3A_1204, %dma_wait3A_1205] : memref<8x128x32xi32, #tpu.memory_space<vmem>> -> memref<1x128x32xi32, #tpu.memory_space<vmem>>
      %dma_wait3A_1207 = tpu.memref_squeeze %dma_wait3A_1206 : memref<1x128x32xi32, #tpu.memory_space<vmem>> -> memref<128x32xi32, #tpu.memory_space<vmem>>
      tpu.wait_dma2 semaphore(%arg18 : memref<!tpu.dma_semaphore, #tpu.memory_space<semaphore_mem>>) src(%dma_wait3A_1207 : memref<128x32xi32, #tpu.memory_space<vmem>>) dst(%dma_wait3A_1203 : memref<128x32xi32, #tpu.memory_space<hbm>>)
      %add3A_1208 = arith.constant 4 : i32
      %add3A_1209 = arith.addi %add3A_1189, %add3A_1208 : i32
      %mul3A_1210 = arith.constant 128 : i32
      %mul3A_1211 = arith.muli %add3A_1209, %mul3A_1210 : i32
      %dma_start3A_1212 = arith.constant 2 : i32
      %dma_start3A_1213 = arith.constant 0 : i32
      %dma_start3A_1214 = arith.constant 0 : i32
      %dma_start3A_1215 = tpu.memref_slice %arg7[%dma_start3A_1212, %dma_start3A_1213, %dma_start3A_1214] : memref<8x128x32xi32, #tpu.memory_space<vmem>> -> memref<1x128x32xi32, #tpu.memory_space<vmem>>
      %dma_start3A_1216 = tpu.memref_squeeze %dma_start3A_1215 : memref<1x128x32xi32, #tpu.memory_space<vmem>> -> memref<128x32xi32, #tpu.memory_space<vmem>>
      %dma_start3A_1217 = tpu.memref_slice %arg5[%mul3A_1211] : memref<16384xi32, #tpu.memory_space<vmem>> -> memref<128xi32, #tpu.memory_space<vmem>>
      %dma_start3A_1218 = arith.constant 0 : i32
      %dma_start3A_1219 = arith.constant 0 : i32
      %dma_start3A_1220 = tpu.memref_slice %arg3[%dma_start3A_1218, %dma_start3A_1219] : memref<100000x32xi32, #tpu.memory_space<hbm>> -> memref<100000x32xi32, #tpu.memory_space<hbm>>
      tpu.enqueue_indirect_dma source(%dma_start3A_1220 : memref<100000x32xi32, #tpu.memory_space<hbm>>) target(%dma_start3A_1216 : memref<128x32xi32, #tpu.memory_space<vmem>>) offsets(%dma_start3A_1217 : memref<128xi32, #tpu.memory_space<vmem>>) semaphore(%arg10 : memref<!tpu.dma_semaphore, #tpu.memory_space<semaphore_mem>>)
      %mul3A_1221 = arith.constant 128 : i32
      %mul3A_1222 = arith.muli %add3A_1189, %mul3A_1221 : i32
      %dma_wait3A_1223 = arith.constant 6 : i32
      %dma_wait3A_1224 = arith.constant 0 : i32
      %dma_wait3A_1225 = arith.constant 0 : i32
      %dma_wait3A_1226 = tpu.memref_slice %arg7[%dma_wait3A_1223, %dma_wait3A_1224, %dma_wait3A_1225] : memref<8x128x32xi32, #tpu.memory_space<vmem>> -> memref<1x128x32xi32, #tpu.memory_space<vmem>>
      %dma_wait3A_1227 = tpu.memref_squeeze %dma_wait3A_1226 : memref<1x128x32xi32, #tpu.memory_space<vmem>> -> memref<128x32xi32, #tpu.memory_space<vmem>>
      %dma_wait3A_1228 = tpu.memref_slice %arg5[%mul3A_1222] : memref<16384xi32, #tpu.memory_space<vmem>> -> memref<128xi32, #tpu.memory_space<vmem>>
      %dma_wait3A_1229 = arith.constant 0 : i32
      %dma_wait3A_1230 = arith.constant 0 : i32
      %dma_wait3A_1231 = tpu.memref_slice %arg3[%dma_wait3A_1229, %dma_wait3A_1230] : memref<100000x32xi32, #tpu.memory_space<hbm>> -> memref<100000x32xi32, #tpu.memory_space<hbm>>
      tpu.wait_indirect_dma semaphore(%arg14 : memref<!tpu.dma_semaphore, #tpu.memory_space<semaphore_mem>>) src(%dma_wait3A_1231 : memref<100000x32xi32, #tpu.memory_space<hbm>>) dst(%dma_wait3A_1227 : memref<128x32xi32, #tpu.memory_space<vmem>>)
      %mul3A_1232 = arith.constant 128 : i32
      %mul3A_1233 = arith.muli %add3A_1189, %mul3A_1232 : i32
      %add3A_1234 = arith.addi %mul3A_2, %mul3A_1233 : i32
      %dma_start3A_1235 = arith.constant 6 : i32
      %dma_start3A_1236 = arith.constant 0 : i32
      %dma_start3A_1237 = arith.constant 0 : i32
      %dma_start3A_1238 = tpu.memref_slice %arg7[%dma_start3A_1235, %dma_start3A_1236, %dma_start3A_1237] : memref<8x128x32xi32, #tpu.memory_space<vmem>> -> memref<1x128x32xi32, #tpu.memory_space<vmem>>
      %dma_start3A_1239 = tpu.memref_squeeze %dma_start3A_1238 : memref<1x128x32xi32, #tpu.memory_space<vmem>> -> memref<128x32xi32, #tpu.memory_space<vmem>>
      %dma_start3A_1240 = arith.constant 0 : i32
      %dma_start3A_1241 = tpu.memref_slice %arg4[%add3A_1234, %dma_start3A_1240] : memref<524288x32xi32, #tpu.memory_space<hbm>> -> memref<128x32xi32, #tpu.memory_space<hbm>>
      %dma_start3A_1242 = arith.constant 0 : i32
      %dma_start3A_1243 = tpu.memref_slice %arg4[%add3A_1234, %dma_start3A_1242] : memref<524288x32xi32, #tpu.memory_space<hbm>> -> memref<128x32xi32, #tpu.memory_space<hbm>>
      %dma_start3A_1244 = arith.constant 0 : i32
      %dma_start3A_1245 = arith.constant 0 : i32
      %dma_start3A_1246 = tpu.memref_slice %arg7[%dma_start3A_1235, %dma_start3A_1244, %dma_start3A_1245] : memref<8x128x32xi32, #tpu.memory_space<vmem>> -> memref<1x128x32xi32, #tpu.memory_space<vmem>>
      %dma_start3A_1247 = tpu.memref_squeeze %dma_start3A_1246 : memref<1x128x32xi32, #tpu.memory_space<vmem>> -> memref<128x32xi32, #tpu.memory_space<vmem>>
      tpu.enqueue_dma source(%dma_start3A_1247 : memref<128x32xi32, #tpu.memory_space<vmem>>) target(%dma_start3A_1243 : memref<128x32xi32, #tpu.memory_space<hbm>>) target_semaphore(%arg22 : memref<!tpu.dma_semaphore, #tpu.memory_space<semaphore_mem>>)
      %mul3A_1248 = arith.constant 8 : i32
      %mul3A_1249 = arith.muli %scan3A_814, %mul3A_1248 : i32
      %add3A_1250 = arith.constant 7 : i32
      %add3A_1251 = arith.addi %mul3A_1249, %add3A_1250 : i32
      %sub3A_1252 = arith.constant 4 : i32
      %sub3A_1253 = arith.subi %add3A_1251, %sub3A_1252 : i32
      %mul3A_1254 = arith.constant 128 : i32
      %mul3A_1255 = arith.muli %sub3A_1253, %mul3A_1254 : i32
      %add3A_1256 = arith.addi %mul3A_2, %mul3A_1255 : i32
      %dma_wait3A_1257 = arith.constant 3 : i32
      %dma_wait3A_1258 = arith.constant 0 : i32
      %dma_wait3A_1259 = arith.constant 0 : i32
      %dma_wait3A_1260 = tpu.memref_slice %arg7[%dma_wait3A_1257, %dma_wait3A_1258, %dma_wait3A_1259] : memref<8x128x32xi32, #tpu.memory_space<vmem>> -> memref<1x128x32xi32, #tpu.memory_space<vmem>>
      %dma_wait3A_1261 = tpu.memref_squeeze %dma_wait3A_1260 : memref<1x128x32xi32, #tpu.memory_space<vmem>> -> memref<128x32xi32, #tpu.memory_space<vmem>>
      %dma_wait3A_1262 = arith.constant 0 : i32
      %dma_wait3A_1263 = tpu.memref_slice %arg4[%add3A_1256, %dma_wait3A_1262] : memref<524288x32xi32, #tpu.memory_space<hbm>> -> memref<128x32xi32, #tpu.memory_space<hbm>>
      %dma_wait3A_1264 = arith.constant 0 : i32
      %dma_wait3A_1265 = tpu.memref_slice %arg4[%add3A_1256, %dma_wait3A_1264] : memref<524288x32xi32, #tpu.memory_space<hbm>> -> memref<128x32xi32, #tpu.memory_space<hbm>>
      %dma_wait3A_1266 = arith.constant 0 : i32
      %dma_wait3A_1267 = arith.constant 0 : i32
      %dma_wait3A_1268 = tpu.memref_slice %arg7[%dma_wait3A_1257, %dma_wait3A_1266, %dma_wait3A_1267] : memref<8x128x32xi32, #tpu.memory_space<vmem>> -> memref<1x128x32xi32, #tpu.memory_space<vmem>>
      %dma_wait3A_1269 = tpu.memref_squeeze %dma_wait3A_1268 : memref<1x128x32xi32, #tpu.memory_space<vmem>> -> memref<128x32xi32, #tpu.memory_space<vmem>>
      tpu.wait_dma2 semaphore(%arg19 : memref<!tpu.dma_semaphore, #tpu.memory_space<semaphore_mem>>) src(%dma_wait3A_1269 : memref<128x32xi32, #tpu.memory_space<vmem>>) dst(%dma_wait3A_1265 : memref<128x32xi32, #tpu.memory_space<hbm>>)
      %add3A_1270 = arith.constant 4 : i32
      %add3A_1271 = arith.addi %add3A_1251, %add3A_1270 : i32
      %mul3A_1272 = arith.constant 128 : i32
      %mul3A_1273 = arith.muli %add3A_1271, %mul3A_1272 : i32
      %dma_start3A_1274 = arith.constant 3 : i32
      %dma_start3A_1275 = arith.constant 0 : i32
      %dma_start3A_1276 = arith.constant 0 : i32
      %dma_start3A_1277 = tpu.memref_slice %arg7[%dma_start3A_1274, %dma_start3A_1275, %dma_start3A_1276] : memref<8x128x32xi32, #tpu.memory_space<vmem>> -> memref<1x128x32xi32, #tpu.memory_space<vmem>>
      %dma_start3A_1278 = tpu.memref_squeeze %dma_start3A_1277 : memref<1x128x32xi32, #tpu.memory_space<vmem>> -> memref<128x32xi32, #tpu.memory_space<vmem>>
      %dma_start3A_1279 = tpu.memref_slice %arg5[%mul3A_1273] : memref<16384xi32, #tpu.memory_space<vmem>> -> memref<128xi32, #tpu.memory_space<vmem>>
      %dma_start3A_1280 = arith.constant 0 : i32
      %dma_start3A_1281 = arith.constant 0 : i32
      %dma_start3A_1282 = tpu.memref_slice %arg3[%dma_start3A_1280, %dma_start3A_1281] : memref<100000x32xi32, #tpu.memory_space<hbm>> -> memref<100000x32xi32, #tpu.memory_space<hbm>>
      tpu.enqueue_indirect_dma source(%dma_start3A_1282 : memref<100000x32xi32, #tpu.memory_space<hbm>>) target(%dma_start3A_1278 : memref<128x32xi32, #tpu.memory_space<vmem>>) offsets(%dma_start3A_1279 : memref<128xi32, #tpu.memory_space<vmem>>) semaphore(%arg11 : memref<!tpu.dma_semaphore, #tpu.memory_space<semaphore_mem>>)
      %mul3A_1283 = arith.constant 128 : i32
      %mul3A_1284 = arith.muli %add3A_1251, %mul3A_1283 : i32
      %dma_wait3A_1285 = arith.constant 7 : i32
      %dma_wait3A_1286 = arith.constant 0 : i32
      %dma_wait3A_1287 = arith.constant 0 : i32
      %dma_wait3A_1288 = tpu.memref_slice %arg7[%dma_wait3A_1285, %dma_wait3A_1286, %dma_wait3A_1287] : memref<8x128x32xi32, #tpu.memory_space<vmem>> -> memref<1x128x32xi32, #tpu.memory_space<vmem>>
      %dma_wait3A_1289 = tpu.memref_squeeze %dma_wait3A_1288 : memref<1x128x32xi32, #tpu.memory_space<vmem>> -> memref<128x32xi32, #tpu.memory_space<vmem>>
      %dma_wait3A_1290 = tpu.memref_slice %arg5[%mul3A_1284] : memref<16384xi32, #tpu.memory_space<vmem>> -> memref<128xi32, #tpu.memory_space<vmem>>
      %dma_wait3A_1291 = arith.constant 0 : i32
      %dma_wait3A_1292 = arith.constant 0 : i32
      %dma_wait3A_1293 = tpu.memref_slice %arg3[%dma_wait3A_1291, %dma_wait3A_1292] : memref<100000x32xi32, #tpu.memory_space<hbm>> -> memref<100000x32xi32, #tpu.memory_space<hbm>>
      tpu.wait_indirect_dma semaphore(%arg15 : memref<!tpu.dma_semaphore, #tpu.memory_space<semaphore_mem>>) src(%dma_wait3A_1293 : memref<100000x32xi32, #tpu.memory_space<hbm>>) dst(%dma_wait3A_1289 : memref<128x32xi32, #tpu.memory_space<vmem>>)
      %mul3A_1294 = arith.constant 128 : i32
      %mul3A_1295 = arith.muli %add3A_1251, %mul3A_1294 : i32
      %add3A_1296 = arith.addi %mul3A_2, %mul3A_1295 : i32
      %dma_start3A_1297 = arith.constant 7 : i32
      %dma_start3A_1298 = arith.constant 0 : i32
      %dma_start3A_1299 = arith.constant 0 : i32
      %dma_start3A_1300 = tpu.memref_slice %arg7[%dma_start3A_1297, %dma_start3A_1298, %dma_start3A_1299] : memref<8x128x32xi32, #tpu.memory_space<vmem>> -> memref<1x128x32xi32, #tpu.memory_space<vmem>>
      %dma_start3A_1301 = tpu.memref_squeeze %dma_start3A_1300 : memref<1x128x32xi32, #tpu.memory_space<vmem>> -> memref<128x32xi32, #tpu.memory_space<vmem>>
      %dma_start3A_1302 = arith.constant 0 : i32
      %dma_start3A_1303 = tpu.memref_slice %arg4[%add3A_1296, %dma_start3A_1302] : memref<524288x32xi32, #tpu.memory_space<hbm>> -> memref<128x32xi32, #tpu.memory_space<hbm>>
      %dma_start3A_1304 = arith.constant 0 : i32
      %dma_start3A_1305 = tpu.memref_slice %arg4[%add3A_1296, %dma_start3A_1304] : memref<524288x32xi32, #tpu.memory_space<hbm>> -> memref<128x32xi32, #tpu.memory_space<hbm>>
      %dma_start3A_1306 = arith.constant 0 : i32
      %dma_start3A_1307 = arith.constant 0 : i32
      %dma_start3A_1308 = tpu.memref_slice %arg7[%dma_start3A_1297, %dma_start3A_1306, %dma_start3A_1307] : memref<8x128x32xi32, #tpu.memory_space<vmem>> -> memref<1x128x32xi32, #tpu.memory_space<vmem>>
      %dma_start3A_1309 = tpu.memref_squeeze %dma_start3A_1308 : memref<1x128x32xi32, #tpu.memory_space<vmem>> -> memref<128x32xi32, #tpu.memory_space<vmem>>
      tpu.enqueue_dma source(%dma_start3A_1309 : memref<128x32xi32, #tpu.memory_space<vmem>>) target(%dma_start3A_1305 : memref<128x32xi32, #tpu.memory_space<hbm>>) target_semaphore(%arg23 : memref<!tpu.dma_semaphore, #tpu.memory_space<semaphore_mem>>)
    }
    %scan3A_393 = arith.constant 14 : i32
    %add3A_394 = arith.constant 14848 : i32
    %add3A_395 = arith.addi %mul3A_2, %add3A_394 : i32
    %dma_wait3A_396 = arith.constant 4 : i32
    %dma_wait3A_397 = arith.constant 0 : i32
    %dma_wait3A_398 = arith.constant 0 : i32
    %dma_wait3A_399 = tpu.memref_slice %arg7[%dma_wait3A_396, %dma_wait3A_397, %dma_wait3A_398] : memref<8x128x32xi32, #tpu.memory_space<vmem>> -> memref<1x128x32xi32, #tpu.memory_space<vmem>>
    %dma_wait3A_400 = tpu.memref_squeeze %dma_wait3A_399 : memref<1x128x32xi32, #tpu.memory_space<vmem>> -> memref<128x32xi32, #tpu.memory_space<vmem>>
    %dma_wait3A_401 = arith.constant 0 : i32
    %dma_wait3A_402 = tpu.memref_slice %arg4[%add3A_395, %dma_wait3A_401] : memref<524288x32xi32, #tpu.memory_space<hbm>> -> memref<128x32xi32, #tpu.memory_space<hbm>>
    %dma_wait3A_403 = arith.constant 0 : i32
    %dma_wait3A_404 = tpu.memref_slice %arg4[%add3A_395, %dma_wait3A_403] : memref<524288x32xi32, #tpu.memory_space<hbm>> -> memref<128x32xi32, #tpu.memory_space<hbm>>
    %dma_wait3A_405 = arith.constant 0 : i32
    %dma_wait3A_406 = arith.constant 0 : i32
    %dma_wait3A_407 = tpu.memref_slice %arg7[%dma_wait3A_396, %dma_wait3A_405, %dma_wait3A_406] : memref<8x128x32xi32, #tpu.memory_space<vmem>> -> memref<1x128x32xi32, #tpu.memory_space<vmem>>
    %dma_wait3A_408 = tpu.memref_squeeze %dma_wait3A_407 : memref<1x128x32xi32, #tpu.memory_space<vmem>> -> memref<128x32xi32, #tpu.memory_space<vmem>>
    tpu.wait_dma2 semaphore(%arg20 : memref<!tpu.dma_semaphore, #tpu.memory_space<semaphore_mem>>) src(%dma_wait3A_408 : memref<128x32xi32, #tpu.memory_space<vmem>>) dst(%dma_wait3A_404 : memref<128x32xi32, #tpu.memory_space<hbm>>)
    %dma_start3A_409 = arith.constant 4 : i32
    %dma_start3A_410 = arith.constant 0 : i32
    %dma_start3A_411 = arith.constant 0 : i32
    %dma_start3A_412 = tpu.memref_slice %arg7[%dma_start3A_409, %dma_start3A_410, %dma_start3A_411] : memref<8x128x32xi32, #tpu.memory_space<vmem>> -> memref<1x128x32xi32, #tpu.memory_space<vmem>>
    %dma_start3A_413 = tpu.memref_squeeze %dma_start3A_412 : memref<1x128x32xi32, #tpu.memory_space<vmem>> -> memref<128x32xi32, #tpu.memory_space<vmem>>
    %dma_start3A_414 = arith.constant 15872 : i32
    %dma_start3A_415 = tpu.memref_slice %arg5[%dma_start3A_414] : memref<16384xi32, #tpu.memory_space<vmem>> -> memref<128xi32, #tpu.memory_space<vmem>>
    %dma_start3A_416 = arith.constant 0 : i32
    %dma_start3A_417 = arith.constant 0 : i32
    %dma_start3A_418 = tpu.memref_slice %arg3[%dma_start3A_416, %dma_start3A_417] : memref<100000x32xi32, #tpu.memory_space<hbm>> -> memref<100000x32xi32, #tpu.memory_space<hbm>>
    tpu.enqueue_indirect_dma source(%dma_start3A_418 : memref<100000x32xi32, #tpu.memory_space<hbm>>) target(%dma_start3A_413 : memref<128x32xi32, #tpu.memory_space<vmem>>) offsets(%dma_start3A_415 : memref<128xi32, #tpu.memory_space<vmem>>) semaphore(%arg12 : memref<!tpu.dma_semaphore, #tpu.memory_space<semaphore_mem>>)
    %dma_wait3A_419 = arith.constant 0 : i32
    %dma_wait3A_420 = arith.constant 0 : i32
    %dma_wait3A_421 = arith.constant 0 : i32
    %dma_wait3A_422 = tpu.memref_slice %arg7[%dma_wait3A_419, %dma_wait3A_420, %dma_wait3A_421] : memref<8x128x32xi32, #tpu.memory_space<vmem>> -> memref<1x128x32xi32, #tpu.memory_space<vmem>>
    %dma_wait3A_423 = tpu.memref_squeeze %dma_wait3A_422 : memref<1x128x32xi32, #tpu.memory_space<vmem>> -> memref<128x32xi32, #tpu.memory_space<vmem>>
    %dma_wait3A_424 = arith.constant 15360 : i32
    %dma_wait3A_425 = tpu.memref_slice %arg5[%dma_wait3A_424] : memref<16384xi32, #tpu.memory_space<vmem>> -> memref<128xi32, #tpu.memory_space<vmem>>
    %dma_wait3A_426 = arith.constant 0 : i32
    %dma_wait3A_427 = arith.constant 0 : i32
    %dma_wait3A_428 = tpu.memref_slice %arg3[%dma_wait3A_426, %dma_wait3A_427] : memref<100000x32xi32, #tpu.memory_space<hbm>> -> memref<100000x32xi32, #tpu.memory_space<hbm>>
    tpu.wait_indirect_dma semaphore(%arg8 : memref<!tpu.dma_semaphore, #tpu.memory_space<semaphore_mem>>) src(%dma_wait3A_428 : memref<100000x32xi32, #tpu.memory_space<hbm>>) dst(%dma_wait3A_423 : memref<128x32xi32, #tpu.memory_space<vmem>>)
    %add3A_429 = arith.constant 15360 : i32
    %add3A_430 = arith.addi %mul3A_2, %add3A_429 : i32
    %dma_start3A_431 = arith.constant 0 : i32
    %dma_start3A_432 = arith.constant 0 : i32
    %dma_start3A_433 = arith.constant 0 : i32
    %dma_start3A_434 = tpu.memref_slice %arg7[%dma_start3A_431, %dma_start3A_432, %dma_start3A_433] : memref<8x128x32xi32, #tpu.memory_space<vmem>> -> memref<1x128x32xi32, #tpu.memory_space<vmem>>
    %dma_start3A_435 = tpu.memref_squeeze %dma_start3A_434 : memref<1x128x32xi32, #tpu.memory_space<vmem>> -> memref<128x32xi32, #tpu.memory_space<vmem>>
    %dma_start3A_436 = arith.constant 0 : i32
    %dma_start3A_437 = tpu.memref_slice %arg4[%add3A_430, %dma_start3A_436] : memref<524288x32xi32, #tpu.memory_space<hbm>> -> memref<128x32xi32, #tpu.memory_space<hbm>>
    %dma_start3A_438 = arith.constant 0 : i32
    %dma_start3A_439 = tpu.memref_slice %arg4[%add3A_430, %dma_start3A_438] : memref<524288x32xi32, #tpu.memory_space<hbm>> -> memref<128x32xi32, #tpu.memory_space<hbm>>
    %dma_start3A_440 = arith.constant 0 : i32
    %dma_start3A_441 = arith.constant 0 : i32
    %dma_start3A_442 = tpu.memref_slice %arg7[%dma_start3A_431, %dma_start3A_440, %dma_start3A_441] : memref<8x128x32xi32, #tpu.memory_space<vmem>> -> memref<1x128x32xi32, #tpu.memory_space<vmem>>
    %dma_start3A_443 = tpu.memref_squeeze %dma_start3A_442 : memref<1x128x32xi32, #tpu.memory_space<vmem>> -> memref<128x32xi32, #tpu.memory_space<vmem>>
    tpu.enqueue_dma source(%dma_start3A_443 : memref<128x32xi32, #tpu.memory_space<vmem>>) target(%dma_start3A_439 : memref<128x32xi32, #tpu.memory_space<hbm>>) target_semaphore(%arg16 : memref<!tpu.dma_semaphore, #tpu.memory_space<semaphore_mem>>)
    %add3A_444 = arith.constant 14976 : i32
    %add3A_445 = arith.addi %mul3A_2, %add3A_444 : i32
    %dma_wait3A_446 = arith.constant 5 : i32
    %dma_wait3A_447 = arith.constant 0 : i32
    %dma_wait3A_448 = arith.constant 0 : i32
    %dma_wait3A_449 = tpu.memref_slice %arg7[%dma_wait3A_446, %dma_wait3A_447, %dma_wait3A_448] : memref<8x128x32xi32, #tpu.memory_space<vmem>> -> memref<1x128x32xi32, #tpu.memory_space<vmem>>
    %dma_wait3A_450 = tpu.memref_squeeze %dma_wait3A_449 : memref<1x128x32xi32, #tpu.memory_space<vmem>> -> memref<128x32xi32, #tpu.memory_space<vmem>>
    %dma_wait3A_451 = arith.constant 0 : i32
    %dma_wait3A_452 = tpu.memref_slice %arg4[%add3A_445, %dma_wait3A_451] : memref<524288x32xi32, #tpu.memory_space<hbm>> -> memref<128x32xi32, #tpu.memory_space<hbm>>
    %dma_wait3A_453 = arith.constant 0 : i32
    %dma_wait3A_454 = tpu.memref_slice %arg4[%add3A_445, %dma_wait3A_453] : memref<524288x32xi32, #tpu.memory_space<hbm>> -> memref<128x32xi32, #tpu.memory_space<hbm>>
    %dma_wait3A_455 = arith.constant 0 : i32
    %dma_wait3A_456 = arith.constant 0 : i32
    %dma_wait3A_457 = tpu.memref_slice %arg7[%dma_wait3A_446, %dma_wait3A_455, %dma_wait3A_456] : memref<8x128x32xi32, #tpu.memory_space<vmem>> -> memref<1x128x32xi32, #tpu.memory_space<vmem>>
    %dma_wait3A_458 = tpu.memref_squeeze %dma_wait3A_457 : memref<1x128x32xi32, #tpu.memory_space<vmem>> -> memref<128x32xi32, #tpu.memory_space<vmem>>
    tpu.wait_dma2 semaphore(%arg21 : memref<!tpu.dma_semaphore, #tpu.memory_space<semaphore_mem>>) src(%dma_wait3A_458 : memref<128x32xi32, #tpu.memory_space<vmem>>) dst(%dma_wait3A_454 : memref<128x32xi32, #tpu.memory_space<hbm>>)
    %dma_start3A_459 = arith.constant 5 : i32
    %dma_start3A_460 = arith.constant 0 : i32
    %dma_start3A_461 = arith.constant 0 : i32
    %dma_start3A_462 = tpu.memref_slice %arg7[%dma_start3A_459, %dma_start3A_460, %dma_start3A_461] : memref<8x128x32xi32, #tpu.memory_space<vmem>> -> memref<1x128x32xi32, #tpu.memory_space<vmem>>
    %dma_start3A_463 = tpu.memref_squeeze %dma_start3A_462 : memref<1x128x32xi32, #tpu.memory_space<vmem>> -> memref<128x32xi32, #tpu.memory_space<vmem>>
    %dma_start3A_464 = arith.constant 16000 : i32
    %dma_start3A_465 = tpu.memref_slice %arg5[%dma_start3A_464] : memref<16384xi32, #tpu.memory_space<vmem>> -> memref<128xi32, #tpu.memory_space<vmem>>
    %dma_start3A_466 = arith.constant 0 : i32
    %dma_start3A_467 = arith.constant 0 : i32
    %dma_start3A_468 = tpu.memref_slice %arg3[%dma_start3A_466, %dma_start3A_467] : memref<100000x32xi32, #tpu.memory_space<hbm>> -> memref<100000x32xi32, #tpu.memory_space<hbm>>
    tpu.enqueue_indirect_dma source(%dma_start3A_468 : memref<100000x32xi32, #tpu.memory_space<hbm>>) target(%dma_start3A_463 : memref<128x32xi32, #tpu.memory_space<vmem>>) offsets(%dma_start3A_465 : memref<128xi32, #tpu.memory_space<vmem>>) semaphore(%arg13 : memref<!tpu.dma_semaphore, #tpu.memory_space<semaphore_mem>>)
    %dma_wait3A_469 = arith.constant 1 : i32
    %dma_wait3A_470 = arith.constant 0 : i32
    %dma_wait3A_471 = arith.constant 0 : i32
    %dma_wait3A_472 = tpu.memref_slice %arg7[%dma_wait3A_469, %dma_wait3A_470, %dma_wait3A_471] : memref<8x128x32xi32, #tpu.memory_space<vmem>> -> memref<1x128x32xi32, #tpu.memory_space<vmem>>
    %dma_wait3A_473 = tpu.memref_squeeze %dma_wait3A_472 : memref<1x128x32xi32, #tpu.memory_space<vmem>> -> memref<128x32xi32, #tpu.memory_space<vmem>>
    %dma_wait3A_474 = arith.constant 15488 : i32
    %dma_wait3A_475 = tpu.memref_slice %arg5[%dma_wait3A_474] : memref<16384xi32, #tpu.memory_space<vmem>> -> memref<128xi32, #tpu.memory_space<vmem>>
    %dma_wait3A_476 = arith.constant 0 : i32
    %dma_wait3A_477 = arith.constant 0 : i32
    %dma_wait3A_478 = tpu.memref_slice %arg3[%dma_wait3A_476, %dma_wait3A_477] : memref<100000x32xi32, #tpu.memory_space<hbm>> -> memref<100000x32xi32, #tpu.memory_space<hbm>>
    tpu.wait_indirect_dma semaphore(%arg9 : memref<!tpu.dma_semaphore, #tpu.memory_space<semaphore_mem>>) src(%dma_wait3A_478 : memref<100000x32xi32, #tpu.memory_space<hbm>>) dst(%dma_wait3A_473 : memref<128x32xi32, #tpu.memory_space<vmem>>)
    %add3A_479 = arith.constant 15488 : i32
    %add3A_480 = arith.addi %mul3A_2, %add3A_479 : i32
    %dma_start3A_481 = arith.constant 1 : i32
    %dma_start3A_482 = arith.constant 0 : i32
    %dma_start3A_483 = arith.constant 0 : i32
    %dma_start3A_484 = tpu.memref_slice %arg7[%dma_start3A_481, %dma_start3A_482, %dma_start3A_483] : memref<8x128x32xi32, #tpu.memory_space<vmem>> -> memref<1x128x32xi32, #tpu.memory_space<vmem>>
    %dma_start3A_485 = tpu.memref_squeeze %dma_start3A_484 : memref<1x128x32xi32, #tpu.memory_space<vmem>> -> memref<128x32xi32, #tpu.memory_space<vmem>>
    %dma_start3A_486 = arith.constant 0 : i32
    %dma_start3A_487 = tpu.memref_slice %arg4[%add3A_480, %dma_start3A_486] : memref<524288x32xi32, #tpu.memory_space<hbm>> -> memref<128x32xi32, #tpu.memory_space<hbm>>
    %dma_start3A_488 = arith.constant 0 : i32
    %dma_start3A_489 = tpu.memref_slice %arg4[%add3A_480, %dma_start3A_488] : memref<524288x32xi32, #tpu.memory_space<hbm>> -> memref<128x32xi32, #tpu.memory_space<hbm>>
    %dma_start3A_490 = arith.constant 0 : i32
    %dma_start3A_491 = arith.constant 0 : i32
    %dma_start3A_492 = tpu.memref_slice %arg7[%dma_start3A_481, %dma_start3A_490, %dma_start3A_491] : memref<8x128x32xi32, #tpu.memory_space<vmem>> -> memref<1x128x32xi32, #tpu.memory_space<vmem>>
    %dma_start3A_493 = tpu.memref_squeeze %dma_start3A_492 : memref<1x128x32xi32, #tpu.memory_space<vmem>> -> memref<128x32xi32, #tpu.memory_space<vmem>>
    tpu.enqueue_dma source(%dma_start3A_493 : memref<128x32xi32, #tpu.memory_space<vmem>>) target(%dma_start3A_489 : memref<128x32xi32, #tpu.memory_space<hbm>>) target_semaphore(%arg17 : memref<!tpu.dma_semaphore, #tpu.memory_space<semaphore_mem>>)
    %add3A_494 = arith.constant 15104 : i32
    %add3A_495 = arith.addi %mul3A_2, %add3A_494 : i32
    %dma_wait3A_496 = arith.constant 6 : i32
    %dma_wait3A_497 = arith.constant 0 : i32
    %dma_wait3A_498 = arith.constant 0 : i32
    %dma_wait3A_499 = tpu.memref_slice %arg7[%dma_wait3A_496, %dma_wait3A_497, %dma_wait3A_498] : memref<8x128x32xi32, #tpu.memory_space<vmem>> -> memref<1x128x32xi32, #tpu.memory_space<vmem>>
    %dma_wait3A_500 = tpu.memref_squeeze %dma_wait3A_499 : memref<1x128x32xi32, #tpu.memory_space<vmem>> -> memref<128x32xi32, #tpu.memory_space<vmem>>
    %dma_wait3A_501 = arith.constant 0 : i32
    %dma_wait3A_502 = tpu.memref_slice %arg4[%add3A_495, %dma_wait3A_501] : memref<524288x32xi32, #tpu.memory_space<hbm>> -> memref<128x32xi32, #tpu.memory_space<hbm>>
    %dma_wait3A_503 = arith.constant 0 : i32
    %dma_wait3A_504 = tpu.memref_slice %arg4[%add3A_495, %dma_wait3A_503] : memref<524288x32xi32, #tpu.memory_space<hbm>> -> memref<128x32xi32, #tpu.memory_space<hbm>>
    %dma_wait3A_505 = arith.constant 0 : i32
    %dma_wait3A_506 = arith.constant 0 : i32
    %dma_wait3A_507 = tpu.memref_slice %arg7[%dma_wait3A_496, %dma_wait3A_505, %dma_wait3A_506] : memref<8x128x32xi32, #tpu.memory_space<vmem>> -> memref<1x128x32xi32, #tpu.memory_space<vmem>>
    %dma_wait3A_508 = tpu.memref_squeeze %dma_wait3A_507 : memref<1x128x32xi32, #tpu.memory_space<vmem>> -> memref<128x32xi32, #tpu.memory_space<vmem>>
    tpu.wait_dma2 semaphore(%arg22 : memref<!tpu.dma_semaphore, #tpu.memory_space<semaphore_mem>>) src(%dma_wait3A_508 : memref<128x32xi32, #tpu.memory_space<vmem>>) dst(%dma_wait3A_504 : memref<128x32xi32, #tpu.memory_space<hbm>>)
    %dma_start3A_509 = arith.constant 6 : i32
    %dma_start3A_510 = arith.constant 0 : i32
    %dma_start3A_511 = arith.constant 0 : i32
    %dma_start3A_512 = tpu.memref_slice %arg7[%dma_start3A_509, %dma_start3A_510, %dma_start3A_511] : memref<8x128x32xi32, #tpu.memory_space<vmem>> -> memref<1x128x32xi32, #tpu.memory_space<vmem>>
    %dma_start3A_513 = tpu.memref_squeeze %dma_start3A_512 : memref<1x128x32xi32, #tpu.memory_space<vmem>> -> memref<128x32xi32, #tpu.memory_space<vmem>>
    %dma_start3A_514 = arith.constant 16128 : i32
    %dma_start3A_515 = tpu.memref_slice %arg5[%dma_start3A_514] : memref<16384xi32, #tpu.memory_space<vmem>> -> memref<128xi32, #tpu.memory_space<vmem>>
    %dma_start3A_516 = arith.constant 0 : i32
    %dma_start3A_517 = arith.constant 0 : i32
    %dma_start3A_518 = tpu.memref_slice %arg3[%dma_start3A_516, %dma_start3A_517] : memref<100000x32xi32, #tpu.memory_space<hbm>> -> memref<100000x32xi32, #tpu.memory_space<hbm>>
    tpu.enqueue_indirect_dma source(%dma_start3A_518 : memref<100000x32xi32, #tpu.memory_space<hbm>>) target(%dma_start3A_513 : memref<128x32xi32, #tpu.memory_space<vmem>>) offsets(%dma_start3A_515 : memref<128xi32, #tpu.memory_space<vmem>>) semaphore(%arg14 : memref<!tpu.dma_semaphore, #tpu.memory_space<semaphore_mem>>)
    %dma_wait3A_519 = arith.constant 2 : i32
    %dma_wait3A_520 = arith.constant 0 : i32
    %dma_wait3A_521 = arith.constant 0 : i32
    %dma_wait3A_522 = tpu.memref_slice %arg7[%dma_wait3A_519, %dma_wait3A_520, %dma_wait3A_521] : memref<8x128x32xi32, #tpu.memory_space<vmem>> -> memref<1x128x32xi32, #tpu.memory_space<vmem>>
    %dma_wait3A_523 = tpu.memref_squeeze %dma_wait3A_522 : memref<1x128x32xi32, #tpu.memory_space<vmem>> -> memref<128x32xi32, #tpu.memory_space<vmem>>
    %dma_wait3A_524 = arith.constant 15616 : i32
    %dma_wait3A_525 = tpu.memref_slice %arg5[%dma_wait3A_524] : memref<16384xi32, #tpu.memory_space<vmem>> -> memref<128xi32, #tpu.memory_space<vmem>>
    %dma_wait3A_526 = arith.constant 0 : i32
    %dma_wait3A_527 = arith.constant 0 : i32
    %dma_wait3A_528 = tpu.memref_slice %arg3[%dma_wait3A_526, %dma_wait3A_527] : memref<100000x32xi32, #tpu.memory_space<hbm>> -> memref<100000x32xi32, #tpu.memory_space<hbm>>
    tpu.wait_indirect_dma semaphore(%arg10 : memref<!tpu.dma_semaphore, #tpu.memory_space<semaphore_mem>>) src(%dma_wait3A_528 : memref<100000x32xi32, #tpu.memory_space<hbm>>) dst(%dma_wait3A_523 : memref<128x32xi32, #tpu.memory_space<vmem>>)
    %add3A_529 = arith.constant 15616 : i32
    %add3A_530 = arith.addi %mul3A_2, %add3A_529 : i32
    %dma_start3A_531 = arith.constant 2 : i32
    %dma_start3A_532 = arith.constant 0 : i32
    %dma_start3A_533 = arith.constant 0 : i32
    %dma_start3A_534 = tpu.memref_slice %arg7[%dma_start3A_531, %dma_start3A_532, %dma_start3A_533] : memref<8x128x32xi32, #tpu.memory_space<vmem>> -> memref<1x128x32xi32, #tpu.memory_space<vmem>>
    %dma_start3A_535 = tpu.memref_squeeze %dma_start3A_534 : memref<1x128x32xi32, #tpu.memory_space<vmem>> -> memref<128x32xi32, #tpu.memory_space<vmem>>
    %dma_start3A_536 = arith.constant 0 : i32
    %dma_start3A_537 = tpu.memref_slice %arg4[%add3A_530, %dma_start3A_536] : memref<524288x32xi32, #tpu.memory_space<hbm>> -> memref<128x32xi32, #tpu.memory_space<hbm>>
    %dma_start3A_538 = arith.constant 0 : i32
    %dma_start3A_539 = tpu.memref_slice %arg4[%add3A_530, %dma_start3A_538] : memref<524288x32xi32, #tpu.memory_space<hbm>> -> memref<128x32xi32, #tpu.memory_space<hbm>>
    %dma_start3A_540 = arith.constant 0 : i32
    %dma_start3A_541 = arith.constant 0 : i32
    %dma_start3A_542 = tpu.memref_slice %arg7[%dma_start3A_531, %dma_start3A_540, %dma_start3A_541] : memref<8x128x32xi32, #tpu.memory_space<vmem>> -> memref<1x128x32xi32, #tpu.memory_space<vmem>>
    %dma_start3A_543 = tpu.memref_squeeze %dma_start3A_542 : memref<1x128x32xi32, #tpu.memory_space<vmem>> -> memref<128x32xi32, #tpu.memory_space<vmem>>
    tpu.enqueue_dma source(%dma_start3A_543 : memref<128x32xi32, #tpu.memory_space<vmem>>) target(%dma_start3A_539 : memref<128x32xi32, #tpu.memory_space<hbm>>) target_semaphore(%arg18 : memref<!tpu.dma_semaphore, #tpu.memory_space<semaphore_mem>>)
    %add3A_544 = arith.constant 15232 : i32
    %add3A_545 = arith.addi %mul3A_2, %add3A_544 : i32
    %dma_wait3A_546 = arith.constant 7 : i32
    %dma_wait3A_547 = arith.constant 0 : i32
    %dma_wait3A_548 = arith.constant 0 : i32
    %dma_wait3A_549 = tpu.memref_slice %arg7[%dma_wait3A_546, %dma_wait3A_547, %dma_wait3A_548] : memref<8x128x32xi32, #tpu.memory_space<vmem>> -> memref<1x128x32xi32, #tpu.memory_space<vmem>>
    %dma_wait3A_550 = tpu.memref_squeeze %dma_wait3A_549 : memref<1x128x32xi32, #tpu.memory_space<vmem>> -> memref<128x32xi32, #tpu.memory_space<vmem>>
    %dma_wait3A_551 = arith.constant 0 : i32
    %dma_wait3A_552 = tpu.memref_slice %arg4[%add3A_545, %dma_wait3A_551] : memref<524288x32xi32, #tpu.memory_space<hbm>> -> memref<128x32xi32, #tpu.memory_space<hbm>>
    %dma_wait3A_553 = arith.constant 0 : i32
    %dma_wait3A_554 = tpu.memref_slice %arg4[%add3A_545, %dma_wait3A_553] : memref<524288x32xi32, #tpu.memory_space<hbm>> -> memref<128x32xi32, #tpu.memory_space<hbm>>
    %dma_wait3A_555 = arith.constant 0 : i32
    %dma_wait3A_556 = arith.constant 0 : i32
    %dma_wait3A_557 = tpu.memref_slice %arg7[%dma_wait3A_546, %dma_wait3A_555, %dma_wait3A_556] : memref<8x128x32xi32, #tpu.memory_space<vmem>> -> memref<1x128x32xi32, #tpu.memory_space<vmem>>
    %dma_wait3A_558 = tpu.memref_squeeze %dma_wait3A_557 : memref<1x128x32xi32, #tpu.memory_space<vmem>> -> memref<128x32xi32, #tpu.memory_space<vmem>>
    tpu.wait_dma2 semaphore(%arg23 : memref<!tpu.dma_semaphore, #tpu.memory_space<semaphore_mem>>) src(%dma_wait3A_558 : memref<128x32xi32, #tpu.memory_space<vmem>>) dst(%dma_wait3A_554 : memref<128x32xi32, #tpu.memory_space<hbm>>)
    %dma_start3A_559 = arith.constant 7 : i32
    %dma_start3A_560 = arith.constant 0 : i32
    %dma_start3A_561 = arith.constant 0 : i32
    %dma_start3A_562 = tpu.memref_slice %arg7[%dma_start3A_559, %dma_start3A_560, %dma_start3A_561] : memref<8x128x32xi32, #tpu.memory_space<vmem>> -> memref<1x128x32xi32, #tpu.memory_space<vmem>>
    %dma_start3A_563 = tpu.memref_squeeze %dma_start3A_562 : memref<1x128x32xi32, #tpu.memory_space<vmem>> -> memref<128x32xi32, #tpu.memory_space<vmem>>
    %dma_start3A_564 = arith.constant 16256 : i32
    %dma_start3A_565 = tpu.memref_slice %arg5[%dma_start3A_564] : memref<16384xi32, #tpu.memory_space<vmem>> -> memref<128xi32, #tpu.memory_space<vmem>>
    %dma_start3A_566 = arith.constant 0 : i32
    %dma_start3A_567 = arith.constant 0 : i32
    %dma_start3A_568 = tpu.memref_slice %arg3[%dma_start3A_566, %dma_start3A_567] : memref<100000x32xi32, #tpu.memory_space<hbm>> -> memref<100000x32xi32, #tpu.memory_space<hbm>>
    tpu.enqueue_indirect_dma source(%dma_start3A_568 : memref<100000x32xi32, #tpu.memory_space<hbm>>) target(%dma_start3A_563 : memref<128x32xi32, #tpu.memory_space<vmem>>) offsets(%dma_start3A_565 : memref<128xi32, #tpu.memory_space<vmem>>) semaphore(%arg15 : memref<!tpu.dma_semaphore, #tpu.memory_space<semaphore_mem>>)
    %dma_wait3A_569 = arith.constant 3 : i32
    %dma_wait3A_570 = arith.constant 0 : i32
    %dma_wait3A_571 = arith.constant 0 : i32
    %dma_wait3A_572 = tpu.memref_slice %arg7[%dma_wait3A_569, %dma_wait3A_570, %dma_wait3A_571] : memref<8x128x32xi32, #tpu.memory_space<vmem>> -> memref<1x128x32xi32, #tpu.memory_space<vmem>>
    %dma_wait3A_573 = tpu.memref_squeeze %dma_wait3A_572 : memref<1x128x32xi32, #tpu.memory_space<vmem>> -> memref<128x32xi32, #tpu.memory_space<vmem>>
    %dma_wait3A_574 = arith.constant 15744 : i32
    %dma_wait3A_575 = tpu.memref_slice %arg5[%dma_wait3A_574] : memref<16384xi32, #tpu.memory_space<vmem>> -> memref<128xi32, #tpu.memory_space<vmem>>
    %dma_wait3A_576 = arith.constant 0 : i32
    %dma_wait3A_577 = arith.constant 0 : i32
    %dma_wait3A_578 = tpu.memref_slice %arg3[%dma_wait3A_576, %dma_wait3A_577] : memref<100000x32xi32, #tpu.memory_space<hbm>> -> memref<100000x32xi32, #tpu.memory_space<hbm>>
    tpu.wait_indirect_dma semaphore(%arg11 : memref<!tpu.dma_semaphore, #tpu.memory_space<semaphore_mem>>) src(%dma_wait3A_578 : memref<100000x32xi32, #tpu.memory_space<hbm>>) dst(%dma_wait3A_573 : memref<128x32xi32, #tpu.memory_space<vmem>>)
    %add3A_579 = arith.constant 15744 : i32
    %add3A_580 = arith.addi %mul3A_2, %add3A_579 : i32
    %dma_start3A_581 = arith.constant 3 : i32
    %dma_start3A_582 = arith.constant 0 : i32
    %dma_start3A_583 = arith.constant 0 : i32
    %dma_start3A_584 = tpu.memref_slice %arg7[%dma_start3A_581, %dma_start3A_582, %dma_start3A_583] : memref<8x128x32xi32, #tpu.memory_space<vmem>> -> memref<1x128x32xi32, #tpu.memory_space<vmem>>
    %dma_start3A_585 = tpu.memref_squeeze %dma_start3A_584 : memref<1x128x32xi32, #tpu.memory_space<vmem>> -> memref<128x32xi32, #tpu.memory_space<vmem>>
    %dma_start3A_586 = arith.constant 0 : i32
    %dma_start3A_587 = tpu.memref_slice %arg4[%add3A_580, %dma_start3A_586] : memref<524288x32xi32, #tpu.memory_space<hbm>> -> memref<128x32xi32, #tpu.memory_space<hbm>>
    %dma_start3A_588 = arith.constant 0 : i32
    %dma_start3A_589 = tpu.memref_slice %arg4[%add3A_580, %dma_start3A_588] : memref<524288x32xi32, #tpu.memory_space<hbm>> -> memref<128x32xi32, #tpu.memory_space<hbm>>
    %dma_start3A_590 = arith.constant 0 : i32
    %dma_start3A_591 = arith.constant 0 : i32
    %dma_start3A_592 = tpu.memref_slice %arg7[%dma_start3A_581, %dma_start3A_590, %dma_start3A_591] : memref<8x128x32xi32, #tpu.memory_space<vmem>> -> memref<1x128x32xi32, #tpu.memory_space<vmem>>
    %dma_start3A_593 = tpu.memref_squeeze %dma_start3A_592 : memref<1x128x32xi32, #tpu.memory_space<vmem>> -> memref<128x32xi32, #tpu.memory_space<vmem>>
    tpu.enqueue_dma source(%dma_start3A_593 : memref<128x32xi32, #tpu.memory_space<vmem>>) target(%dma_start3A_589 : memref<128x32xi32, #tpu.memory_space<hbm>>) target_semaphore(%arg19 : memref<!tpu.dma_semaphore, #tpu.memory_space<semaphore_mem>>)
    %dma_wait3A_594 = arith.constant 4 : i32
    %dma_wait3A_595 = arith.constant 0 : i32
    %dma_wait3A_596 = arith.constant 0 : i32
    %dma_wait3A_597 = tpu.memref_slice %arg7[%dma_wait3A_594, %dma_wait3A_595, %dma_wait3A_596] : memref<8x128x32xi32, #tpu.memory_space<vmem>> -> memref<1x128x32xi32, #tpu.memory_space<vmem>>
    %dma_wait3A_598 = tpu.memref_squeeze %dma_wait3A_597 : memref<1x128x32xi32, #tpu.memory_space<vmem>> -> memref<128x32xi32, #tpu.memory_space<vmem>>
    %dma_wait3A_599 = arith.constant 15872 : i32
    %dma_wait3A_600 = tpu.memref_slice %arg5[%dma_wait3A_599] : memref<16384xi32, #tpu.memory_space<vmem>> -> memref<128xi32, #tpu.memory_space<vmem>>
    %dma_wait3A_601 = arith.constant 0 : i32
    %dma_wait3A_602 = arith.constant 0 : i32
    %dma_wait3A_603 = tpu.memref_slice %arg3[%dma_wait3A_601, %dma_wait3A_602] : memref<100000x32xi32, #tpu.memory_space<hbm>> -> memref<100000x32xi32, #tpu.memory_space<hbm>>
    tpu.wait_indirect_dma semaphore(%arg12 : memref<!tpu.dma_semaphore, #tpu.memory_space<semaphore_mem>>) src(%dma_wait3A_603 : memref<100000x32xi32, #tpu.memory_space<hbm>>) dst(%dma_wait3A_598 : memref<128x32xi32, #tpu.memory_space<vmem>>)
    %add3A_604 = arith.constant 15872 : i32
    %add3A_605 = arith.addi %mul3A_2, %add3A_604 : i32
    %dma_start3A_606 = arith.constant 4 : i32
    %dma_start3A_607 = arith.constant 0 : i32
    %dma_start3A_608 = arith.constant 0 : i32
    %dma_start3A_609 = tpu.memref_slice %arg7[%dma_start3A_606, %dma_start3A_607, %dma_start3A_608] : memref<8x128x32xi32, #tpu.memory_space<vmem>> -> memref<1x128x32xi32, #tpu.memory_space<vmem>>
    %dma_start3A_610 = tpu.memref_squeeze %dma_start3A_609 : memref<1x128x32xi32, #tpu.memory_space<vmem>> -> memref<128x32xi32, #tpu.memory_space<vmem>>
    %dma_start3A_611 = arith.constant 0 : i32
    %dma_start3A_612 = tpu.memref_slice %arg4[%add3A_605, %dma_start3A_611] : memref<524288x32xi32, #tpu.memory_space<hbm>> -> memref<128x32xi32, #tpu.memory_space<hbm>>
    %dma_start3A_613 = arith.constant 0 : i32
    %dma_start3A_614 = tpu.memref_slice %arg4[%add3A_605, %dma_start3A_613] : memref<524288x32xi32, #tpu.memory_space<hbm>> -> memref<128x32xi32, #tpu.memory_space<hbm>>
    %dma_start3A_615 = arith.constant 0 : i32
    %dma_start3A_616 = arith.constant 0 : i32
    %dma_start3A_617 = tpu.memref_slice %arg7[%dma_start3A_606, %dma_start3A_615, %dma_start3A_616] : memref<8x128x32xi32, #tpu.memory_space<vmem>> -> memref<1x128x32xi32, #tpu.memory_space<vmem>>
    %dma_start3A_618 = tpu.memref_squeeze %dma_start3A_617 : memref<1x128x32xi32, #tpu.memory_space<vmem>> -> memref<128x32xi32, #tpu.memory_space<vmem>>
    tpu.enqueue_dma source(%dma_start3A_618 : memref<128x32xi32, #tpu.memory_space<vmem>>) target(%dma_start3A_614 : memref<128x32xi32, #tpu.memory_space<hbm>>) target_semaphore(%arg20 : memref<!tpu.dma_semaphore, #tpu.memory_space<semaphore_mem>>)
    %dma_wait3A_619 = arith.constant 5 : i32
    %dma_wait3A_620 = arith.constant 0 : i32
    %dma_wait3A_621 = arith.constant 0 : i32
    %dma_wait3A_622 = tpu.memref_slice %arg7[%dma_wait3A_619, %dma_wait3A_620, %dma_wait3A_621] : memref<8x128x32xi32, #tpu.memory_space<vmem>> -> memref<1x128x32xi32, #tpu.memory_space<vmem>>
    %dma_wait3A_623 = tpu.memref_squeeze %dma_wait3A_622 : memref<1x128x32xi32, #tpu.memory_space<vmem>> -> memref<128x32xi32, #tpu.memory_space<vmem>>
    %dma_wait3A_624 = arith.constant 16000 : i32
    %dma_wait3A_625 = tpu.memref_slice %arg5[%dma_wait3A_624] : memref<16384xi32, #tpu.memory_space<vmem>> -> memref<128xi32, #tpu.memory_space<vmem>>
    %dma_wait3A_626 = arith.constant 0 : i32
    %dma_wait3A_627 = arith.constant 0 : i32
    %dma_wait3A_628 = tpu.memref_slice %arg3[%dma_wait3A_626, %dma_wait3A_627] : memref<100000x32xi32, #tpu.memory_space<hbm>> -> memref<100000x32xi32, #tpu.memory_space<hbm>>
    tpu.wait_indirect_dma semaphore(%arg13 : memref<!tpu.dma_semaphore, #tpu.memory_space<semaphore_mem>>) src(%dma_wait3A_628 : memref<100000x32xi32, #tpu.memory_space<hbm>>) dst(%dma_wait3A_623 : memref<128x32xi32, #tpu.memory_space<vmem>>)
    %add3A_629 = arith.constant 16000 : i32
    %add3A_630 = arith.addi %mul3A_2, %add3A_629 : i32
    %dma_start3A_631 = arith.constant 5 : i32
    %dma_start3A_632 = arith.constant 0 : i32
    %dma_start3A_633 = arith.constant 0 : i32
    %dma_start3A_634 = tpu.memref_slice %arg7[%dma_start3A_631, %dma_start3A_632, %dma_start3A_633] : memref<8x128x32xi32, #tpu.memory_space<vmem>> -> memref<1x128x32xi32, #tpu.memory_space<vmem>>
    %dma_start3A_635 = tpu.memref_squeeze %dma_start3A_634 : memref<1x128x32xi32, #tpu.memory_space<vmem>> -> memref<128x32xi32, #tpu.memory_space<vmem>>
    %dma_start3A_636 = arith.constant 0 : i32
    %dma_start3A_637 = tpu.memref_slice %arg4[%add3A_630, %dma_start3A_636] : memref<524288x32xi32, #tpu.memory_space<hbm>> -> memref<128x32xi32, #tpu.memory_space<hbm>>
    %dma_start3A_638 = arith.constant 0 : i32
    %dma_start3A_639 = tpu.memref_slice %arg4[%add3A_630, %dma_start3A_638] : memref<524288x32xi32, #tpu.memory_space<hbm>> -> memref<128x32xi32, #tpu.memory_space<hbm>>
    %dma_start3A_640 = arith.constant 0 : i32
    %dma_start3A_641 = arith.constant 0 : i32
    %dma_start3A_642 = tpu.memref_slice %arg7[%dma_start3A_631, %dma_start3A_640, %dma_start3A_641] : memref<8x128x32xi32, #tpu.memory_space<vmem>> -> memref<1x128x32xi32, #tpu.memory_space<vmem>>
    %dma_start3A_643 = tpu.memref_squeeze %dma_start3A_642 : memref<1x128x32xi32, #tpu.memory_space<vmem>> -> memref<128x32xi32, #tpu.memory_space<vmem>>
    tpu.enqueue_dma source(%dma_start3A_643 : memref<128x32xi32, #tpu.memory_space<vmem>>) target(%dma_start3A_639 : memref<128x32xi32, #tpu.memory_space<hbm>>) target_semaphore(%arg21 : memref<!tpu.dma_semaphore, #tpu.memory_space<semaphore_mem>>)
    %dma_wait3A_644 = arith.constant 6 : i32
    %dma_wait3A_645 = arith.constant 0 : i32
    %dma_wait3A_646 = arith.constant 0 : i32
    %dma_wait3A_647 = tpu.memref_slice %arg7[%dma_wait3A_644, %dma_wait3A_645, %dma_wait3A_646] : memref<8x128x32xi32, #tpu.memory_space<vmem>> -> memref<1x128x32xi32, #tpu.memory_space<vmem>>
    %dma_wait3A_648 = tpu.memref_squeeze %dma_wait3A_647 : memref<1x128x32xi32, #tpu.memory_space<vmem>> -> memref<128x32xi32, #tpu.memory_space<vmem>>
    %dma_wait3A_649 = arith.constant 16128 : i32
    %dma_wait3A_650 = tpu.memref_slice %arg5[%dma_wait3A_649] : memref<16384xi32, #tpu.memory_space<vmem>> -> memref<128xi32, #tpu.memory_space<vmem>>
    %dma_wait3A_651 = arith.constant 0 : i32
    %dma_wait3A_652 = arith.constant 0 : i32
    %dma_wait3A_653 = tpu.memref_slice %arg3[%dma_wait3A_651, %dma_wait3A_652] : memref<100000x32xi32, #tpu.memory_space<hbm>> -> memref<100000x32xi32, #tpu.memory_space<hbm>>
    tpu.wait_indirect_dma semaphore(%arg14 : memref<!tpu.dma_semaphore, #tpu.memory_space<semaphore_mem>>) src(%dma_wait3A_653 : memref<100000x32xi32, #tpu.memory_space<hbm>>) dst(%dma_wait3A_648 : memref<128x32xi32, #tpu.memory_space<vmem>>)
    %add3A_654 = arith.constant 16128 : i32
    %add3A_655 = arith.addi %mul3A_2, %add3A_654 : i32
    %dma_start3A_656 = arith.constant 6 : i32
    %dma_start3A_657 = arith.constant 0 : i32
    %dma_start3A_658 = arith.constant 0 : i32
    %dma_start3A_659 = tpu.memref_slice %arg7[%dma_start3A_656, %dma_start3A_657, %dma_start3A_658] : memref<8x128x32xi32, #tpu.memory_space<vmem>> -> memref<1x128x32xi32, #tpu.memory_space<vmem>>
    %dma_start3A_660 = tpu.memref_squeeze %dma_start3A_659 : memref<1x128x32xi32, #tpu.memory_space<vmem>> -> memref<128x32xi32, #tpu.memory_space<vmem>>
    %dma_start3A_661 = arith.constant 0 : i32
    %dma_start3A_662 = tpu.memref_slice %arg4[%add3A_655, %dma_start3A_661] : memref<524288x32xi32, #tpu.memory_space<hbm>> -> memref<128x32xi32, #tpu.memory_space<hbm>>
    %dma_start3A_663 = arith.constant 0 : i32
    %dma_start3A_664 = tpu.memref_slice %arg4[%add3A_655, %dma_start3A_663] : memref<524288x32xi32, #tpu.memory_space<hbm>> -> memref<128x32xi32, #tpu.memory_space<hbm>>
    %dma_start3A_665 = arith.constant 0 : i32
    %dma_start3A_666 = arith.constant 0 : i32
    %dma_start3A_667 = tpu.memref_slice %arg7[%dma_start3A_656, %dma_start3A_665, %dma_start3A_666] : memref<8x128x32xi32, #tpu.memory_space<vmem>> -> memref<1x128x32xi32, #tpu.memory_space<vmem>>
    %dma_start3A_668 = tpu.memref_squeeze %dma_start3A_667 : memref<1x128x32xi32, #tpu.memory_space<vmem>> -> memref<128x32xi32, #tpu.memory_space<vmem>>
    tpu.enqueue_dma source(%dma_start3A_668 : memref<128x32xi32, #tpu.memory_space<vmem>>) target(%dma_start3A_664 : memref<128x32xi32, #tpu.memory_space<hbm>>) target_semaphore(%arg22 : memref<!tpu.dma_semaphore, #tpu.memory_space<semaphore_mem>>)
    %dma_wait3A_669 = arith.constant 7 : i32
    %dma_wait3A_670 = arith.constant 0 : i32
    %dma_wait3A_671 = arith.constant 0 : i32
    %dma_wait3A_672 = tpu.memref_slice %arg7[%dma_wait3A_669, %dma_wait3A_670, %dma_wait3A_671] : memref<8x128x32xi32, #tpu.memory_space<vmem>> -> memref<1x128x32xi32, #tpu.memory_space<vmem>>
    %dma_wait3A_673 = tpu.memref_squeeze %dma_wait3A_672 : memref<1x128x32xi32, #tpu.memory_space<vmem>> -> memref<128x32xi32, #tpu.memory_space<vmem>>
    %dma_wait3A_674 = arith.constant 16256 : i32
    %dma_wait3A_675 = tpu.memref_slice %arg5[%dma_wait3A_674] : memref<16384xi32, #tpu.memory_space<vmem>> -> memref<128xi32, #tpu.memory_space<vmem>>
    %dma_wait3A_676 = arith.constant 0 : i32
    %dma_wait3A_677 = arith.constant 0 : i32
    %dma_wait3A_678 = tpu.memref_slice %arg3[%dma_wait3A_676, %dma_wait3A_677] : memref<100000x32xi32, #tpu.memory_space<hbm>> -> memref<100000x32xi32, #tpu.memory_space<hbm>>
    tpu.wait_indirect_dma semaphore(%arg15 : memref<!tpu.dma_semaphore, #tpu.memory_space<semaphore_mem>>) src(%dma_wait3A_678 : memref<100000x32xi32, #tpu.memory_space<hbm>>) dst(%dma_wait3A_673 : memref<128x32xi32, #tpu.memory_space<vmem>>)
    %add3A_679 = arith.constant 16256 : i32
    %add3A_680 = arith.addi %mul3A_2, %add3A_679 : i32
    %dma_start3A_681 = arith.constant 7 : i32
    %dma_start3A_682 = arith.constant 0 : i32
    %dma_start3A_683 = arith.constant 0 : i32
    %dma_start3A_684 = tpu.memref_slice %arg7[%dma_start3A_681, %dma_start3A_682, %dma_start3A_683] : memref<8x128x32xi32, #tpu.memory_space<vmem>> -> memref<1x128x32xi32, #tpu.memory_space<vmem>>
    %dma_start3A_685 = tpu.memref_squeeze %dma_start3A_684 : memref<1x128x32xi32, #tpu.memory_space<vmem>> -> memref<128x32xi32, #tpu.memory_space<vmem>>
    %dma_start3A_686 = arith.constant 0 : i32
    %dma_start3A_687 = tpu.memref_slice %arg4[%add3A_680, %dma_start3A_686] : memref<524288x32xi32, #tpu.memory_space<hbm>> -> memref<128x32xi32, #tpu.memory_space<hbm>>
    %dma_start3A_688 = arith.constant 0 : i32
    %dma_start3A_689 = tpu.memref_slice %arg4[%add3A_680, %dma_start3A_688] : memref<524288x32xi32, #tpu.memory_space<hbm>> -> memref<128x32xi32, #tpu.memory_space<hbm>>
    %dma_start3A_690 = arith.constant 0 : i32
    %dma_start3A_691 = arith.constant 0 : i32
    %dma_start3A_692 = tpu.memref_slice %arg7[%dma_start3A_681, %dma_start3A_690, %dma_start3A_691] : memref<8x128x32xi32, #tpu.memory_space<vmem>> -> memref<1x128x32xi32, #tpu.memory_space<vmem>>
    %dma_start3A_693 = tpu.memref_squeeze %dma_start3A_692 : memref<1x128x32xi32, #tpu.memory_space<vmem>> -> memref<128x32xi32, #tpu.memory_space<vmem>>
    tpu.enqueue_dma source(%dma_start3A_693 : memref<128x32xi32, #tpu.memory_space<vmem>>) target(%dma_start3A_689 : memref<128x32xi32, #tpu.memory_space<hbm>>) target_semaphore(%arg23 : memref<!tpu.dma_semaphore, #tpu.memory_space<semaphore_mem>>)
    %add3A_694 = arith.constant 15360 : i32
    %add3A_695 = arith.addi %mul3A_2, %add3A_694 : i32
    %dma_wait3A_696 = arith.constant 0 : i32
    %dma_wait3A_697 = arith.constant 0 : i32
    %dma_wait3A_698 = arith.constant 0 : i32
    %dma_wait3A_699 = tpu.memref_slice %arg7[%dma_wait3A_696, %dma_wait3A_697, %dma_wait3A_698] : memref<8x128x32xi32, #tpu.memory_space<vmem>> -> memref<1x128x32xi32, #tpu.memory_space<vmem>>
    %dma_wait3A_700 = tpu.memref_squeeze %dma_wait3A_699 : memref<1x128x32xi32, #tpu.memory_space<vmem>> -> memref<128x32xi32, #tpu.memory_space<vmem>>
    %dma_wait3A_701 = arith.constant 0 : i32
    %dma_wait3A_702 = tpu.memref_slice %arg4[%add3A_695, %dma_wait3A_701] : memref<524288x32xi32, #tpu.memory_space<hbm>> -> memref<128x32xi32, #tpu.memory_space<hbm>>
    %dma_wait3A_703 = arith.constant 0 : i32
    %dma_wait3A_704 = tpu.memref_slice %arg4[%add3A_695, %dma_wait3A_703] : memref<524288x32xi32, #tpu.memory_space<hbm>> -> memref<128x32xi32, #tpu.memory_space<hbm>>
    %dma_wait3A_705 = arith.constant 0 : i32
    %dma_wait3A_706 = arith.constant 0 : i32
    %dma_wait3A_707 = tpu.memref_slice %arg7[%dma_wait3A_696, %dma_wait3A_705, %dma_wait3A_706] : memref<8x128x32xi32, #tpu.memory_space<vmem>> -> memref<1x128x32xi32, #tpu.memory_space<vmem>>
    %dma_wait3A_708 = tpu.memref_squeeze %dma_wait3A_707 : memref<1x128x32xi32, #tpu.memory_space<vmem>> -> memref<128x32xi32, #tpu.memory_space<vmem>>
    tpu.wait_dma2 semaphore(%arg16 : memref<!tpu.dma_semaphore, #tpu.memory_space<semaphore_mem>>) src(%dma_wait3A_708 : memref<128x32xi32, #tpu.memory_space<vmem>>) dst(%dma_wait3A_704 : memref<128x32xi32, #tpu.memory_space<hbm>>)
    %add3A_709 = arith.constant 15488 : i32
    %add3A_710 = arith.addi %mul3A_2, %add3A_709 : i32
    %dma_wait3A_711 = arith.constant 1 : i32
    %dma_wait3A_712 = arith.constant 0 : i32
    %dma_wait3A_713 = arith.constant 0 : i32
    %dma_wait3A_714 = tpu.memref_slice %arg7[%dma_wait3A_711, %dma_wait3A_712, %dma_wait3A_713] : memref<8x128x32xi32, #tpu.memory_space<vmem>> -> memref<1x128x32xi32, #tpu.memory_space<vmem>>
    %dma_wait3A_715 = tpu.memref_squeeze %dma_wait3A_714 : memref<1x128x32xi32, #tpu.memory_space<vmem>> -> memref<128x32xi32, #tpu.memory_space<vmem>>
    %dma_wait3A_716 = arith.constant 0 : i32
    %dma_wait3A_717 = tpu.memref_slice %arg4[%add3A_710, %dma_wait3A_716] : memref<524288x32xi32, #tpu.memory_space<hbm>> -> memref<128x32xi32, #tpu.memory_space<hbm>>
    %dma_wait3A_718 = arith.constant 0 : i32
    %dma_wait3A_719 = tpu.memref_slice %arg4[%add3A_710, %dma_wait3A_718] : memref<524288x32xi32, #tpu.memory_space<hbm>> -> memref<128x32xi32, #tpu.memory_space<hbm>>
    %dma_wait3A_720 = arith.constant 0 : i32
    %dma_wait3A_721 = arith.constant 0 : i32
    %dma_wait3A_722 = tpu.memref_slice %arg7[%dma_wait3A_711, %dma_wait3A_720, %dma_wait3A_721] : memref<8x128x32xi32, #tpu.memory_space<vmem>> -> memref<1x128x32xi32, #tpu.memory_space<vmem>>
    %dma_wait3A_723 = tpu.memref_squeeze %dma_wait3A_722 : memref<1x128x32xi32, #tpu.memory_space<vmem>> -> memref<128x32xi32, #tpu.memory_space<vmem>>
    tpu.wait_dma2 semaphore(%arg17 : memref<!tpu.dma_semaphore, #tpu.memory_space<semaphore_mem>>) src(%dma_wait3A_723 : memref<128x32xi32, #tpu.memory_space<vmem>>) dst(%dma_wait3A_719 : memref<128x32xi32, #tpu.memory_space<hbm>>)
    %add3A_724 = arith.constant 15616 : i32
    %add3A_725 = arith.addi %mul3A_2, %add3A_724 : i32
    %dma_wait3A_726 = arith.constant 2 : i32
    %dma_wait3A_727 = arith.constant 0 : i32
    %dma_wait3A_728 = arith.constant 0 : i32
    %dma_wait3A_729 = tpu.memref_slice %arg7[%dma_wait3A_726, %dma_wait3A_727, %dma_wait3A_728] : memref<8x128x32xi32, #tpu.memory_space<vmem>> -> memref<1x128x32xi32, #tpu.memory_space<vmem>>
    %dma_wait3A_730 = tpu.memref_squeeze %dma_wait3A_729 : memref<1x128x32xi32, #tpu.memory_space<vmem>> -> memref<128x32xi32, #tpu.memory_space<vmem>>
    %dma_wait3A_731 = arith.constant 0 : i32
    %dma_wait3A_732 = tpu.memref_slice %arg4[%add3A_725, %dma_wait3A_731] : memref<524288x32xi32, #tpu.memory_space<hbm>> -> memref<128x32xi32, #tpu.memory_space<hbm>>
    %dma_wait3A_733 = arith.constant 0 : i32
    %dma_wait3A_734 = tpu.memref_slice %arg4[%add3A_725, %dma_wait3A_733] : memref<524288x32xi32, #tpu.memory_space<hbm>> -> memref<128x32xi32, #tpu.memory_space<hbm>>
    %dma_wait3A_735 = arith.constant 0 : i32
    %dma_wait3A_736 = arith.constant 0 : i32
    %dma_wait3A_737 = tpu.memref_slice %arg7[%dma_wait3A_726, %dma_wait3A_735, %dma_wait3A_736] : memref<8x128x32xi32, #tpu.memory_space<vmem>> -> memref<1x128x32xi32, #tpu.memory_space<vmem>>
    %dma_wait3A_738 = tpu.memref_squeeze %dma_wait3A_737 : memref<1x128x32xi32, #tpu.memory_space<vmem>> -> memref<128x32xi32, #tpu.memory_space<vmem>>
    tpu.wait_dma2 semaphore(%arg18 : memref<!tpu.dma_semaphore, #tpu.memory_space<semaphore_mem>>) src(%dma_wait3A_738 : memref<128x32xi32, #tpu.memory_space<vmem>>) dst(%dma_wait3A_734 : memref<128x32xi32, #tpu.memory_space<hbm>>)
    %add3A_739 = arith.constant 15744 : i32
    %add3A_740 = arith.addi %mul3A_2, %add3A_739 : i32
    %dma_wait3A_741 = arith.constant 3 : i32
    %dma_wait3A_742 = arith.constant 0 : i32
    %dma_wait3A_743 = arith.constant 0 : i32
    %dma_wait3A_744 = tpu.memref_slice %arg7[%dma_wait3A_741, %dma_wait3A_742, %dma_wait3A_743] : memref<8x128x32xi32, #tpu.memory_space<vmem>> -> memref<1x128x32xi32, #tpu.memory_space<vmem>>
    %dma_wait3A_745 = tpu.memref_squeeze %dma_wait3A_744 : memref<1x128x32xi32, #tpu.memory_space<vmem>> -> memref<128x32xi32, #tpu.memory_space<vmem>>
    %dma_wait3A_746 = arith.constant 0 : i32
    %dma_wait3A_747 = tpu.memref_slice %arg4[%add3A_740, %dma_wait3A_746] : memref<524288x32xi32, #tpu.memory_space<hbm>> -> memref<128x32xi32, #tpu.memory_space<hbm>>
    %dma_wait3A_748 = arith.constant 0 : i32
    %dma_wait3A_749 = tpu.memref_slice %arg4[%add3A_740, %dma_wait3A_748] : memref<524288x32xi32, #tpu.memory_space<hbm>> -> memref<128x32xi32, #tpu.memory_space<hbm>>
    %dma_wait3A_750 = arith.constant 0 : i32
    %dma_wait3A_751 = arith.constant 0 : i32
    %dma_wait3A_752 = tpu.memref_slice %arg7[%dma_wait3A_741, %dma_wait3A_750, %dma_wait3A_751] : memref<8x128x32xi32, #tpu.memory_space<vmem>> -> memref<1x128x32xi32, #tpu.memory_space<vmem>>
    %dma_wait3A_753 = tpu.memref_squeeze %dma_wait3A_752 : memref<1x128x32xi32, #tpu.memory_space<vmem>> -> memref<128x32xi32, #tpu.memory_space<vmem>>
    tpu.wait_dma2 semaphore(%arg19 : memref<!tpu.dma_semaphore, #tpu.memory_space<semaphore_mem>>) src(%dma_wait3A_753 : memref<128x32xi32, #tpu.memory_space<vmem>>) dst(%dma_wait3A_749 : memref<128x32xi32, #tpu.memory_space<hbm>>)
    %add3A_754 = arith.constant 15872 : i32
    %add3A_755 = arith.addi %mul3A_2, %add3A_754 : i32
    %dma_wait3A_756 = arith.constant 4 : i32
    %dma_wait3A_757 = arith.constant 0 : i32
    %dma_wait3A_758 = arith.constant 0 : i32
    %dma_wait3A_759 = tpu.memref_slice %arg7[%dma_wait3A_756, %dma_wait3A_757, %dma_wait3A_758] : memref<8x128x32xi32, #tpu.memory_space<vmem>> -> memref<1x128x32xi32, #tpu.memory_space<vmem>>
    %dma_wait3A_760 = tpu.memref_squeeze %dma_wait3A_759 : memref<1x128x32xi32, #tpu.memory_space<vmem>> -> memref<128x32xi32, #tpu.memory_space<vmem>>
    %dma_wait3A_761 = arith.constant 0 : i32
    %dma_wait3A_762 = tpu.memref_slice %arg4[%add3A_755, %dma_wait3A_761] : memref<524288x32xi32, #tpu.memory_space<hbm>> -> memref<128x32xi32, #tpu.memory_space<hbm>>
    %dma_wait3A_763 = arith.constant 0 : i32
    %dma_wait3A_764 = tpu.memref_slice %arg4[%add3A_755, %dma_wait3A_763] : memref<524288x32xi32, #tpu.memory_space<hbm>> -> memref<128x32xi32, #tpu.memory_space<hbm>>
    %dma_wait3A_765 = arith.constant 0 : i32
    %dma_wait3A_766 = arith.constant 0 : i32
    %dma_wait3A_767 = tpu.memref_slice %arg7[%dma_wait3A_756, %dma_wait3A_765, %dma_wait3A_766] : memref<8x128x32xi32, #tpu.memory_space<vmem>> -> memref<1x128x32xi32, #tpu.memory_space<vmem>>
    %dma_wait3A_768 = tpu.memref_squeeze %dma_wait3A_767 : memref<1x128x32xi32, #tpu.memory_space<vmem>> -> memref<128x32xi32, #tpu.memory_space<vmem>>
    tpu.wait_dma2 semaphore(%arg20 : memref<!tpu.dma_semaphore, #tpu.memory_space<semaphore_mem>>) src(%dma_wait3A_768 : memref<128x32xi32, #tpu.memory_space<vmem>>) dst(%dma_wait3A_764 : memref<128x32xi32, #tpu.memory_space<hbm>>)
    %add3A_769 = arith.constant 16000 : i32
    %add3A_770 = arith.addi %mul3A_2, %add3A_769 : i32
    %dma_wait3A_771 = arith.constant 5 : i32
    %dma_wait3A_772 = arith.constant 0 : i32
    %dma_wait3A_773 = arith.constant 0 : i32
    %dma_wait3A_774 = tpu.memref_slice %arg7[%dma_wait3A_771, %dma_wait3A_772, %dma_wait3A_773] : memref<8x128x32xi32, #tpu.memory_space<vmem>> -> memref<1x128x32xi32, #tpu.memory_space<vmem>>
    %dma_wait3A_775 = tpu.memref_squeeze %dma_wait3A_774 : memref<1x128x32xi32, #tpu.memory_space<vmem>> -> memref<128x32xi32, #tpu.memory_space<vmem>>
    %dma_wait3A_776 = arith.constant 0 : i32
    %dma_wait3A_777 = tpu.memref_slice %arg4[%add3A_770, %dma_wait3A_776] : memref<524288x32xi32, #tpu.memory_space<hbm>> -> memref<128x32xi32, #tpu.memory_space<hbm>>
    %dma_wait3A_778 = arith.constant 0 : i32
    %dma_wait3A_779 = tpu.memref_slice %arg4[%add3A_770, %dma_wait3A_778] : memref<524288x32xi32, #tpu.memory_space<hbm>> -> memref<128x32xi32, #tpu.memory_space<hbm>>
    %dma_wait3A_780 = arith.constant 0 : i32
    %dma_wait3A_781 = arith.constant 0 : i32
    %dma_wait3A_782 = tpu.memref_slice %arg7[%dma_wait3A_771, %dma_wait3A_780, %dma_wait3A_781] : memref<8x128x32xi32, #tpu.memory_space<vmem>> -> memref<1x128x32xi32, #tpu.memory_space<vmem>>
    %dma_wait3A_783 = tpu.memref_squeeze %dma_wait3A_782 : memref<1x128x32xi32, #tpu.memory_space<vmem>> -> memref<128x32xi32, #tpu.memory_space<vmem>>
    tpu.wait_dma2 semaphore(%arg21 : memref<!tpu.dma_semaphore, #tpu.memory_space<semaphore_mem>>) src(%dma_wait3A_783 : memref<128x32xi32, #tpu.memory_space<vmem>>) dst(%dma_wait3A_779 : memref<128x32xi32, #tpu.memory_space<hbm>>)
    %add3A_784 = arith.constant 16128 : i32
    %add3A_785 = arith.addi %mul3A_2, %add3A_784 : i32
    %dma_wait3A_786 = arith.constant 6 : i32
    %dma_wait3A_787 = arith.constant 0 : i32
    %dma_wait3A_788 = arith.constant 0 : i32
    %dma_wait3A_789 = tpu.memref_slice %arg7[%dma_wait3A_786, %dma_wait3A_787, %dma_wait3A_788] : memref<8x128x32xi32, #tpu.memory_space<vmem>> -> memref<1x128x32xi32, #tpu.memory_space<vmem>>
    %dma_wait3A_790 = tpu.memref_squeeze %dma_wait3A_789 : memref<1x128x32xi32, #tpu.memory_space<vmem>> -> memref<128x32xi32, #tpu.memory_space<vmem>>
    %dma_wait3A_791 = arith.constant 0 : i32
    %dma_wait3A_792 = tpu.memref_slice %arg4[%add3A_785, %dma_wait3A_791] : memref<524288x32xi32, #tpu.memory_space<hbm>> -> memref<128x32xi32, #tpu.memory_space<hbm>>
    %dma_wait3A_793 = arith.constant 0 : i32
    %dma_wait3A_794 = tpu.memref_slice %arg4[%add3A_785, %dma_wait3A_793] : memref<524288x32xi32, #tpu.memory_space<hbm>> -> memref<128x32xi32, #tpu.memory_space<hbm>>
    %dma_wait3A_795 = arith.constant 0 : i32
    %dma_wait3A_796 = arith.constant 0 : i32
    %dma_wait3A_797 = tpu.memref_slice %arg7[%dma_wait3A_786, %dma_wait3A_795, %dma_wait3A_796] : memref<8x128x32xi32, #tpu.memory_space<vmem>> -> memref<1x128x32xi32, #tpu.memory_space<vmem>>
    %dma_wait3A_798 = tpu.memref_squeeze %dma_wait3A_797 : memref<1x128x32xi32, #tpu.memory_space<vmem>> -> memref<128x32xi32, #tpu.memory_space<vmem>>
    tpu.wait_dma2 semaphore(%arg22 : memref<!tpu.dma_semaphore, #tpu.memory_space<semaphore_mem>>) src(%dma_wait3A_798 : memref<128x32xi32, #tpu.memory_space<vmem>>) dst(%dma_wait3A_794 : memref<128x32xi32, #tpu.memory_space<hbm>>)
    %add3A_799 = arith.constant 16256 : i32
    %add3A_800 = arith.addi %mul3A_2, %add3A_799 : i32
    %dma_wait3A_801 = arith.constant 7 : i32
    %dma_wait3A_802 = arith.constant 0 : i32
    %dma_wait3A_803 = arith.constant 0 : i32
    %dma_wait3A_804 = tpu.memref_slice %arg7[%dma_wait3A_801, %dma_wait3A_802, %dma_wait3A_803] : memref<8x128x32xi32, #tpu.memory_space<vmem>> -> memref<1x128x32xi32, #tpu.memory_space<vmem>>
    %dma_wait3A_805 = tpu.memref_squeeze %dma_wait3A_804 : memref<1x128x32xi32, #tpu.memory_space<vmem>> -> memref<128x32xi32, #tpu.memory_space<vmem>>
    %dma_wait3A_806 = arith.constant 0 : i32
    %dma_wait3A_807 = tpu.memref_slice %arg4[%add3A_800, %dma_wait3A_806] : memref<524288x32xi32, #tpu.memory_space<hbm>> -> memref<128x32xi32, #tpu.memory_space<hbm>>
    %dma_wait3A_808 = arith.constant 0 : i32
    %dma_wait3A_809 = tpu.memref_slice %arg4[%add3A_800, %dma_wait3A_808] : memref<524288x32xi32, #tpu.memory_space<hbm>> -> memref<128x32xi32, #tpu.memory_space<hbm>>
    %dma_wait3A_810 = arith.constant 0 : i32
    %dma_wait3A_811 = arith.constant 0 : i32
    %dma_wait3A_812 = tpu.memref_slice %arg7[%dma_wait3A_801, %dma_wait3A_810, %dma_wait3A_811] : memref<8x128x32xi32, #tpu.memory_space<vmem>> -> memref<1x128x32xi32, #tpu.memory_space<vmem>>
    %dma_wait3A_813 = tpu.memref_squeeze %dma_wait3A_812 : memref<1x128x32xi32, #tpu.memory_space<vmem>> -> memref<128x32xi32, #tpu.memory_space<vmem>>
    tpu.wait_dma2 semaphore(%arg23 : memref<!tpu.dma_semaphore, #tpu.memory_space<semaphore_mem>>) src(%dma_wait3A_813 : memref<128x32xi32, #tpu.memory_space<vmem>>) dst(%dma_wait3A_809 : memref<128x32xi32, #tpu.memory_space<hbm>>)
    return
  }
}

</mosaic_0001>

<sc_bundles>
// kernel: kernel.12.cloned.1.call-start
scs
__scs_entry_jumppad:
0x0: {  	(pc) =	sbr.rel $0x88, $3  }
0x1: {  	(tag) =	ssettag $0x0;
	lr =	simm.s32 $0x1  }
0x2: {  	[smem:$0x3F9E] =	sst lr;
	_ =	strace $0xD0000000  }
0x3: {  	_ = 	snop  }
0x4: {  	_ = 	snop  }
0x5: {  	_ = 	snop  }
0x6: {  	_ = 	snop  }
0x7: {  	_ = 	snop  }
__scs_overlays_trampoline_lowered:
0x8: {  	[smem:$0x3FAD] =	sst s0  }
0x9: {  	[smem:$0x3FAE] =	sst s1  }
0xa: {  	[smem:$0x3FAF] =	sst s2  }
0xb: {  	[smem:$0x3FB0] =	sst s3  }
0xc: {  	[smem:$0x3FB1] =	sst s4  }
0xd: {  	[smem:$0x3FB2] =	sst s5  }
0xe: {  	[smem:$0x3FB3] =	sst s6  }
0xf: {  	[smem:$0x3FB4] =	sst s7  }
0x10: {  	[smem:$0x3FB5] =	sst s8  }
0x11: {  	[smem:$0x3FB6] =	sst s9;
	s0 =	simm.s32 @!p0 $0x0  }
0x12: {  	s1 =	sld [smem:$0x3F9C];
	s0 =	simm.s32 @p0 $0x1  }
0x13: {  	[smem:$0x3FB7] =	sst s0;
	s0 =	simm.s32 @!p1 $0x0  }
0x14: {  	s2 =	sld [smem:$0x3F9B];
	s0 =	simm.s32 @p1 $0x1  }
0x15: {  	[smem:$0x3FB8] =	sst s0;
	s0 =	simm.s32 @!p2 $0x0  }
0x16: {  	s3 =	sld [smem:$0x3FDB];
	s0 =	simm.s32 @p2 $0x1  }
0x17: {  	s4 =	simm.s32 $0x1BF5;
	[smem:$0x3FBA] =	sst s0  }
0x18: {  	s0 =	sld [smem:$0x3F9D];
	_ =	swait.ge [sflag:s4], $0x0  }
0x19: {  	s7 =	sld [smem:$0x3F9E]  }
0x1a: {  	s8 =	sadd.s32 $0xFFFFE003, lr  }
0x1b: {  	s9 =	sadd.s32 $0xFFFFFEF7, lr;
	s5 =	simm.s32 $0xFFFFFFFF;
	p2 =	slt.u32 s8, $0xFFFFF086  }
0x1c: {  	p1 =	slt.u32 s9, $0xF7A;
	s5 =	simm.s32 @!p2 $0x0  }
0x1d: {  	s5 =	simm.s32 @p1 $0x1;
	p0 =	seq.s32 s7, s2  }
0x1e: {  	s7 =	smul.u32 @!p0 $0xF7A, s2;
	p2 =	seq.s32 @!p0 s5, $0x0  }
0x1f: {  	s9 =	smul.u32 $0xF7A, s1;
	s8 =	simm.s32 @!p0 $0x1BF5;
	p2 =	por !p2, p0  }
0x20: {  	[sflag:s8] =	ssyncset.s32 @!p0 $0xFFFFF086;
	s6 =	sadd.s32 @!p0 s3, s7;
	s7 =	simm.s32 @!p0 $0x108  }
0x21: {  	s3 =	sadd.s32 s3, s9;
	s6 =	sadd.s32 @!p0 $0x88, s6;
	s7 =	simm.s32 @p2 $0x1082  }
0x22: {  	[simem:s7], [sflag:s8] =	dma.local @!p0 [hbm:s6], $0xF7A  }
0x23: {  	s9 =	sor.u32 $0xD0000000, s2;
	s6 =	simm.s32 $0x108;
	_ =	swait.ge @!p0 [sflag:s8], $0x0  }
0x24: {  	s3 =	sadd.s32 $0x88, s3;
	s6 =	simm.s32 @!p1 $0x1082;
	[sflag:s4] =	ssyncset.s32 $0xFFFFF086  }
0x25: {  	[simem:s6], [sflag:s4] =	dma.local [hbm:s3], $0xF7A  }
0x26: {  	[smem:$0x3F9E] =	sst s1;
	(tag) =	ssettag s2;
	_ =	strace s9  }
0x27: {  	s1 =	sld [smem:$0x3FAE]  }
0x28: {  	s2 =	sld [smem:$0x3FAF]  }
0x29: {  	s4 =	sld [smem:$0x3FB1]  }
0x2a: {  	p0 =	seq.s32 s5, $0x0;
	s5 =	sld [smem:$0x3FB2]  }
0x2b: {  	s6 =	sld [smem:$0x3FB3]  }
0x2c: {  	s7 =	sld [smem:$0x3FB4]  }
0x2d: {  	s3 =	simm.s32 $0x108;
	s8 =	sld [smem:$0x3FB5]  }
0x2e: {  	s3 =	simm.s32 @!p0 $0x1082;
	s9 =	sld [smem:$0x3FB6]  }
0x2f: {  	lr =	sadd.s32 s0, s3;
	s0 =	sld [smem:$0x3FAD]  }
0x30: {  	s3 =	sld [smem:$0x3FB0]  }
0x31: {  	[smem:$0x3FB9] =	sst s10  }
0x32: {  	s10 =	sld [smem:$0x3FB7];
	_ =	sdelay $0x3  }
0x33: {  	p0 =	seq.s32 s10, $0x1;
	s10 =	sld [smem:$0x3FB9];
	_ =	sdelay $0x3  }
0x34: {  	[smem:$0x3FB9] =	sst s10  }
0x35: {  	s10 =	sld [smem:$0x3FB8];
	_ =	sdelay $0x3  }
0x36: {  	p1 =	seq.s32 s10, $0x1;
	s10 =	sld [smem:$0x3FB9];
	_ =	sdelay $0x3  }
0x37: {  	[smem:$0x3FB9] =	sst s10  }
0x38: {  	s10 =	sld [smem:$0x3FBA]  }
0x39: {  	_ = 	snop;
	(pc) =	sbr.ind lr, $3  }
0x3a: {  	_ = 	snop  }
0x3b: {  	_ = 	snop  }
0x3c: {  	p2 =	seq.s32 s10, $0x1;
	s10 =	sld [smem:$0x3FB9]  }
0x3d: {  	_ =	shalt  }
0x3e: {  	_ =	shalt  }
0x3f: {  	_ =	shalt  }
0x40: {  	_ =	shalt  }
0x41: {  	_ =	shalt  }
0x42: {  	_ =	shalt  }
0x43: {  	_ =	shalt  }
0x44: {  	_ =	shalt  }
0x45: {  	_ =	shalt  }
0x46: {  	_ =	shalt  }
0x47: {  	_ =	shalt  }
0x48: {  	_ =	shalt  }
0x49: {  	_ =	shalt  }
0x4a: {  	_ =	shalt  }
0x4b: {  	_ =	shalt  }
0x4c: {  	_ =	shalt  }
0x4d: {  	_ =	shalt  }
0x4e: {  	_ =	shalt  }
0x4f: {  	_ =	shalt  }
0x50: {  	_ =	shalt  }
0x51: {  	_ =	shalt  }
0x52: {  	_ =	shalt  }
0x53: {  	_ =	shalt  }
0x54: {  	_ =	shalt  }
0x55: {  	_ =	shalt  }
0x56: {  	_ =	shalt  }
0x57: {  	_ =	shalt  }
0x58: {  	_ =	shalt  }
0x59: {  	_ =	shalt  }
0x5a: {  	_ =	shalt  }
0x5b: {  	_ =	shalt  }
0x5c: {  	_ =	shalt  }
0x5d: {  	_ =	shalt  }
0x5e: {  	_ =	shalt  }
0x5f: {  	_ =	shalt  }
0x60: {  	_ =	shalt  }
0x61: {  	_ =	shalt  }
0x62: {  	_ =	shalt  }
0x63: {  	_ =	shalt  }
0x64: {  	_ =	shalt  }
0x65: {  	_ =	shalt  }
0x66: {  	_ =	shalt  }
0x67: {  	_ =	shalt  }
0x68: {  	_ =	shalt  }
0x69: {  	_ =	shalt  }
0x6a: {  	_ =	shalt  }
0x6b: {  	_ =	shalt  }
0x6c: {  	_ =	shalt  }
0x6d: {  	_ =	shalt  }
0x6e: {  	_ =	shalt  }
0x6f: {  	_ =	shalt  }
0x70: {  	_ =	shalt  }
0x71: {  	_ =	shalt  }
0x72: {  	_ =	shalt  }
0x73: {  	_ =	shalt  }
0x74: {  	_ =	shalt  }
0x75: {  	_ =	shalt  }
0x76: {  	_ =	shalt  }
0x77: {  	_ =	shalt  }
0x78: {  	_ =	shalt  }
0x79: {  	_ =	shalt  }
0x7a: {  	_ =	shalt  }
0x7b: {  	_ =	shalt  }
0x7c: {  	_ =	shalt  }
0x7d: {  	_ =	shalt  }
0x7e: {  	_ =	shalt  }
0x7f: {  	_ =	shalt  }
0x80: {  	_ =	shalt  }
0x81: {  	_ =	shalt  }
0x82: {  	_ =	shalt  }
0x83: {  	_ =	shalt  }
0x84: {  	_ =	shalt  }
0x85: {  	_ =	shalt  }
0x86: {  	_ =	shalt  }
0x87: {  	_ =	shalt  }
.Lfunc_end0:
.L_simem_size_0:
called_computation.2_lowered:
.L_overlay_start_0:
0x88: {  	s2 =	sld [smem:$0x3FD9]  }
0x89: {  	s3 =	sld [smem:$0x3FFE];
	_ =	sdelay $0x1  }
0x8a: {  	s1 =	srdreg.scid  }
0x8b: {  	s0 =	sand.u32 $0x1, s1  }
0x8c: {  	s15 =	sshll.u32 s0, $0xA;
	s2 =	sadd.s32 s3, s2  }
0x8d: {  	s2 =	sadd.s32 s2, s15  }
0x8e: {  	[smem:$0x3FC5] =	sst s2  }
0x8f: {  	_ = 	snop  }
0x90: {  	s16 =	sld [smem:$0x3FD0];
	_ =	sdelay $0x2  }
0x91: {  	s4 =	simm.s32 $0xC;
	s5 =	simm.s32 $0x10;
	s2 =	sld [smem:$0x3FC9]  }
0x92: {  	[smem:s5], [sflag:s4] =	dma.local [hbm:s16], $0x1  }
0x93: {  	_ =	swait.eq [sflag:s4], $0x1  }
0x94: {  	[sflag:s4] =	ssyncset.done $0x0  }
0x95: {  	[sflag:s4] =	ssyncadd.s32 $0xFFFFFFFF  }
0x96: {  	s17 =	sld [smem:$0x13];
	(tm) =	ssettm $0x1  }
0x97: {  	s18 =	sld [smem:$0x3FFB];
	_ =	sdelay $0x3  }
0x98: {  	_ =	strace s18  }
0x99: {  	s3 =	sld [smem:$0x3FFC];
	_ =	sdelay $0x3  }
0x9a: {  	_ =	strace s3  }
0x9b: {  	s3 =	sld [smem:$0x3FFD];
	_ =	sdelay $0x3  }
0x9c: {  	_ =	strace s3  }
0x9d: {  	_ =	strace $0x8FFFFFFF  }
0x9e: {  	s19 =	sld [smem:$0x3FDB];
	_ =	sdelay $0x1  }
0x9f: {  	s20 =	simm.s32 $_scs_section_size  }
0xa0: {  	s6 =	simm.s32 $_size__tile_overlayer_lowered;
	s7 =	simm.s32 $_tile_overlayer_lowered  }
0xa1: {  	s8 =	simm.s32 $0x1BFF;
	s21 =	sshll.u32 s7, $0x1;
	s5 =	sadd.s32 s20, s19  }
0xa2: {  	s22 =	simm.s32 $0x0;
	s6 =	sshll.u32 s6, $0x1;
	s7 =	sadd.s32 s21, s5  }
0xa3: {  	[timem:s22], [sflag:s8] =	dma.local [hbm:s7], s6  }
0xa4: {  	_ =	swait.ge [sflag:s8], s6  }
0xa5: {  	s6 =	ssub.s32 $0x0, s6;
	[sflag:s8] =	ssyncset.done $0x0  }
0xa6: {  	[sflag:s8] =	ssyncadd.s32 s6;
	_ =	sdelay $0x1  }
0xa7: {  	s23 =	simm.s32 $0x1B8B  }
0xa8: {  	_ =	swait.ge [sflag:s23], $0x1  }
0xa9: {  	[sflag:s23] =	ssyncset.done $0x0  }
0xaa: {  	[sflag:s23] =	ssyncadd.s32 $0xFFFFFFFF  }
0xab: {  	s6 =	sld [smem:$0x0]  }
0xac: {  	s7 =	sand.u32 $0xFFFFFFFE, s1  }
0xad: {  	p0 =	sne.s32 s1, s7  }
0xae: {  	s7 =	sshll.u32 @p0 s7, $0xE  }
0xaf: {  	s7 =	sadd.s32 @p0 $0x11B8D, s7;
	s8 =	sshll.u32 @p0 s6, $0x11  }
0xb0: {  	s7 =	sor.u32 @p0 s8, s7  }
0xb1: {  	[sflag:s7] =	ssyncadd.remote.s32 @p0 $0x1;
	_ =	sdelay $0x1  }
0xb2: {  	s7 =	simm.s32 @p0 $0x1B8D  }
0xb3: {  	_ =	swait.eq @p0 [sflag:s7], $0x1  }
0xb4: {  	[sflag:s7] =	ssyncadd.s32 @p0 $0xFFFFFFFF  }
0xb5: {  	s8 =	sshll.u32 @!p0 s1, $0xE  }
0xb6: {  	s8 =	sor.u32 @!p0 $0x4000, s8;
	s7 =	simm.s32 @!p0 $0x1B8D  }
0xb7: {  	s6 =	sshll.u32 @!p0 s6, $0x11;
	s8 =	sadd.s32 @!p0 $0x11B8D, s8;
	_ =	swait.eq @!p0 [sflag:s7], $0x1  }
0xb8: {  	s6 =	sor.u32 @!p0 s6, s8;
	[sflag:s7] =	ssyncadd.s32 @!p0 $0xFFFFFFFF  }
0xb9: {  	s25 =	simm.s32 $0x1B8E;
	s24 =	sld [smem:$0x3FFE];
	[sflag:s6] =	ssyncadd.remote.s32 @!p0 $0x1  }
0xba: {  	s26 =	simm.s32 $execute0_lowered;
	[smem:$0x3FD2] =	sst s25  }
0xbb: {  	s7 =	sshll.u32 s26, $0x1;
	_ =	strace $0x80000049;
	[dreg:$0x1] =	wrdreg $0xFFFFFFFF  }
0xbc: {  	s28 =	simm.s32 $_size_execute0_lowered;
	s5 =	sadd.s32 s5, s7;
	[dreg:$0x0] =	wrdreg $0x0  }
0xbd: {  	s7 =	sshll.u32 s28, $0x1;
	[dreg:$0x2] =	wrdreg s5  }
0xbe: {  	[dreg:$0x3] =	wrdreg s7  }
0xbf: {  	[dreg:$0x4] =	wrdreg $0xC0  }
0xc0: {  	_ =	task [dreg:s22], $0x5FFFF  }
0xc1: {  	[dreg:$0x1] =	wrdreg $0xFFFFFFFF  }
0xc2: {  	[dreg:$0x0] =	wrdreg $0x60  }
0xc3: {  	[dreg:$0x2] =	wrdreg s2  }
0xc4: {  	[dreg:$0x3] =	wrdreg s24  }
0xc5: {  	[dreg:$0x4] =	wrdreg s17  }
0xc6: {  	[dreg:$0x5] =	wrdreg $0x9  }
0xc7: {  	_ =	task.clear_ibuf [dreg:s22], $0x6FFFF;
	_ =	strace $0x90000049  }
0xc8: {  	s29 =	simm.s32 $0x9;
	_ =	strace $0x8000004B  }
0xc9: {  	_ =	swait.ge [sflag:s29], $0x1  }
0xca: {  	[sflag:s29] =	ssyncadd.s32 $0xFFFFFFFF  }
0xcb: {  	_ =	strace $0x9000004B  }
0xcc: {  	_ =	sfence  }
0xcd: {  	s30 =	sld [smem:$0x0];
	_ =	sdelay $0x2  }
0xce: {  	s31 =	sshll.u32 s1, $0xD;
	s1 =	sshrl.u32 s1, $0x2  }
0xcf: {  	s4 =	sand.u32 $0x4000, s31;
	s1 =	sadd.s32 s1, s30  }
0xd0: {  	s0 =	sor.u32 s4, s0;
	s1 =	sshll.u32 s1, $0x11  }
0xd1: {  	s0 =	sor.u32 s1, s0  }
0xd2: {  	s0 =	sadd.s32 $0x8F2B, s0  }
0xd3: {  	[sflag:s0] =	ssyncadd.remote.s32 $0x1  }
0xd4: {  	_ =	sfence.sel $0xFFFF  }
0xd5: {  	[dreg:$0x0] =	wrdreg $0xFFFFFFFF;
	(pc) =	sbr.abs _section_cstart, $3  }
0xd6: {  	[dreg:$0x1] =	wrdreg $0xFFFFFFFF  }
0xd7: {  	_ =	task.clear_ibuf [dreg:s22], $0x2FFFF;
	_ =	strace $0x9FFFFFFF  }
0xd8: {  	(tm) =	ssettm $0x7FFFFFFF  }
0xd9: {  	_ =	shalt  }
tec
execute0_lowered:
.L_overlay_start_1:
0x0: {  	(tag) =	ssettag $0x1  }
0x1: {  	s3 =	rddreg [dreg:$0x0];
	s1 =	srdreg.scid  }
0x2: {  	s5 =	rddreg [dreg:$0x1];
	s0 =	stileid.u32;
	s23 =	sand.u32 $0x1, s1  }
0x3: {  	s14 =	rddreg [dreg:$0x2];
	s4 =	sshll.u32 s0, $0xA;
	s6 =	sshll.u32 s23, $0x9  }
0x4: {  	s2 =	simm.s32 $0x0;
	s1 =	rddreg [dreg:$0x3];
	s15 =	sor.u32 s6, s4  }
0x5: {  	[smem:$0x7FF] =	sst s2;
	s4 =	sshrl.u32 s15, $0x3  }
0x6: {  	_ =	strace $0x8000004A;
	s3 =	sadd.s32 s3, s4;
	s4 =	simm.s32 $0x9  }
0x7: {  	[tilespmem:s2], [sflag:$0x9] =	stream.linear.gather [hbm4b:s3+s2], $0x200, $0x38;
	[tilespmem:$0x8200] =	vst v63  }
0x8: {  	_ =	swait.ge [sflag:s4], $0x200  }
0x9: {  	s7 =	simm.s32 $0x200;
	[sflag:s4] =	ssyncset.done $0x0  }
0xa: {  	s5 =	sadd.s32 $0x74000, s5;
	s6 =	simm.s32 $0x80;
	[sflag:s4] =	ssyncadd.s32 $0xFFFFFE00  }
0xb: {  	[tilespmem:s7], [sflag:$0x1] =	stream.indirect.gather [hbm4b:s5+s6], $0x20, s2, s6, $0xb8;
	[tilespmem:$0x8200] =	vst v63  }
0xc: {  	s8 =	simm.s32 $0x1200  }
0xd: {  	[tilespmem:s8], [sflag:$0x2] =	stream.indirect.gather [hbm4b:s5+s6], $0x20, s6, s6, $0xb8;
	[tilespmem:$0x8200] =	vst v63  }
0xe: {  	s9 =	simm.s32 $0x100;
	s10 =	simm.s32 $0x2200  }
0xf: {  	[tilespmem:s10], [sflag:$0x3] =	stream.indirect.gather [hbm4b:s5+s6], $0x20, s9, s6, $0xb8;
	[tilespmem:$0x8200] =	vst v63  }
0x10: {  	s11 =	simm.s32 $0x180;
	s12 =	simm.s32 $0x3200;
	s13 =	simm.s32 $0x1  }
0x11: {  	[tilespmem:s12], [sflag:$0x4] =	stream.indirect.gather [hbm4b:s5+s6], $0x20, s11, s6, $0xb8;
	[tilespmem:$0x8200] =	vst v63  }
0x12: {  	_ =	swait.ge [sflag:s13], $0x1000  }
0x13: {  	s15 =	sshll.u32 s15, $0x2;
	[sflag:s13] =	ssyncset.done $0x0  }
0x14: {  	s14 =	sadd.s32 s14, s15;
	s15 =	simm.s32 $0x2;
	[sflag:s13] =	ssyncadd.s32 $0xFFFFF000  }
0x15: {  	[hbm4b:s14+s2] =	stream.linear.scatter [tilespmem:s7], [sflag:$0x5], $0x1000, $0x38;
	[tilespmem:$0x8200] =	vst v63  }
0x16: {  	_ =	swait.ge [sflag:s15], $0x1000  }
0x17: {  	[sflag:s15] =	ssyncset.done $0x0  }
0x18: {  	s17 =	simm.s32 $0x3;
	s16 =	sadd.s32 $0x200, s14;
	[sflag:s15] =	ssyncadd.s32 $0xFFFFF000  }
0x19: {  	[hbm4b:s16+s2] =	stream.linear.scatter [tilespmem:s8], [sflag:$0x6], $0x1000, $0x38;
	[tilespmem:$0x8200] =	vst v63  }
0x1a: {  	_ =	swait.ge [sflag:s17], $0x1000  }
0x1b: {  	[sflag:s17] =	ssyncset.done $0x0  }
0x1c: {  	s19 =	simm.s32 $0x4;
	s18 =	sadd.s32 $0x400, s14;
	[sflag:s17] =	ssyncadd.s32 $0xFFFFF000  }
0x1d: {  	[hbm4b:s18+s2] =	stream.linear.scatter [tilespmem:s10], [sflag:$0x7], $0x1000, $0x38;
	[tilespmem:$0x8200] =	vst v63  }
0x1e: {  	_ =	swait.ge [sflag:s19], $0x1000  }
0x1f: {  	[sflag:s19] =	ssyncset.done $0x0  }
0x20: {  	s21 =	simm.s32 $0x5;
	s20 =	sadd.s32 $0x600, s14;
	[sflag:s19] =	ssyncadd.s32 $0xFFFFF000  }
0x21: {  	[hbm4b:s20+s2] =	stream.linear.scatter [tilespmem:s12], [sflag:$0x8], $0x1000, $0x38;
	[tilespmem:$0x8200] =	vst v63  }
0x22: {  	_ =	swait.ge [sflag:s21], $0x1000  }
0x23: {  	s24 =	ssub.s32 $0x2, s23;
	[sflag:s21] =	ssyncset.done $0x0  }
0x24: {  	s22 =	simm.s32 $0x6;
	s25 =	sshrl.u32 s24, $0x1;
	[sflag:s21] =	ssyncadd.s32 $0xFFFFF000  }
0x25: {  	s24 =	ssub.s32 s24, s25;
	_ =	swait.ge [sflag:s22], $0x1000  }
0x26: {  	s25 =	smax.u32 s24, $0x1;
	[sflag:s22] =	ssyncset.done $0x0  }
0x27: {  	s23 =	simm.s32 $0x7;
	p0 =	sne.s32 s25, $0x1;
	[sflag:s22] =	ssyncadd.s32 $0xFFFFF000  }
.Ltmp0:
0x28: {  	_ =	swait.ge [sflag:s23], $0x1000;
	(pc) =	sbr.rel @!p0 .LBB2_2-.Ltmp0, $4  }
0x29: {  	[sflag:s23] =	ssyncset.done $0x0  }
0x2a: {  	s24 =	simm.s32 $0x8;
	[sflag:s23] =	ssyncadd.s32 $0xFFFFF000  }
0x2b: {  	_ =	swait.ge [sflag:s24], $0x1000  }
0x2c: {  	s25 =	sadd.s32 $0xFFFFFFFF, s25;
	[sflag:s24] =	ssyncset.done $0x0  }
.LBB2_1:
0x2d: {  	p0 =	sne.s32 s25, $0x1;
	s25 =	sadd.s32 $0xFFFFFFFF, s25;
	[sflag:s24] =	ssyncadd.s32 $0xFFFFF000  }
0x2e: {  	[tilespmem:s2], [sflag:$0x9] =	stream.linear.gather [hbm4b:s3+s2], $0x200, $0x38;
	[tilespmem:$0x8200] =	vst v63  }
0x2f: {  	_ =	swait.ge [sflag:s4], $0x200  }
0x30: {  	[sflag:s4] =	ssyncset.done $0x0  }
0x31: {  	[sflag:s4] =	ssyncadd.s32 $0xFFFFFE00  }
0x32: {  	[tilespmem:s7], [sflag:$0x1] =	stream.indirect.gather [hbm4b:s5+s6], $0x20, s2, s6, $0xb8;
	[tilespmem:$0x8200] =	vst v63  }
0x33: {  	_ = 	snop  }
0x34: {  	[tilespmem:s8], [sflag:$0x2] =	stream.indirect.gather [hbm4b:s5+s6], $0x20, s6, s6, $0xb8;
	[tilespmem:$0x8200] =	vst v63  }
0x35: {  	_ = 	snop  }
0x36: {  	[tilespmem:s10], [sflag:$0x3] =	stream.indirect.gather [hbm4b:s5+s6], $0x20, s9, s6, $0xb8;
	[tilespmem:$0x8200] =	vst v63  }
0x37: {  	_ = 	snop  }
0x38: {  	[tilespmem:s12], [sflag:$0x4] =	stream.indirect.gather [hbm4b:s5+s6], $0x20, s11, s6, $0xb8;
	[tilespmem:$0x8200] =	vst v63  }
0x39: {  	_ =	swait.ge [sflag:s13], $0x1000  }
0x3a: {  	[sflag:s13] =	ssyncset.done $0x0  }
0x3b: {  	[sflag:s13] =	ssyncadd.s32 $0xFFFFF000  }
0x3c: {  	[hbm4b:s14+s2] =	stream.linear.scatter [tilespmem:s7], [sflag:$0x5], $0x1000, $0x38;
	[tilespmem:$0x8200] =	vst v63  }
0x3d: {  	_ =	swait.ge [sflag:s15], $0x1000  }
0x3e: {  	[sflag:s15] =	ssyncset.done $0x0  }
0x3f: {  	[sflag:s15] =	ssyncadd.s32 $0xFFFFF000  }
0x40: {  	[hbm4b:s16+s2] =	stream.linear.scatter [tilespmem:s8], [sflag:$0x6], $0x1000, $0x38;
	[tilespmem:$0x8200] =	vst v63  }
0x41: {  	_ =	swait.ge [sflag:s17], $0x1000  }
0x42: {  	[sflag:s17] =	ssyncset.done $0x0  }
0x43: {  	[sflag:s17] =	ssyncadd.s32 $0xFFFFF000  }
0x44: {  	[hbm4b:s18+s2] =	stream.linear.scatter [tilespmem:s10], [sflag:$0x7], $0x1000, $0x38;
	[tilespmem:$0x8200] =	vst v63  }
0x45: {  	_ =	swait.ge [sflag:s19], $0x1000  }
0x46: {  	[sflag:s19] =	ssyncset.done $0x0  }
0x47: {  	[sflag:s19] =	ssyncadd.s32 $0xFFFFF000  }
0x48: {  	[hbm4b:s20+s2] =	stream.linear.scatter [tilespmem:s12], [sflag:$0x8], $0x1000, $0x38;
	[tilespmem:$0x8200] =	vst v63  }
0x49: {  	_ =	swait.ge [sflag:s21], $0x1000  }
0x4a: {  	[sflag:s21] =	ssyncset.done $0x0  }
0x4b: {  	[sflag:s21] =	ssyncadd.s32 $0xFFFFF000  }
0x4c: {  	_ =	swait.ge [sflag:s22], $0x1000  }
0x4d: {  	[sflag:s22] =	ssyncset.done $0x0  }
0x4e: {  	[sflag:s22] =	ssyncadd.s32 $0xFFFFF000  }
.Ltmp1:
0x4f: {  	_ =	swait.ge [sflag:s23], $0x1000;
	(pc) =	sbr.rel @p0 .LBB2_1-.Ltmp1, $4  }
0x50: {  	[sflag:s23] =	ssyncset.done $0x0  }
0x51: {  	[sflag:s23] =	ssyncadd.s32 $0xFFFFF000  }
0x52: {  	_ =	swait.ge [sflag:s24], $0x1000  }
0x53: {  	[sflag:s24] =	ssyncset.done $0x0  }
.LBB2_2:
0x54: {  	[sflag:s24] =	ssyncadd.s32 $0xFFFFF000  }
0x55: {  	_ =	sfence.sel $0x180000  }
0x56: {  	[bflag:$0x0] =	sbarrier.arrive $0xFFFF  }
0x57: {  	p0 =	sne.s32 s0, $0x0;
	_ =	strace $0x9000004A  }
0x58: {  	s0 =	sadd.s32 @!p0 $0x100000, s1;
	[bflag:$0x2] =	sbarrier.arrive $0xFFFF  }
0x59: {  	[sflag:s0] =	ssyncadd.tile.s32 @!p0 $0x1;
	_ =	shalt  }
.Lfunc_end2:
_tile_overlayer_lowered:
.L_overlay_start_2:
0x5a: {  	(tag) =	ssettag $0x2  }
0x5b: {  	s0 =	rddreg [dreg:$0x0];
	s2 =	stileid.u32  }
0x5c: {  	s1 =	rddreg [dreg:$0x1];
	p0 =	sne.s32 s2, $0x0  }
0x5d: {  	s3 =	rddreg [dreg:$0x2];
	[bflag:$0x3] =	sbarrier.arrive $0xFFFF;
	s2 =	simm.s32 @!p0 $0x1C09  }
0x5e: {  	[timem:s3], [sflag:s2] =	dma.local @!p0 [hbm:s0], s1  }
0x5f: {  	s0 =	simm.s32 @!p0 $0x9  }
0x60: {  	_ =	swait.ge @!p0 [sflag:s0], s1  }
0x61: {  	s1 =	ssub.s32 @!p0 $0x0, s1;
	[sflag:s0] =	ssyncset.done @!p0 $0x0  }
0x62: {  	[sflag:s0] =	ssyncadd.s32 @!p0 s1  }
0x63: {  	[bflag:$0x3] =	sbarrier.arrive $0xFFFF  }
0x64: {  	_ =	shalt  }

// kernel: kernel.15.cloned.1.call-start
scs
__scs_entry_jumppad:
0x0: {  	(pc) =	sbr.rel $0x88, $3  }
0x1: {  	(tag) =	ssettag $0x0;
	lr =	simm.s32 $0x1  }
0x2: {  	[smem:$0x3F9E] =	sst lr;
	_ =	strace $0xD0000000  }
0x3: {  	_ = 	snop  }
0x4: {  	_ = 	snop  }
0x5: {  	_ = 	snop  }
0x6: {  	_ = 	snop  }
0x7: {  	_ = 	snop  }
__scs_overlays_trampoline_lowered:
0x8: {  	[smem:$0x3FAD] =	sst s0  }
0x9: {  	[smem:$0x3FAE] =	sst s1  }
0xa: {  	[smem:$0x3FAF] =	sst s2  }
0xb: {  	[smem:$0x3FB0] =	sst s3  }
0xc: {  	[smem:$0x3FB1] =	sst s4  }
0xd: {  	[smem:$0x3FB2] =	sst s5  }
0xe: {  	[smem:$0x3FB3] =	sst s6  }
0xf: {  	[smem:$0x3FB4] =	sst s7  }
0x10: {  	[smem:$0x3FB5] =	sst s8  }
0x11: {  	[smem:$0x3FB6] =	sst s9;
	s0 =	simm.s32 @!p0 $0x0  }
0x12: {  	s1 =	sld [smem:$0x3F9C];
	s0 =	simm.s32 @p0 $0x1  }
0x13: {  	[smem:$0x3FB7] =	sst s0;
	s0 =	simm.s32 @!p1 $0x0  }
0x14: {  	s2 =	sld [smem:$0x3F9B];
	s0 =	simm.s32 @p1 $0x1  }
0x15: {  	[smem:$0x3FB8] =	sst s0;
	s0 =	simm.s32 @!p2 $0x0  }
0x16: {  	s3 =	sld [smem:$0x3FDB];
	s0 =	simm.s32 @p2 $0x1  }
0x17: {  	s4 =	simm.s32 $0x1BF5;
	[smem:$0x3FBA] =	sst s0  }
0x18: {  	s0 =	sld [smem:$0x3F9D];
	_ =	swait.ge [sflag:s4], $0x0  }
0x19: {  	s7 =	sld [smem:$0x3F9E]  }
0x1a: {  	s8 =	sadd.s32 $0xFFFFE003, lr  }
0x1b: {  	s9 =	sadd.s32 $0xFFFFFEF7, lr;
	s5 =	simm.s32 $0xFFFFFFFF;
	p2 =	slt.u32 s8, $0xFFFFF086  }
0x1c: {  	p1 =	slt.u32 s9, $0xF7A;
	s5 =	simm.s32 @!p2 $0x0  }
0x1d: {  	s5 =	simm.s32 @p1 $0x1;
	p0 =	seq.s32 s7, s2  }
0x1e: {  	s7 =	smul.u32 @!p0 $0xF7A, s2;
	p2 =	seq.s32 @!p0 s5, $0x0  }
0x1f: {  	s9 =	smul.u32 $0xF7A, s1;
	s8 =	simm.s32 @!p0 $0x1BF5;
	p2 =	por !p2, p0  }
0x20: {  	[sflag:s8] =	ssyncset.s32 @!p0 $0xFFFFF086;
	s6 =	sadd.s32 @!p0 s3, s7;
	s7 =	simm.s32 @!p0 $0x108  }
0x21: {  	s3 =	sadd.s32 s3, s9;
	s6 =	sadd.s32 @!p0 $0x88, s6;
	s7 =	simm.s32 @p2 $0x1082  }
0x22: {  	[simem:s7], [sflag:s8] =	dma.local @!p0 [hbm:s6], $0xF7A  }
0x23: {  	s9 =	sor.u32 $0xD0000000, s2;
	s6 =	simm.s32 $0x108;
	_ =	swait.ge @!p0 [sflag:s8], $0x0  }
0x24: {  	s3 =	sadd.s32 $0x88, s3;
	s6 =	simm.s32 @!p1 $0x1082;
	[sflag:s4] =	ssyncset.s32 $0xFFFFF086  }
0x25: {  	[simem:s6], [sflag:s4] =	dma.local [hbm:s3], $0xF7A  }
0x26: {  	[smem:$0x3F9E] =	sst s1;
	(tag) =	ssettag s2;
	_ =	strace s9  }
0x27: {  	s1 =	sld [smem:$0x3FAE]  }
0x28: {  	s2 =	sld [smem:$0x3FAF]  }
0x29: {  	s4 =	sld [smem:$0x3FB1]  }
0x2a: {  	p0 =	seq.s32 s5, $0x0;
	s5 =	sld [smem:$0x3FB2]  }
0x2b: {  	s6 =	sld [smem:$0x3FB3]  }
0x2c: {  	s7 =	sld [smem:$0x3FB4]  }
0x2d: {  	s3 =	simm.s32 $0x108;
	s8 =	sld [smem:$0x3FB5]  }
0x2e: {  	s3 =	simm.s32 @!p0 $0x1082;
	s9 =	sld [smem:$0x3FB6]  }
0x2f: {  	lr =	sadd.s32 s0, s3;
	s0 =	sld [smem:$0x3FAD]  }
0x30: {  	s3 =	sld [smem:$0x3FB0]  }
0x31: {  	[smem:$0x3FB9] =	sst s10  }
0x32: {  	s10 =	sld [smem:$0x3FB7];
	_ =	sdelay $0x3  }
0x33: {  	p0 =	seq.s32 s10, $0x1;
	s10 =	sld [smem:$0x3FB9];
	_ =	sdelay $0x3  }
0x34: {  	[smem:$0x3FB9] =	sst s10  }
0x35: {  	s10 =	sld [smem:$0x3FB8];
	_ =	sdelay $0x3  }
0x36: {  	p1 =	seq.s32 s10, $0x1;
	s10 =	sld [smem:$0x3FB9];
	_ =	sdelay $0x3  }
0x37: {  	[smem:$0x3FB9] =	sst s10  }
0x38: {  	s10 =	sld [smem:$0x3FBA]  }
0x39: {  	_ = 	snop;
	(pc) =	sbr.ind lr, $3  }
0x3a: {  	_ = 	snop  }
0x3b: {  	_ = 	snop  }
0x3c: {  	p2 =	seq.s32 s10, $0x1;
	s10 =	sld [smem:$0x3FB9]  }
0x3d: {  	_ =	shalt  }
0x3e: {  	_ =	shalt  }
0x3f: {  	_ =	shalt  }
0x40: {  	_ =	shalt  }
0x41: {  	_ =	shalt  }
0x42: {  	_ =	shalt  }
0x43: {  	_ =	shalt  }
0x44: {  	_ =	shalt  }
0x45: {  	_ =	shalt  }
0x46: {  	_ =	shalt  }
0x47: {  	_ =	shalt  }
0x48: {  	_ =	shalt  }
0x49: {  	_ =	shalt  }
0x4a: {  	_ =	shalt  }
0x4b: {  	_ =	shalt  }
0x4c: {  	_ =	shalt  }
0x4d: {  	_ =	shalt  }
0x4e: {  	_ =	shalt  }
0x4f: {  	_ =	shalt  }
0x50: {  	_ =	shalt  }
0x51: {  	_ =	shalt  }
0x52: {  	_ =	shalt  }
0x53: {  	_ =	shalt  }
0x54: {  	_ =	shalt  }
0x55: {  	_ =	shalt  }
0x56: {  	_ =	shalt  }
0x57: {  	_ =	shalt  }
0x58: {  	_ =	shalt  }
0x59: {  	_ =	shalt  }
0x5a: {  	_ =	shalt  }
0x5b: {  	_ =	shalt  }
0x5c: {  	_ =	shalt  }
0x5d: {  	_ =	shalt  }
0x5e: {  	_ =	shalt  }
0x5f: {  	_ =	shalt  }
0x60: {  	_ =	shalt  }
0x61: {  	_ =	shalt  }
0x62: {  	_ =	shalt  }
0x63: {  	_ =	shalt  }
0x64: {  	_ =	shalt  }
0x65: {  	_ =	shalt  }
0x66: {  	_ =	shalt  }
0x67: {  	_ =	shalt  }
0x68: {  	_ =	shalt  }
0x69: {  	_ =	shalt  }
0x6a: {  	_ =	shalt  }
0x6b: {  	_ =	shalt  }
0x6c: {  	_ =	shalt  }
0x6d: {  	_ =	shalt  }
0x6e: {  	_ =	shalt  }
0x6f: {  	_ =	shalt  }
0x70: {  	_ =	shalt  }
0x71: {  	_ =	shalt  }
0x72: {  	_ =	shalt  }
0x73: {  	_ =	shalt  }
0x74: {  	_ =	shalt  }
0x75: {  	_ =	shalt  }
0x76: {  	_ =	shalt  }
0x77: {  	_ =	shalt  }
0x78: {  	_ =	shalt  }
0x79: {  	_ =	shalt  }
0x7a: {  	_ =	shalt  }
0x7b: {  	_ =	shalt  }
0x7c: {  	_ =	shalt  }
0x7d: {  	_ =	shalt  }
0x7e: {  	_ =	shalt  }
0x7f: {  	_ =	shalt  }
0x80: {  	_ =	shalt  }
0x81: {  	_ =	shalt  }
0x82: {  	_ =	shalt  }
0x83: {  	_ =	shalt  }
0x84: {  	_ =	shalt  }
0x85: {  	_ =	shalt  }
0x86: {  	_ =	shalt  }
0x87: {  	_ =	shalt  }
.Lfunc_end0:
.L_simem_size_0:
called_computation.3_lowered:
.L_overlay_start_0:
0x88: {  	s2 =	sld [smem:$0x3FD9]  }
0x89: {  	s3 =	sld [smem:$0x3FFE];
	_ =	sdelay $0x1  }
0x8a: {  	s1 =	srdreg.scid  }
0x8b: {  	s0 =	sand.u32 $0x1, s1  }
0x8c: {  	s15 =	sshll.u32 s0, $0xA;
	s2 =	sadd.s32 s3, s2  }
0x8d: {  	s2 =	sadd.s32 s2, s15  }
0x8e: {  	[smem:$0x3FC5] =	sst s2  }
0x8f: {  	_ = 	snop  }
0x90: {  	s2 =	sld [smem:$0x3FD0];
	_ =	sdelay $0x2  }
0x91: {  	s16 =	simm.s32 $0xC;
	s4 =	simm.s32 $0x10  }
0x92: {  	[smem:s4], [sflag:s16] =	dma.local [hbm:s2], $0x1  }
0x93: {  	_ =	swait.eq [sflag:s16], $0x1  }
0x94: {  	[sflag:s16] =	ssyncset.done $0x0  }
0x95: {  	[sflag:s16] =	ssyncadd.s32 $0xFFFFFFFF  }
0x96: {  	s17 =	sld [smem:$0x12];
	(tm) =	ssettm $0x1  }
0x97: {  	s18 =	sld [smem:$0x3FFB];
	_ =	sdelay $0x3  }
0x98: {  	_ =	strace s18  }
0x99: {  	s2 =	sld [smem:$0x3FFC];
	_ =	sdelay $0x3  }
0x9a: {  	_ =	strace s2  }
0x9b: {  	s2 =	sld [smem:$0x3FFD];
	_ =	sdelay $0x3  }
0x9c: {  	_ =	strace s2  }
0x9d: {  	_ =	strace $0x8FFFFFFF  }
0x9e: {  	s19 =	sld [smem:$0x3FDB];
	_ =	sdelay $0x1  }
0x9f: {  	s20 =	simm.s32 $_scs_section_size  }
0xa0: {  	s5 =	simm.s32 $_size__tile_overlayer_lowered;
	s6 =	simm.s32 $_tile_overlayer_lowered  }
0xa1: {  	s7 =	simm.s32 $0x1BFF;
	s21 =	sshll.u32 s6, $0x1;
	s4 =	sadd.s32 s20, s19  }
0xa2: {  	s22 =	simm.s32 $0x0;
	s5 =	sshll.u32 s5, $0x1;
	s6 =	sadd.s32 s21, s4  }
0xa3: {  	[timem:s22], [sflag:s7] =	dma.local [hbm:s6], s5  }
0xa4: {  	_ =	swait.ge [sflag:s7], s5  }
0xa5: {  	s5 =	ssub.s32 $0x0, s5;
	[sflag:s7] =	ssyncset.done $0x0  }
0xa6: {  	[sflag:s7] =	ssyncadd.s32 s5;
	_ =	sdelay $0x1  }
0xa7: {  	s23 =	simm.s32 $0x1B8B  }
0xa8: {  	_ =	swait.ge [sflag:s23], $0x1  }
0xa9: {  	[sflag:s23] =	ssyncset.done $0x0  }
0xaa: {  	[sflag:s23] =	ssyncadd.s32 $0xFFFFFFFF  }
0xab: {  	s5 =	sld [smem:$0x0]  }
0xac: {  	s6 =	sand.u32 $0xFFFFFFFE, s1  }
0xad: {  	p0 =	sne.s32 s1, s6  }
0xae: {  	s6 =	sshll.u32 @p0 s6, $0xE  }
0xaf: {  	s6 =	sadd.s32 @p0 $0x11B8D, s6;
	s7 =	sshll.u32 @p0 s5, $0x11  }
0xb0: {  	s6 =	sor.u32 @p0 s7, s6  }
0xb1: {  	[sflag:s6] =	ssyncadd.remote.s32 @p0 $0x1;
	_ =	sdelay $0x1  }
0xb2: {  	s6 =	simm.s32 @p0 $0x1B8D  }
0xb3: {  	_ =	swait.eq @p0 [sflag:s6], $0x1  }
0xb4: {  	[sflag:s6] =	ssyncadd.s32 @p0 $0xFFFFFFFF  }
0xb5: {  	s7 =	sshll.u32 @!p0 s1, $0xE  }
0xb6: {  	s7 =	sor.u32 @!p0 $0x4000, s7;
	s6 =	simm.s32 @!p0 $0x1B8D  }
0xb7: {  	s5 =	sshll.u32 @!p0 s5, $0x11;
	s7 =	sadd.s32 @!p0 $0x11B8D, s7;
	_ =	swait.eq @!p0 [sflag:s6], $0x1  }
0xb8: {  	s5 =	sor.u32 @!p0 s5, s7;
	[sflag:s6] =	ssyncadd.s32 @!p0 $0xFFFFFFFF  }
0xb9: {  	s25 =	simm.s32 $0x1B8E;
	s24 =	sld [smem:$0x3FFE];
	[sflag:s5] =	ssyncadd.remote.s32 @!p0 $0x1  }
0xba: {  	s26 =	simm.s32 $execute0_lowered;
	[smem:$0x3FD2] =	sst s25  }
0xbb: {  	s6 =	sshll.u32 s26, $0x1;
	_ =	strace $0x8000004C;
	[dreg:$0x1] =	wrdreg $0xFFFFFFFF  }
0xbc: {  	s28 =	simm.s32 $_size_execute0_lowered;
	s4 =	sadd.s32 s4, s6;
	[dreg:$0x0] =	wrdreg $0x0  }
0xbd: {  	s6 =	sshll.u32 s28, $0x1;
	[dreg:$0x2] =	wrdreg s4  }
0xbe: {  	[dreg:$0x3] =	wrdreg s6  }
0xbf: {  	[dreg:$0x4] =	wrdreg $0xC0  }
0xc0: {  	_ =	task [dreg:s22], $0x5FFFF  }
0xc1: {  	[dreg:$0x1] =	wrdreg $0xFFFFFFFF  }
0xc2: {  	[dreg:$0x0] =	wrdreg $0x60  }
0xc3: {  	[dreg:$0x2] =	wrdreg s24  }
0xc4: {  	[dreg:$0x3] =	wrdreg s17  }
0xc5: {  	[dreg:$0x4] =	wrdreg $0xB  }
0xc6: {  	_ =	task.clear_ibuf [dreg:s22], $0x5FFFF;
	_ =	strace $0x9000004C  }
0xc7: {  	s29 =	simm.s32 $0xB;
	_ =	strace $0x8000004E  }
0xc8: {  	_ =	swait.ge [sflag:s29], $0x1  }
0xc9: {  	[sflag:s29] =	ssyncadd.s32 $0xFFFFFFFF  }
0xca: {  	_ =	strace $0x9000004E  }
0xcb: {  	_ =	sfence  }
0xcc: {  	s30 =	sld [smem:$0x0];
	_ =	sdelay $0x2  }
0xcd: {  	s31 =	sshll.u32 s1, $0xD;
	s1 =	sshrl.u32 s1, $0x2  }
0xce: {  	s4 =	sand.u32 $0x4000, s31;
	s1 =	sadd.s32 s1, s30  }
0xcf: {  	s0 =	sor.u32 s4, s0;
	s1 =	sshll.u32 s1, $0x11  }
0xd0: {  	s0 =	sor.u32 s1, s0  }
0xd1: {  	s0 =	sadd.s32 $0x8F2B, s0  }
0xd2: {  	[sflag:s0] =	ssyncadd.remote.s32 $0x1  }
0xd3: {  	_ =	sfence.sel $0xFFFF  }
0xd4: {  	[dreg:$0x0] =	wrdreg $0xFFFFFFFF;
	(pc) =	sbr.abs _section_cstart, $3  }
0xd5: {  	[dreg:$0x1] =	wrdreg $0xFFFFFFFF  }
0xd6: {  	_ =	task.clear_ibuf [dreg:s22], $0x2FFFF;
	_ =	strace $0x9FFFFFFF  }
0xd7: {  	(tm) =	ssettm $0x7FFFFFFF  }
tec
execute0_lowered:
.L_overlay_start_1:
0x0: {  	(tag) =	ssettag $0x1  }
0x1: {  	s3 =	srdreg.scid;
	s9 =	stileid.u32  }
0x2: {  	s0 =	rddreg [dreg:$0x0];
	s4 =	sand.u32 $0x1, s3;
	s21 =	sshll.u32 s9, $0x1  }
0x3: {  	s1 =	rddreg [dreg:$0x1];
	s2 =	simm.s32 $0x0;
	s3 =	sor.u32 s4, s21  }
0x4: {  	[smem:$0x7FF] =	sst s2;
	s6 =	ssub.s32 $0x2, s4;
	s5 =	sshll.u32 s3, $0xB  }
0x5: {  	s7 =	sshrl.u32 s6, $0x1;
	s8 =	sshll.u32 s3, $0x10;
	s3 =	sadd.s32 $0x74000, s0  }
0x6: {  	s5 =	sadd.s32 s5, s0;
	s0 =	ssub.s32 s6, s7;
	s7 =	sadd.s32 s1, s8  }
0x7: {  	_ =	strace $0x8000004D;
	s5 =	sadd.s32 $0x64000, s5;
	[dreg:$0xb] =	wrdreg s7  }
0x8: {  	s29 =	simm.s32 $0xA000;
	s22 =	sadd.s32 $0x200, s7;
	[dreg:$0xc] =	wrdreg s5  }
0x9: {  	s31 =	simm.s32 $0xB000;
	s23 =	sadd.s32 $0x400, s7;
	[dreg:$0xd] =	wrdreg s22  }
0xa: {  	s30 =	simm.s32 $0xD000;
	s24 =	sadd.s32 $0x600, s7;
	[dreg:$0xe] =	wrdreg s23  }
0xb: {  	s28 =	simm.s32 $0xE000;
	s25 =	sadd.s32 $0x800, s7;
	[dreg:$0xf] =	wrdreg s24  }
0xc: {  	s26 =	sshll.u32 s9, $0x11;
	s9 =	sadd.s32 $0xA00, s7;
	[dreg:$0x10] =	wrdreg s25  }
0xd: {  	s10 =	sadd.s32 s26, s1;
	s8 =	sadd.s32 $0xC00, s7;
	[dreg:$0x11] =	wrdreg s9  }
0xe: {  	s4 =	sshll.u32 s4, $0x10;
	s11 =	sadd.s32 $0xE00, s7;
	[dreg:$0x12] =	wrdreg s8  }
0xf: {  	s6 =	sadd.s32 s4, s10;
	s13 =	sadd.s32 $0xF000, s7;
	[dreg:$0x13] =	wrdreg s11  }
0x10: {  	s4 =	sor.u32 s4, s26;
	s12 =	sadd.s32 $0x1000, s6;
	[dreg:$0x14] =	wrdreg s13  }
0x11: {  	s10 =	simm.s32 $0xA;
	s15 =	sadd.s32 $0xF200, s7;
	[dreg:$0x3] =	wrdreg s12  }
0x12: {  	s1 =	sadd.s32 s4, s1;
	s17 =	sadd.s32 $0xF400, s7;
	[dreg:$0x15] =	wrdreg s15  }
0x13: {  	s19 =	sadd.s32 $0xF600, s7;
	s21 =	sadd.s32 $0xF800, s7;
	[dreg:$0x16] =	wrdreg s17  }
0x14: {  	s26 =	sadd.s32 $0xFE00, s7;
	s0 =	smax.u32 s0, $0x1;
	[dreg:$0x17] =	wrdreg s19  }
0x15: {  	s6 =	simm.s32 $0xF000;
	s14 =	sadd.s32 $0x1600, s1;
	[dreg:$0x18] =	wrdreg s21  }
0x16: {  	s16 =	sadd.s32 $0x1E00, s1;
	s18 =	sadd.s32 $0x1400, s1;
	[dreg:$0x1b] =	wrdreg s26  }
0x17: {  	s20 =	sadd.s32 $0x1C00, s1;
	s22 =	sadd.s32 $0x1200, s1;
	[dreg:$0x1c] =	wrdreg s0  }
0x18: {  	s23 =	sadd.s32 $0xFA00, s7;
	s24 =	sadd.s32 $0x1A00, s1;
	[dreg:$0x4] =	wrdreg s14  }
0x19: {  	s25 =	sadd.s32 $0xFC00, s7;
	s1 =	sadd.s32 $0x1800, s1;
	[dreg:$0x5] =	wrdreg s16  }
0x1a: {  	s26 =	simm.s32 $0x9000;
	s0 =	simm.s32 $0x2;
	[dreg:$0x6] =	wrdreg s18  }
0x1b: {  	s5 =	simm.s32 $0x3;
	s7 =	simm.s32 $0x4;
	[dreg:$0x7] =	wrdreg s20  }
0x1c: {  	s8 =	simm.s32 $0x9;
	s9 =	simm.s32 $0x5;
	[dreg:$0x19] =	wrdreg s23  }
0x1d: {  	s11 =	simm.s32 $0x6;
	s12 =	simm.s32 $0xB;
	[dreg:$0x8] =	wrdreg s22  }
0x1e: {  	s13 =	simm.s32 $0x7;
	s15 =	simm.s32 $0x8;
	[dreg:$0x1a] =	wrdreg s25  }
0x1f: {  	s17 =	simm.s32 $0xE;
	s19 =	simm.s32 $0x10;
	[dreg:$0x9] =	wrdreg s24  }
0x20: {  	[dreg:$0xa] =	wrdreg s1;
	s24 =	simm.s32 $0x80;
	s25 =	simm.s32 $0x8000  }
0x21: {  	s1 =	simm.s32 $0xC000;
	s22 =	simm.s32 $0x1;
	s14 =	simm.s32 $0xC  }
0x22: {  	s16 =	simm.s32 $0xD;
	s18 =	simm.s32 $0xF;
	s20 =	simm.s32 $0x0  }
.LBB2_1:
0x23: {  	[dreg:$0x1d] =	wrdreg s20  }
0x24: {  	s4 =	rddreg [dreg:$0xc];
	s21 =	simm.s32 $0x4000;
	s23 =	simm.s32 $0x11  }
0x25: {  	[tilespmem:s21], [sflag:$0x11] =	stream.linear.gather [hbm4b:s4+s2], $0x4000, $0x38;
	[tilespmem:$0x10000] =	vst v63  }
0x26: {  	_ =	swait.ge [sflag:s23], $0x4000  }
0x27: {  	[sflag:s23] =	ssyncset.done $0x0  }
0x28: {  	s4 =	simm.s32 $0x0;
	[sflag:s23] =	ssyncadd.s32 $0xFFFFC000  }
0x29: {  	v0 =	vld [tilespmem:s4+$0x4010]  }
0x2a: {  	s21 =	simm.s32 $0x80;
	v1 =	vld [tilespmem:s4+$0x4000]  }
.LBB2_2:
0x2b: {  	p0 =	sne.s32 s21, $0xFF80  }
.Ltmp0:
0x2c: {  	_ = 	snop;
	(pc) =	sbr.rel @p0 .LBB2_2-.Ltmp0, $4  }
0x2d: {  	_ = 	snop  }
0x2e: {  	s23 =	sshra.s32 s21, $0x2;
	s21 =	sadd.s32 $0x80, s21;
	[tilespmem:s4+$0x10] =	vst v0  }
0x2f: {  	v0 =	vld [tilespmem:s23+$0x4010];
	[tilespmem:s4+$0x0] =	vst v1;
	s4 =	smov.u32 s23  }
0x30: {  	v1 =	vld [tilespmem:s4+$0x4000]  }
0x31: {  	_ =	sdelay $0x2  }
0x32: {  	[tilespmem:s4+$0x10] =	vst v0  }
0x33: {  	[tilespmem:s4+$0x0] =	vst v1;
	s4 =	simm.s32 $0x0  }
0x34: {  	[tilespmem:s25], [sflag:$0x1] =	stream.indirect.gather [hbm4b:s3+s24], $0x20, s4, s24, $0xb8;
	[tilespmem:$0x10000] =	vst v63  }
0x35: {  	_ = 	snop  }
0x36: {  	[tilespmem:s26], [sflag:$0x2] =	stream.indirect.gather [hbm4b:s3+s24], $0x20, s24, s24, $0xb8;
	[tilespmem:$0x10000] =	vst v63  }
0x37: {  	s20 =	simm.s32 $0x100  }
0x38: {  	[tilespmem:s29], [sflag:$0x3] =	stream.indirect.gather [hbm4b:s3+s24], $0x20, s20, s24, $0xb8;
	[tilespmem:$0x10000] =	vst v63  }
0x39: {  	s21 =	simm.s32 $0x180  }
0x3a: {  	[tilespmem:s31], [sflag:$0x4] =	stream.indirect.gather [hbm4b:s3+s24], $0x20, s21, s24, $0xb8;
	[tilespmem:$0x10000] =	vst v63  }
0x3b: {  	s23 =	simm.s32 $0x200  }
0x3c: {  	[tilespmem:s1], [sflag:$0x5] =	stream.indirect.gather [hbm4b:s3+s24], $0x20, s23, s24, $0xb8;
	[tilespmem:$0x10000] =	vst v63  }
0x3d: {  	_ =	swait.ge [sflag:s22], $0x1000  }
0x3e: {  	[sflag:s22] =	ssyncset.done $0x0  }
0x3f: {  	s21 =	rddreg [dreg:$0xb];
	[sflag:s22] =	ssyncadd.s32 $0xFFFFF000  }
0x40: {  	[hbm4b:s21+s4] =	stream.linear.scatter [tilespmem:s25], [sflag:$0x9], $0x1000, $0x38;
	[tilespmem:$0x10000] =	vst v63  }
0x41: {  	s23 =	simm.s32 $0x280  }
0x42: {  	[tilespmem:s30], [sflag:$0x6] =	stream.indirect.gather [hbm4b:s3+s24], $0x20, s23, s24, $0xb8;
	[tilespmem:$0x10000] =	vst v63  }
0x43: {  	_ =	swait.ge [sflag:s0], $0x1000  }
0x44: {  	[sflag:s0] =	ssyncset.done $0x0  }
0x45: {  	s21 =	rddreg [dreg:$0xd];
	[sflag:s0] =	ssyncadd.s32 $0xFFFFF000  }
0x46: {  	[hbm4b:s21+s4] =	stream.linear.scatter [tilespmem:s26], [sflag:$0xA], $0x1000, $0x38;
	[tilespmem:$0x10000] =	vst v63  }
0x47: {  	s23 =	simm.s32 $0x300  }
0x48: {  	[tilespmem:s28], [sflag:$0x7] =	stream.indirect.gather [hbm4b:s3+s24], $0x20, s23, s24, $0xb8;
	[tilespmem:$0x10000] =	vst v63  }
0x49: {  	_ =	swait.ge [sflag:s5], $0x1000  }
0x4a: {  	[sflag:s5] =	ssyncset.done $0x0  }
0x4b: {  	s21 =	rddreg [dreg:$0xe];
	[sflag:s5] =	ssyncadd.s32 $0xFFFFF000  }
0x4c: {  	[hbm4b:s21+s4] =	stream.linear.scatter [tilespmem:s29], [sflag:$0xB], $0x1000, $0x38;
	[tilespmem:$0x10000] =	vst v63  }
0x4d: {  	s23 =	simm.s32 $0x380  }
0x4e: {  	[tilespmem:s6], [sflag:$0x8] =	stream.indirect.gather [hbm4b:s3+s24], $0x20, s23, s24, $0xb8;
	[tilespmem:$0x10000] =	vst v63  }
0x4f: {  	_ =	swait.ge [sflag:s7], $0x1000  }
0x50: {  	[sflag:s7] =	ssyncset.done $0x0  }
0x51: {  	s21 =	rddreg [dreg:$0xf];
	[sflag:s7] =	ssyncadd.s32 $0xFFFFF000  }
0x52: {  	[hbm4b:s21+s4] =	stream.linear.scatter [tilespmem:s31], [sflag:$0xC], $0x1000, $0x38;
	[tilespmem:$0x10000] =	vst v63  }
0x53: {  	_ =	swait.ge [sflag:s8], $0x1000  }
0x54: {  	[sflag:s8] =	ssyncset.done $0x0  }
0x55: {  	s23 =	simm.s32 $0x400;
	[sflag:s8] =	ssyncadd.s32 $0xFFFFF000  }
0x56: {  	[tilespmem:s25], [sflag:$0x1] =	stream.indirect.gather [hbm4b:s3+s24], $0x20, s23, s24, $0xb8;
	[tilespmem:$0x10000] =	vst v63  }
0x57: {  	_ =	swait.ge [sflag:s9], $0x1000  }
0x58: {  	[sflag:s9] =	ssyncset.done $0x0  }
0x59: {  	s21 =	rddreg [dreg:$0x10];
	[sflag:s9] =	ssyncadd.s32 $0xFFFFF000  }
0x5a: {  	[hbm4b:s21+s4] =	stream.linear.scatter [tilespmem:s1], [sflag:$0xD], $0x1000, $0x38;
	[tilespmem:$0x10000] =	vst v63  }
0x5b: {  	_ =	swait.ge [sflag:s10], $0x1000  }
0x5c: {  	[sflag:s10] =	ssyncset.done $0x0  }
0x5d: {  	s23 =	simm.s32 $0x480;
	[sflag:s10] =	ssyncadd.s32 $0xFFFFF000  }
0x5e: {  	[tilespmem:s26], [sflag:$0x2] =	stream.indirect.gather [hbm4b:s3+s24], $0x20, s23, s24, $0xb8;
	[tilespmem:$0x10000] =	vst v63  }
0x5f: {  	_ =	swait.ge [sflag:s11], $0x1000  }
0x60: {  	[sflag:s11] =	ssyncset.done $0x0  }
0x61: {  	s21 =	rddreg [dreg:$0x11];
	[sflag:s11] =	ssyncadd.s32 $0xFFFFF000  }
0x62: {  	[hbm4b:s21+s4] =	stream.linear.scatter [tilespmem:s30], [sflag:$0xE], $0x1000, $0x38;
	[tilespmem:$0x10000] =	vst v63  }
0x63: {  	_ =	swait.ge [sflag:s12], $0x1000  }
0x64: {  	[sflag:s12] =	ssyncset.done $0x0  }
0x65: {  	s23 =	simm.s32 $0x500;
	[sflag:s12] =	ssyncadd.s32 $0xFFFFF000  }
0x66: {  	[tilespmem:s29], [sflag:$0x3] =	stream.indirect.gather [hbm4b:s3+s24], $0x20, s23, s24, $0xb8;
	[tilespmem:$0x10000] =	vst v63  }
0x67: {  	_ =	swait.ge [sflag:s13], $0x1000  }
0x68: {  	[sflag:s13] =	ssyncset.done $0x0  }
0x69: {  	s21 =	rddreg [dreg:$0x12];
	[sflag:s13] =	ssyncadd.s32 $0xFFFFF000  }
0x6a: {  	[hbm4b:s21+s4] =	stream.linear.scatter [tilespmem:s28], [sflag:$0xF], $0x1000, $0x38;
	[tilespmem:$0x10000] =	vst v63  }
0x6b: {  	_ =	swait.ge [sflag:s14], $0x1000  }
0x6c: {  	[sflag:s14] =	ssyncset.done $0x0  }
0x6d: {  	s23 =	simm.s32 $0x580;
	[sflag:s14] =	ssyncadd.s32 $0xFFFFF000  }
0x6e: {  	[tilespmem:s31], [sflag:$0x4] =	stream.indirect.gather [hbm4b:s3+s24], $0x20, s23, s24, $0xb8;
	[tilespmem:$0x10000] =	vst v63  }
0x6f: {  	_ =	swait.ge [sflag:s15], $0x1000  }
0x70: {  	[sflag:s15] =	ssyncset.done $0x0  }
0x71: {  	s21 =	rddreg [dreg:$0x13];
	[sflag:s15] =	ssyncadd.s32 $0xFFFFF000  }
0x72: {  	[hbm4b:s21+s4] =	stream.linear.scatter [tilespmem:s6], [sflag:$0x10], $0x1000, $0x38;
	[tilespmem:$0x10000] =	vst v63  }
0x73: {  	_ =	swait.ge [sflag:s16], $0x1000  }
0x74: {  	[sflag:s16] =	ssyncset.done $0x0  }
0x75: {  	s23 =	simm.s32 $0x600;
	[sflag:s16] =	ssyncadd.s32 $0xFFFFF000  }
0x76: {  	[tilespmem:s1], [sflag:$0x5] =	stream.indirect.gather [hbm4b:s3+s24], $0x20, s23, s24, $0xb8;
	[tilespmem:$0x10000] =	vst v63  }
0x77: {  	_ =	swait.ge [sflag:s22], $0x1000  }
0x78: {  	s20 =	rddreg [dreg:$0x3];
	[sflag:s22] =	ssyncset.done $0x0  }
0x79: {  	[sflag:s22] =	ssyncadd.s32 $0xFFFFF000;
	s4 =	sadd.s32 $0x0, s20  }
0x7a: {  	[hbm4b:s4+s2] =	stream.linear.scatter [tilespmem:s25], [sflag:$0x9], $0x1000, $0x38;
	[tilespmem:$0x10000] =	vst v63  }
0x7b: {  	_ =	swait.ge [sflag:s17], $0x1000  }
0x7c: {  	[sflag:s17] =	ssyncset.done $0x0  }
0x7d: {  	s21 =	simm.s32 $0x680;
	[sflag:s17] =	ssyncadd.s32 $0xFFFFF000  }
0x7e: {  	[tilespmem:s30], [sflag:$0x6] =	stream.indirect.gather [hbm4b:s3+s24], $0x20, s21, s24, $0xb8;
	[tilespmem:$0x10000] =	vst v63  }
0x7f: {  	_ =	swait.ge [sflag:s0], $0x1000  }
0x80: {  	s23 =	rddreg [dreg:$0x8];
	[sflag:s0] =	ssyncset.done $0x0  }
0x81: {  	[sflag:s0] =	ssyncadd.s32 $0xFFFFF000;
	s4 =	sadd.s32 $0x0, s23  }
0x82: {  	[hbm4b:s4+s2] =	stream.linear.scatter [tilespmem:s26], [sflag:$0xA], $0x1000, $0x38;
	[tilespmem:$0x10000] =	vst v63  }
0x83: {  	_ =	swait.ge [sflag:s18], $0x1000  }
0x84: {  	[sflag:s18] =	ssyncset.done $0x0  }
0x85: {  	s20 =	simm.s32 $0x700;
	[sflag:s18] =	ssyncadd.s32 $0xFFFFF000  }
0x86: {  	[tilespmem:s28], [sflag:$0x7] =	stream.indirect.gather [hbm4b:s3+s24], $0x20, s20, s24, $0xb8;
	[tilespmem:$0x10000] =	vst v63  }
0x87: {  	_ =	swait.ge [sflag:s5], $0x1000  }
0x88: {  	s21 =	rddreg [dreg:$0x6];
	[sflag:s5] =	ssyncset.done $0x0  }
0x89: {  	[sflag:s5] =	ssyncadd.s32 $0xFFFFF000;
	s4 =	sadd.s32 $0x0, s21  }
0x8a: {  	[hbm4b:s4+s2] =	stream.linear.scatter [tilespmem:s29], [sflag:$0xB], $0x1000, $0x38;
	[tilespmem:$0x10000] =	vst v63  }
0x8b: {  	_ =	swait.ge [sflag:s19], $0x1000  }
0x8c: {  	[sflag:s19] =	ssyncset.done $0x0  }
0x8d: {  	s23 =	simm.s32 $0x780;
	[sflag:s19] =	ssyncadd.s32 $0xFFFFF000  }
0x8e: {  	[tilespmem:s6], [sflag:$0x8] =	stream.indirect.gather [hbm4b:s3+s24], $0x20, s23, s24, $0xb8;
	[tilespmem:$0x10000] =	vst v63  }
0x8f: {  	_ =	swait.ge [sflag:s7], $0x1000  }
0x90: {  	s20 =	rddreg [dreg:$0x4];
	[sflag:s7] =	ssyncset.done $0x0  }
0x91: {  	[sflag:s7] =	ssyncadd.s32 $0xFFFFF000;
	s4 =	sadd.s32 $0x0, s20  }
0x92: {  	[hbm4b:s4+s2] =	stream.linear.scatter [tilespmem:s31], [sflag:$0xC], $0x1000, $0x38;
	[tilespmem:$0x10000] =	vst v63  }
0x93: {  	_ =	swait.ge [sflag:s8], $0x1000  }
0x94: {  	[sflag:s8] =	ssyncset.done $0x0  }
0x95: {  	s21 =	simm.s32 $0x800;
	[sflag:s8] =	ssyncadd.s32 $0xFFFFF000  }
0x96: {  	[tilespmem:s25], [sflag:$0x1] =	stream.indirect.gather [hbm4b:s3+s24], $0x20, s21, s24, $0xb8;
	[tilespmem:$0x10000] =	vst v63  }
0x97: {  	_ =	swait.ge [sflag:s9], $0x1000  }
0x98: {  	s23 =	rddreg [dreg:$0xa];
	[sflag:s9] =	ssyncset.done $0x0  }
0x99: {  	[sflag:s9] =	ssyncadd.s32 $0xFFFFF000;
	s4 =	sadd.s32 $0x0, s23  }
0x9a: {  	[hbm4b:s4+s2] =	stream.linear.scatter [tilespmem:s1], [sflag:$0xD], $0x1000, $0x38;
	[tilespmem:$0x10000] =	vst v63  }
0x9b: {  	_ =	swait.ge [sflag:s10], $0x1000  }
0x9c: {  	[sflag:s10] =	ssyncset.done $0x0  }
0x9d: {  	s20 =	simm.s32 $0x880;
	[sflag:s10] =	ssyncadd.s32 $0xFFFFF000  }
0x9e: {  	[tilespmem:s26], [sflag:$0x2] =	stream.indirect.gather [hbm4b:s3+s24], $0x20, s20, s24, $0xb8;
	[tilespmem:$0x10000] =	vst v63  }
0x9f: {  	_ =	swait.ge [sflag:s11], $0x1000  }
0xa0: {  	s21 =	rddreg [dreg:$0x9];
	[sflag:s11] =	ssyncset.done $0x0  }
0xa1: {  	[sflag:s11] =	ssyncadd.s32 $0xFFFFF000;
	s4 =	sadd.s32 $0x0, s21  }
0xa2: {  	[hbm4b:s4+s2] =	stream.linear.scatter [tilespmem:s30], [sflag:$0xE], $0x1000, $0x38;
	[tilespmem:$0x10000] =	vst v63  }
0xa3: {  	_ =	swait.ge [sflag:s12], $0x1000  }
0xa4: {  	[sflag:s12] =	ssyncset.done $0x0  }
0xa5: {  	s23 =	simm.s32 $0x900;
	[sflag:s12] =	ssyncadd.s32 $0xFFFFF000  }
0xa6: {  	[tilespmem:s29], [sflag:$0x3] =	stream.indirect.gather [hbm4b:s3+s24], $0x20, s23, s24, $0xb8;
	[tilespmem:$0x10000] =	vst v63  }
0xa7: {  	_ =	swait.ge [sflag:s13], $0x1000  }
0xa8: {  	s20 =	rddreg [dreg:$0x7];
	[sflag:s13] =	ssyncset.done $0x0  }
0xa9: {  	[sflag:s13] =	ssyncadd.s32 $0xFFFFF000;
	s4 =	sadd.s32 $0x0, s20  }
0xaa: {  	[hbm4b:s4+s2] =	stream.linear.scatter [tilespmem:s28], [sflag:$0xF], $0x1000, $0x38;
	[tilespmem:$0x10000] =	vst v63  }
0xab: {  	_ =	swait.ge [sflag:s14], $0x1000  }
0xac: {  	[sflag:s14] =	ssyncset.done $0x0  }
0xad: {  	s21 =	simm.s32 $0x980;
	[sflag:s14] =	ssyncadd.s32 $0xFFFFF000  }
0xae: {  	[tilespmem:s31], [sflag:$0x4] =	stream.indirect.gather [hbm4b:s3+s24], $0x20, s21, s24, $0xb8;
	[tilespmem:$0x10000] =	vst v63  }
0xaf: {  	_ =	swait.ge [sflag:s15], $0x1000  }
0xb0: {  	s23 =	rddreg [dreg:$0x5];
	[sflag:s15] =	ssyncset.done $0x0  }
0xb1: {  	s21 =	simm.s32 $0x1000;
	[sflag:s15] =	ssyncadd.s32 $0xFFFFF000;
	s4 =	sadd.s32 $0x0, s23  }
.LBB2_4:
0xb2: {  	[hbm4b:s4+s2] =	stream.linear.scatter [tilespmem:s6], [sflag:$0x10], $0x1000, $0x38;
	[tilespmem:$0x10000] =	vst v63  }
0xb3: {  	s4 =	smov.u32 s21;
	_ =	swait.ge [sflag:s16], $0x1000  }
0xb4: {  	s23 =	sshra.s32 s4, $0x2;
	[sflag:s16] =	ssyncset.done $0x0  }
0xb5: {  	s20 =	sadd.s32 $0x600, s23;
	[sflag:s16] =	ssyncadd.s32 $0xFFFFF000  }
0xb6: {  	[tilespmem:s1], [sflag:$0x5] =	stream.indirect.gather [hbm4b:s3+s24], $0x20, s20, s24, $0xb8;
	[tilespmem:$0x10000] =	vst v63  }
0xb7: {  	_ =	swait.ge [sflag:s22], $0x1000  }
0xb8: {  	s20 =	rddreg [dreg:$0x3];
	[sflag:s22] =	ssyncset.done $0x0  }
0xb9: {  	[sflag:s22] =	ssyncadd.s32 $0xFFFFF000;
	s20 =	sadd.s32 s4, s20  }
0xba: {  	[hbm4b:s20+s2] =	stream.linear.scatter [tilespmem:s25], [sflag:$0x9], $0x1000, $0x38;
	[tilespmem:$0x10000] =	vst v63  }
0xbb: {  	_ =	swait.ge [sflag:s17], $0x1000  }
0xbc: {  	[sflag:s17] =	ssyncset.done $0x0  }
0xbd: {  	s20 =	sadd.s32 $0x680, s23;
	[sflag:s17] =	ssyncadd.s32 $0xFFFFF000  }
0xbe: {  	[tilespmem:s30], [sflag:$0x6] =	stream.indirect.gather [hbm4b:s3+s24], $0x20, s20, s24, $0xb8;
	[tilespmem:$0x10000] =	vst v63  }
0xbf: {  	_ =	swait.ge [sflag:s0], $0x1000  }
0xc0: {  	s20 =	rddreg [dreg:$0x8];
	[sflag:s0] =	ssyncset.done $0x0  }
0xc1: {  	[sflag:s0] =	ssyncadd.s32 $0xFFFFF000;
	s20 =	sadd.s32 s4, s20  }
0xc2: {  	[hbm4b:s20+s2] =	stream.linear.scatter [tilespmem:s26], [sflag:$0xA], $0x1000, $0x38;
	[tilespmem:$0x10000] =	vst v63  }
0xc3: {  	_ =	swait.ge [sflag:s18], $0x1000  }
0xc4: {  	[sflag:s18] =	ssyncset.done $0x0  }
0xc5: {  	s20 =	sadd.s32 $0x700, s23;
	[sflag:s18] =	ssyncadd.s32 $0xFFFFF000  }
0xc6: {  	[tilespmem:s28], [sflag:$0x7] =	stream.indirect.gather [hbm4b:s3+s24], $0x20, s20, s24, $0xb8;
	[tilespmem:$0x10000] =	vst v63  }
0xc7: {  	_ =	swait.ge [sflag:s5], $0x1000  }
0xc8: {  	s20 =	rddreg [dreg:$0x6];
	[sflag:s5] =	ssyncset.done $0x0  }
0xc9: {  	[sflag:s5] =	ssyncadd.s32 $0xFFFFF000;
	s20 =	sadd.s32 s4, s20  }
0xca: {  	[hbm4b:s20+s2] =	stream.linear.scatter [tilespmem:s29], [sflag:$0xB], $0x1000, $0x38;
	[tilespmem:$0x10000] =	vst v63  }
0xcb: {  	_ =	swait.ge [sflag:s19], $0x1000  }
0xcc: {  	[sflag:s19] =	ssyncset.done $0x0  }
0xcd: {  	s20 =	sadd.s32 $0x780, s23;
	[sflag:s19] =	ssyncadd.s32 $0xFFFFF000  }
0xce: {  	[tilespmem:s6], [sflag:$0x8] =	stream.indirect.gather [hbm4b:s3+s24], $0x20, s20, s24, $0xb8;
	[tilespmem:$0x10000] =	vst v63  }
0xcf: {  	_ =	swait.ge [sflag:s7], $0x1000  }
0xd0: {  	s20 =	rddreg [dreg:$0x4];
	[sflag:s7] =	ssyncset.done $0x0  }
0xd1: {  	[sflag:s7] =	ssyncadd.s32 $0xFFFFF000;
	s20 =	sadd.s32 s4, s20  }
0xd2: {  	[hbm4b:s20+s2] =	stream.linear.scatter [tilespmem:s31], [sflag:$0xC], $0x1000, $0x38;
	[tilespmem:$0x10000] =	vst v63  }
0xd3: {  	_ =	swait.ge [sflag:s8], $0x1000  }
0xd4: {  	[sflag:s8] =	ssyncset.done $0x0  }
0xd5: {  	s20 =	sadd.s32 $0x800, s23;
	[sflag:s8] =	ssyncadd.s32 $0xFFFFF000  }
0xd6: {  	[tilespmem:s25], [sflag:$0x1] =	stream.indirect.gather [hbm4b:s3+s24], $0x20, s20, s24, $0xb8;
	[tilespmem:$0x10000] =	vst v63  }
0xd7: {  	_ =	swait.ge [sflag:s9], $0x1000  }
0xd8: {  	s20 =	rddreg [dreg:$0xa];
	[sflag:s9] =	ssyncset.done $0x0  }
0xd9: {  	[sflag:s9] =	ssyncadd.s32 $0xFFFFF000;
	s20 =	sadd.s32 s4, s20  }
0xda: {  	[hbm4b:s20+s2] =	stream.linear.scatter [tilespmem:s1], [sflag:$0xD], $0x1000, $0x38;
	[tilespmem:$0x10000] =	vst v63  }
0xdb: {  	_ =	swait.ge [sflag:s10], $0x1000  }
0xdc: {  	[sflag:s10] =	ssyncset.done $0x0  }
0xdd: {  	s20 =	sadd.s32 $0x880, s23;
	[sflag:s10] =	ssyncadd.s32 $0xFFFFF000  }
0xde: {  	[tilespmem:s26], [sflag:$0x2] =	stream.indirect.gather [hbm4b:s3+s24], $0x20, s20, s24, $0xb8;
	[tilespmem:$0x10000] =	vst v63  }
0xdf: {  	_ =	swait.ge [sflag:s11], $0x1000  }
0xe0: {  	s20 =	rddreg [dreg:$0x9];
	[sflag:s11] =	ssyncset.done $0x0  }
0xe1: {  	[sflag:s11] =	ssyncadd.s32 $0xFFFFF000;
	s20 =	sadd.s32 s4, s20  }
0xe2: {  	[hbm4b:s20+s2] =	stream.linear.scatter [tilespmem:s30], [sflag:$0xE], $0x1000, $0x38;
	[tilespmem:$0x10000] =	vst v63  }
0xe3: {  	_ =	swait.ge [sflag:s12], $0x1000  }
0xe4: {  	[sflag:s12] =	ssyncset.done $0x0  }
0xe5: {  	s20 =	sadd.s32 $0x900, s23;
	[sflag:s12] =	ssyncadd.s32 $0xFFFFF000  }
0xe6: {  	[tilespmem:s29], [sflag:$0x3] =	stream.indirect.gather [hbm4b:s3+s24], $0x20, s20, s24, $0xb8;
	[tilespmem:$0x10000] =	vst v63  }
0xe7: {  	_ =	swait.ge [sflag:s13], $0x1000  }
0xe8: {  	s20 =	rddreg [dreg:$0x7];
	[sflag:s13] =	ssyncset.done $0x0  }
0xe9: {  	[sflag:s13] =	ssyncadd.s32 $0xFFFFF000;
	s20 =	sadd.s32 s4, s20  }
0xea: {  	[hbm4b:s20+s2] =	stream.linear.scatter [tilespmem:s28], [sflag:$0xF], $0x1000, $0x38;
	[tilespmem:$0x10000] =	vst v63  }
0xeb: {  	_ =	swait.ge [sflag:s14], $0x1000  }
0xec: {  	p0 =	sne.s32 s21, $0xD000;
	[sflag:s14] =	ssyncset.done $0x0  }
.Ltmp1:
0xed: {  	s23 =	sadd.s32 $0x980, s23;
	[sflag:s14] =	ssyncadd.s32 $0xFFFFF000;
	(pc) =	sbr.rel @p0 .LBB2_4-.Ltmp1, $4  }
0xee: {  	[tilespmem:s31], [sflag:$0x4] =	stream.indirect.gather [hbm4b:s3+s24], $0x20, s23, s24, $0xb8;
	[tilespmem:$0x10000] =	vst v63  }
0xef: {  	_ =	swait.ge [sflag:s15], $0x1000  }
0xf0: {  	[sflag:s15] =	ssyncset.done $0x0;
	s23 =	rddreg [dreg:$0x5]  }
0xf1: {  	s21 =	sadd.s32 $0x1000, s21;
	[sflag:s15] =	ssyncadd.s32 $0xFFFFF000;
	s4 =	sadd.s32 s4, s23  }
0xf2: {  	[hbm4b:s4+s2] =	stream.linear.scatter [tilespmem:s6], [sflag:$0x10], $0x1000, $0x38;
	[tilespmem:$0x10000] =	vst v63  }
0xf3: {  	_ =	swait.ge [sflag:s16], $0x1000  }
0xf4: {  	[sflag:s16] =	ssyncset.done $0x0  }
0xf5: {  	s23 =	simm.s32 $0x3E00;
	[sflag:s16] =	ssyncadd.s32 $0xFFFFF000  }
0xf6: {  	[tilespmem:s1], [sflag:$0x5] =	stream.indirect.gather [hbm4b:s3+s24], $0x20, s23, s24, $0xb8;
	[tilespmem:$0x10000] =	vst v63  }
0xf7: {  	_ =	swait.ge [sflag:s22], $0x1000  }
0xf8: {  	[sflag:s22] =	ssyncset.done $0x0  }
0xf9: {  	s20 =	rddreg [dreg:$0x14];
	[sflag:s22] =	ssyncadd.s32 $0xFFFFF000  }
0xfa: {  	[hbm4b:s20+s2] =	stream.linear.scatter [tilespmem:s25], [sflag:$0x9], $0x1000, $0x38;
	[tilespmem:$0x10000] =	vst v63  }
0xfb: {  	_ =	swait.ge [sflag:s17], $0x1000  }
0xfc: {  	[sflag:s17] =	ssyncset.done $0x0  }
0xfd: {  	s21 =	simm.s32 $0x3E80;
	[sflag:s17] =	ssyncadd.s32 $0xFFFFF000  }
0xfe: {  	[tilespmem:s30], [sflag:$0x6] =	stream.indirect.gather [hbm4b:s3+s24], $0x20, s21, s24, $0xb8;
	[tilespmem:$0x10000] =	vst v63  }
0xff: {  	_ =	swait.ge [sflag:s0], $0x1000  }
0x100: {  	[sflag:s0] =	ssyncset.done $0x0  }
0x101: {  	s23 =	rddreg [dreg:$0x15];
	[sflag:s0] =	ssyncadd.s32 $0xFFFFF000  }
0x102: {  	[hbm4b:s23+s2] =	stream.linear.scatter [tilespmem:s26], [sflag:$0xA], $0x1000, $0x38;
	[tilespmem:$0x10000] =	vst v63  }
0x103: {  	_ =	swait.ge [sflag:s18], $0x1000  }
0x104: {  	[sflag:s18] =	ssyncset.done $0x0  }
0x105: {  	s20 =	simm.s32 $0x3F00;
	[sflag:s18] =	ssyncadd.s32 $0xFFFFF000  }
0x106: {  	[tilespmem:s28], [sflag:$0x7] =	stream.indirect.gather [hbm4b:s3+s24], $0x20, s20, s24, $0xb8;
	[tilespmem:$0x10000] =	vst v63  }
0x107: {  	_ =	swait.ge [sflag:s5], $0x1000  }
0x108: {  	[sflag:s5] =	ssyncset.done $0x0  }
0x109: {  	s21 =	rddreg [dreg:$0x16];
	[sflag:s5] =	ssyncadd.s32 $0xFFFFF000  }
0x10a: {  	[hbm4b:s21+s2] =	stream.linear.scatter [tilespmem:s29], [sflag:$0xB], $0x1000, $0x38;
	[tilespmem:$0x10000] =	vst v63  }
0x10b: {  	_ =	swait.ge [sflag:s19], $0x1000  }
0x10c: {  	[sflag:s19] =	ssyncset.done $0x0  }
0x10d: {  	s23 =	simm.s32 $0x3F80;
	[sflag:s19] =	ssyncadd.s32 $0xFFFFF000  }
0x10e: {  	[tilespmem:s6], [sflag:$0x8] =	stream.indirect.gather [hbm4b:s3+s24], $0x20, s23, s24, $0xb8;
	[tilespmem:$0x10000] =	vst v63  }
0x10f: {  	_ =	swait.ge [sflag:s7], $0x1000  }
0x110: {  	[sflag:s7] =	ssyncset.done $0x0  }
0x111: {  	s20 =	rddreg [dreg:$0x17];
	[sflag:s7] =	ssyncadd.s32 $0xFFFFF000  }
0x112: {  	[hbm4b:s20+s2] =	stream.linear.scatter [tilespmem:s31], [sflag:$0xC], $0x1000, $0x38;
	[tilespmem:$0x10000] =	vst v63  }
0x113: {  	_ =	swait.ge [sflag:s9], $0x1000  }
0x114: {  	[sflag:s9] =	ssyncset.done $0x0  }
0x115: {  	s21 =	rddreg [dreg:$0x18];
	[sflag:s9] =	ssyncadd.s32 $0xFFFFF000  }
0x116: {  	[hbm4b:s21+s2] =	stream.linear.scatter [tilespmem:s1], [sflag:$0xD], $0x1000, $0x38;
	[tilespmem:$0x10000] =	vst v63  }
0x117: {  	_ =	swait.ge [sflag:s11], $0x1000  }
0x118: {  	[sflag:s11] =	ssyncset.done $0x0  }
0x119: {  	s23 =	rddreg [dreg:$0x19];
	[sflag:s11] =	ssyncadd.s32 $0xFFFFF000  }
0x11a: {  	[hbm4b:s23+s2] =	stream.linear.scatter [tilespmem:s30], [sflag:$0xE], $0x1000, $0x38;
	[tilespmem:$0x10000] =	vst v63  }
0x11b: {  	_ =	swait.ge [sflag:s13], $0x1000  }
0x11c: {  	[sflag:s13] =	ssyncset.done $0x0  }
0x11d: {  	s20 =	rddreg [dreg:$0x1a];
	[sflag:s13] =	ssyncadd.s32 $0xFFFFF000  }
0x11e: {  	[hbm4b:s20+s2] =	stream.linear.scatter [tilespmem:s28], [sflag:$0xF], $0x1000, $0x38;
	[tilespmem:$0x10000] =	vst v63  }
0x11f: {  	_ =	swait.ge [sflag:s15], $0x1000  }
0x120: {  	[sflag:s15] =	ssyncset.done $0x0  }
0x121: {  	s21 =	rddreg [dreg:$0x1b];
	[sflag:s15] =	ssyncadd.s32 $0xFFFFF000  }
0x122: {  	[hbm4b:s21+s2] =	stream.linear.scatter [tilespmem:s6], [sflag:$0x10], $0x1000, $0x38;
	[tilespmem:$0x10000] =	vst v63  }
0x123: {  	_ =	swait.ge [sflag:s8], $0x1000  }
0x124: {  	[sflag:s8] =	ssyncset.done $0x0  }
0x125: {  	[sflag:s8] =	ssyncadd.s32 $0xFFFFF000  }
0x126: {  	_ =	swait.ge [sflag:s10], $0x1000  }
0x127: {  	[sflag:s10] =	ssyncset.done $0x0  }
0x128: {  	[sflag:s10] =	ssyncadd.s32 $0xFFFFF000  }
0x129: {  	_ =	swait.ge [sflag:s12], $0x1000  }
0x12a: {  	[sflag:s12] =	ssyncset.done $0x0  }
0x12b: {  	[sflag:s12] =	ssyncadd.s32 $0xFFFFF000  }
0x12c: {  	_ =	swait.ge [sflag:s14], $0x1000  }
0x12d: {  	[sflag:s14] =	ssyncset.done $0x0  }
0x12e: {  	[sflag:s14] =	ssyncadd.s32 $0xFFFFF000  }
0x12f: {  	_ =	swait.ge [sflag:s16], $0x1000  }
0x130: {  	[sflag:s16] =	ssyncset.done $0x0  }
0x131: {  	[sflag:s16] =	ssyncadd.s32 $0xFFFFF000  }
0x132: {  	_ =	swait.ge [sflag:s17], $0x1000  }
0x133: {  	[sflag:s17] =	ssyncset.done $0x0  }
0x134: {  	[sflag:s17] =	ssyncadd.s32 $0xFFFFF000  }
0x135: {  	_ =	swait.ge [sflag:s18], $0x1000  }
0x136: {  	[sflag:s18] =	ssyncset.done $0x0  }
0x137: {  	[sflag:s18] =	ssyncadd.s32 $0xFFFFF000  }
0x138: {  	_ =	swait.ge [sflag:s19], $0x1000  }
0x139: {  	s20 =	rddreg [dreg:$0x1d]  }
0x13a: {  	s23 =	rddreg [dreg:$0x1c];
	s20 =	sadd.s32 $0x1, s20  }
0x13b: {  	p0 =	sne.s32 s20, s23  }
.Ltmp2:
0x13c: {  	_ = 	snop;
	(pc) =	sbr.rel @p0 .LBB2_1-.Ltmp2, $3  }
0x13d: {  	_ =	sdelay $0x1  }
0x13e: {  	[sflag:s19] =	ssyncset.done $0x0  }
0x13f: {  	[sflag:s19] =	ssyncadd.s32 $0xFFFFF000  }
0x140: {  	_ =	sfence.sel $0x180000  }
0x141: {  	[bflag:$0x0] =	sbarrier.arrive $0xFFFF  }
0x142: {  	_ =	strace $0x9000004D  }
0x143: {  	s0 =	stileid.u32;
	[bflag:$0x2] =	sbarrier.arrive $0xFFFF  }
0x144: {  	p0 =	sne.s32 s0, $0x0;
	s0 =	rddreg [dreg:$0x2]  }
0x145: {  	s0 =	sadd.s32 @!p0 $0x100000, s0  }
0x146: {  	[sflag:s0] =	ssyncadd.tile.s32 @!p0 $0x1;
	_ =	shalt  }
.Lfunc_end2:
_tile_overlayer_lowered:
.L_overlay_start_2:
0x147: {  	(tag) =	ssettag $0x2  }
0x148: {  	s0 =	rddreg [dreg:$0x0];
	s2 =	stileid.u32  }
0x149: {  	s1 =	rddreg [dreg:$0x1];
	p0 =	sne.s32 s2, $0x0  }
0x14a: {  	s3 =	rddreg [dreg:$0x2];
	[bflag:$0x3] =	sbarrier.arrive $0xFFFF;
	s2 =	simm.s32 @!p0 $0x1C11  }
0x14b: {  	[timem:s3], [sflag:s2] =	dma.local @!p0 [hbm:s0], s1  }
0x14c: {  	s0 =	simm.s32 @!p0 $0x11  }
0x14d: {  	_ =	swait.ge @!p0 [sflag:s0], s1  }
0x14e: {  	s1 =	ssub.s32 @!p0 $0x0, s1;
	[sflag:s0] =	ssyncset.done @!p0 $0x0  }
0x14f: {  	[sflag:s0] =	ssyncadd.s32 @!p0 s1  }
0x150: {  	[bflag:$0x3] =	sbarrier.arrive $0xFFFF  }
0x151: {  	_ =	shalt  }

// kernel: kernel.6.cloned.1.call-start
scs
__scs_entry_jumppad:
0x0: {  	(pc) =	sbr.rel $0x88, $3  }
0x1: {  	(tag) =	ssettag $0x0;
	lr =	simm.s32 $0x1  }
0x2: {  	[smem:$0x3F9E] =	sst lr;
	_ =	strace $0xD0000000  }
0x3: {  	_ = 	snop  }
0x4: {  	_ = 	snop  }
0x5: {  	_ = 	snop  }
0x6: {  	_ = 	snop  }
0x7: {  	_ = 	snop  }
__scs_overlays_trampoline_lowered:
0x8: {  	[smem:$0x3FAD] =	sst s0  }
0x9: {  	[smem:$0x3FAE] =	sst s1  }
0xa: {  	[smem:$0x3FAF] =	sst s2  }
0xb: {  	[smem:$0x3FB0] =	sst s3  }
0xc: {  	[smem:$0x3FB1] =	sst s4  }
0xd: {  	[smem:$0x3FB2] =	sst s5  }
0xe: {  	[smem:$0x3FB3] =	sst s6  }
0xf: {  	[smem:$0x3FB4] =	sst s7  }
0x10: {  	[smem:$0x3FB5] =	sst s8  }
0x11: {  	[smem:$0x3FB6] =	sst s9;
	s0 =	simm.s32 @!p0 $0x0  }
0x12: {  	s1 =	sld [smem:$0x3F9C];
	s0 =	simm.s32 @p0 $0x1  }
0x13: {  	[smem:$0x3FB7] =	sst s0;
	s0 =	simm.s32 @!p1 $0x0  }
0x14: {  	s2 =	sld [smem:$0x3F9B];
	s0 =	simm.s32 @p1 $0x1  }
0x15: {  	[smem:$0x3FB8] =	sst s0;
	s0 =	simm.s32 @!p2 $0x0  }
0x16: {  	s3 =	sld [smem:$0x3FDB];
	s0 =	simm.s32 @p2 $0x1  }
0x17: {  	s4 =	simm.s32 $0x1BF5;
	[smem:$0x3FBA] =	sst s0  }
0x18: {  	s0 =	sld [smem:$0x3F9D];
	_ =	swait.ge [sflag:s4], $0x0  }
0x19: {  	s7 =	sld [smem:$0x3F9E]  }
0x1a: {  	s8 =	sadd.s32 $0xFFFFE003, lr  }
0x1b: {  	s9 =	sadd.s32 $0xFFFFFEF7, lr;
	s5 =	simm.s32 $0xFFFFFFFF;
	p2 =	slt.u32 s8, $0xFFFFF086  }
0x1c: {  	p1 =	slt.u32 s9, $0xF7A;
	s5 =	simm.s32 @!p2 $0x0  }
0x1d: {  	s5 =	simm.s32 @p1 $0x1;
	p0 =	seq.s32 s7, s2  }
0x1e: {  	s7 =	smul.u32 @!p0 $0xF7A, s2;
	p2 =	seq.s32 @!p0 s5, $0x0  }
0x1f: {  	s9 =	smul.u32 $0xF7A, s1;
	s8 =	simm.s32 @!p0 $0x1BF5;
	p2 =	por !p2, p0  }
0x20: {  	[sflag:s8] =	ssyncset.s32 @!p0 $0xFFFFF086;
	s6 =	sadd.s32 @!p0 s3, s7;
	s7 =	simm.s32 @!p0 $0x108  }
0x21: {  	s3 =	sadd.s32 s3, s9;
	s6 =	sadd.s32 @!p0 $0x88, s6;
	s7 =	simm.s32 @p2 $0x1082  }
0x22: {  	[simem:s7], [sflag:s8] =	dma.local @!p0 [hbm:s6], $0xF7A  }
0x23: {  	s9 =	sor.u32 $0xD0000000, s2;
	s6 =	simm.s32 $0x108;
	_ =	swait.ge @!p0 [sflag:s8], $0x0  }
0x24: {  	s3 =	sadd.s32 $0x88, s3;
	s6 =	simm.s32 @!p1 $0x1082;
	[sflag:s4] =	ssyncset.s32 $0xFFFFF086  }
0x25: {  	[simem:s6], [sflag:s4] =	dma.local [hbm:s3], $0xF7A  }
0x26: {  	[smem:$0x3F9E] =	sst s1;
	(tag) =	ssettag s2;
	_ =	strace s9  }
0x27: {  	s1 =	sld [smem:$0x3FAE]  }
0x28: {  	s2 =	sld [smem:$0x3FAF]  }
0x29: {  	s4 =	sld [smem:$0x3FB1]  }
0x2a: {  	p0 =	seq.s32 s5, $0x0;
	s5 =	sld [smem:$0x3FB2]  }
0x2b: {  	s6 =	sld [smem:$0x3FB3]  }
0x2c: {  	s7 =	sld [smem:$0x3FB4]  }
0x2d: {  	s3 =	simm.s32 $0x108;
	s8 =	sld [smem:$0x3FB5]  }
0x2e: {  	s3 =	simm.s32 @!p0 $0x1082;
	s9 =	sld [smem:$0x3FB6]  }
0x2f: {  	lr =	sadd.s32 s0, s3;
	s0 =	sld [smem:$0x3FAD]  }
0x30: {  	s3 =	sld [smem:$0x3FB0]  }
0x31: {  	[smem:$0x3FB9] =	sst s10  }
0x32: {  	s10 =	sld [smem:$0x3FB7];
	_ =	sdelay $0x3  }
0x33: {  	p0 =	seq.s32 s10, $0x1;
	s10 =	sld [smem:$0x3FB9];
	_ =	sdelay $0x3  }
0x34: {  	[smem:$0x3FB9] =	sst s10  }
0x35: {  	s10 =	sld [smem:$0x3FB8];
	_ =	sdelay $0x3  }
0x36: {  	p1 =	seq.s32 s10, $0x1;
	s10 =	sld [smem:$0x3FB9];
	_ =	sdelay $0x3  }
0x37: {  	[smem:$0x3FB9] =	sst s10  }
0x38: {  	s10 =	sld [smem:$0x3FBA]  }
0x39: {  	_ = 	snop;
	(pc) =	sbr.ind lr, $3  }
0x3a: {  	_ = 	snop  }
0x3b: {  	_ = 	snop  }
0x3c: {  	p2 =	seq.s32 s10, $0x1;
	s10 =	sld [smem:$0x3FB9]  }
0x3d: {  	_ =	shalt  }
0x3e: {  	_ =	shalt  }
0x3f: {  	_ =	shalt  }
0x40: {  	_ =	shalt  }
0x41: {  	_ =	shalt  }
0x42: {  	_ =	shalt  }
0x43: {  	_ =	shalt  }
0x44: {  	_ =	shalt  }
0x45: {  	_ =	shalt  }
0x46: {  	_ =	shalt  }
0x47: {  	_ =	shalt  }
0x48: {  	_ =	shalt  }
0x49: {  	_ =	shalt  }
0x4a: {  	_ =	shalt  }
0x4b: {  	_ =	shalt  }
0x4c: {  	_ =	shalt  }
0x4d: {  	_ =	shalt  }
0x4e: {  	_ =	shalt  }
0x4f: {  	_ =	shalt  }
0x50: {  	_ =	shalt  }
0x51: {  	_ =	shalt  }
0x52: {  	_ =	shalt  }
0x53: {  	_ =	shalt  }
0x54: {  	_ =	shalt  }
0x55: {  	_ =	shalt  }
0x56: {  	_ =	shalt  }
0x57: {  	_ =	shalt  }
0x58: {  	_ =	shalt  }
0x59: {  	_ =	shalt  }
0x5a: {  	_ =	shalt  }
0x5b: {  	_ =	shalt  }
0x5c: {  	_ =	shalt  }
0x5d: {  	_ =	shalt  }
0x5e: {  	_ =	shalt  }
0x5f: {  	_ =	shalt  }
0x60: {  	_ =	shalt  }
0x61: {  	_ =	shalt  }
0x62: {  	_ =	shalt  }
0x63: {  	_ =	shalt  }
0x64: {  	_ =	shalt  }
0x65: {  	_ =	shalt  }
0x66: {  	_ =	shalt  }
0x67: {  	_ =	shalt  }
0x68: {  	_ =	shalt  }
0x69: {  	_ =	shalt  }
0x6a: {  	_ =	shalt  }
0x6b: {  	_ =	shalt  }
0x6c: {  	_ =	shalt  }
0x6d: {  	_ =	shalt  }
0x6e: {  	_ =	shalt  }
0x6f: {  	_ =	shalt  }
0x70: {  	_ =	shalt  }
0x71: {  	_ =	shalt  }
0x72: {  	_ =	shalt  }
0x73: {  	_ =	shalt  }
0x74: {  	_ =	shalt  }
0x75: {  	_ =	shalt  }
0x76: {  	_ =	shalt  }
0x77: {  	_ =	shalt  }
0x78: {  	_ =	shalt  }
0x79: {  	_ =	shalt  }
0x7a: {  	_ =	shalt  }
0x7b: {  	_ =	shalt  }
0x7c: {  	_ =	shalt  }
0x7d: {  	_ =	shalt  }
0x7e: {  	_ =	shalt  }
0x7f: {  	_ =	shalt  }
0x80: {  	_ =	shalt  }
0x81: {  	_ =	shalt  }
0x82: {  	_ =	shalt  }
0x83: {  	_ =	shalt  }
0x84: {  	_ =	shalt  }
0x85: {  	_ =	shalt  }
0x86: {  	_ =	shalt  }
0x87: {  	_ =	shalt  }
.Lfunc_end0:
.L_simem_size_0:
called_computation_lowered:
.L_overlay_start_0:
0x88: {  	s2 =	sld [smem:$0x3FD9]  }
0x89: {  	s3 =	sld [smem:$0x3FFE];
	_ =	sdelay $0x1  }
0x8a: {  	s1 =	srdreg.scid  }
0x8b: {  	s0 =	sand.u32 $0x1, s1  }
0x8c: {  	s17 =	sshll.u32 s0, $0xA;
	s2 =	sadd.s32 s3, s2  }
0x8d: {  	s2 =	sadd.s32 s2, s17  }
0x8e: {  	[smem:$0x3FC5] =	sst s2  }
0x8f: {  	_ = 	snop  }
0x90: {  	s2 =	sld [smem:$0x3FC9];
	(tm) =	ssettm $0x1  }
0x91: {  	s18 =	sld [smem:$0x3FFB];
	_ =	sdelay $0x3  }
0x92: {  	_ =	strace s18  }
0x93: {  	s3 =	sld [smem:$0x3FFC];
	_ =	sdelay $0x3  }
0x94: {  	_ =	strace s3  }
0x95: {  	s3 =	sld [smem:$0x3FFD];
	_ =	sdelay $0x3  }
0x96: {  	_ =	strace s3  }
0x97: {  	_ =	strace $0x8FFFFFFF  }
0x98: {  	s19 =	sld [smem:$0x3FDB];
	_ =	sdelay $0x1  }
0x99: {  	s4 =	simm.s32 $_scs_section_size  }
0x9a: {  	s5 =	simm.s32 $_size__tile_overlayer_lowered;
	s6 =	simm.s32 $_tile_overlayer_lowered  }
0x9b: {  	s22 =	simm.s32 $0x1BFF;
	s21 =	sshll.u32 s6, $0x1;
	s3 =	sadd.s32 s4, s19  }
0x9c: {  	s7 =	simm.s32 $0x0;
	s20 =	sshll.u32 s5, $0x1;
	s5 =	sadd.s32 s21, s3  }
0x9d: {  	[timem:s7], [sflag:s22] =	dma.local [hbm:s5], s20  }
0x9e: {  	_ =	swait.ge [sflag:s22], s20  }
0x9f: {  	s4 =	ssub.s32 $0x0, s20;
	[sflag:s22] =	ssyncset.done $0x0  }
0xa0: {  	[sflag:s22] =	ssyncadd.s32 s4;
	_ =	sdelay $0x1  }
0xa1: {  	s23 =	simm.s32 $0x1B8B  }
0xa2: {  	_ =	swait.ge [sflag:s23], $0x1  }
0xa3: {  	[sflag:s23] =	ssyncset.done $0x0  }
0xa4: {  	s25 =	simm.s32 $0x1B8E;
	s24 =	sld [smem:$0x3FFE];
	[sflag:s23] =	ssyncadd.s32 $0xFFFFFFFF  }
0xa5: {  	s26 =	simm.s32 $execute0_lowered;
	[smem:$0x3FD2] =	sst s25  }
0xa6: {  	s5 =	sshll.u32 s26, $0x1;
	_ =	strace $0x80000046;
	[dreg:$0x1] =	wrdreg $0xFFFFFFFF  }
0xa7: {  	s28 =	simm.s32 $_size_execute0_lowered;
	s3 =	sadd.s32 s3, s5;
	[dreg:$0x0] =	wrdreg $0x0  }
0xa8: {  	s5 =	sshll.u32 s28, $0x1;
	[dreg:$0x2] =	wrdreg s3  }
0xa9: {  	[dreg:$0x3] =	wrdreg s5  }
0xaa: {  	[dreg:$0x4] =	wrdreg $0xC0  }
0xab: {  	_ =	task [dreg:s7], $0x5FFFF  }
0xac: {  	[dreg:$0x1] =	wrdreg $0xFFFFFFFF  }
0xad: {  	[dreg:$0x0] =	wrdreg $0x60  }
0xae: {  	[dreg:$0x2] =	wrdreg s2  }
0xaf: {  	[dreg:$0x3] =	wrdreg s24  }
0xb0: {  	[dreg:$0x4] =	wrdreg $0xA  }
0xb1: {  	_ =	task.clear_ibuf [dreg:s7], $0x5FFFF;
	_ =	strace $0x90000046  }
0xb2: {  	s29 =	simm.s32 $0xA;
	_ =	strace $0x80000048  }
0xb3: {  	_ =	swait.ge [sflag:s29], $0x1  }
0xb4: {  	[sflag:s29] =	ssyncadd.s32 $0xFFFFFFFF  }
0xb5: {  	_ =	strace $0x90000048  }
0xb6: {  	_ =	sfence  }
0xb7: {  	s30 =	sld [smem:$0x0];
	_ =	sdelay $0x2  }
0xb8: {  	s31 =	sshll.u32 s1, $0xD;
	s1 =	sshrl.u32 s1, $0x2  }
0xb9: {  	s3 =	sand.u32 $0x4000, s31;
	s1 =	sadd.s32 s1, s30  }
0xba: {  	s0 =	sor.u32 s3, s0;
	s1 =	sshll.u32 s1, $0x11  }
0xbb: {  	s0 =	sor.u32 s1, s0  }
0xbc: {  	s0 =	sadd.s32 $0x8F2B, s0  }
0xbd: {  	[sflag:s0] =	ssyncadd.remote.s32 $0x1  }
0xbe: {  	_ =	sfence.sel $0xFFFF  }
0xbf: {  	[dreg:$0x0] =	wrdreg $0xFFFFFFFF;
	(pc) =	sbr.abs _section_cstart, $3  }
0xc0: {  	[dreg:$0x1] =	wrdreg $0xFFFFFFFF  }
0xc1: {  	_ =	task.clear_ibuf [dreg:s7], $0x2FFFF;
	_ =	strace $0x9FFFFFFF  }
0xc2: {  	(tm) =	ssettm $0x7FFFFFFF  }
0xc3: {  	_ =	shalt  }
tec
execute0_lowered:
.L_overlay_start_1:
0x0: {  	(tag) =	ssettag $0x1  }
0x1: {  	s1 =	srdreg.scid  }
0x2: {  	s3 =	rddreg [dreg:$0x0];
	s0 =	stileid.u32;
	s23 =	sand.u32 $0x1, s1  }
0x3: {  	s14 =	rddreg [dreg:$0x1];
	s4 =	sshll.u32 s0, $0xA;
	s5 =	sshll.u32 s23, $0x9  }
0x4: {  	s2 =	simm.s32 $0x0;
	s1 =	rddreg [dreg:$0x2];
	s15 =	sor.u32 s5, s4  }
0x5: {  	[smem:$0x7FF] =	sst s2;
	s4 =	sshrl.u32 s15, $0x3  }
0x6: {  	_ =	strace $0x80000047;
	s3 =	sadd.s32 s3, s4;
	s4 =	simm.s32 $0x9  }
0x7: {  	[tilespmem:s2], [sflag:$0x9] =	stream.linear.gather [hbm4b:s3+s2], $0x200, $0x38;
	[tilespmem:$0x8200] =	vst v63  }
0x8: {  	_ =	swait.ge [sflag:s4], $0x200  }
0x9: {  	s6 =	simm.s32 $0x80;
	[sflag:s4] =	ssyncset.done $0x0  }
0xa: {  	s7 =	simm.s32 $0x200;
	s5 =	sadd.s32 $0x2400, s14;
	[sflag:s4] =	ssyncadd.s32 $0xFFFFFE00  }
0xb: {  	[tilespmem:s7], [sflag:$0x1] =	stream.indirect.gather [hbm4b:s5+s6], $0x20, s2, s6, $0xb8;
	[tilespmem:$0x8200] =	vst v63  }
0xc: {  	s8 =	simm.s32 $0x1200  }
0xd: {  	[tilespmem:s8], [sflag:$0x2] =	stream.indirect.gather [hbm4b:s5+s6], $0x20, s6, s6, $0xb8;
	[tilespmem:$0x8200] =	vst v63  }
0xe: {  	s9 =	simm.s32 $0x100;
	s10 =	simm.s32 $0x2200  }
0xf: {  	[tilespmem:s10], [sflag:$0x3] =	stream.indirect.gather [hbm4b:s5+s6], $0x20, s9, s6, $0xb8;
	[tilespmem:$0x8200] =	vst v63  }
0x10: {  	s11 =	simm.s32 $0x180;
	s12 =	simm.s32 $0x3200;
	s13 =	simm.s32 $0x1  }
0x11: {  	[tilespmem:s12], [sflag:$0x4] =	stream.indirect.gather [hbm4b:s5+s6], $0x20, s11, s6, $0xb8;
	[tilespmem:$0x8200] =	vst v63  }
0x12: {  	s15 =	sshll.u32 s15, $0x2;
	_ =	swait.ge [sflag:s13], $0x1000  }
0x13: {  	s20 =	sadd.s32 s15, s14;
	[sflag:s13] =	ssyncset.done $0x0  }
0x14: {  	s15 =	simm.s32 $0x2;
	s14 =	sadd.s32 $0x64000, s20;
	[sflag:s13] =	ssyncadd.s32 $0xFFFFF000  }
0x15: {  	[hbm4b:s14+s2] =	stream.linear.scatter [tilespmem:s7], [sflag:$0x5], $0x1000, $0x38;
	[tilespmem:$0x8200] =	vst v63  }
0x16: {  	_ =	swait.ge [sflag:s15], $0x1000  }
0x17: {  	[sflag:s15] =	ssyncset.done $0x0  }
0x18: {  	s17 =	simm.s32 $0x3;
	s16 =	sadd.s32 $0x64200, s20;
	[sflag:s15] =	ssyncadd.s32 $0xFFFFF000  }
0x19: {  	[hbm4b:s16+s2] =	stream.linear.scatter [tilespmem:s8], [sflag:$0x6], $0x1000, $0x38;
	[tilespmem:$0x8200] =	vst v63  }
0x1a: {  	_ =	swait.ge [sflag:s17], $0x1000  }
0x1b: {  	[sflag:s17] =	ssyncset.done $0x0  }
0x1c: {  	s19 =	simm.s32 $0x4;
	s18 =	sadd.s32 $0x64400, s20;
	[sflag:s17] =	ssyncadd.s32 $0xFFFFF000  }
0x1d: {  	[hbm4b:s18+s2] =	stream.linear.scatter [tilespmem:s10], [sflag:$0x7], $0x1000, $0x38;
	[tilespmem:$0x8200] =	vst v63  }
0x1e: {  	_ =	swait.ge [sflag:s19], $0x1000  }
0x1f: {  	[sflag:s19] =	ssyncset.done $0x0  }
0x20: {  	s21 =	simm.s32 $0x5;
	s20 =	sadd.s32 $0x64600, s20;
	[sflag:s19] =	ssyncadd.s32 $0xFFFFF000  }
0x21: {  	[hbm4b:s20+s2] =	stream.linear.scatter [tilespmem:s12], [sflag:$0x8], $0x1000, $0x38;
	[tilespmem:$0x8200] =	vst v63  }
0x22: {  	_ =	swait.ge [sflag:s21], $0x1000  }
0x23: {  	s24 =	ssub.s32 $0x2, s23;
	[sflag:s21] =	ssyncset.done $0x0  }
0x24: {  	s22 =	simm.s32 $0x6;
	s25 =	sshrl.u32 s24, $0x1;
	[sflag:s21] =	ssyncadd.s32 $0xFFFFF000  }
0x25: {  	s24 =	ssub.s32 s24, s25;
	_ =	swait.ge [sflag:s22], $0x1000  }
0x26: {  	s25 =	smax.u32 s24, $0x1;
	[sflag:s22] =	ssyncset.done $0x0  }
0x27: {  	s23 =	simm.s32 $0x7;
	p0 =	sne.s32 s25, $0x1;
	[sflag:s22] =	ssyncadd.s32 $0xFFFFF000  }
.Ltmp0:
0x28: {  	_ =	swait.ge [sflag:s23], $0x1000;
	(pc) =	sbr.rel @!p0 .LBB2_2-.Ltmp0, $4  }
0x29: {  	[sflag:s23] =	ssyncset.done $0x0  }
0x2a: {  	s24 =	simm.s32 $0x8;
	[sflag:s23] =	ssyncadd.s32 $0xFFFFF000  }
0x2b: {  	_ =	swait.ge [sflag:s24], $0x1000  }
0x2c: {  	s25 =	sadd.s32 $0xFFFFFFFF, s25;
	[sflag:s24] =	ssyncset.done $0x0  }
.LBB2_1:
0x2d: {  	p0 =	sne.s32 s25, $0x1;
	s25 =	sadd.s32 $0xFFFFFFFF, s25;
	[sflag:s24] =	ssyncadd.s32 $0xFFFFF000  }
0x2e: {  	[tilespmem:s2], [sflag:$0x9] =	stream.linear.gather [hbm4b:s3+s2], $0x200, $0x38;
	[tilespmem:$0x8200] =	vst v63  }
0x2f: {  	_ =	swait.ge [sflag:s4], $0x200  }
0x30: {  	[sflag:s4] =	ssyncset.done $0x0  }
0x31: {  	[sflag:s4] =	ssyncadd.s32 $0xFFFFFE00  }
0x32: {  	[tilespmem:s7], [sflag:$0x1] =	stream.indirect.gather [hbm4b:s5+s6], $0x20, s2, s6, $0xb8;
	[tilespmem:$0x8200] =	vst v63  }
0x33: {  	_ = 	snop  }
0x34: {  	[tilespmem:s8], [sflag:$0x2] =	stream.indirect.gather [hbm4b:s5+s6], $0x20, s6, s6, $0xb8;
	[tilespmem:$0x8200] =	vst v63  }
0x35: {  	_ = 	snop  }
0x36: {  	[tilespmem:s10], [sflag:$0x3] =	stream.indirect.gather [hbm4b:s5+s6], $0x20, s9, s6, $0xb8;
	[tilespmem:$0x8200] =	vst v63  }
0x37: {  	_ = 	snop  }
0x38: {  	[tilespmem:s12], [sflag:$0x4] =	stream.indirect.gather [hbm4b:s5+s6], $0x20, s11, s6, $0xb8;
	[tilespmem:$0x8200] =	vst v63  }
0x39: {  	_ =	swait.ge [sflag:s13], $0x1000  }
0x3a: {  	[sflag:s13] =	ssyncset.done $0x0  }
0x3b: {  	[sflag:s13] =	ssyncadd.s32 $0xFFFFF000  }
0x3c: {  	[hbm4b:s14+s2] =	stream.linear.scatter [tilespmem:s7], [sflag:$0x5], $0x1000, $0x38;
	[tilespmem:$0x8200] =	vst v63  }
0x3d: {  	_ =	swait.ge [sflag:s15], $0x1000  }
0x3e: {  	[sflag:s15] =	ssyncset.done $0x0  }
0x3f: {  	[sflag:s15] =	ssyncadd.s32 $0xFFFFF000  }
0x40: {  	[hbm4b:s16+s2] =	stream.linear.scatter [tilespmem:s8], [sflag:$0x6], $0x1000, $0x38;
	[tilespmem:$0x8200] =	vst v63  }
0x41: {  	_ =	swait.ge [sflag:s17], $0x1000  }
0x42: {  	[sflag:s17] =	ssyncset.done $0x0  }
0x43: {  	[sflag:s17] =	ssyncadd.s32 $0xFFFFF000  }
0x44: {  	[hbm4b:s18+s2] =	stream.linear.scatter [tilespmem:s10], [sflag:$0x7], $0x1000, $0x38;
	[tilespmem:$0x8200] =	vst v63  }
0x45: {  	_ =	swait.ge [sflag:s19], $0x1000  }
0x46: {  	[sflag:s19] =	ssyncset.done $0x0  }
0x47: {  	[sflag:s19] =	ssyncadd.s32 $0xFFFFF000  }
0x48: {  	[hbm4b:s20+s2] =	stream.linear.scatter [tilespmem:s12], [sflag:$0x8], $0x1000, $0x38;
	[tilespmem:$0x8200] =	vst v63  }
0x49: {  	_ =	swait.ge [sflag:s21], $0x1000  }
0x4a: {  	[sflag:s21] =	ssyncset.done $0x0  }
0x4b: {  	[sflag:s21] =	ssyncadd.s32 $0xFFFFF000  }
0x4c: {  	_ =	swait.ge [sflag:s22], $0x1000  }
0x4d: {  	[sflag:s22] =	ssyncset.done $0x0  }
0x4e: {  	[sflag:s22] =	ssyncadd.s32 $0xFFFFF000  }
.Ltmp1:
0x4f: {  	_ =	swait.ge [sflag:s23], $0x1000;
	(pc) =	sbr.rel @p0 .LBB2_1-.Ltmp1, $4  }
0x50: {  	[sflag:s23] =	ssyncset.done $0x0  }
0x51: {  	[sflag:s23] =	ssyncadd.s32 $0xFFFFF000  }
0x52: {  	_ =	swait.ge [sflag:s24], $0x1000  }
0x53: {  	[sflag:s24] =	ssyncset.done $0x0  }
.LBB2_2:
0x54: {  	[sflag:s24] =	ssyncadd.s32 $0xFFFFF000  }
0x55: {  	_ =	sfence.sel $0x180000  }
0x56: {  	[bflag:$0x0] =	sbarrier.arrive $0xFFFF  }
0x57: {  	p0 =	sne.s32 s0, $0x0;
	_ =	strace $0x90000047  }
0x58: {  	s0 =	sadd.s32 @!p0 $0x100000, s1;
	[bflag:$0x2] =	sbarrier.arrive $0xFFFF  }
0x59: {  	[sflag:s0] =	ssyncadd.tile.s32 @!p0 $0x1;
	_ =	shalt  }
.Lfunc_end2:
_tile_overlayer_lowered:
.L_overlay_start_2:
0x5a: {  	(tag) =	ssettag $0x2  }
0x5b: {  	s0 =	rddreg [dreg:$0x0];
	s2 =	stileid.u32  }
0x5c: {  	s1 =	rddreg [dreg:$0x1];
	p0 =	sne.s32 s2, $0x0  }
0x5d: {  	s3 =	rddreg [dreg:$0x2];
	[bflag:$0x3] =	sbarrier.arrive $0xFFFF;
	s2 =	simm.s32 @!p0 $0x1C09  }
0x5e: {  	[timem:s3], [sflag:s2] =	dma.local @!p0 [hbm:s0], s1  }
0x5f: {  	s0 =	simm.s32 @!p0 $0x9  }
0x60: {  	_ =	swait.ge @!p0 [sflag:s0], s1  }
0x61: {  	s1 =	ssub.s32 @!p0 $0x0, s1;
	[sflag:s0] =	ssyncset.done @!p0 $0x0  }
0x62: {  	[sflag:s0] =	ssyncadd.s32 @!p0 s1  }
0x63: {  	[bflag:$0x3] =	sbarrier.arrive $0xFFFF  }
0x64: {  	_ =	shalt  }

// kernel: kernel.9.cloned.1.call-start
scs
__scs_entry_jumppad:
0x0: {  	(pc) =	sbr.rel $0x88, $3  }
0x1: {  	(tag) =	ssettag $0x0;
	lr =	simm.s32 $0x1  }
0x2: {  	[smem:$0x3F9E] =	sst lr;
	_ =	strace $0xD0000000  }
0x3: {  	_ = 	snop  }
0x4: {  	_ = 	snop  }
0x5: {  	_ = 	snop  }
0x6: {  	_ = 	snop  }
0x7: {  	_ = 	snop  }
__scs_overlays_trampoline_lowered:
0x8: {  	[smem:$0x3FAD] =	sst s0  }
0x9: {  	[smem:$0x3FAE] =	sst s1  }
0xa: {  	[smem:$0x3FAF] =	sst s2  }
0xb: {  	[smem:$0x3FB0] =	sst s3  }
0xc: {  	[smem:$0x3FB1] =	sst s4  }
0xd: {  	[smem:$0x3FB2] =	sst s5  }
0xe: {  	[smem:$0x3FB3] =	sst s6  }
0xf: {  	[smem:$0x3FB4] =	sst s7  }
0x10: {  	[smem:$0x3FB5] =	sst s8  }
0x11: {  	[smem:$0x3FB6] =	sst s9;
	s0 =	simm.s32 @!p0 $0x0  }
0x12: {  	s1 =	sld [smem:$0x3F9C];
	s0 =	simm.s32 @p0 $0x1  }
0x13: {  	[smem:$0x3FB7] =	sst s0;
	s0 =	simm.s32 @!p1 $0x0  }
0x14: {  	s2 =	sld [smem:$0x3F9B];
	s0 =	simm.s32 @p1 $0x1  }
0x15: {  	[smem:$0x3FB8] =	sst s0;
	s0 =	simm.s32 @!p2 $0x0  }
0x16: {  	s3 =	sld [smem:$0x3FDB];
	s0 =	simm.s32 @p2 $0x1  }
0x17: {  	s4 =	simm.s32 $0x1BF5;
	[smem:$0x3FBA] =	sst s0  }
0x18: {  	s0 =	sld [smem:$0x3F9D];
	_ =	swait.ge [sflag:s4], $0x0  }
0x19: {  	s7 =	sld [smem:$0x3F9E]  }
0x1a: {  	s8 =	sadd.s32 $0xFFFFE003, lr  }
0x1b: {  	s9 =	sadd.s32 $0xFFFFFEF7, lr;
	s5 =	simm.s32 $0xFFFFFFFF;
	p2 =	slt.u32 s8, $0xFFFFF086  }
0x1c: {  	p1 =	slt.u32 s9, $0xF7A;
	s5 =	simm.s32 @!p2 $0x0  }
0x1d: {  	s5 =	simm.s32 @p1 $0x1;
	p0 =	seq.s32 s7, s2  }
0x1e: {  	s7 =	smul.u32 @!p0 $0xF7A, s2;
	p2 =	seq.s32 @!p0 s5, $0x0  }
0x1f: {  	s9 =	smul.u32 $0xF7A, s1;
	s8 =	simm.s32 @!p0 $0x1BF5;
	p2 =	por !p2, p0  }
0x20: {  	[sflag:s8] =	ssyncset.s32 @!p0 $0xFFFFF086;
	s6 =	sadd.s32 @!p0 s3, s7;
	s7 =	simm.s32 @!p0 $0x108  }
0x21: {  	s3 =	sadd.s32 s3, s9;
	s6 =	sadd.s32 @!p0 $0x88, s6;
	s7 =	simm.s32 @p2 $0x1082  }
0x22: {  	[simem:s7], [sflag:s8] =	dma.local @!p0 [hbm:s6], $0xF7A  }
0x23: {  	s9 =	sor.u32 $0xD0000000, s2;
	s6 =	simm.s32 $0x108;
	_ =	swait.ge @!p0 [sflag:s8], $0x0  }
0x24: {  	s3 =	sadd.s32 $0x88, s3;
	s6 =	simm.s32 @!p1 $0x1082;
	[sflag:s4] =	ssyncset.s32 $0xFFFFF086  }
0x25: {  	[simem:s6], [sflag:s4] =	dma.local [hbm:s3], $0xF7A  }
0x26: {  	[smem:$0x3F9E] =	sst s1;
	(tag) =	ssettag s2;
	_ =	strace s9  }
0x27: {  	s1 =	sld [smem:$0x3FAE]  }
0x28: {  	s2 =	sld [smem:$0x3FAF]  }
0x29: {  	s4 =	sld [smem:$0x3FB1]  }
0x2a: {  	p0 =	seq.s32 s5, $0x0;
	s5 =	sld [smem:$0x3FB2]  }
0x2b: {  	s6 =	sld [smem:$0x3FB3]  }
0x2c: {  	s7 =	sld [smem:$0x3FB4]  }
0x2d: {  	s3 =	simm.s32 $0x108;
	s8 =	sld [smem:$0x3FB5]  }
0x2e: {  	s3 =	simm.s32 @!p0 $0x1082;
	s9 =	sld [smem:$0x3FB6]  }
0x2f: {  	lr =	sadd.s32 s0, s3;
	s0 =	sld [smem:$0x3FAD]  }
0x30: {  	s3 =	sld [smem:$0x3FB0]  }
0x31: {  	[smem:$0x3FB9] =	sst s10  }
0x32: {  	s10 =	sld [smem:$0x3FB7];
	_ =	sdelay $0x3  }
0x33: {  	p0 =	seq.s32 s10, $0x1;
	s10 =	sld [smem:$0x3FB9];
	_ =	sdelay $0x3  }
0x34: {  	[smem:$0x3FB9] =	sst s10  }
0x35: {  	s10 =	sld [smem:$0x3FB8];
	_ =	sdelay $0x3  }
0x36: {  	p1 =	seq.s32 s10, $0x1;
	s10 =	sld [smem:$0x3FB9];
	_ =	sdelay $0x3  }
0x37: {  	[smem:$0x3FB9] =	sst s10  }
0x38: {  	s10 =	sld [smem:$0x3FBA]  }
0x39: {  	_ = 	snop;
	(pc) =	sbr.ind lr, $3  }
0x3a: {  	_ = 	snop  }
0x3b: {  	_ = 	snop  }
0x3c: {  	p2 =	seq.s32 s10, $0x1;
	s10 =	sld [smem:$0x3FB9]  }
0x3d: {  	_ =	shalt  }
0x3e: {  	_ =	shalt  }
0x3f: {  	_ =	shalt  }
0x40: {  	_ =	shalt  }
0x41: {  	_ =	shalt  }
0x42: {  	_ =	shalt  }
0x43: {  	_ =	shalt  }
0x44: {  	_ =	shalt  }
0x45: {  	_ =	shalt  }
0x46: {  	_ =	shalt  }
0x47: {  	_ =	shalt  }
0x48: {  	_ =	shalt  }
0x49: {  	_ =	shalt  }
0x4a: {  	_ =	shalt  }
0x4b: {  	_ =	shalt  }
0x4c: {  	_ =	shalt  }
0x4d: {  	_ =	shalt  }
0x4e: {  	_ =	shalt  }
0x4f: {  	_ =	shalt  }
0x50: {  	_ =	shalt  }
0x51: {  	_ =	shalt  }
0x52: {  	_ =	shalt  }
0x53: {  	_ =	shalt  }
0x54: {  	_ =	shalt  }
0x55: {  	_ =	shalt  }
0x56: {  	_ =	shalt  }
0x57: {  	_ =	shalt  }
0x58: {  	_ =	shalt  }
0x59: {  	_ =	shalt  }
0x5a: {  	_ =	shalt  }
0x5b: {  	_ =	shalt  }
0x5c: {  	_ =	shalt  }
0x5d: {  	_ =	shalt  }
0x5e: {  	_ =	shalt  }
0x5f: {  	_ =	shalt  }
0x60: {  	_ =	shalt  }
0x61: {  	_ =	shalt  }
0x62: {  	_ =	shalt  }
0x63: {  	_ =	shalt  }
0x64: {  	_ =	shalt  }
0x65: {  	_ =	shalt  }
0x66: {  	_ =	shalt  }
0x67: {  	_ =	shalt  }
0x68: {  	_ =	shalt  }
0x69: {  	_ =	shalt  }
0x6a: {  	_ =	shalt  }
0x6b: {  	_ =	shalt  }
0x6c: {  	_ =	shalt  }
0x6d: {  	_ =	shalt  }
0x6e: {  	_ =	shalt  }
0x6f: {  	_ =	shalt  }
0x70: {  	_ =	shalt  }
0x71: {  	_ =	shalt  }
0x72: {  	_ =	shalt  }
0x73: {  	_ =	shalt  }
0x74: {  	_ =	shalt  }
0x75: {  	_ =	shalt  }
0x76: {  	_ =	shalt  }
0x77: {  	_ =	shalt  }
0x78: {  	_ =	shalt  }
0x79: {  	_ =	shalt  }
0x7a: {  	_ =	shalt  }
0x7b: {  	_ =	shalt  }
0x7c: {  	_ =	shalt  }
0x7d: {  	_ =	shalt  }
0x7e: {  	_ =	shalt  }
0x7f: {  	_ =	shalt  }
0x80: {  	_ =	shalt  }
0x81: {  	_ =	shalt  }
0x82: {  	_ =	shalt  }
0x83: {  	_ =	shalt  }
0x84: {  	_ =	shalt  }
0x85: {  	_ =	shalt  }
0x86: {  	_ =	shalt  }
0x87: {  	_ =	shalt  }
.Lfunc_end0:
.L_simem_size_0:
called_computation.1_lowered:
.L_overlay_start_0:
0x88: {  	s2 =	sld [smem:$0x3FD9]  }
0x89: {  	s3 =	sld [smem:$0x3FFE];
	_ =	sdelay $0x1  }
0x8a: {  	s1 =	srdreg.scid  }
0x8b: {  	s0 =	sand.u32 $0x1, s1  }
0x8c: {  	s17 =	sshll.u32 s0, $0xA;
	s2 =	sadd.s32 s3, s2  }
0x8d: {  	s2 =	sadd.s32 s2, s17  }
0x8e: {  	[smem:$0x3FC5] =	sst s2  }
0x8f: {  	_ = 	snop  }
0x90: {  	(tm) =	ssettm $0x1  }
0x91: {  	s18 =	sld [smem:$0x3FFB];
	_ =	sdelay $0x3  }
0x92: {  	_ =	strace s18  }
0x93: {  	s2 =	sld [smem:$0x3FFC];
	_ =	sdelay $0x3  }
0x94: {  	_ =	strace s2  }
0x95: {  	s2 =	sld [smem:$0x3FFD];
	_ =	sdelay $0x3  }
0x96: {  	_ =	strace s2  }
0x97: {  	_ =	strace $0x8FFFFFFF  }
0x98: {  	s19 =	sld [smem:$0x3FDB];
	_ =	sdelay $0x1  }
0x99: {  	s20 =	simm.s32 $_scs_section_size  }
0x9a: {  	s4 =	simm.s32 $_size__tile_overlayer_lowered;
	s5 =	simm.s32 $_tile_overlayer_lowered  }
0x9b: {  	s6 =	simm.s32 $0x1BFF;
	s21 =	sshll.u32 s5, $0x1;
	s3 =	sadd.s32 s20, s19  }
0x9c: {  	s22 =	simm.s32 $0x0;
	s4 =	sshll.u32 s4, $0x1;
	s5 =	sadd.s32 s21, s3  }
0x9d: {  	[timem:s22], [sflag:s6] =	dma.local [hbm:s5], s4  }
0x9e: {  	_ =	swait.ge [sflag:s6], s4  }
0x9f: {  	s4 =	ssub.s32 $0x0, s4;
	[sflag:s6] =	ssyncset.done $0x0  }
0xa0: {  	[sflag:s6] =	ssyncadd.s32 s4;
	_ =	sdelay $0x1  }
0xa1: {  	s23 =	simm.s32 $0x1B8B  }
0xa2: {  	_ =	swait.ge [sflag:s23], $0x1  }
0xa3: {  	[sflag:s23] =	ssyncset.done $0x0  }
0xa4: {  	[sflag:s23] =	ssyncadd.s32 $0xFFFFFFFF  }
0xa5: {  	s4 =	sld [smem:$0x0]  }
0xa6: {  	s5 =	sand.u32 $0xFFFFFFFE, s1  }
0xa7: {  	p0 =	sne.s32 s1, s5  }
0xa8: {  	s5 =	sshll.u32 @p0 s5, $0xE  }
0xa9: {  	s5 =	sadd.s32 @p0 $0x11B8D, s5;
	s6 =	sshll.u32 @p0 s4, $0x11  }
0xaa: {  	s5 =	sor.u32 @p0 s6, s5  }
0xab: {  	[sflag:s5] =	ssyncadd.remote.s32 @p0 $0x1;
	_ =	sdelay $0x1  }
0xac: {  	s5 =	simm.s32 @p0 $0x1B8D  }
0xad: {  	_ =	swait.eq @p0 [sflag:s5], $0x1  }
0xae: {  	[sflag:s5] =	ssyncadd.s32 @p0 $0xFFFFFFFF  }
0xaf: {  	s6 =	sshll.u32 @!p0 s1, $0xE  }
0xb0: {  	s6 =	sor.u32 @!p0 $0x4000, s6;
	s5 =	simm.s32 @!p0 $0x1B8D  }
0xb1: {  	s4 =	sshll.u32 @!p0 s4, $0x11;
	s6 =	sadd.s32 @!p0 $0x11B8D, s6;
	_ =	swait.eq @!p0 [sflag:s5], $0x1  }
0xb2: {  	s4 =	sor.u32 @!p0 s4, s6;
	[sflag:s5] =	ssyncadd.s32 @!p0 $0xFFFFFFFF  }
0xb3: {  	s25 =	simm.s32 $0x1B8E;
	s24 =	sld [smem:$0x3FFE];
	[sflag:s4] =	ssyncadd.remote.s32 @!p0 $0x1  }
0xb4: {  	s26 =	simm.s32 $execute0_lowered;
	[smem:$0x3FD2] =	sst s25  }
0xb5: {  	s5 =	sshll.u32 s26, $0x1;
	_ =	strace $0x8000004F;
	[dreg:$0x1] =	wrdreg $0xFFFFFFFF  }
0xb6: {  	s28 =	simm.s32 $_size_execute0_lowered;
	s3 =	sadd.s32 s3, s5;
	[dreg:$0x0] =	wrdreg $0x0  }
0xb7: {  	s5 =	sshll.u32 s28, $0x1;
	[dreg:$0x2] =	wrdreg s3  }
0xb8: {  	[dreg:$0x3] =	wrdreg s5  }
0xb9: {  	[dreg:$0x4] =	wrdreg $0xC0  }
0xba: {  	_ =	task [dreg:s22], $0x5FFFF  }
0xbb: {  	[dreg:$0x1] =	wrdreg $0xFFFFFFFF  }
0xbc: {  	[dreg:$0x0] =	wrdreg $0x60  }
0xbd: {  	[dreg:$0x2] =	wrdreg s24  }
0xbe: {  	[dreg:$0x3] =	wrdreg $0xA  }
0xbf: {  	_ =	task.clear_ibuf [dreg:s22], $0x4FFFF;
	_ =	strace $0x9000004F  }
0xc0: {  	s29 =	simm.s32 $0xA;
	_ =	strace $0x80000051  }
0xc1: {  	_ =	swait.ge [sflag:s29], $0x1  }
0xc2: {  	[sflag:s29] =	ssyncadd.s32 $0xFFFFFFFF  }
0xc3: {  	_ =	strace $0x90000051  }
0xc4: {  	_ =	sfence  }
0xc5: {  	s30 =	sld [smem:$0x0];
	_ =	sdelay $0x2  }
0xc6: {  	s31 =	sshll.u32 s1, $0xD;
	s1 =	sshrl.u32 s1, $0x2  }
0xc7: {  	s4 =	sand.u32 $0x4000, s31;
	s1 =	sadd.s32 s1, s30  }
0xc8: {  	s0 =	sor.u32 s4, s0;
	s1 =	sshll.u32 s1, $0x11  }
0xc9: {  	s0 =	sor.u32 s1, s0  }
0xca: {  	s0 =	sadd.s32 $0x8F2B, s0  }
0xcb: {  	[sflag:s0] =	ssyncadd.remote.s32 $0x1  }
0xcc: {  	_ =	sfence.sel $0xFFFF  }
0xcd: {  	[dreg:$0x0] =	wrdreg $0xFFFFFFFF;
	(pc) =	sbr.abs _section_cstart, $3  }
0xce: {  	[dreg:$0x1] =	wrdreg $0xFFFFFFFF  }
0xcf: {  	_ =	task.clear_ibuf [dreg:s22], $0x2FFFF;
	_ =	strace $0x9FFFFFFF  }
0xd0: {  	(tm) =	ssettm $0x7FFFFFFF  }
0xd1: {  	_ =	shalt  }
tec
execute0_lowered:
.L_overlay_start_1:
0x0: {  	(tag) =	ssettag $0x1  }
0x1: {  	s0 =	srdreg.scid  }
0x2: {  	s9 =	stileid.u32;
	s1 =	rddreg [dreg:$0x0]  }
0x3: {  	s2 =	simm.s32 $0x0;
	s0 =	sand.u32 $0x1, s0;
	s3 =	sshll.u32 s9, $0x1  }
0x4: {  	[smem:$0x7FF] =	sst s2;
	s3 =	sor.u32 s0, s3  }
0x5: {  	s6 =	sadd.s32 $0xD5C00, s1;
	s5 =	ssub.s32 $0x2, s0;
	s4 =	sshll.u32 s3, $0xB  }
0x6: {  	s7 =	sshrl.u32 s5, $0x1;
	s8 =	sshll.u32 s3, $0x10;
	s3 =	sadd.s32 $0x2400, s1  }
0x7: {  	s4 =	sadd.s32 s4, s1;
	s1 =	ssub.s32 s5, s7;
	s7 =	sadd.s32 s6, s8  }
0x8: {  	_ =	strace $0x80000050;
	s4 =	sadd.s32 $0x64000, s4;
	[dreg:$0xa] =	wrdreg s7  }
0x9: {  	s29 =	simm.s32 $0xA000;
	s22 =	sadd.s32 $0x200, s7;
	[dreg:$0xb] =	wrdreg s4  }
0xa: {  	s31 =	simm.s32 $0xB000;
	s23 =	sadd.s32 $0x400, s7;
	[dreg:$0xc] =	wrdreg s22  }
0xb: {  	s30 =	simm.s32 $0xD000;
	s24 =	sadd.s32 $0x600, s7;
	[dreg:$0xd] =	wrdreg s23  }
0xc: {  	s28 =	simm.s32 $0xE000;
	s25 =	sadd.s32 $0x800, s7;
	[dreg:$0xe] =	wrdreg s24  }
0xd: {  	s26 =	sshll.u32 s9, $0x11;
	s9 =	sadd.s32 $0xA00, s7;
	[dreg:$0xf] =	wrdreg s25  }
0xe: {  	s10 =	sadd.s32 s26, s6;
	s8 =	sadd.s32 $0xC00, s7;
	[dreg:$0x10] =	wrdreg s9  }
0xf: {  	s0 =	sshll.u32 s0, $0x10;
	s11 =	sadd.s32 $0xE00, s7;
	[dreg:$0x11] =	wrdreg s8  }
0x10: {  	s5 =	sadd.s32 s0, s10;
	s13 =	sadd.s32 $0xF000, s7;
	[dreg:$0x12] =	wrdreg s11  }
0x11: {  	s0 =	sor.u32 s0, s26;
	s12 =	sadd.s32 $0x1000, s5;
	[dreg:$0x13] =	wrdreg s13  }
0x12: {  	s10 =	simm.s32 $0xA;
	s15 =	sadd.s32 $0xF200, s7;
	[dreg:$0x2] =	wrdreg s12  }
0x13: {  	s0 =	sadd.s32 s0, s6;
	s17 =	sadd.s32 $0xF400, s7;
	[dreg:$0x14] =	wrdreg s15  }
0x14: {  	s19 =	sadd.s32 $0xF600, s7;
	s21 =	sadd.s32 $0xF800, s7;
	[dreg:$0x15] =	wrdreg s17  }
0x15: {  	s26 =	sadd.s32 $0xFE00, s7;
	s1 =	smax.u32 s1, $0x1;
	[dreg:$0x16] =	wrdreg s19  }
0x16: {  	s5 =	simm.s32 $0x3;
	s6 =	simm.s32 $0xF000;
	[dreg:$0x17] =	wrdreg s21  }
0x17: {  	s14 =	sadd.s32 $0x1600, s0;
	s16 =	sadd.s32 $0x1E00, s0;
	[dreg:$0x1a] =	wrdreg s26  }
0x18: {  	s18 =	sadd.s32 $0x1400, s0;
	s20 =	sadd.s32 $0x1C00, s0;
	[dreg:$0x1b] =	wrdreg s1  }
0x19: {  	s22 =	sadd.s32 $0x1200, s0;
	s23 =	sadd.s32 $0xFA00, s7;
	[dreg:$0x3] =	wrdreg s14  }
0x1a: {  	s24 =	sadd.s32 $0x1A00, s0;
	s25 =	sadd.s32 $0xFC00, s7;
	[dreg:$0x4] =	wrdreg s16  }
0x1b: {  	s0 =	sadd.s32 $0x1800, s0;
	s26 =	simm.s32 $0x9000;
	[dreg:$0x5] =	wrdreg s18  }
0x1c: {  	s1 =	simm.s32 $0x2;
	s7 =	simm.s32 $0x4;
	[dreg:$0x6] =	wrdreg s20  }
0x1d: {  	s8 =	simm.s32 $0x9;
	s9 =	simm.s32 $0x5;
	[dreg:$0x18] =	wrdreg s23  }
0x1e: {  	s11 =	simm.s32 $0x6;
	s12 =	simm.s32 $0xB;
	[dreg:$0x7] =	wrdreg s22  }
0x1f: {  	s13 =	simm.s32 $0x7;
	s15 =	simm.s32 $0x8;
	[dreg:$0x19] =	wrdreg s25  }
0x20: {  	s17 =	simm.s32 $0xE;
	s19 =	simm.s32 $0x10;
	[dreg:$0x8] =	wrdreg s24  }
0x21: {  	[dreg:$0x9] =	wrdreg s0;
	s24 =	simm.s32 $0x80;
	s25 =	simm.s32 $0x8000  }
0x22: {  	s0 =	simm.s32 $0xC000;
	s22 =	simm.s32 $0x1;
	s14 =	simm.s32 $0xC  }
0x23: {  	s16 =	simm.s32 $0xD;
	s18 =	simm.s32 $0xF;
	s20 =	simm.s32 $0x0  }
.LBB2_1:
0x24: {  	[dreg:$0x1c] =	wrdreg s20  }
0x25: {  	s4 =	rddreg [dreg:$0xb];
	s21 =	simm.s32 $0x4000;
	s23 =	simm.s32 $0x11  }
0x26: {  	[tilespmem:s21], [sflag:$0x11] =	stream.linear.gather [hbm4b:s4+s2], $0x4000, $0x38;
	[tilespmem:$0x10000] =	vst v63  }
0x27: {  	_ =	swait.ge [sflag:s23], $0x4000  }
0x28: {  	[sflag:s23] =	ssyncset.done $0x0  }
0x29: {  	s4 =	simm.s32 $0x0;
	[sflag:s23] =	ssyncadd.s32 $0xFFFFC000  }
0x2a: {  	v0 =	vld [tilespmem:s4+$0x4010]  }
0x2b: {  	s21 =	simm.s32 $0x80;
	v1 =	vld [tilespmem:s4+$0x4000]  }
.LBB2_2:
0x2c: {  	p0 =	sne.s32 s21, $0xFF80  }
.Ltmp0:
0x2d: {  	_ = 	snop;
	(pc) =	sbr.rel @p0 .LBB2_2-.Ltmp0, $4  }
0x2e: {  	_ = 	snop  }
0x2f: {  	s23 =	sshra.s32 s21, $0x2;
	s21 =	sadd.s32 $0x80, s21;
	[tilespmem:s4+$0x10] =	vst v0  }
0x30: {  	v0 =	vld [tilespmem:s23+$0x4010];
	[tilespmem:s4+$0x0] =	vst v1;
	s4 =	smov.u32 s23  }
0x31: {  	v1 =	vld [tilespmem:s4+$0x4000]  }
0x32: {  	_ =	sdelay $0x2  }
0x33: {  	[tilespmem:s4+$0x10] =	vst v0  }
0x34: {  	[tilespmem:s4+$0x0] =	vst v1;
	s4 =	simm.s32 $0x0  }
0x35: {  	[tilespmem:s25], [sflag:$0x1] =	stream.indirect.gather [hbm4b:s3+s24], $0x20, s4, s24, $0xb8;
	[tilespmem:$0x10000] =	vst v63  }
0x36: {  	_ = 	snop  }
0x37: {  	[tilespmem:s26], [sflag:$0x2] =	stream.indirect.gather [hbm4b:s3+s24], $0x20, s24, s24, $0xb8;
	[tilespmem:$0x10000] =	vst v63  }
0x38: {  	s20 =	simm.s32 $0x100  }
0x39: {  	[tilespmem:s29], [sflag:$0x3] =	stream.indirect.gather [hbm4b:s3+s24], $0x20, s20, s24, $0xb8;
	[tilespmem:$0x10000] =	vst v63  }
0x3a: {  	s21 =	simm.s32 $0x180  }
0x3b: {  	[tilespmem:s31], [sflag:$0x4] =	stream.indirect.gather [hbm4b:s3+s24], $0x20, s21, s24, $0xb8;
	[tilespmem:$0x10000] =	vst v63  }
0x3c: {  	s23 =	simm.s32 $0x200  }
0x3d: {  	[tilespmem:s0], [sflag:$0x5] =	stream.indirect.gather [hbm4b:s3+s24], $0x20, s23, s24, $0xb8;
	[tilespmem:$0x10000] =	vst v63  }
0x3e: {  	_ =	swait.ge [sflag:s22], $0x1000  }
0x3f: {  	[sflag:s22] =	ssyncset.done $0x0  }
0x40: {  	s21 =	rddreg [dreg:$0xa];
	[sflag:s22] =	ssyncadd.s32 $0xFFFFF000  }
0x41: {  	[hbm4b:s21+s4] =	stream.linear.scatter [tilespmem:s25], [sflag:$0x9], $0x1000, $0x38;
	[tilespmem:$0x10000] =	vst v63  }
0x42: {  	s23 =	simm.s32 $0x280  }
0x43: {  	[tilespmem:s30], [sflag:$0x6] =	stream.indirect.gather [hbm4b:s3+s24], $0x20, s23, s24, $0xb8;
	[tilespmem:$0x10000] =	vst v63  }
0x44: {  	_ =	swait.ge [sflag:s1], $0x1000  }
0x45: {  	[sflag:s1] =	ssyncset.done $0x0  }
0x46: {  	s21 =	rddreg [dreg:$0xc];
	[sflag:s1] =	ssyncadd.s32 $0xFFFFF000  }
0x47: {  	[hbm4b:s21+s4] =	stream.linear.scatter [tilespmem:s26], [sflag:$0xA], $0x1000, $0x38;
	[tilespmem:$0x10000] =	vst v63  }
0x48: {  	s23 =	simm.s32 $0x300  }
0x49: {  	[tilespmem:s28], [sflag:$0x7] =	stream.indirect.gather [hbm4b:s3+s24], $0x20, s23, s24, $0xb8;
	[tilespmem:$0x10000] =	vst v63  }
0x4a: {  	_ =	swait.ge [sflag:s5], $0x1000  }
0x4b: {  	[sflag:s5] =	ssyncset.done $0x0  }
0x4c: {  	s21 =	rddreg [dreg:$0xd];
	[sflag:s5] =	ssyncadd.s32 $0xFFFFF000  }
0x4d: {  	[hbm4b:s21+s4] =	stream.linear.scatter [tilespmem:s29], [sflag:$0xB], $0x1000, $0x38;
	[tilespmem:$0x10000] =	vst v63  }
0x4e: {  	s23 =	simm.s32 $0x380  }
0x4f: {  	[tilespmem:s6], [sflag:$0x8] =	stream.indirect.gather [hbm4b:s3+s24], $0x20, s23, s24, $0xb8;
	[tilespmem:$0x10000] =	vst v63  }
0x50: {  	_ =	swait.ge [sflag:s7], $0x1000  }
0x51: {  	[sflag:s7] =	ssyncset.done $0x0  }
0x52: {  	s21 =	rddreg [dreg:$0xe];
	[sflag:s7] =	ssyncadd.s32 $0xFFFFF000  }
0x53: {  	[hbm4b:s21+s4] =	stream.linear.scatter [tilespmem:s31], [sflag:$0xC], $0x1000, $0x38;
	[tilespmem:$0x10000] =	vst v63  }
0x54: {  	_ =	swait.ge [sflag:s8], $0x1000  }
0x55: {  	[sflag:s8] =	ssyncset.done $0x0  }
0x56: {  	s23 =	simm.s32 $0x400;
	[sflag:s8] =	ssyncadd.s32 $0xFFFFF000  }
0x57: {  	[tilespmem:s25], [sflag:$0x1] =	stream.indirect.gather [hbm4b:s3+s24], $0x20, s23, s24, $0xb8;
	[tilespmem:$0x10000] =	vst v63  }
0x58: {  	_ =	swait.ge [sflag:s9], $0x1000  }
0x59: {  	[sflag:s9] =	ssyncset.done $0x0  }
0x5a: {  	s21 =	rddreg [dreg:$0xf];
	[sflag:s9] =	ssyncadd.s32 $0xFFFFF000  }
0x5b: {  	[hbm4b:s21+s4] =	stream.linear.scatter [tilespmem:s0], [sflag:$0xD], $0x1000, $0x38;
	[tilespmem:$0x10000] =	vst v63  }
0x5c: {  	_ =	swait.ge [sflag:s10], $0x1000  }
0x5d: {  	[sflag:s10] =	ssyncset.done $0x0  }
0x5e: {  	s23 =	simm.s32 $0x480;
	[sflag:s10] =	ssyncadd.s32 $0xFFFFF000  }
0x5f: {  	[tilespmem:s26], [sflag:$0x2] =	stream.indirect.gather [hbm4b:s3+s24], $0x20, s23, s24, $0xb8;
	[tilespmem:$0x10000] =	vst v63  }
0x60: {  	_ =	swait.ge [sflag:s11], $0x1000  }
0x61: {  	[sflag:s11] =	ssyncset.done $0x0  }
0x62: {  	s21 =	rddreg [dreg:$0x10];
	[sflag:s11] =	ssyncadd.s32 $0xFFFFF000  }
0x63: {  	[hbm4b:s21+s4] =	stream.linear.scatter [tilespmem:s30], [sflag:$0xE], $0x1000, $0x38;
	[tilespmem:$0x10000] =	vst v63  }
0x64: {  	_ =	swait.ge [sflag:s12], $0x1000  }
0x65: {  	[sflag:s12] =	ssyncset.done $0x0  }
0x66: {  	s23 =	simm.s32 $0x500;
	[sflag:s12] =	ssyncadd.s32 $0xFFFFF000  }
0x67: {  	[tilespmem:s29], [sflag:$0x3] =	stream.indirect.gather [hbm4b:s3+s24], $0x20, s23, s24, $0xb8;
	[tilespmem:$0x10000] =	vst v63  }
0x68: {  	_ =	swait.ge [sflag:s13], $0x1000  }
0x69: {  	[sflag:s13] =	ssyncset.done $0x0  }
0x6a: {  	s21 =	rddreg [dreg:$0x11];
	[sflag:s13] =	ssyncadd.s32 $0xFFFFF000  }
0x6b: {  	[hbm4b:s21+s4] =	stream.linear.scatter [tilespmem:s28], [sflag:$0xF], $0x1000, $0x38;
	[tilespmem:$0x10000] =	vst v63  }
0x6c: {  	_ =	swait.ge [sflag:s14], $0x1000  }
0x6d: {  	[sflag:s14] =	ssyncset.done $0x0  }
0x6e: {  	s23 =	simm.s32 $0x580;
	[sflag:s14] =	ssyncadd.s32 $0xFFFFF000  }
0x6f: {  	[tilespmem:s31], [sflag:$0x4] =	stream.indirect.gather [hbm4b:s3+s24], $0x20, s23, s24, $0xb8;
	[tilespmem:$0x10000] =	vst v63  }
0x70: {  	_ =	swait.ge [sflag:s15], $0x1000  }
0x71: {  	[sflag:s15] =	ssyncset.done $0x0  }
0x72: {  	s21 =	rddreg [dreg:$0x12];
	[sflag:s15] =	ssyncadd.s32 $0xFFFFF000  }
0x73: {  	[hbm4b:s21+s4] =	stream.linear.scatter [tilespmem:s6], [sflag:$0x10], $0x1000, $0x38;
	[tilespmem:$0x10000] =	vst v63  }
0x74: {  	_ =	swait.ge [sflag:s16], $0x1000  }
0x75: {  	[sflag:s16] =	ssyncset.done $0x0  }
0x76: {  	s23 =	simm.s32 $0x600;
	[sflag:s16] =	ssyncadd.s32 $0xFFFFF000  }
0x77: {  	[tilespmem:s0], [sflag:$0x5] =	stream.indirect.gather [hbm4b:s3+s24], $0x20, s23, s24, $0xb8;
	[tilespmem:$0x10000] =	vst v63  }
0x78: {  	_ =	swait.ge [sflag:s22], $0x1000  }
0x79: {  	s20 =	rddreg [dreg:$0x2];
	[sflag:s22] =	ssyncset.done $0x0  }
0x7a: {  	[sflag:s22] =	ssyncadd.s32 $0xFFFFF000;
	s4 =	sadd.s32 $0x0, s20  }
0x7b: {  	[hbm4b:s4+s2] =	stream.linear.scatter [tilespmem:s25], [sflag:$0x9], $0x1000, $0x38;
	[tilespmem:$0x10000] =	vst v63  }
0x7c: {  	_ =	swait.ge [sflag:s17], $0x1000  }
0x7d: {  	[sflag:s17] =	ssyncset.done $0x0  }
0x7e: {  	s21 =	simm.s32 $0x680;
	[sflag:s17] =	ssyncadd.s32 $0xFFFFF000  }
0x7f: {  	[tilespmem:s30], [sflag:$0x6] =	stream.indirect.gather [hbm4b:s3+s24], $0x20, s21, s24, $0xb8;
	[tilespmem:$0x10000] =	vst v63  }
0x80: {  	_ =	swait.ge [sflag:s1], $0x1000  }
0x81: {  	s23 =	rddreg [dreg:$0x7];
	[sflag:s1] =	ssyncset.done $0x0  }
0x82: {  	[sflag:s1] =	ssyncadd.s32 $0xFFFFF000;
	s4 =	sadd.s32 $0x0, s23  }
0x83: {  	[hbm4b:s4+s2] =	stream.linear.scatter [tilespmem:s26], [sflag:$0xA], $0x1000, $0x38;
	[tilespmem:$0x10000] =	vst v63  }
0x84: {  	_ =	swait.ge [sflag:s18], $0x1000  }
0x85: {  	[sflag:s18] =	ssyncset.done $0x0  }
0x86: {  	s20 =	simm.s32 $0x700;
	[sflag:s18] =	ssyncadd.s32 $0xFFFFF000  }
0x87: {  	[tilespmem:s28], [sflag:$0x7] =	stream.indirect.gather [hbm4b:s3+s24], $0x20, s20, s24, $0xb8;
	[tilespmem:$0x10000] =	vst v63  }
0x88: {  	_ =	swait.ge [sflag:s5], $0x1000  }
0x89: {  	s21 =	rddreg [dreg:$0x5];
	[sflag:s5] =	ssyncset.done $0x0  }
0x8a: {  	[sflag:s5] =	ssyncadd.s32 $0xFFFFF000;
	s4 =	sadd.s32 $0x0, s21  }
0x8b: {  	[hbm4b:s4+s2] =	stream.linear.scatter [tilespmem:s29], [sflag:$0xB], $0x1000, $0x38;
	[tilespmem:$0x10000] =	vst v63  }
0x8c: {  	_ =	swait.ge [sflag:s19], $0x1000  }
0x8d: {  	[sflag:s19] =	ssyncset.done $0x0  }
0x8e: {  	s23 =	simm.s32 $0x780;
	[sflag:s19] =	ssyncadd.s32 $0xFFFFF000  }
0x8f: {  	[tilespmem:s6], [sflag:$0x8] =	stream.indirect.gather [hbm4b:s3+s24], $0x20, s23, s24, $0xb8;
	[tilespmem:$0x10000] =	vst v63  }
0x90: {  	_ =	swait.ge [sflag:s7], $0x1000  }
0x91: {  	s20 =	rddreg [dreg:$0x3];
	[sflag:s7] =	ssyncset.done $0x0  }
0x92: {  	[sflag:s7] =	ssyncadd.s32 $0xFFFFF000;
	s4 =	sadd.s32 $0x0, s20  }
0x93: {  	[hbm4b:s4+s2] =	stream.linear.scatter [tilespmem:s31], [sflag:$0xC], $0x1000, $0x38;
	[tilespmem:$0x10000] =	vst v63  }
0x94: {  	_ =	swait.ge [sflag:s8], $0x1000  }
0x95: {  	[sflag:s8] =	ssyncset.done $0x0  }
0x96: {  	s21 =	simm.s32 $0x800;
	[sflag:s8] =	ssyncadd.s32 $0xFFFFF000  }
0x97: {  	[tilespmem:s25], [sflag:$0x1] =	stream.indirect.gather [hbm4b:s3+s24], $0x20, s21, s24, $0xb8;
	[tilespmem:$0x10000] =	vst v63  }
0x98: {  	_ =	swait.ge [sflag:s9], $0x1000  }
0x99: {  	s23 =	rddreg [dreg:$0x9];
	[sflag:s9] =	ssyncset.done $0x0  }
0x9a: {  	[sflag:s9] =	ssyncadd.s32 $0xFFFFF000;
	s4 =	sadd.s32 $0x0, s23  }
0x9b: {  	[hbm4b:s4+s2] =	stream.linear.scatter [tilespmem:s0], [sflag:$0xD], $0x1000, $0x38;
	[tilespmem:$0x10000] =	vst v63  }
0x9c: {  	_ =	swait.ge [sflag:s10], $0x1000  }
0x9d: {  	[sflag:s10] =	ssyncset.done $0x0  }
0x9e: {  	s20 =	simm.s32 $0x880;
	[sflag:s10] =	ssyncadd.s32 $0xFFFFF000  }
0x9f: {  	[tilespmem:s26], [sflag:$0x2] =	stream.indirect.gather [hbm4b:s3+s24], $0x20, s20, s24, $0xb8;
	[tilespmem:$0x10000] =	vst v63  }
0xa0: {  	_ =	swait.ge [sflag:s11], $0x1000  }
0xa1: {  	s21 =	rddreg [dreg:$0x8];
	[sflag:s11] =	ssyncset.done $0x0  }
0xa2: {  	[sflag:s11] =	ssyncadd.s32 $0xFFFFF000;
	s4 =	sadd.s32 $0x0, s21  }
0xa3: {  	[hbm4b:s4+s2] =	stream.linear.scatter [tilespmem:s30], [sflag:$0xE], $0x1000, $0x38;
	[tilespmem:$0x10000] =	vst v63  }
0xa4: {  	_ =	swait.ge [sflag:s12], $0x1000  }
0xa5: {  	[sflag:s12] =	ssyncset.done $0x0  }
0xa6: {  	s23 =	simm.s32 $0x900;
	[sflag:s12] =	ssyncadd.s32 $0xFFFFF000  }
0xa7: {  	[tilespmem:s29], [sflag:$0x3] =	stream.indirect.gather [hbm4b:s3+s24], $0x20, s23, s24, $0xb8;
	[tilespmem:$0x10000] =	vst v63  }
0xa8: {  	_ =	swait.ge [sflag:s13], $0x1000  }
0xa9: {  	s20 =	rddreg [dreg:$0x6];
	[sflag:s13] =	ssyncset.done $0x0  }
0xaa: {  	[sflag:s13] =	ssyncadd.s32 $0xFFFFF000;
	s4 =	sadd.s32 $0x0, s20  }
0xab: {  	[hbm4b:s4+s2] =	stream.linear.scatter [tilespmem:s28], [sflag:$0xF], $0x1000, $0x38;
	[tilespmem:$0x10000] =	vst v63  }
0xac: {  	_ =	swait.ge [sflag:s14], $0x1000  }
0xad: {  	[sflag:s14] =	ssyncset.done $0x0  }
0xae: {  	s21 =	simm.s32 $0x980;
	[sflag:s14] =	ssyncadd.s32 $0xFFFFF000  }
0xaf: {  	[tilespmem:s31], [sflag:$0x4] =	stream.indirect.gather [hbm4b:s3+s24], $0x20, s21, s24, $0xb8;
	[tilespmem:$0x10000] =	vst v63  }
0xb0: {  	_ =	swait.ge [sflag:s15], $0x1000  }
0xb1: {  	s23 =	rddreg [dreg:$0x4];
	[sflag:s15] =	ssyncset.done $0x0  }
0xb2: {  	s21 =	simm.s32 $0x1000;
	[sflag:s15] =	ssyncadd.s32 $0xFFFFF000;
	s4 =	sadd.s32 $0x0, s23  }
.LBB2_4:
0xb3: {  	[hbm4b:s4+s2] =	stream.linear.scatter [tilespmem:s6], [sflag:$0x10], $0x1000, $0x38;
	[tilespmem:$0x10000] =	vst v63  }
0xb4: {  	s4 =	smov.u32 s21;
	_ =	swait.ge [sflag:s16], $0x1000  }
0xb5: {  	s23 =	sshra.s32 s4, $0x2;
	[sflag:s16] =	ssyncset.done $0x0  }
0xb6: {  	s20 =	sadd.s32 $0x600, s23;
	[sflag:s16] =	ssyncadd.s32 $0xFFFFF000  }
0xb7: {  	[tilespmem:s0], [sflag:$0x5] =	stream.indirect.gather [hbm4b:s3+s24], $0x20, s20, s24, $0xb8;
	[tilespmem:$0x10000] =	vst v63  }
0xb8: {  	_ =	swait.ge [sflag:s22], $0x1000  }
0xb9: {  	s20 =	rddreg [dreg:$0x2];
	[sflag:s22] =	ssyncset.done $0x0  }
0xba: {  	[sflag:s22] =	ssyncadd.s32 $0xFFFFF000;
	s20 =	sadd.s32 s4, s20  }
0xbb: {  	[hbm4b:s20+s2] =	stream.linear.scatter [tilespmem:s25], [sflag:$0x9], $0x1000, $0x38;
	[tilespmem:$0x10000] =	vst v63  }
0xbc: {  	_ =	swait.ge [sflag:s17], $0x1000  }
0xbd: {  	[sflag:s17] =	ssyncset.done $0x0  }
0xbe: {  	s20 =	sadd.s32 $0x680, s23;
	[sflag:s17] =	ssyncadd.s32 $0xFFFFF000  }
0xbf: {  	[tilespmem:s30], [sflag:$0x6] =	stream.indirect.gather [hbm4b:s3+s24], $0x20, s20, s24, $0xb8;
	[tilespmem:$0x10000] =	vst v63  }
0xc0: {  	_ =	swait.ge [sflag:s1], $0x1000  }
0xc1: {  	s20 =	rddreg [dreg:$0x7];
	[sflag:s1] =	ssyncset.done $0x0  }
0xc2: {  	[sflag:s1] =	ssyncadd.s32 $0xFFFFF000;
	s20 =	sadd.s32 s4, s20  }
0xc3: {  	[hbm4b:s20+s2] =	stream.linear.scatter [tilespmem:s26], [sflag:$0xA], $0x1000, $0x38;
	[tilespmem:$0x10000] =	vst v63  }
0xc4: {  	_ =	swait.ge [sflag:s18], $0x1000  }
0xc5: {  	[sflag:s18] =	ssyncset.done $0x0  }
0xc6: {  	s20 =	sadd.s32 $0x700, s23;
	[sflag:s18] =	ssyncadd.s32 $0xFFFFF000  }
0xc7: {  	[tilespmem:s28], [sflag:$0x7] =	stream.indirect.gather [hbm4b:s3+s24], $0x20, s20, s24, $0xb8;
	[tilespmem:$0x10000] =	vst v63  }
0xc8: {  	_ =	swait.ge [sflag:s5], $0x1000  }
0xc9: {  	s20 =	rddreg [dreg:$0x5];
	[sflag:s5] =	ssyncset.done $0x0  }
0xca: {  	[sflag:s5] =	ssyncadd.s32 $0xFFFFF000;
	s20 =	sadd.s32 s4, s20  }
0xcb: {  	[hbm4b:s20+s2] =	stream.linear.scatter [tilespmem:s29], [sflag:$0xB], $0x1000, $0x38;
	[tilespmem:$0x10000] =	vst v63  }
0xcc: {  	_ =	swait.ge [sflag:s19], $0x1000  }
0xcd: {  	[sflag:s19] =	ssyncset.done $0x0  }
0xce: {  	s20 =	sadd.s32 $0x780, s23;
	[sflag:s19] =	ssyncadd.s32 $0xFFFFF000  }
0xcf: {  	[tilespmem:s6], [sflag:$0x8] =	stream.indirect.gather [hbm4b:s3+s24], $0x20, s20, s24, $0xb8;
	[tilespmem:$0x10000] =	vst v63  }
0xd0: {  	_ =	swait.ge [sflag:s7], $0x1000  }
0xd1: {  	s20 =	rddreg [dreg:$0x3];
	[sflag:s7] =	ssyncset.done $0x0  }
0xd2: {  	[sflag:s7] =	ssyncadd.s32 $0xFFFFF000;
	s20 =	sadd.s32 s4, s20  }
0xd3: {  	[hbm4b:s20+s2] =	stream.linear.scatter [tilespmem:s31], [sflag:$0xC], $0x1000, $0x38;
	[tilespmem:$0x10000] =	vst v63  }
0xd4: {  	_ =	swait.ge [sflag:s8], $0x1000  }
0xd5: {  	[sflag:s8] =	ssyncset.done $0x0  }
0xd6: {  	s20 =	sadd.s32 $0x800, s23;
	[sflag:s8] =	ssyncadd.s32 $0xFFFFF000  }
0xd7: {  	[tilespmem:s25], [sflag:$0x1] =	stream.indirect.gather [hbm4b:s3+s24], $0x20, s20, s24, $0xb8;
	[tilespmem:$0x10000] =	vst v63  }
0xd8: {  	_ =	swait.ge [sflag:s9], $0x1000  }
0xd9: {  	s20 =	rddreg [dreg:$0x9];
	[sflag:s9] =	ssyncset.done $0x0  }
0xda: {  	[sflag:s9] =	ssyncadd.s32 $0xFFFFF000;
	s20 =	sadd.s32 s4, s20  }
0xdb: {  	[hbm4b:s20+s2] =	stream.linear.scatter [tilespmem:s0], [sflag:$0xD], $0x1000, $0x38;
	[tilespmem:$0x10000] =	vst v63  }
0xdc: {  	_ =	swait.ge [sflag:s10], $0x1000  }
0xdd: {  	[sflag:s10] =	ssyncset.done $0x0  }
0xde: {  	s20 =	sadd.s32 $0x880, s23;
	[sflag:s10] =	ssyncadd.s32 $0xFFFFF000  }
0xdf: {  	[tilespmem:s26], [sflag:$0x2] =	stream.indirect.gather [hbm4b:s3+s24], $0x20, s20, s24, $0xb8;
	[tilespmem:$0x10000] =	vst v63  }
0xe0: {  	_ =	swait.ge [sflag:s11], $0x1000  }
0xe1: {  	s20 =	rddreg [dreg:$0x8];
	[sflag:s11] =	ssyncset.done $0x0  }
0xe2: {  	[sflag:s11] =	ssyncadd.s32 $0xFFFFF000;
	s20 =	sadd.s32 s4, s20  }
0xe3: {  	[hbm4b:s20+s2] =	stream.linear.scatter [tilespmem:s30], [sflag:$0xE], $0x1000, $0x38;
	[tilespmem:$0x10000] =	vst v63  }
0xe4: {  	_ =	swait.ge [sflag:s12], $0x1000  }
0xe5: {  	[sflag:s12] =	ssyncset.done $0x0  }
0xe6: {  	s20 =	sadd.s32 $0x900, s23;
	[sflag:s12] =	ssyncadd.s32 $0xFFFFF000  }
0xe7: {  	[tilespmem:s29], [sflag:$0x3] =	stream.indirect.gather [hbm4b:s3+s24], $0x20, s20, s24, $0xb8;
	[tilespmem:$0x10000] =	vst v63  }
0xe8: {  	_ =	swait.ge [sflag:s13], $0x1000  }
0xe9: {  	s20 =	rddreg [dreg:$0x6];
	[sflag:s13] =	ssyncset.done $0x0  }
0xea: {  	[sflag:s13] =	ssyncadd.s32 $0xFFFFF000;
	s20 =	sadd.s32 s4, s20  }
0xeb: {  	[hbm4b:s20+s2] =	stream.linear.scatter [tilespmem:s28], [sflag:$0xF], $0x1000, $0x38;
	[tilespmem:$0x10000] =	vst v63  }
0xec: {  	_ =	swait.ge [sflag:s14], $0x1000  }
0xed: {  	p0 =	sne.s32 s21, $0xD000;
	[sflag:s14] =	ssyncset.done $0x0  }
.Ltmp1:
0xee: {  	s23 =	sadd.s32 $0x980, s23;
	[sflag:s14] =	ssyncadd.s32 $0xFFFFF000;
	(pc) =	sbr.rel @p0 .LBB2_4-.Ltmp1, $4  }
0xef: {  	[tilespmem:s31], [sflag:$0x4] =	stream.indirect.gather [hbm4b:s3+s24], $0x20, s23, s24, $0xb8;
	[tilespmem:$0x10000] =	vst v63  }
0xf0: {  	_ =	swait.ge [sflag:s15], $0x1000  }
0xf1: {  	[sflag:s15] =	ssyncset.done $0x0;
	s23 =	rddreg [dreg:$0x4]  }
0xf2: {  	s21 =	sadd.s32 $0x1000, s21;
	[sflag:s15] =	ssyncadd.s32 $0xFFFFF000;
	s4 =	sadd.s32 s4, s23  }
0xf3: {  	[hbm4b:s4+s2] =	stream.linear.scatter [tilespmem:s6], [sflag:$0x10], $0x1000, $0x38;
	[tilespmem:$0x10000] =	vst v63  }
0xf4: {  	_ =	swait.ge [sflag:s16], $0x1000  }
0xf5: {  	[sflag:s16] =	ssyncset.done $0x0  }
0xf6: {  	s23 =	simm.s32 $0x3E00;
	[sflag:s16] =	ssyncadd.s32 $0xFFFFF000  }
0xf7: {  	[tilespmem:s0], [sflag:$0x5] =	stream.indirect.gather [hbm4b:s3+s24], $0x20, s23, s24, $0xb8;
	[tilespmem:$0x10000] =	vst v63  }
0xf8: {  	_ =	swait.ge [sflag:s22], $0x1000  }
0xf9: {  	[sflag:s22] =	ssyncset.done $0x0  }
0xfa: {  	s20 =	rddreg [dreg:$0x13];
	[sflag:s22] =	ssyncadd.s32 $0xFFFFF000  }
0xfb: {  	[hbm4b:s20+s2] =	stream.linear.scatter [tilespmem:s25], [sflag:$0x9], $0x1000, $0x38;
	[tilespmem:$0x10000] =	vst v63  }
0xfc: {  	_ =	swait.ge [sflag:s17], $0x1000  }
0xfd: {  	[sflag:s17] =	ssyncset.done $0x0  }
0xfe: {  	s21 =	simm.s32 $0x3E80;
	[sflag:s17] =	ssyncadd.s32 $0xFFFFF000  }
0xff: {  	[tilespmem:s30], [sflag:$0x6] =	stream.indirect.gather [hbm4b:s3+s24], $0x20, s21, s24, $0xb8;
	[tilespmem:$0x10000] =	vst v63  }
0x100: {  	_ =	swait.ge [sflag:s1], $0x1000  }
0x101: {  	[sflag:s1] =	ssyncset.done $0x0  }
0x102: {  	s23 =	rddreg [dreg:$0x14];
	[sflag:s1] =	ssyncadd.s32 $0xFFFFF000  }
0x103: {  	[hbm4b:s23+s2] =	stream.linear.scatter [tilespmem:s26], [sflag:$0xA], $0x1000, $0x38;
	[tilespmem:$0x10000] =	vst v63  }
0x104: {  	_ =	swait.ge [sflag:s18], $0x1000  }
0x105: {  	[sflag:s18] =	ssyncset.done $0x0  }
0x106: {  	s20 =	simm.s32 $0x3F00;
	[sflag:s18] =	ssyncadd.s32 $0xFFFFF000  }
0x107: {  	[tilespmem:s28], [sflag:$0x7] =	stream.indirect.gather [hbm4b:s3+s24], $0x20, s20, s24, $0xb8;
	[tilespmem:$0x10000] =	vst v63  }
0x108: {  	_ =	swait.ge [sflag:s5], $0x1000  }
0x109: {  	[sflag:s5] =	ssyncset.done $0x0  }
0x10a: {  	s21 =	rddreg [dreg:$0x15];
	[sflag:s5] =	ssyncadd.s32 $0xFFFFF000  }
0x10b: {  	[hbm4b:s21+s2] =	stream.linear.scatter [tilespmem:s29], [sflag:$0xB], $0x1000, $0x38;
	[tilespmem:$0x10000] =	vst v63  }
0x10c: {  	_ =	swait.ge [sflag:s19], $0x1000  }
0x10d: {  	[sflag:s19] =	ssyncset.done $0x0  }
0x10e: {  	s23 =	simm.s32 $0x3F80;
	[sflag:s19] =	ssyncadd.s32 $0xFFFFF000  }
0x10f: {  	[tilespmem:s6], [sflag:$0x8] =	stream.indirect.gather [hbm4b:s3+s24], $0x20, s23, s24, $0xb8;
	[tilespmem:$0x10000] =	vst v63  }
0x110: {  	_ =	swait.ge [sflag:s7], $0x1000  }
0x111: {  	[sflag:s7] =	ssyncset.done $0x0  }
0x112: {  	s20 =	rddreg [dreg:$0x16];
	[sflag:s7] =	ssyncadd.s32 $0xFFFFF000  }
0x113: {  	[hbm4b:s20+s2] =	stream.linear.scatter [tilespmem:s31], [sflag:$0xC], $0x1000, $0x38;
	[tilespmem:$0x10000] =	vst v63  }
0x114: {  	_ =	swait.ge [sflag:s9], $0x1000  }
0x115: {  	[sflag:s9] =	ssyncset.done $0x0  }
0x116: {  	s21 =	rddreg [dreg:$0x17];
	[sflag:s9] =	ssyncadd.s32 $0xFFFFF000  }
0x117: {  	[hbm4b:s21+s2] =	stream.linear.scatter [tilespmem:s0], [sflag:$0xD], $0x1000, $0x38;
	[tilespmem:$0x10000] =	vst v63  }
0x118: {  	_ =	swait.ge [sflag:s11], $0x1000  }
0x119: {  	[sflag:s11] =	ssyncset.done $0x0  }
0x11a: {  	s23 =	rddreg [dreg:$0x18];
	[sflag:s11] =	ssyncadd.s32 $0xFFFFF000  }
0x11b: {  	[hbm4b:s23+s2] =	stream.linear.scatter [tilespmem:s30], [sflag:$0xE], $0x1000, $0x38;
	[tilespmem:$0x10000] =	vst v63  }
0x11c: {  	_ =	swait.ge [sflag:s13], $0x1000  }
0x11d: {  	[sflag:s13] =	ssyncset.done $0x0  }
0x11e: {  	s20 =	rddreg [dreg:$0x19];
	[sflag:s13] =	ssyncadd.s32 $0xFFFFF000  }
0x11f: {  	[hbm4b:s20+s2] =	stream.linear.scatter [tilespmem:s28], [sflag:$0xF], $0x1000, $0x38;
	[tilespmem:$0x10000] =	vst v63  }
0x120: {  	_ =	swait.ge [sflag:s15], $0x1000  }
0x121: {  	[sflag:s15] =	ssyncset.done $0x0  }
0x122: {  	s21 =	rddreg [dreg:$0x1a];
	[sflag:s15] =	ssyncadd.s32 $0xFFFFF000  }
0x123: {  	[hbm4b:s21+s2] =	stream.linear.scatter [tilespmem:s6], [sflag:$0x10], $0x1000, $0x38;
	[tilespmem:$0x10000] =	vst v63  }
0x124: {  	_ =	swait.ge [sflag:s8], $0x1000  }
0x125: {  	[sflag:s8] =	ssyncset.done $0x0  }
0x126: {  	[sflag:s8] =	ssyncadd.s32 $0xFFFFF000  }
0x127: {  	_ =	swait.ge [sflag:s10], $0x1000  }
0x128: {  	[sflag:s10] =	ssyncset.done $0x0  }
0x129: {  	[sflag:s10] =	ssyncadd.s32 $0xFFFFF000  }
0x12a: {  	_ =	swait.ge [sflag:s12], $0x1000  }
0x12b: {  	[sflag:s12] =	ssyncset.done $0x0  }
0x12c: {  	[sflag:s12] =	ssyncadd.s32 $0xFFFFF000  }
0x12d: {  	_ =	swait.ge [sflag:s14], $0x1000  }
0x12e: {  	[sflag:s14] =	ssyncset.done $0x0  }
0x12f: {  	[sflag:s14] =	ssyncadd.s32 $0xFFFFF000  }
0x130: {  	_ =	swait.ge [sflag:s16], $0x1000  }
0x131: {  	[sflag:s16] =	ssyncset.done $0x0  }
0x132: {  	[sflag:s16] =	ssyncadd.s32 $0xFFFFF000  }
0x133: {  	_ =	swait.ge [sflag:s17], $0x1000  }
0x134: {  	[sflag:s17] =	ssyncset.done $0x0  }
0x135: {  	[sflag:s17] =	ssyncadd.s32 $0xFFFFF000  }
0x136: {  	_ =	swait.ge [sflag:s18], $0x1000  }
0x137: {  	[sflag:s18] =	ssyncset.done $0x0  }
0x138: {  	[sflag:s18] =	ssyncadd.s32 $0xFFFFF000  }
0x139: {  	_ =	swait.ge [sflag:s19], $0x1000  }
0x13a: {  	s20 =	rddreg [dreg:$0x1c]  }
0x13b: {  	s23 =	rddreg [dreg:$0x1b];
	s20 =	sadd.s32 $0x1, s20  }
0x13c: {  	p0 =	sne.s32 s20, s23  }
.Ltmp2:
0x13d: {  	_ = 	snop;
	(pc) =	sbr.rel @p0 .LBB2_1-.Ltmp2, $3  }
0x13e: {  	_ =	sdelay $0x1  }
0x13f: {  	[sflag:s19] =	ssyncset.done $0x0  }
0x140: {  	[sflag:s19] =	ssyncadd.s32 $0xFFFFF000  }
0x141: {  	_ =	sfence.sel $0x180000  }
0x142: {  	[bflag:$0x0] =	sbarrier.arrive $0xFFFF  }
0x143: {  	_ =	strace $0x90000050  }
0x144: {  	s0 =	stileid.u32;
	[bflag:$0x2] =	sbarrier.arrive $0xFFFF  }
0x145: {  	p0 =	sne.s32 s0, $0x0;
	s0 =	rddreg [dreg:$0x1]  }
0x146: {  	s0 =	sadd.s32 @!p0 $0x100000, s0  }
0x147: {  	[sflag:s0] =	ssyncadd.tile.s32 @!p0 $0x1;
	_ =	shalt  }
.Lfunc_end2:
_tile_overlayer_lowered:
.L_overlay_start_2:
0x148: {  	(tag) =	ssettag $0x2  }
0x149: {  	s0 =	rddreg [dreg:$0x0];
	s2 =	stileid.u32  }
0x14a: {  	s1 =	rddreg [dreg:$0x1];
	p0 =	sne.s32 s2, $0x0  }
0x14b: {  	s3 =	rddreg [dreg:$0x2];
	[bflag:$0x3] =	sbarrier.arrive $0xFFFF;
	s2 =	simm.s32 @!p0 $0x1C11  }
0x14c: {  	[timem:s3], [sflag:s2] =	dma.local @!p0 [hbm:s0], s1  }
0x14d: {  	s0 =	simm.s32 @!p0 $0x11  }
0x14e: {  	_ =	swait.ge @!p0 [sflag:s0], s1  }
0x14f: {  	s1 =	ssub.s32 @!p0 $0x0, s1;
	[sflag:s0] =	ssyncset.done @!p0 $0x0  }
0x150: {  	[sflag:s0] =	ssyncadd.s32 @!p0 s1  }
0x151: {  	[bflag:$0x3] =	sbarrier.arrive $0xFFFF  }
0x152: {  	_ =	shalt  }

</sc_bundles>
